<compile_context>
chip_gen: v7x
topology: tpu7x:2x2x1
jax: 0.10.2.dev20260603
libtpu: 0.0.44.dev20260713+nightly
codegen_flags: <defaults>
</compile_context>

<pallas_src>
import functools

import jax
import jax.numpy as jnp
from jax import lax
from jax.experimental import pallas as pl
from jax.experimental.pallas import tpu as pltpu
from jax.experimental.pallas import tpu_sc as plsc

K1 = 10
L = 16
BIG = 1e30
RBLK = 32
ROWI = 16


def _d2_body(x_ref, d2_ref):
    xa = x_ref[0]
    sq = jnp.sum(xa * xa, axis=1)
    g = jax.lax.dot_general(xa, xa, (((1,), (1,)), ((), ())),
                            preferred_element_type=jnp.float32)
    d2_ref[...] = jnp.sqrt(jnp.maximum(sq[:, None] + sq[None, :] - 2.0 * g, 0.0))


def _sc_body(n, rows_per_w, xx_hbm, xy_hbm, d2_hbm, feat_hbm,
             cx_v, cy_v, fb_v, db0_v, db1_v, sem0, sem1):
    wid = lax.axis_index("s") * 2 + lax.axis_index("c")
    base = wid * rows_per_w
    b = base // n
    n0 = base % n
    pltpu.sync_copy(xx_hbm.at[b], cx_v)
    pltpu.sync_copy(xy_hbm.at[b], cy_v)
    lane = lax.iota(jnp.int32, L)
    valid = lane < K1
    chunks = n // L
    nblk = rows_per_w // RBLK

    def fetch(blk, dbuf, sem):
        sl = pl.ds(base + blk * RBLK, RBLK)
        pltpu.async_copy(d2_hbm.at[sl], dbuf, sem)

    def wait_fetch(blk, dbuf, sem):
        sl = pl.ds(base + blk * RBLK, RBLK)
        pltpu.make_async_copy(d2_hbm.at[sl], dbuf, sem).wait()

    def process_rows(blk, rr, dbuf):
        states = []
        for i in range(ROWI):
            states.append((jnp.full((L,), BIG, jnp.float32),
                           jnp.zeros((L,), jnp.int32)))

        def chunk_body(c, sts):
            off = (chunks - 1 - c) * L
            out = []
            for i in range(ROWI):
                ck, cv = sts[i]
                d2 = dbuf[rr + i, pl.ds(off, L)]
                dk, dv = plsc.sort_key_val(d2, lane + off, descending=True)
                sel = ck <= dk
                nk, nv = plsc.sort_key_val(jnp.where(sel, ck, dk),
                                           jnp.where(sel, cv, dv))
                out.append((nk, nv))
            return tuple(out)

        states = lax.fori_loop(0, chunks, chunk_body, tuple(states))

        for i in range(ROWI):
            r = blk * RBLK + rr + i
            ck, cv = states[i]
            q = n0 + r
            qidx = jnp.full((L,), q, jnp.int32)
            qxv = plsc.load_gather(cx_v, [qidx])
            qyv = plsc.load_gather(cy_v, [qidx])
            gx = plsc.load_gather(cx_v, [cv])
            gy = plsc.load_gather(cy_v, [cv])
            kx = jnp.where(valid, gx, BIG)
            sxx, sxy = plsc.sort_key_val(kx, gy)
            ky = jnp.where(valid, gy, BIG)
            syy, syx = plsc.sort_key_val(ky, gx)
            sxx = jnp.where(lane == K1, qxv, sxx)
            sxx = jnp.where(lane == K1 + 1, qyv, sxx)
            fb_v[r, pl.ds(0 * L, L)] = sxx
            fb_v[r, pl.ds(1 * L, L)] = sxy
            fb_v[r, pl.ds(2 * L, L)] = syx
            fb_v[r, pl.ds(3 * L, L)] = syy

    fetch(0, db0_v, sem0)
    fetch(1, db1_v, sem1)

    def outer(blk2, carry):
        for par, dbuf, sem in ((0, db0_v, sem0), (1, db1_v, sem1)):
            blk = blk2 * 2 + par
            wait_fetch(blk, dbuf, sem)
            lax.fori_loop(
                0, RBLK // ROWI,
                lambda j, _, blk=blk, dbuf=dbuf:
                    (process_rows(blk, j * ROWI, dbuf), 0)[1], 0)

            @pl.when(blk + 2 < nblk)
            def _(blk=blk, dbuf=dbuf, sem=sem):
                fetch(blk + 2, dbuf, sem)
        return carry

    lax.fori_loop(0, nblk // 2, outer, 0)
    pltpu.sync_copy(fb_v, feat_hbm.at[pl.ds(base, rows_per_w)])


def _mm_body(f_ref, m_ref, bias_ref, out_ref):
    out_ref[...] = jax.lax.dot_general(
        f_ref[...], m_ref[...], (((1,), (0,)), ((), ())),
        preferred_element_type=jnp.float32) + bias_ref[...]


def _build_M64(conv_x_w, conv_y_w, W1_w, W2_w):
    Ax = conv_x_w.transpose(2, 1, 0).reshape(2 * K1, -1)
    Ay = conv_y_w.transpose(2, 1, 0).reshape(2 * K1, -1)
    Mx = Ax @ W2_w.T
    My = Ay @ W2_w.T
    E = conv_x_w.shape[0]
    M = jnp.zeros((4 * L, E), jnp.float32)
    M = M.at[0:K1].set(Mx[0::2])
    M = M.at[K1].set(W1_w[:, 0])
    M = M.at[K1 + 1].set(W1_w[:, 1])
    M = M.at[L:L + K1].set(Mx[1::2])
    M = M.at[2 * L:2 * L + K1].set(My[0::2])
    M = M.at[3 * L:3 * L + K1].set(My[1::2])
    return M


@jax.jit
def kernel(x, conv_x_w, conv_x_b, conv_y_w, conv_y_b, W1_w, W1_b, W2_w, W2_b):
    B, N, _ = x.shape
    E = conv_x_w.shape[0]
    NW = 32
    rows_per_w = B * N // NW

    M = _build_M64(conv_x_w, conv_y_w, W1_w, W2_w)
    bias = W1_b + (conv_x_b + conv_y_b) @ W2_w.T + W2_b
    xx = x[:, :, 0]
    xy = x[:, :, 1]

    d2 = pl.pallas_call(
        _d2_body,
        grid=(B,),
        in_specs=[pl.BlockSpec((1, N, 2), lambda b: (b, 0, 0))],
        out_specs=pl.BlockSpec((N, N), lambda b: (b, 0)),
        out_shape=jax.ShapeDtypeStruct((B * N, N), jnp.float32),
    )(x)

    mesh = plsc.VectorSubcoreMesh(core_axis_name="c", subcore_axis_name="s")
    feat = pl.kernel(
        functools.partial(_sc_body, N, rows_per_w),
        out_type=jax.ShapeDtypeStruct((B * N, 4 * L), jnp.float32),
        mesh=mesh,
        scratch_types=[
            pltpu.VMEM((N,), jnp.float32),
            pltpu.VMEM((N,), jnp.float32),
            pltpu.VMEM((rows_per_w, 4 * L), jnp.float32),
            pltpu.VMEM((RBLK, N), jnp.float32),
            pltpu.VMEM((RBLK, N), jnp.float32),
            pltpu.SemaphoreType.DMA,
            pltpu.SemaphoreType.DMA,
        ],
        compiler_params=pltpu.CompilerParams(needs_layout_passes=False),
    )(xx, xy, d2)

    RT = 1024
    out = pl.pallas_call(
        _mm_body,
        grid=(B * N // RT,),
        in_specs=[
            pl.BlockSpec((RT, 4 * L), lambda i: (i, 0)),
            pl.BlockSpec((4 * L, E), lambda i: (0, 0)),
            pl.BlockSpec((E,), lambda i: (0,)),
        ],
        out_specs=pl.BlockSpec((RT, E), lambda i: (i, 0)),
        out_shape=jax.ShapeDtypeStruct((B * N, E), jnp.float32),
    )(feat, M, bias)
    return out.reshape(B, N, E)

# --- scband reference (transcript-rebuilt; emitter-appended) ---
"""Pipeline reference for scband-conv-embedding-xy-850403525144 (READ-ONLY COPY).

The authoritative reference and input builder live on the scoring server;
editing this copy changes nothing except your own understanding.
"""

import jax, jax.numpy as jnp
import numpy as np

NB_NEIGHBORS = 9
KERNEL_SIZE = 10
DIM_EMB = 128
DIM_IN = 2
B, N = 8, 1024


def setup_inputs(seed: int = 0):
    key = jax.random.key(seed)
    ks = jax.random.split(key, 9)
    x = jax.random.uniform(ks[0], (B, N, DIM_IN), dtype=jnp.float32)
    # Conv1d params: PyTorch init U(-s, s), s = 1/sqrt(in_channels * kernel_size)
    s = 1.0 / np.sqrt(DIM_IN * KERNEL_SIZE)
    conv_x_w = jax.random.uniform(ks[1], (DIM_EMB, DIM_IN, KERNEL_SIZE), jnp.float32, -s, s)
    conv_x_b = jax.random.uniform(ks[2], (DIM_EMB,), jnp.float32, -s, s)
    conv_y_w = jax.random.uniform(ks[3], (DIM_EMB, DIM_IN, KERNEL_SIZE), jnp.float32, -s, s)
    conv_y_b = jax.random.uniform(ks[4], (DIM_EMB,), jnp.float32, -s, s)
    s1 = 1.0 / np.sqrt(DIM_IN)
    W1_w = jax.random.uniform(ks[5], (DIM_EMB, DIM_IN), jnp.float32, -s1, s1)
    W1_b = jax.random.uniform(ks[6], (DIM_EMB,), jnp.float32, -s1, s1)
    s2 = 1.0 / np.sqrt(DIM_EMB)
    W2_w = jax.random.uniform(ks[7], (DIM_EMB, DIM_EMB), jnp.float32, -s2, s2)
    W2_b = jax.random.uniform(ks[8], (DIM_EMB,), jnp.float32, -s2, s2)
    return {"x": x, "conv_x_w": conv_x_w, "conv_x_b": conv_x_b, "conv_y_w": conv_y_w, "conv_y_b": conv_y_b, "W1_w": W1_w, "W1_b": W1_b, "W2_w": W2_w, "W2_b": W2_b}


def reference(x, conv_x_w, conv_x_b, conv_y_w, conv_y_b, W1_w, W1_b, W2_w, W2_b):
    b, n, _ = x.shape
    # node_embedding = W1(x)
    node_emb = x @ W1_w.T + W1_b
    # torch.cdist(x, x) euclidean, via matmul form (same as torch's compute path)
    sq = jnp.sum(x * x, axis=-1)
    d2 = sq[:, :, None] + sq[:, None, :] - 2.0 * jnp.einsum('bnd,bmd->bnm', x, x)
    # indices are non-differentiable in torch (topk indices); stop_gradient mirrors that
    dist = jnp.sqrt(jnp.maximum(jax.lax.stop_gradient(d2), 0.0))
    # torch: dist.topk(k=n)[1][:, :, -(K+1):] -> the K+1 smallest distances,
    # ordered descending (self is last). argsort(-dist) is stable ascending of -dist
    # == descending by dist; take the last K+1 columns.
    order = jnp.argsort(-dist, axis=-1)
    idx = order[:, :, -(NB_NEIGHBORS + 1):]  # (B, N, K+1)
    # gather knn coordinates: (B, N, K+1, 2)
    knn = x[jnp.arange(b)[:, None, None], idx]
    # _sort_by_xy: sort neighbors by x-coordinate
    sx = jnp.argsort(knn[..., 0], axis=-1)
    coords_x = jnp.take_along_axis(knn, sx[..., None], axis=2)
    # _sort_by_yx: sort neighbors by y-coordinate
    sy = jnp.argsort(knn[..., 1], axis=-1)
    coords_y = jnp.take_along_axis(knn, sy[..., None], axis=2)
    # Conv1d with kernel_size == K+1 over length K+1 -> output length 1:
    # out[b,n,e] = sum_{c,k} W[e,c,k] * coords[b,n,k,c] + bias[e]
    ex = jnp.einsum('bnkc,eck->bne', coords_x, conv_x_w) + conv_x_b
    ey = jnp.einsum('bnkc,eck->bne', coords_y, conv_y_w) + conv_y_b
    conv_emb = ex + ey
    conv_emb = conv_emb @ W2_w.T + W2_b
    return node_emb + conv_emb

if __name__ == "__main__":
    import jax
    _d = setup_inputs()
    print(jax.jit(kernel)(*tuple(_d.values())))

</pallas_src>

<mosaic_0001>
#map = affine_map<(d0, d1) -> (0, 0)>
module attributes {stable_mosaic.version = 14 : i64} {
  func.func @_sc_body(%arg0: i32, %arg1: i32, %arg2: memref<8x1024xf32, #tpu.memory_space<hbm>>, %arg3: memref<8x1024xf32, #tpu.memory_space<hbm>>, %arg4: memref<8192x1024xf32, #tpu.memory_space<hbm>>, %arg5: memref<8192x64xf32, #tpu.memory_space<hbm>>, %arg6: memref<1024xf32, #tpu.memory_space<vmem>>, %arg7: memref<1024xf32, #tpu.memory_space<vmem>>, %arg8: memref<256x64xf32, #tpu.memory_space<vmem>>, %arg9: memref<32x1024xf32, #tpu.memory_space<vmem>>, %arg10: memref<32x1024xf32, #tpu.memory_space<vmem>>, %arg11: memref<!tpu.dma_semaphore, #tpu.memory_space<semaphore_mem>>, %arg12: memref<!tpu.dma_semaphore, #tpu.memory_space<semaphore_mem>>) attributes {dimension_semantics = [#tpu.dimension_semantics<core_parallel>, #tpu.dimension_semantics<subcore_parallel>], iteration_bounds = array<i64: 2, 16>, scalar_prefetch = 0 : i64, scratch_operands = 7 : i64, tpu.core_type = #tpu.core_type<sc_vector_subcore>, window_params = [{transform_indices = #map}, {transform_indices = #map}, {transform_indices = #map}, {transform_indices = #map}]} {
    %mul3A = arith.constant 2 : i32
    %mul3A_0 = arith.muli %arg1, %mul3A : i32
    %add3A = arith.addi %mul3A_0, %arg0 : i32
    %mul3A_1 = arith.constant 256 : i32
    %mul3A_2 = arith.muli %add3A, %mul3A_1 : i32
    %jit3A = arith.constant 1024 : i32
    %div3A = arith.divsi %mul3A_2, %jit3A : i32
    %sign3A = arith.constant 0 : i32
    %sign3A_3 = arith.cmpi sgt, %mul3A_2, %sign3A : i32
    %sign3A_4 = arith.extui %sign3A_3 : i1 to i32
    %sign3A_5 = arith.constant 0 : i32
    %sign3A_6 = arith.cmpi slt, %mul3A_2, %sign3A_5 : i32
    %sign3A_7 = arith.extui %sign3A_6 : i1 to i32
    %sign3A_8 = arith.subi %sign3A_4, %sign3A_7 : i32
    %sign3A_9 = arith.constant 0 : i32
    %sign3A_10 = arith.cmpi sgt, %jit3A, %sign3A_9 : i32
    %sign3A_11 = arith.extui %sign3A_10 : i1 to i32
    %sign3A_12 = arith.constant 0 : i32
    %sign3A_13 = arith.cmpi slt, %jit3A, %sign3A_12 : i32
    %sign3A_14 = arith.extui %sign3A_13 : i1 to i32
    %sign3A_15 = arith.subi %sign3A_11, %sign3A_14 : i32
    %ne3A = arith.cmpi ne, %sign3A_8, %sign3A_15 : i32
    %rem3A = arith.remsi %mul3A_2, %jit3A : i32
    %ne3A_16 = arith.constant 0 : i32
    %ne3A_17 = arith.cmpi ne, %rem3A, %ne3A_16 : i32
    %and3A = arith.andi %ne3A, %ne3A_17 : i1
    %sub3A = arith.constant 1 : i32
    %sub3A_18 = arith.subi %div3A, %sub3A : i32
    %select_n3A = arith.select %and3A, %sub3A_18, %div3A : i32
    %jit3A_19 = arith.constant 1024 : i32
    %eq3A = arith.constant 0 : i32
    %eq3A_20 = arith.cmpi eq, %jit3A_19, %eq3A : i32
    %jit3A_21 = arith.constant 1 : i32
    %select_n3A_22 = arith.select %eq3A_20, %jit3A_21, %jit3A_19 : i32
    %rem3A_23 = arith.remsi %mul3A_2, %select_n3A_22 : i32
    %ne3A_24 = arith.constant 0 : i32
    %ne3A_25 = arith.cmpi ne, %rem3A_23, %ne3A_24 : i32
    %lt3A = arith.constant 0 : i32
    %lt3A_26 = arith.cmpi slt, %rem3A_23, %lt3A : i32
    %lt3A_27 = arith.constant 0 : i32
    %lt3A_28 = arith.cmpi slt, %select_n3A_22, %lt3A_27 : i32
    %ne3A_29 = arith.xori %lt3A_26, %lt3A_28 : i1
    %and3A_30 = arith.andi %ne3A_29, %ne3A_25 : i1
    %add3A_31 = arith.addi %rem3A_23, %select_n3A_22 : i32
    %select_n3A_32 = arith.select %and3A_30, %add3A_31, %rem3A_23 : i32
    "tpu.region"() ({
      %run_scoped3A = tpu.sem_alloc : memref<!tpu.dma_semaphore, #tpu.memory_space<semaphore_mem>>
      %dma_start3A_52 = arith.constant 0 : i32
      %dma_start3A_53 = tpu.memref_slice %arg2[%select_n3A, %dma_start3A_52] : memref<8x1024xf32, #tpu.memory_space<hbm>> -> memref<1x1024xf32, #tpu.memory_space<hbm>>
      %dma_start3A_54 = tpu.memref_squeeze %dma_start3A_53 : memref<1x1024xf32, #tpu.memory_space<hbm>> -> memref<1024xf32, #tpu.memory_space<hbm>>
      %dma_start3A_55 = arith.constant 0 : i32
      %dma_start3A_56 = tpu.memref_slice %arg2[%select_n3A, %dma_start3A_55] : memref<8x1024xf32, #tpu.memory_space<hbm>> -> memref<1x1024xf32, #tpu.memory_space<hbm>>
      %dma_start3A_57 = tpu.memref_squeeze %dma_start3A_56 : memref<1x1024xf32, #tpu.memory_space<hbm>> -> memref<1024xf32, #tpu.memory_space<hbm>>
      tpu.enqueue_dma source(%dma_start3A_57 : memref<1024xf32, #tpu.memory_space<hbm>>) target(%arg6 : memref<1024xf32, #tpu.memory_space<vmem>>) target_semaphore(%run_scoped3A : memref<!tpu.dma_semaphore, #tpu.memory_space<semaphore_mem>>)
      %dma_wait3A = arith.constant 0 : i32
      %dma_wait3A_58 = tpu.memref_slice %arg2[%select_n3A, %dma_wait3A] : memref<8x1024xf32, #tpu.memory_space<hbm>> -> memref<1x1024xf32, #tpu.memory_space<hbm>>
      %dma_wait3A_59 = tpu.memref_squeeze %dma_wait3A_58 : memref<1x1024xf32, #tpu.memory_space<hbm>> -> memref<1024xf32, #tpu.memory_space<hbm>>
      %dma_wait3A_60 = arith.constant 0 : i32
      %dma_wait3A_61 = tpu.memref_slice %arg2[%select_n3A, %dma_wait3A_60] : memref<8x1024xf32, #tpu.memory_space<hbm>> -> memref<1x1024xf32, #tpu.memory_space<hbm>>
      %dma_wait3A_62 = tpu.memref_squeeze %dma_wait3A_61 : memref<1x1024xf32, #tpu.memory_space<hbm>> -> memref<1024xf32, #tpu.memory_space<hbm>>
      tpu.wait_dma2 semaphore(%run_scoped3A : memref<!tpu.dma_semaphore, #tpu.memory_space<semaphore_mem>>) src(%dma_wait3A_62 : memref<1024xf32, #tpu.memory_space<hbm>>) dst(%arg6 : memref<1024xf32, #tpu.memory_space<vmem>>)
      tpu.yield
    }) : () -> ()
    "tpu.region"() ({
      %run_scoped3A = tpu.sem_alloc : memref<!tpu.dma_semaphore, #tpu.memory_space<semaphore_mem>>
      %dma_start3A_52 = arith.constant 0 : i32
      %dma_start3A_53 = tpu.memref_slice %arg3[%select_n3A, %dma_start3A_52] : memref<8x1024xf32, #tpu.memory_space<hbm>> -> memref<1x1024xf32, #tpu.memory_space<hbm>>
      %dma_start3A_54 = tpu.memref_squeeze %dma_start3A_53 : memref<1x1024xf32, #tpu.memory_space<hbm>> -> memref<1024xf32, #tpu.memory_space<hbm>>
      %dma_start3A_55 = arith.constant 0 : i32
      %dma_start3A_56 = tpu.memref_slice %arg3[%select_n3A, %dma_start3A_55] : memref<8x1024xf32, #tpu.memory_space<hbm>> -> memref<1x1024xf32, #tpu.memory_space<hbm>>
      %dma_start3A_57 = tpu.memref_squeeze %dma_start3A_56 : memref<1x1024xf32, #tpu.memory_space<hbm>> -> memref<1024xf32, #tpu.memory_space<hbm>>
      tpu.enqueue_dma source(%dma_start3A_57 : memref<1024xf32, #tpu.memory_space<hbm>>) target(%arg7 : memref<1024xf32, #tpu.memory_space<vmem>>) target_semaphore(%run_scoped3A : memref<!tpu.dma_semaphore, #tpu.memory_space<semaphore_mem>>)
      %dma_wait3A = arith.constant 0 : i32
      %dma_wait3A_58 = tpu.memref_slice %arg3[%select_n3A, %dma_wait3A] : memref<8x1024xf32, #tpu.memory_space<hbm>> -> memref<1x1024xf32, #tpu.memory_space<hbm>>
      %dma_wait3A_59 = tpu.memref_squeeze %dma_wait3A_58 : memref<1x1024xf32, #tpu.memory_space<hbm>> -> memref<1024xf32, #tpu.memory_space<hbm>>
      %dma_wait3A_60 = arith.constant 0 : i32
      %dma_wait3A_61 = tpu.memref_slice %arg3[%select_n3A, %dma_wait3A_60] : memref<8x1024xf32, #tpu.memory_space<hbm>> -> memref<1x1024xf32, #tpu.memory_space<hbm>>
      %dma_wait3A_62 = tpu.memref_squeeze %dma_wait3A_61 : memref<1x1024xf32, #tpu.memory_space<hbm>> -> memref<1024xf32, #tpu.memory_space<hbm>>
      tpu.wait_dma2 semaphore(%run_scoped3A : memref<!tpu.dma_semaphore, #tpu.memory_space<semaphore_mem>>) src(%dma_wait3A_62 : memref<1024xf32, #tpu.memory_space<hbm>>) dst(%arg7 : memref<1024xf32, #tpu.memory_space<vmem>>)
      tpu.yield
    }) : () -> ()
    %iota3A = tpu.iota {dimensions = array<i32: 0>} : vector<16xi32>
    %lt3A_33 = arith.constant 10 : i32
    %lt3A_34 = vector.broadcast %lt3A_33 : i32 to vector<16xi32>
    %lt3A_35 = arith.cmpi slt, %iota3A, %lt3A_34 : vector<16xi32>
    %add3A_36 = arith.constant 0 : i32
    %add3A_37 = arith.addi %mul3A_2, %add3A_36 : i32
    %dma_start3A = arith.constant 0 : i32
    %dma_start3A_38 = tpu.memref_slice %arg4[%add3A_37, %dma_start3A] : memref<8192x1024xf32, #tpu.memory_space<hbm>> -> memref<32x1024xf32, #tpu.memory_space<hbm>>
    %dma_start3A_39 = arith.constant 0 : i32
    %dma_start3A_40 = tpu.memref_slice %arg4[%add3A_37, %dma_start3A_39] : memref<8192x1024xf32, #tpu.memory_space<hbm>> -> memref<32x1024xf32, #tpu.memory_space<hbm>>
    tpu.enqueue_dma source(%dma_start3A_40 : memref<32x1024xf32, #tpu.memory_space<hbm>>) target(%arg9 : memref<32x1024xf32, #tpu.memory_space<vmem>>) target_semaphore(%arg11 : memref<!tpu.dma_semaphore, #tpu.memory_space<semaphore_mem>>)
    %add3A_41 = arith.constant 32 : i32
    %add3A_42 = arith.addi %mul3A_2, %add3A_41 : i32
    %dma_start3A_43 = arith.constant 0 : i32
    %dma_start3A_44 = tpu.memref_slice %arg4[%add3A_42, %dma_start3A_43] : memref<8192x1024xf32, #tpu.memory_space<hbm>> -> memref<32x1024xf32, #tpu.memory_space<hbm>>
    %dma_start3A_45 = arith.constant 0 : i32
    %dma_start3A_46 = tpu.memref_slice %arg4[%add3A_42, %dma_start3A_45] : memref<8192x1024xf32, #tpu.memory_space<hbm>> -> memref<32x1024xf32, #tpu.memory_space<hbm>>
    tpu.enqueue_dma source(%dma_start3A_46 : memref<32x1024xf32, #tpu.memory_space<hbm>>) target(%arg10 : memref<32x1024xf32, #tpu.memory_space<vmem>>) target_semaphore(%arg12 : memref<!tpu.dma_semaphore, #tpu.memory_space<semaphore_mem>>)
    %scan3A = arith.constant 0 : i32
    %scan3A_47 = arith.constant 0 : i32
    %scan3A_48 = arith.constant 4 : i32
    %scan3A_49 = arith.addi %scan3A_47, %scan3A_48 : i32
    %scan3A_50 = arith.constant 1 : i32
    scf.for %scan3A_52 = %scan3A_47 to %scan3A_49 step %scan3A_50  : i32 {
      %mul3A_53 = arith.constant 2 : i32
      %mul3A_54 = arith.muli %scan3A_52, %mul3A_53 : i32
      %add3A_55 = arith.constant 0 : i32
      %add3A_56 = arith.addi %mul3A_54, %add3A_55 : i32
      %mul3A_57 = arith.constant 32 : i32
      %mul3A_58 = arith.muli %add3A_56, %mul3A_57 : i32
      %add3A_59 = arith.addi %mul3A_2, %mul3A_58 : i32
      %dma_wait3A = arith.constant 0 : i32
      %dma_wait3A_60 = tpu.memref_slice %arg4[%add3A_59, %dma_wait3A] : memref<8192x1024xf32, #tpu.memory_space<hbm>> -> memref<32x1024xf32, #tpu.memory_space<hbm>>
      %dma_wait3A_61 = arith.constant 0 : i32
      %dma_wait3A_62 = tpu.memref_slice %arg4[%add3A_59, %dma_wait3A_61] : memref<8192x1024xf32, #tpu.memory_space<hbm>> -> memref<32x1024xf32, #tpu.memory_space<hbm>>
      tpu.wait_dma2 semaphore(%arg11 : memref<!tpu.dma_semaphore, #tpu.memory_space<semaphore_mem>>) src(%dma_wait3A_62 : memref<32x1024xf32, #tpu.memory_space<hbm>>) dst(%arg9 : memref<32x1024xf32, #tpu.memory_space<vmem>>)
      %scan3A_63 = arith.constant 0 : i32
      %scan3A_64 = arith.constant 0 : i32
      %scan3A_65 = arith.constant 2 : i32
      %scan3A_66 = arith.addi %scan3A_64, %scan3A_65 : i32
      %scan3A_67 = arith.constant 1 : i32
      %scan3A_68 = scf.for %scan3A_100 = %scan3A_64 to %scan3A_66 step %scan3A_67 iter_args(%scan3A_101 = %scan3A_63) -> (i32)  : i32 {
        %mul3A_102 = arith.constant 16 : i32
        %mul3A_103 = arith.muli %scan3A_100, %mul3A_102 : i32
        %broadcast_in_dim3A = arith.constant 1.000000e+30 : f32
        %broadcast_in_dim3A_104 = vector.broadcast %broadcast_in_dim3A : f32 to vector<16xf32>
        %broadcast_in_dim3A_105 = arith.constant 0 : i32
        %broadcast_in_dim3A_106 = vector.broadcast %broadcast_in_dim3A_105 : i32 to vector<16xi32>
        %broadcast_in_dim3A_107 = arith.constant 1.000000e+30 : f32
        %broadcast_in_dim3A_108 = vector.broadcast %broadcast_in_dim3A_107 : f32 to vector<16xf32>
        %broadcast_in_dim3A_109 = arith.constant 0 : i32
        %broadcast_in_dim3A_110 = vector.broadcast %broadcast_in_dim3A_109 : i32 to vector<16xi32>
        %broadcast_in_dim3A_111 = arith.constant 1.000000e+30 : f32
        %broadcast_in_dim3A_112 = vector.broadcast %broadcast_in_dim3A_111 : f32 to vector<16xf32>
        %broadcast_in_dim3A_113 = arith.constant 0 : i32
        %broadcast_in_dim3A_114 = vector.broadcast %broadcast_in_dim3A_113 : i32 to vector<16xi32>
        %broadcast_in_dim3A_115 = arith.constant 1.000000e+30 : f32
        %broadcast_in_dim3A_116 = vector.broadcast %broadcast_in_dim3A_115 : f32 to vector<16xf32>
        %broadcast_in_dim3A_117 = arith.constant 0 : i32
        %broadcast_in_dim3A_118 = vector.broadcast %broadcast_in_dim3A_117 : i32 to vector<16xi32>
        %broadcast_in_dim3A_119 = arith.constant 1.000000e+30 : f32
        %broadcast_in_dim3A_120 = vector.broadcast %broadcast_in_dim3A_119 : f32 to vector<16xf32>
        %broadcast_in_dim3A_121 = arith.constant 0 : i32
        %broadcast_in_dim3A_122 = vector.broadcast %broadcast_in_dim3A_121 : i32 to vector<16xi32>
        %broadcast_in_dim3A_123 = arith.constant 1.000000e+30 : f32
        %broadcast_in_dim3A_124 = vector.broadcast %broadcast_in_dim3A_123 : f32 to vector<16xf32>
        %broadcast_in_dim3A_125 = arith.constant 0 : i32
        %broadcast_in_dim3A_126 = vector.broadcast %broadcast_in_dim3A_125 : i32 to vector<16xi32>
        %broadcast_in_dim3A_127 = arith.constant 1.000000e+30 : f32
        %broadcast_in_dim3A_128 = vector.broadcast %broadcast_in_dim3A_127 : f32 to vector<16xf32>
        %broadcast_in_dim3A_129 = arith.constant 0 : i32
        %broadcast_in_dim3A_130 = vector.broadcast %broadcast_in_dim3A_129 : i32 to vector<16xi32>
        %broadcast_in_dim3A_131 = arith.constant 1.000000e+30 : f32
        %broadcast_in_dim3A_132 = vector.broadcast %broadcast_in_dim3A_131 : f32 to vector<16xf32>
        %broadcast_in_dim3A_133 = arith.constant 0 : i32
        %broadcast_in_dim3A_134 = vector.broadcast %broadcast_in_dim3A_133 : i32 to vector<16xi32>
        %broadcast_in_dim3A_135 = arith.constant 1.000000e+30 : f32
        %broadcast_in_dim3A_136 = vector.broadcast %broadcast_in_dim3A_135 : f32 to vector<16xf32>
        %broadcast_in_dim3A_137 = arith.constant 0 : i32
        %broadcast_in_dim3A_138 = vector.broadcast %broadcast_in_dim3A_137 : i32 to vector<16xi32>
        %broadcast_in_dim3A_139 = arith.constant 1.000000e+30 : f32
        %broadcast_in_dim3A_140 = vector.broadcast %broadcast_in_dim3A_139 : f32 to vector<16xf32>
        %broadcast_in_dim3A_141 = arith.constant 0 : i32
        %broadcast_in_dim3A_142 = vector.broadcast %broadcast_in_dim3A_141 : i32 to vector<16xi32>
        %broadcast_in_dim3A_143 = arith.constant 1.000000e+30 : f32
        %broadcast_in_dim3A_144 = vector.broadcast %broadcast_in_dim3A_143 : f32 to vector<16xf32>
        %broadcast_in_dim3A_145 = arith.constant 0 : i32
        %broadcast_in_dim3A_146 = vector.broadcast %broadcast_in_dim3A_145 : i32 to vector<16xi32>
        %broadcast_in_dim3A_147 = arith.constant 1.000000e+30 : f32
        %broadcast_in_dim3A_148 = vector.broadcast %broadcast_in_dim3A_147 : f32 to vector<16xf32>
        %broadcast_in_dim3A_149 = arith.constant 0 : i32
        %broadcast_in_dim3A_150 = vector.broadcast %broadcast_in_dim3A_149 : i32 to vector<16xi32>
        %broadcast_in_dim3A_151 = arith.constant 1.000000e+30 : f32
        %broadcast_in_dim3A_152 = vector.broadcast %broadcast_in_dim3A_151 : f32 to vector<16xf32>
        %broadcast_in_dim3A_153 = arith.constant 0 : i32
        %broadcast_in_dim3A_154 = vector.broadcast %broadcast_in_dim3A_153 : i32 to vector<16xi32>
        %broadcast_in_dim3A_155 = arith.constant 1.000000e+30 : f32
        %broadcast_in_dim3A_156 = vector.broadcast %broadcast_in_dim3A_155 : f32 to vector<16xf32>
        %broadcast_in_dim3A_157 = arith.constant 0 : i32
        %broadcast_in_dim3A_158 = vector.broadcast %broadcast_in_dim3A_157 : i32 to vector<16xi32>
        %broadcast_in_dim3A_159 = arith.constant 1.000000e+30 : f32
        %broadcast_in_dim3A_160 = vector.broadcast %broadcast_in_dim3A_159 : f32 to vector<16xf32>
        %broadcast_in_dim3A_161 = arith.constant 0 : i32
        %broadcast_in_dim3A_162 = vector.broadcast %broadcast_in_dim3A_161 : i32 to vector<16xi32>
        %broadcast_in_dim3A_163 = arith.constant 1.000000e+30 : f32
        %broadcast_in_dim3A_164 = vector.broadcast %broadcast_in_dim3A_163 : f32 to vector<16xf32>
        %broadcast_in_dim3A_165 = arith.constant 0 : i32
        %broadcast_in_dim3A_166 = vector.broadcast %broadcast_in_dim3A_165 : i32 to vector<16xi32>
        %scan3A_167 = arith.constant 0 : i32
        %scan3A_168 = arith.constant 64 : i32
        %scan3A_169 = arith.addi %scan3A_167, %scan3A_168 : i32
        %scan3A_170 = arith.constant 1 : i32
        %scan3A_171:32 = scf.for %scan3A_891 = %scan3A_167 to %scan3A_169 step %scan3A_170 iter_args(%scan3A_892 = %broadcast_in_dim3A_104, %scan3A_893 = %broadcast_in_dim3A_106, %scan3A_894 = %broadcast_in_dim3A_108, %scan3A_895 = %broadcast_in_dim3A_110, %scan3A_896 = %broadcast_in_dim3A_112, %scan3A_897 = %broadcast_in_dim3A_114, %scan3A_898 = %broadcast_in_dim3A_116, %scan3A_899 = %broadcast_in_dim3A_118, %scan3A_900 = %broadcast_in_dim3A_120, %scan3A_901 = %broadcast_in_dim3A_122, %scan3A_902 = %broadcast_in_dim3A_124, %scan3A_903 = %broadcast_in_dim3A_126, %scan3A_904 = %broadcast_in_dim3A_128, %scan3A_905 = %broadcast_in_dim3A_130, %scan3A_906 = %broadcast_in_dim3A_132, %scan3A_907 = %broadcast_in_dim3A_134, %scan3A_908 = %broadcast_in_dim3A_136, %scan3A_909 = %broadcast_in_dim3A_138, %scan3A_910 = %broadcast_in_dim3A_140, %scan3A_911 = %broadcast_in_dim3A_142, %scan3A_912 = %broadcast_in_dim3A_144, %scan3A_913 = %broadcast_in_dim3A_146, %scan3A_914 = %broadcast_in_dim3A_148, %scan3A_915 = %broadcast_in_dim3A_150, %scan3A_916 = %broadcast_in_dim3A_152, %scan3A_917 = %broadcast_in_dim3A_154, %scan3A_918 = %broadcast_in_dim3A_156, %scan3A_919 = %broadcast_in_dim3A_158, %scan3A_920 = %broadcast_in_dim3A_160, %scan3A_921 = %broadcast_in_dim3A_162, %scan3A_922 = %broadcast_in_dim3A_164, %scan3A_923 = %broadcast_in_dim3A_166) -> (vector<16xf32>, vector<16xi32>, vector<16xf32>, vector<16xi32>, vector<16xf32>, vector<16xi32>, vector<16xf32>, vector<16xi32>, vector<16xf32>, vector<16xi32>, vector<16xf32>, vector<16xi32>, vector<16xf32>, vector<16xi32>, vector<16xf32>, vector<16xi32>, vector<16xf32>, vector<16xi32>, vector<16xf32>, vector<16xi32>, vector<16xf32>, vector<16xi32>, vector<16xf32>, vector<16xi32>, vector<16xf32>, vector<16xi32>, vector<16xf32>, vector<16xi32>, vector<16xf32>, vector<16xi32>, vector<16xf32>, vector<16xi32>)  : i32 {
          %sub3A_924 = arith.constant 63 : i32
          %sub3A_925 = arith.subi %sub3A_924, %scan3A_891 : i32
          %mul3A_926 = arith.constant 16 : i32
          %mul3A_927 = arith.muli %sub3A_925, %mul3A_926 : i32
          %add3A_928 = arith.constant 0 : i32
          %add3A_929 = arith.addi %mul3A_103, %add3A_928 : i32
          %get3A = arith.index_cast %add3A_929 : i32 to index
          %get3A_930 = arith.index_cast %mul3A_927 : i32 to index
          %get3A_931 = tpu.vector_load %arg9[%get3A, %get3A_930] {strides = array<i32>} : memref<32x1024xf32, #tpu.memory_space<vmem>>, vector<16xf32>,
          %add3A_932 = vector.broadcast %mul3A_927 : i32 to vector<16xi32>
          %add3A_933 = arith.addi %iota3A, %add3A_932 : vector<16xi32>
          %masked_sort3A_934 = arith.constant dense<true> : vector<16xi1>
          %masked_sort3A_935, %masked_sort3A_936, %masked_sort3A_937 = tpu.sort %get3A_931, %add3A_933 masked %masked_sort3A_934 {descending = true} : (vector<16xf32>, vector<16xi32>, vector<16xi1>) -> (vector<16xi1>, vector<16xf32>, vector<16xi32>)
          %le3A = arith.cmpf ole, %scan3A_892, %masked_sort3A_936 : vector<16xf32>
          %select_n3A_938 = arith.select %le3A, %scan3A_892, %masked_sort3A_936 : vector<16xi1>, vector<16xf32>
          %select_n3A_939 = arith.select %le3A, %scan3A_893, %masked_sort3A_937 : vector<16xi1>, vector<16xi32>
          %masked_sort3A_940 = arith.constant dense<true> : vector<16xi1>
          %masked_sort3A_941, %masked_sort3A_942, %masked_sort3A_943 = tpu.sort %select_n3A_938, %select_n3A_939 masked %masked_sort3A_940 : (vector<16xf32>, vector<16xi32>, vector<16xi1>) -> (vector<16xi1>, vector<16xf32>, vector<16xi32>)
          %add3A_944 = arith.constant 1 : i32
          %add3A_945 = arith.addi %mul3A_103, %add3A_944 : i32
          %get3A_946 = arith.index_cast %add3A_945 : i32 to index
          %get3A_947 = arith.index_cast %mul3A_927 : i32 to index
          %get3A_948 = tpu.vector_load %arg9[%get3A_946, %get3A_947] {strides = array<i32>} : memref<32x1024xf32, #tpu.memory_space<vmem>>, vector<16xf32>,
          %add3A_949 = vector.broadcast %mul3A_927 : i32 to vector<16xi32>
          %add3A_950 = arith.addi %iota3A, %add3A_949 : vector<16xi32>
          %masked_sort3A_951 = arith.constant dense<true> : vector<16xi1>
          %masked_sort3A_952, %masked_sort3A_953, %masked_sort3A_954 = tpu.sort %get3A_948, %add3A_950 masked %masked_sort3A_951 {descending = true} : (vector<16xf32>, vector<16xi32>, vector<16xi1>) -> (vector<16xi1>, vector<16xf32>, vector<16xi32>)
          %le3A_955 = arith.cmpf ole, %scan3A_894, %masked_sort3A_953 : vector<16xf32>
          %select_n3A_956 = arith.select %le3A_955, %scan3A_894, %masked_sort3A_953 : vector<16xi1>, vector<16xf32>
          %select_n3A_957 = arith.select %le3A_955, %scan3A_895, %masked_sort3A_954 : vector<16xi1>, vector<16xi32>
          %masked_sort3A_958 = arith.constant dense<true> : vector<16xi1>
          %masked_sort3A_959, %masked_sort3A_960, %masked_sort3A_961 = tpu.sort %select_n3A_956, %select_n3A_957 masked %masked_sort3A_958 : (vector<16xf32>, vector<16xi32>, vector<16xi1>) -> (vector<16xi1>, vector<16xf32>, vector<16xi32>)
          %add3A_962 = arith.constant 2 : i32
          %add3A_963 = arith.addi %mul3A_103, %add3A_962 : i32
          %get3A_964 = arith.index_cast %add3A_963 : i32 to index
          %get3A_965 = arith.index_cast %mul3A_927 : i32 to index
          %get3A_966 = tpu.vector_load %arg9[%get3A_964, %get3A_965] {strides = array<i32>} : memref<32x1024xf32, #tpu.memory_space<vmem>>, vector<16xf32>,
          %add3A_967 = vector.broadcast %mul3A_927 : i32 to vector<16xi32>
          %add3A_968 = arith.addi %iota3A, %add3A_967 : vector<16xi32>
          %masked_sort3A_969 = arith.constant dense<true> : vector<16xi1>
          %masked_sort3A_970, %masked_sort3A_971, %masked_sort3A_972 = tpu.sort %get3A_966, %add3A_968 masked %masked_sort3A_969 {descending = true} : (vector<16xf32>, vector<16xi32>, vector<16xi1>) -> (vector<16xi1>, vector<16xf32>, vector<16xi32>)
          %le3A_973 = arith.cmpf ole, %scan3A_896, %masked_sort3A_971 : vector<16xf32>
          %select_n3A_974 = arith.select %le3A_973, %scan3A_896, %masked_sort3A_971 : vector<16xi1>, vector<16xf32>
          %select_n3A_975 = arith.select %le3A_973, %scan3A_897, %masked_sort3A_972 : vector<16xi1>, vector<16xi32>
          %masked_sort3A_976 = arith.constant dense<true> : vector<16xi1>
          %masked_sort3A_977, %masked_sort3A_978, %masked_sort3A_979 = tpu.sort %select_n3A_974, %select_n3A_975 masked %masked_sort3A_976 : (vector<16xf32>, vector<16xi32>, vector<16xi1>) -> (vector<16xi1>, vector<16xf32>, vector<16xi32>)
          %add3A_980 = arith.constant 3 : i32
          %add3A_981 = arith.addi %mul3A_103, %add3A_980 : i32
          %get3A_982 = arith.index_cast %add3A_981 : i32 to index
          %get3A_983 = arith.index_cast %mul3A_927 : i32 to index
          %get3A_984 = tpu.vector_load %arg9[%get3A_982, %get3A_983] {strides = array<i32>} : memref<32x1024xf32, #tpu.memory_space<vmem>>, vector<16xf32>,
          %add3A_985 = vector.broadcast %mul3A_927 : i32 to vector<16xi32>
          %add3A_986 = arith.addi %iota3A, %add3A_985 : vector<16xi32>
          %masked_sort3A_987 = arith.constant dense<true> : vector<16xi1>
          %masked_sort3A_988, %masked_sort3A_989, %masked_sort3A_990 = tpu.sort %get3A_984, %add3A_986 masked %masked_sort3A_987 {descending = true} : (vector<16xf32>, vector<16xi32>, vector<16xi1>) -> (vector<16xi1>, vector<16xf32>, vector<16xi32>)
          %le3A_991 = arith.cmpf ole, %scan3A_898, %masked_sort3A_989 : vector<16xf32>
          %select_n3A_992 = arith.select %le3A_991, %scan3A_898, %masked_sort3A_989 : vector<16xi1>, vector<16xf32>
          %select_n3A_993 = arith.select %le3A_991, %scan3A_899, %masked_sort3A_990 : vector<16xi1>, vector<16xi32>
          %masked_sort3A_994 = arith.constant dense<true> : vector<16xi1>
          %masked_sort3A_995, %masked_sort3A_996, %masked_sort3A_997 = tpu.sort %select_n3A_992, %select_n3A_993 masked %masked_sort3A_994 : (vector<16xf32>, vector<16xi32>, vector<16xi1>) -> (vector<16xi1>, vector<16xf32>, vector<16xi32>)
          %add3A_998 = arith.constant 4 : i32
          %add3A_999 = arith.addi %mul3A_103, %add3A_998 : i32
          %get3A_1000 = arith.index_cast %add3A_999 : i32 to index
          %get3A_1001 = arith.index_cast %mul3A_927 : i32 to index
          %get3A_1002 = tpu.vector_load %arg9[%get3A_1000, %get3A_1001] {strides = array<i32>} : memref<32x1024xf32, #tpu.memory_space<vmem>>, vector<16xf32>,
          %add3A_1003 = vector.broadcast %mul3A_927 : i32 to vector<16xi32>
          %add3A_1004 = arith.addi %iota3A, %add3A_1003 : vector<16xi32>
          %masked_sort3A_1005 = arith.constant dense<true> : vector<16xi1>
          %masked_sort3A_1006, %masked_sort3A_1007, %masked_sort3A_1008 = tpu.sort %get3A_1002, %add3A_1004 masked %masked_sort3A_1005 {descending = true} : (vector<16xf32>, vector<16xi32>, vector<16xi1>) -> (vector<16xi1>, vector<16xf32>, vector<16xi32>)
          %le3A_1009 = arith.cmpf ole, %scan3A_900, %masked_sort3A_1007 : vector<16xf32>
          %select_n3A_1010 = arith.select %le3A_1009, %scan3A_900, %masked_sort3A_1007 : vector<16xi1>, vector<16xf32>
          %select_n3A_1011 = arith.select %le3A_1009, %scan3A_901, %masked_sort3A_1008 : vector<16xi1>, vector<16xi32>
          %masked_sort3A_1012 = arith.constant dense<true> : vector<16xi1>
          %masked_sort3A_1013, %masked_sort3A_1014, %masked_sort3A_1015 = tpu.sort %select_n3A_1010, %select_n3A_1011 masked %masked_sort3A_1012 : (vector<16xf32>, vector<16xi32>, vector<16xi1>) -> (vector<16xi1>, vector<16xf32>, vector<16xi32>)
          %add3A_1016 = arith.constant 5 : i32
          %add3A_1017 = arith.addi %mul3A_103, %add3A_1016 : i32
          %get3A_1018 = arith.index_cast %add3A_1017 : i32 to index
          %get3A_1019 = arith.index_cast %mul3A_927 : i32 to index
          %get3A_1020 = tpu.vector_load %arg9[%get3A_1018, %get3A_1019] {strides = array<i32>} : memref<32x1024xf32, #tpu.memory_space<vmem>>, vector<16xf32>,
          %add3A_1021 = vector.broadcast %mul3A_927 : i32 to vector<16xi32>
          %add3A_1022 = arith.addi %iota3A, %add3A_1021 : vector<16xi32>
          %masked_sort3A_1023 = arith.constant dense<true> : vector<16xi1>
          %masked_sort3A_1024, %masked_sort3A_1025, %masked_sort3A_1026 = tpu.sort %get3A_1020, %add3A_1022 masked %masked_sort3A_1023 {descending = true} : (vector<16xf32>, vector<16xi32>, vector<16xi1>) -> (vector<16xi1>, vector<16xf32>, vector<16xi32>)
          %le3A_1027 = arith.cmpf ole, %scan3A_902, %masked_sort3A_1025 : vector<16xf32>
          %select_n3A_1028 = arith.select %le3A_1027, %scan3A_902, %masked_sort3A_1025 : vector<16xi1>, vector<16xf32>
          %select_n3A_1029 = arith.select %le3A_1027, %scan3A_903, %masked_sort3A_1026 : vector<16xi1>, vector<16xi32>
          %masked_sort3A_1030 = arith.constant dense<true> : vector<16xi1>
          %masked_sort3A_1031, %masked_sort3A_1032, %masked_sort3A_1033 = tpu.sort %select_n3A_1028, %select_n3A_1029 masked %masked_sort3A_1030 : (vector<16xf32>, vector<16xi32>, vector<16xi1>) -> (vector<16xi1>, vector<16xf32>, vector<16xi32>)
          %add3A_1034 = arith.constant 6 : i32
          %add3A_1035 = arith.addi %mul3A_103, %add3A_1034 : i32
          %get3A_1036 = arith.index_cast %add3A_1035 : i32 to index
          %get3A_1037 = arith.index_cast %mul3A_927 : i32 to index
          %get3A_1038 = tpu.vector_load %arg9[%get3A_1036, %get3A_1037] {strides = array<i32>} : memref<32x1024xf32, #tpu.memory_space<vmem>>, vector<16xf32>,
          %add3A_1039 = vector.broadcast %mul3A_927 : i32 to vector<16xi32>
          %add3A_1040 = arith.addi %iota3A, %add3A_1039 : vector<16xi32>
          %masked_sort3A_1041 = arith.constant dense<true> : vector<16xi1>
          %masked_sort3A_1042, %masked_sort3A_1043, %masked_sort3A_1044 = tpu.sort %get3A_1038, %add3A_1040 masked %masked_sort3A_1041 {descending = true} : (vector<16xf32>, vector<16xi32>, vector<16xi1>) -> (vector<16xi1>, vector<16xf32>, vector<16xi32>)
          %le3A_1045 = arith.cmpf ole, %scan3A_904, %masked_sort3A_1043 : vector<16xf32>
          %select_n3A_1046 = arith.select %le3A_1045, %scan3A_904, %masked_sort3A_1043 : vector<16xi1>, vector<16xf32>
          %select_n3A_1047 = arith.select %le3A_1045, %scan3A_905, %masked_sort3A_1044 : vector<16xi1>, vector<16xi32>
          %masked_sort3A_1048 = arith.constant dense<true> : vector<16xi1>
          %masked_sort3A_1049, %masked_sort3A_1050, %masked_sort3A_1051 = tpu.sort %select_n3A_1046, %select_n3A_1047 masked %masked_sort3A_1048 : (vector<16xf32>, vector<16xi32>, vector<16xi1>) -> (vector<16xi1>, vector<16xf32>, vector<16xi32>)
          %add3A_1052 = arith.constant 7 : i32
          %add3A_1053 = arith.addi %mul3A_103, %add3A_1052 : i32
          %get3A_1054 = arith.index_cast %add3A_1053 : i32 to index
          %get3A_1055 = arith.index_cast %mul3A_927 : i32 to index
          %get3A_1056 = tpu.vector_load %arg9[%get3A_1054, %get3A_1055] {strides = array<i32>} : memref<32x1024xf32, #tpu.memory_space<vmem>>, vector<16xf32>,
          %add3A_1057 = vector.broadcast %mul3A_927 : i32 to vector<16xi32>
          %add3A_1058 = arith.addi %iota3A, %add3A_1057 : vector<16xi32>
          %masked_sort3A_1059 = arith.constant dense<true> : vector<16xi1>
          %masked_sort3A_1060, %masked_sort3A_1061, %masked_sort3A_1062 = tpu.sort %get3A_1056, %add3A_1058 masked %masked_sort3A_1059 {descending = true} : (vector<16xf32>, vector<16xi32>, vector<16xi1>) -> (vector<16xi1>, vector<16xf32>, vector<16xi32>)
          %le3A_1063 = arith.cmpf ole, %scan3A_906, %masked_sort3A_1061 : vector<16xf32>
          %select_n3A_1064 = arith.select %le3A_1063, %scan3A_906, %masked_sort3A_1061 : vector<16xi1>, vector<16xf32>
          %select_n3A_1065 = arith.select %le3A_1063, %scan3A_907, %masked_sort3A_1062 : vector<16xi1>, vector<16xi32>
          %masked_sort3A_1066 = arith.constant dense<true> : vector<16xi1>
          %masked_sort3A_1067, %masked_sort3A_1068, %masked_sort3A_1069 = tpu.sort %select_n3A_1064, %select_n3A_1065 masked %masked_sort3A_1066 : (vector<16xf32>, vector<16xi32>, vector<16xi1>) -> (vector<16xi1>, vector<16xf32>, vector<16xi32>)
          %add3A_1070 = arith.constant 8 : i32
          %add3A_1071 = arith.addi %mul3A_103, %add3A_1070 : i32
          %get3A_1072 = arith.index_cast %add3A_1071 : i32 to index
          %get3A_1073 = arith.index_cast %mul3A_927 : i32 to index
          %get3A_1074 = tpu.vector_load %arg9[%get3A_1072, %get3A_1073] {strides = array<i32>} : memref<32x1024xf32, #tpu.memory_space<vmem>>, vector<16xf32>,
          %add3A_1075 = vector.broadcast %mul3A_927 : i32 to vector<16xi32>
          %add3A_1076 = arith.addi %iota3A, %add3A_1075 : vector<16xi32>
          %masked_sort3A_1077 = arith.constant dense<true> : vector<16xi1>
          %masked_sort3A_1078, %masked_sort3A_1079, %masked_sort3A_1080 = tpu.sort %get3A_1074, %add3A_1076 masked %masked_sort3A_1077 {descending = true} : (vector<16xf32>, vector<16xi32>, vector<16xi1>) -> (vector<16xi1>, vector<16xf32>, vector<16xi32>)
          %le3A_1081 = arith.cmpf ole, %scan3A_908, %masked_sort3A_1079 : vector<16xf32>
          %select_n3A_1082 = arith.select %le3A_1081, %scan3A_908, %masked_sort3A_1079 : vector<16xi1>, vector<16xf32>
          %select_n3A_1083 = arith.select %le3A_1081, %scan3A_909, %masked_sort3A_1080 : vector<16xi1>, vector<16xi32>
          %masked_sort3A_1084 = arith.constant dense<true> : vector<16xi1>
          %masked_sort3A_1085, %masked_sort3A_1086, %masked_sort3A_1087 = tpu.sort %select_n3A_1082, %select_n3A_1083 masked %masked_sort3A_1084 : (vector<16xf32>, vector<16xi32>, vector<16xi1>) -> (vector<16xi1>, vector<16xf32>, vector<16xi32>)
          %add3A_1088 = arith.constant 9 : i32
          %add3A_1089 = arith.addi %mul3A_103, %add3A_1088 : i32
          %get3A_1090 = arith.index_cast %add3A_1089 : i32 to index
          %get3A_1091 = arith.index_cast %mul3A_927 : i32 to index
          %get3A_1092 = tpu.vector_load %arg9[%get3A_1090, %get3A_1091] {strides = array<i32>} : memref<32x1024xf32, #tpu.memory_space<vmem>>, vector<16xf32>,
          %add3A_1093 = vector.broadcast %mul3A_927 : i32 to vector<16xi32>
          %add3A_1094 = arith.addi %iota3A, %add3A_1093 : vector<16xi32>
          %masked_sort3A_1095 = arith.constant dense<true> : vector<16xi1>
          %masked_sort3A_1096, %masked_sort3A_1097, %masked_sort3A_1098 = tpu.sort %get3A_1092, %add3A_1094 masked %masked_sort3A_1095 {descending = true} : (vector<16xf32>, vector<16xi32>, vector<16xi1>) -> (vector<16xi1>, vector<16xf32>, vector<16xi32>)
          %le3A_1099 = arith.cmpf ole, %scan3A_910, %masked_sort3A_1097 : vector<16xf32>
          %select_n3A_1100 = arith.select %le3A_1099, %scan3A_910, %masked_sort3A_1097 : vector<16xi1>, vector<16xf32>
          %select_n3A_1101 = arith.select %le3A_1099, %scan3A_911, %masked_sort3A_1098 : vector<16xi1>, vector<16xi32>
          %masked_sort3A_1102 = arith.constant dense<true> : vector<16xi1>
          %masked_sort3A_1103, %masked_sort3A_1104, %masked_sort3A_1105 = tpu.sort %select_n3A_1100, %select_n3A_1101 masked %masked_sort3A_1102 : (vector<16xf32>, vector<16xi32>, vector<16xi1>) -> (vector<16xi1>, vector<16xf32>, vector<16xi32>)
          %add3A_1106 = arith.constant 10 : i32
          %add3A_1107 = arith.addi %mul3A_103, %add3A_1106 : i32
          %get3A_1108 = arith.index_cast %add3A_1107 : i32 to index
          %get3A_1109 = arith.index_cast %mul3A_927 : i32 to index
          %get3A_1110 = tpu.vector_load %arg9[%get3A_1108, %get3A_1109] {strides = array<i32>} : memref<32x1024xf32, #tpu.memory_space<vmem>>, vector<16xf32>,
          %add3A_1111 = vector.broadcast %mul3A_927 : i32 to vector<16xi32>
          %add3A_1112 = arith.addi %iota3A, %add3A_1111 : vector<16xi32>
          %masked_sort3A_1113 = arith.constant dense<true> : vector<16xi1>
          %masked_sort3A_1114, %masked_sort3A_1115, %masked_sort3A_1116 = tpu.sort %get3A_1110, %add3A_1112 masked %masked_sort3A_1113 {descending = true} : (vector<16xf32>, vector<16xi32>, vector<16xi1>) -> (vector<16xi1>, vector<16xf32>, vector<16xi32>)
          %le3A_1117 = arith.cmpf ole, %scan3A_912, %masked_sort3A_1115 : vector<16xf32>
          %select_n3A_1118 = arith.select %le3A_1117, %scan3A_912, %masked_sort3A_1115 : vector<16xi1>, vector<16xf32>
          %select_n3A_1119 = arith.select %le3A_1117, %scan3A_913, %masked_sort3A_1116 : vector<16xi1>, vector<16xi32>
          %masked_sort3A_1120 = arith.constant dense<true> : vector<16xi1>
          %masked_sort3A_1121, %masked_sort3A_1122, %masked_sort3A_1123 = tpu.sort %select_n3A_1118, %select_n3A_1119 masked %masked_sort3A_1120 : (vector<16xf32>, vector<16xi32>, vector<16xi1>) -> (vector<16xi1>, vector<16xf32>, vector<16xi32>)
          %add3A_1124 = arith.constant 11 : i32
          %add3A_1125 = arith.addi %mul3A_103, %add3A_1124 : i32
          %get3A_1126 = arith.index_cast %add3A_1125 : i32 to index
          %get3A_1127 = arith.index_cast %mul3A_927 : i32 to index
          %get3A_1128 = tpu.vector_load %arg9[%get3A_1126, %get3A_1127] {strides = array<i32>} : memref<32x1024xf32, #tpu.memory_space<vmem>>, vector<16xf32>,
          %add3A_1129 = vector.broadcast %mul3A_927 : i32 to vector<16xi32>
          %add3A_1130 = arith.addi %iota3A, %add3A_1129 : vector<16xi32>
          %masked_sort3A_1131 = arith.constant dense<true> : vector<16xi1>
          %masked_sort3A_1132, %masked_sort3A_1133, %masked_sort3A_1134 = tpu.sort %get3A_1128, %add3A_1130 masked %masked_sort3A_1131 {descending = true} : (vector<16xf32>, vector<16xi32>, vector<16xi1>) -> (vector<16xi1>, vector<16xf32>, vector<16xi32>)
          %le3A_1135 = arith.cmpf ole, %scan3A_914, %masked_sort3A_1133 : vector<16xf32>
          %select_n3A_1136 = arith.select %le3A_1135, %scan3A_914, %masked_sort3A_1133 : vector<16xi1>, vector<16xf32>
          %select_n3A_1137 = arith.select %le3A_1135, %scan3A_915, %masked_sort3A_1134 : vector<16xi1>, vector<16xi32>
          %masked_sort3A_1138 = arith.constant dense<true> : vector<16xi1>
          %masked_sort3A_1139, %masked_sort3A_1140, %masked_sort3A_1141 = tpu.sort %select_n3A_1136, %select_n3A_1137 masked %masked_sort3A_1138 : (vector<16xf32>, vector<16xi32>, vector<16xi1>) -> (vector<16xi1>, vector<16xf32>, vector<16xi32>)
          %add3A_1142 = arith.constant 12 : i32
          %add3A_1143 = arith.addi %mul3A_103, %add3A_1142 : i32
          %get3A_1144 = arith.index_cast %add3A_1143 : i32 to index
          %get3A_1145 = arith.index_cast %mul3A_927 : i32 to index
          %get3A_1146 = tpu.vector_load %arg9[%get3A_1144, %get3A_1145] {strides = array<i32>} : memref<32x1024xf32, #tpu.memory_space<vmem>>, vector<16xf32>,
          %add3A_1147 = vector.broadcast %mul3A_927 : i32 to vector<16xi32>
          %add3A_1148 = arith.addi %iota3A, %add3A_1147 : vector<16xi32>
          %masked_sort3A_1149 = arith.constant dense<true> : vector<16xi1>
          %masked_sort3A_1150, %masked_sort3A_1151, %masked_sort3A_1152 = tpu.sort %get3A_1146, %add3A_1148 masked %masked_sort3A_1149 {descending = true} : (vector<16xf32>, vector<16xi32>, vector<16xi1>) -> (vector<16xi1>, vector<16xf32>, vector<16xi32>)
          %le3A_1153 = arith.cmpf ole, %scan3A_916, %masked_sort3A_1151 : vector<16xf32>
          %select_n3A_1154 = arith.select %le3A_1153, %scan3A_916, %masked_sort3A_1151 : vector<16xi1>, vector<16xf32>
          %select_n3A_1155 = arith.select %le3A_1153, %scan3A_917, %masked_sort3A_1152 : vector<16xi1>, vector<16xi32>
          %masked_sort3A_1156 = arith.constant dense<true> : vector<16xi1>
          %masked_sort3A_1157, %masked_sort3A_1158, %masked_sort3A_1159 = tpu.sort %select_n3A_1154, %select_n3A_1155 masked %masked_sort3A_1156 : (vector<16xf32>, vector<16xi32>, vector<16xi1>) -> (vector<16xi1>, vector<16xf32>, vector<16xi32>)
          %add3A_1160 = arith.constant 13 : i32
          %add3A_1161 = arith.addi %mul3A_103, %add3A_1160 : i32
          %get3A_1162 = arith.index_cast %add3A_1161 : i32 to index
          %get3A_1163 = arith.index_cast %mul3A_927 : i32 to index
          %get3A_1164 = tpu.vector_load %arg9[%get3A_1162, %get3A_1163] {strides = array<i32>} : memref<32x1024xf32, #tpu.memory_space<vmem>>, vector<16xf32>,
          %add3A_1165 = vector.broadcast %mul3A_927 : i32 to vector<16xi32>
          %add3A_1166 = arith.addi %iota3A, %add3A_1165 : vector<16xi32>
          %masked_sort3A_1167 = arith.constant dense<true> : vector<16xi1>
          %masked_sort3A_1168, %masked_sort3A_1169, %masked_sort3A_1170 = tpu.sort %get3A_1164, %add3A_1166 masked %masked_sort3A_1167 {descending = true} : (vector<16xf32>, vector<16xi32>, vector<16xi1>) -> (vector<16xi1>, vector<16xf32>, vector<16xi32>)
          %le3A_1171 = arith.cmpf ole, %scan3A_918, %masked_sort3A_1169 : vector<16xf32>
          %select_n3A_1172 = arith.select %le3A_1171, %scan3A_918, %masked_sort3A_1169 : vector<16xi1>, vector<16xf32>
          %select_n3A_1173 = arith.select %le3A_1171, %scan3A_919, %masked_sort3A_1170 : vector<16xi1>, vector<16xi32>
          %masked_sort3A_1174 = arith.constant dense<true> : vector<16xi1>
          %masked_sort3A_1175, %masked_sort3A_1176, %masked_sort3A_1177 = tpu.sort %select_n3A_1172, %select_n3A_1173 masked %masked_sort3A_1174 : (vector<16xf32>, vector<16xi32>, vector<16xi1>) -> (vector<16xi1>, vector<16xf32>, vector<16xi32>)
          %add3A_1178 = arith.constant 14 : i32
          %add3A_1179 = arith.addi %mul3A_103, %add3A_1178 : i32
          %get3A_1180 = arith.index_cast %add3A_1179 : i32 to index
          %get3A_1181 = arith.index_cast %mul3A_927 : i32 to index
          %get3A_1182 = tpu.vector_load %arg9[%get3A_1180, %get3A_1181] {strides = array<i32>} : memref<32x1024xf32, #tpu.memory_space<vmem>>, vector<16xf32>,
          %add3A_1183 = vector.broadcast %mul3A_927 : i32 to vector<16xi32>
          %add3A_1184 = arith.addi %iota3A, %add3A_1183 : vector<16xi32>
          %masked_sort3A_1185 = arith.constant dense<true> : vector<16xi1>
          %masked_sort3A_1186, %masked_sort3A_1187, %masked_sort3A_1188 = tpu.sort %get3A_1182, %add3A_1184 masked %masked_sort3A_1185 {descending = true} : (vector<16xf32>, vector<16xi32>, vector<16xi1>) -> (vector<16xi1>, vector<16xf32>, vector<16xi32>)
          %le3A_1189 = arith.cmpf ole, %scan3A_920, %masked_sort3A_1187 : vector<16xf32>
          %select_n3A_1190 = arith.select %le3A_1189, %scan3A_920, %masked_sort3A_1187 : vector<16xi1>, vector<16xf32>
          %select_n3A_1191 = arith.select %le3A_1189, %scan3A_921, %masked_sort3A_1188 : vector<16xi1>, vector<16xi32>
          %masked_sort3A_1192 = arith.constant dense<true> : vector<16xi1>
          %masked_sort3A_1193, %masked_sort3A_1194, %masked_sort3A_1195 = tpu.sort %select_n3A_1190, %select_n3A_1191 masked %masked_sort3A_1192 : (vector<16xf32>, vector<16xi32>, vector<16xi1>) -> (vector<16xi1>, vector<16xf32>, vector<16xi32>)
          %add3A_1196 = arith.constant 15 : i32
          %add3A_1197 = arith.addi %mul3A_103, %add3A_1196 : i32
          %get3A_1198 = arith.index_cast %add3A_1197 : i32 to index
          %get3A_1199 = arith.index_cast %mul3A_927 : i32 to index
          %get3A_1200 = tpu.vector_load %arg9[%get3A_1198, %get3A_1199] {strides = array<i32>} : memref<32x1024xf32, #tpu.memory_space<vmem>>, vector<16xf32>,
          %add3A_1201 = vector.broadcast %mul3A_927 : i32 to vector<16xi32>
          %add3A_1202 = arith.addi %iota3A, %add3A_1201 : vector<16xi32>
          %masked_sort3A_1203 = arith.constant dense<true> : vector<16xi1>
          %masked_sort3A_1204, %masked_sort3A_1205, %masked_sort3A_1206 = tpu.sort %get3A_1200, %add3A_1202 masked %masked_sort3A_1203 {descending = true} : (vector<16xf32>, vector<16xi32>, vector<16xi1>) -> (vector<16xi1>, vector<16xf32>, vector<16xi32>)
          %le3A_1207 = arith.cmpf ole, %scan3A_922, %masked_sort3A_1205 : vector<16xf32>
          %select_n3A_1208 = arith.select %le3A_1207, %scan3A_922, %masked_sort3A_1205 : vector<16xi1>, vector<16xf32>
          %select_n3A_1209 = arith.select %le3A_1207, %scan3A_923, %masked_sort3A_1206 : vector<16xi1>, vector<16xi32>
          %masked_sort3A_1210 = arith.constant dense<true> : vector<16xi1>
          %masked_sort3A_1211, %masked_sort3A_1212, %masked_sort3A_1213 = tpu.sort %select_n3A_1208, %select_n3A_1209 masked %masked_sort3A_1210 : (vector<16xf32>, vector<16xi32>, vector<16xi1>) -> (vector<16xi1>, vector<16xf32>, vector<16xi32>)
          scf.yield %masked_sort3A_942, %masked_sort3A_943, %masked_sort3A_960, %masked_sort3A_961, %masked_sort3A_978, %masked_sort3A_979, %masked_sort3A_996, %masked_sort3A_997, %masked_sort3A_1014, %masked_sort3A_1015, %masked_sort3A_1032, %masked_sort3A_1033, %masked_sort3A_1050, %masked_sort3A_1051, %masked_sort3A_1068, %masked_sort3A_1069, %masked_sort3A_1086, %masked_sort3A_1087, %masked_sort3A_1104, %masked_sort3A_1105, %masked_sort3A_1122, %masked_sort3A_1123, %masked_sort3A_1140, %masked_sort3A_1141, %masked_sort3A_1158, %masked_sort3A_1159, %masked_sort3A_1176, %masked_sort3A_1177, %masked_sort3A_1194, %masked_sort3A_1195, %masked_sort3A_1212, %masked_sort3A_1213 : vector<16xf32>, vector<16xi32>, vector<16xf32>, vector<16xi32>, vector<16xf32>, vector<16xi32>, vector<16xf32>, vector<16xi32>, vector<16xf32>, vector<16xi32>, vector<16xf32>, vector<16xi32>, vector<16xf32>, vector<16xi32>, vector<16xf32>, vector<16xi32>, vector<16xf32>, vector<16xi32>, vector<16xf32>, vector<16xi32>, vector<16xf32>, vector<16xi32>, vector<16xf32>, vector<16xi32>, vector<16xf32>, vector<16xi32>, vector<16xf32>, vector<16xi32>, vector<16xf32>, vector<16xi32>, vector<16xf32>, vector<16xi32>
        }
        %scan3A_172 = arith.constant 64 : i32
        %mul3A_173 = arith.constant 32 : i32
        %mul3A_174 = arith.muli %add3A_56, %mul3A_173 : i32
        %add3A_175 = arith.addi %mul3A_174, %mul3A_103 : i32
        %add3A_176 = arith.constant 0 : i32
        %add3A_177 = arith.addi %add3A_175, %add3A_176 : i32
        %add3A_178 = arith.addi %select_n3A_32, %add3A_177 : i32
        %broadcast_in_dim3A_179 = vector.broadcast %add3A_178 : i32 to vector<16xi32>
        %gather3A = tpu.vector_load_idx %arg6[%broadcast_in_dim3A_179] : memref<1024xf32, #tpu.memory_space<vmem>>[vector<16xi32>], vector<16xf32>,
        %gather3A_180 = tpu.vector_load_idx %arg7[%broadcast_in_dim3A_179] : memref<1024xf32, #tpu.memory_space<vmem>>[vector<16xi32>], vector<16xf32>,
        %gather3A_181 = tpu.vector_load_idx %arg6[%scan3A_171#1] : memref<1024xf32, #tpu.memory_space<vmem>>[vector<16xi32>], vector<16xf32>,
        %gather3A_182 = tpu.vector_load_idx %arg7[%scan3A_171#1] : memref<1024xf32, #tpu.memory_space<vmem>>[vector<16xi32>], vector<16xf32>,
        %jit3A_183 = arith.constant 1.000000e+30 : f32
        %broadcast_in_dim3A_184 = vector.broadcast %jit3A_183 : f32 to vector<16xf32>
        %select_n3A_185 = arith.select %lt3A_35, %gather3A_181, %broadcast_in_dim3A_184 : vector<16xi1>, vector<16xf32>
        %masked_sort3A = arith.constant dense<true> : vector<16xi1>
        %masked_sort3A_186, %masked_sort3A_187, %masked_sort3A_188 = tpu.sort %select_n3A_185, %gather3A_182 masked %masked_sort3A : (vector<16xf32>, vector<16xf32>, vector<16xi1>) -> (vector<16xi1>, vector<16xf32>, vector<16xf32>)
        %jit3A_189 = arith.constant 1.000000e+30 : f32
        %broadcast_in_dim3A_190 = vector.broadcast %jit3A_189 : f32 to vector<16xf32>
        %select_n3A_191 = arith.select %lt3A_35, %gather3A_182, %broadcast_in_dim3A_190 : vector<16xi1>, vector<16xf32>
        %masked_sort3A_192 = arith.constant dense<true> : vector<16xi1>
        %masked_sort3A_193, %masked_sort3A_194, %masked_sort3A_195 = tpu.sort %select_n3A_191, %gather3A_181 masked %masked_sort3A_192 : (vector<16xf32>, vector<16xf32>, vector<16xi1>) -> (vector<16xi1>, vector<16xf32>, vector<16xf32>)
        %eq3A_196 = arith.constant 10 : i32
        %eq3A_197 = vector.broadcast %eq3A_196 : i32 to vector<16xi32>
        %eq3A_198 = arith.cmpi eq, %iota3A, %eq3A_197 : vector<16xi32>
        %select_n3A_199 = arith.select %eq3A_198, %gather3A, %masked_sort3A_187 : vector<16xi1>, vector<16xf32>
        %eq3A_200 = arith.constant 11 : i32
        %eq3A_201 = vector.broadcast %eq3A_200 : i32 to vector<16xi32>
        %eq3A_202 = arith.cmpi eq, %iota3A, %eq3A_201 : vector<16xi32>
        %select_n3A_203 = arith.select %eq3A_202, %gather3A_180, %select_n3A_199 : vector<16xi1>, vector<16xf32>
        %swap3A = arith.index_cast %add3A_177 : i32 to index
        %swap3A_204 = arith.constant 0 : index
        %swap3A_205 = tpu.vector_load %arg8[%swap3A, %swap3A_204] {strides = array<i32>} : memref<256x64xf32, #tpu.memory_space<vmem>>, vector<16xf32>,
        tpu.vector_store %arg8[%swap3A, %swap3A_204], %select_n3A_203 {strides = array<i32>} : memref<256x64xf32, #tpu.memory_space<vmem>>, vector<16xf32>,
        %swap3A_206 = arith.index_cast %add3A_177 : i32 to index
        %swap3A_207 = arith.constant 16 : index
        %swap3A_208 = tpu.vector_load %arg8[%swap3A_206, %swap3A_207] {strides = array<i32>} : memref<256x64xf32, #tpu.memory_space<vmem>>, vector<16xf32>,
        tpu.vector_store %arg8[%swap3A_206, %swap3A_207], %masked_sort3A_188 {strides = array<i32>} : memref<256x64xf32, #tpu.memory_space<vmem>>, vector<16xf32>,
        %swap3A_209 = arith.index_cast %add3A_177 : i32 to index
        %swap3A_210 = arith.constant 32 : index
        %swap3A_211 = tpu.vector_load %arg8[%swap3A_209, %swap3A_210] {strides = array<i32>} : memref<256x64xf32, #tpu.memory_space<vmem>>, vector<16xf32>,
        tpu.vector_store %arg8[%swap3A_209, %swap3A_210], %masked_sort3A_195 {strides = array<i32>} : memref<256x64xf32, #tpu.memory_space<vmem>>, vector<16xf32>,
        %swap3A_212 = arith.index_cast %add3A_177 : i32 to index
        %swap3A_213 = arith.constant 48 : index
        %swap3A_214 = tpu.vector_load %arg8[%swap3A_212, %swap3A_213] {strides = array<i32>} : memref<256x64xf32, #tpu.memory_space<vmem>>, vector<16xf32>,
        tpu.vector_store %arg8[%swap3A_212, %swap3A_213], %masked_sort3A_194 {strides = array<i32>} : memref<256x64xf32, #tpu.memory_space<vmem>>, vector<16xf32>,
        %mul3A_215 = arith.constant 32 : i32
        %mul3A_216 = arith.muli %add3A_56, %mul3A_215 : i32
        %add3A_217 = arith.addi %mul3A_216, %mul3A_103 : i32
        %add3A_218 = arith.constant 1 : i32
        %add3A_219 = arith.addi %add3A_217, %add3A_218 : i32
        %add3A_220 = arith.addi %select_n3A_32, %add3A_219 : i32
        %broadcast_in_dim3A_221 = vector.broadcast %add3A_220 : i32 to vector<16xi32>
        %gather3A_222 = tpu.vector_load_idx %arg6[%broadcast_in_dim3A_221] : memref<1024xf32, #tpu.memory_space<vmem>>[vector<16xi32>], vector<16xf32>,
        %gather3A_223 = tpu.vector_load_idx %arg7[%broadcast_in_dim3A_221] : memref<1024xf32, #tpu.memory_space<vmem>>[vector<16xi32>], vector<16xf32>,
        %gather3A_224 = tpu.vector_load_idx %arg6[%scan3A_171#3] : memref<1024xf32, #tpu.memory_space<vmem>>[vector<16xi32>], vector<16xf32>,
        %gather3A_225 = tpu.vector_load_idx %arg7[%scan3A_171#3] : memref<1024xf32, #tpu.memory_space<vmem>>[vector<16xi32>], vector<16xf32>,
        %jit3A_226 = arith.constant 1.000000e+30 : f32
        %broadcast_in_dim3A_227 = vector.broadcast %jit3A_226 : f32 to vector<16xf32>
        %select_n3A_228 = arith.select %lt3A_35, %gather3A_224, %broadcast_in_dim3A_227 : vector<16xi1>, vector<16xf32>
        %masked_sort3A_229 = arith.constant dense<true> : vector<16xi1>
        %masked_sort3A_230, %masked_sort3A_231, %masked_sort3A_232 = tpu.sort %select_n3A_228, %gather3A_225 masked %masked_sort3A_229 : (vector<16xf32>, vector<16xf32>, vector<16xi1>) -> (vector<16xi1>, vector<16xf32>, vector<16xf32>)
        %jit3A_233 = arith.constant 1.000000e+30 : f32
        %broadcast_in_dim3A_234 = vector.broadcast %jit3A_233 : f32 to vector<16xf32>
        %select_n3A_235 = arith.select %lt3A_35, %gather3A_225, %broadcast_in_dim3A_234 : vector<16xi1>, vector<16xf32>
        %masked_sort3A_236 = arith.constant dense<true> : vector<16xi1>
        %masked_sort3A_237, %masked_sort3A_238, %masked_sort3A_239 = tpu.sort %select_n3A_235, %gather3A_224 masked %masked_sort3A_236 : (vector<16xf32>, vector<16xf32>, vector<16xi1>) -> (vector<16xi1>, vector<16xf32>, vector<16xf32>)
        %eq3A_240 = arith.constant 10 : i32
        %eq3A_241 = vector.broadcast %eq3A_240 : i32 to vector<16xi32>
        %eq3A_242 = arith.cmpi eq, %iota3A, %eq3A_241 : vector<16xi32>
        %select_n3A_243 = arith.select %eq3A_242, %gather3A_222, %masked_sort3A_231 : vector<16xi1>, vector<16xf32>
        %eq3A_244 = arith.constant 11 : i32
        %eq3A_245 = vector.broadcast %eq3A_244 : i32 to vector<16xi32>
        %eq3A_246 = arith.cmpi eq, %iota3A, %eq3A_245 : vector<16xi32>
        %select_n3A_247 = arith.select %eq3A_246, %gather3A_223, %select_n3A_243 : vector<16xi1>, vector<16xf32>
        %swap3A_248 = arith.index_cast %add3A_219 : i32 to index
        %swap3A_249 = arith.constant 0 : index
        %swap3A_250 = tpu.vector_load %arg8[%swap3A_248, %swap3A_249] {strides = array<i32>} : memref<256x64xf32, #tpu.memory_space<vmem>>, vector<16xf32>,
        tpu.vector_store %arg8[%swap3A_248, %swap3A_249], %select_n3A_247 {strides = array<i32>} : memref<256x64xf32, #tpu.memory_space<vmem>>, vector<16xf32>,
        %swap3A_251 = arith.index_cast %add3A_219 : i32 to index
        %swap3A_252 = arith.constant 16 : index
        %swap3A_253 = tpu.vector_load %arg8[%swap3A_251, %swap3A_252] {strides = array<i32>} : memref<256x64xf32, #tpu.memory_space<vmem>>, vector<16xf32>,
        tpu.vector_store %arg8[%swap3A_251, %swap3A_252], %masked_sort3A_232 {strides = array<i32>} : memref<256x64xf32, #tpu.memory_space<vmem>>, vector<16xf32>,
        %swap3A_254 = arith.index_cast %add3A_219 : i32 to index
        %swap3A_255 = arith.constant 32 : index
        %swap3A_256 = tpu.vector_load %arg8[%swap3A_254, %swap3A_255] {strides = array<i32>} : memref<256x64xf32, #tpu.memory_space<vmem>>, vector<16xf32>,
        tpu.vector_store %arg8[%swap3A_254, %swap3A_255], %masked_sort3A_239 {strides = array<i32>} : memref<256x64xf32, #tpu.memory_space<vmem>>, vector<16xf32>,
        %swap3A_257 = arith.index_cast %add3A_219 : i32 to index
        %swap3A_258 = arith.constant 48 : index
        %swap3A_259 = tpu.vector_load %arg8[%swap3A_257, %swap3A_258] {strides = array<i32>} : memref<256x64xf32, #tpu.memory_space<vmem>>, vector<16xf32>,
        tpu.vector_store %arg8[%swap3A_257, %swap3A_258], %masked_sort3A_238 {strides = array<i32>} : memref<256x64xf32, #tpu.memory_space<vmem>>, vector<16xf32>,
        %mul3A_260 = arith.constant 32 : i32
        %mul3A_261 = arith.muli %add3A_56, %mul3A_260 : i32
        %add3A_262 = arith.addi %mul3A_261, %mul3A_103 : i32
        %add3A_263 = arith.constant 2 : i32
        %add3A_264 = arith.addi %add3A_262, %add3A_263 : i32
        %add3A_265 = arith.addi %select_n3A_32, %add3A_264 : i32
        %broadcast_in_dim3A_266 = vector.broadcast %add3A_265 : i32 to vector<16xi32>
        %gather3A_267 = tpu.vector_load_idx %arg6[%broadcast_in_dim3A_266] : memref<1024xf32, #tpu.memory_space<vmem>>[vector<16xi32>], vector<16xf32>,
        %gather3A_268 = tpu.vector_load_idx %arg7[%broadcast_in_dim3A_266] : memref<1024xf32, #tpu.memory_space<vmem>>[vector<16xi32>], vector<16xf32>,
        %gather3A_269 = tpu.vector_load_idx %arg6[%scan3A_171#5] : memref<1024xf32, #tpu.memory_space<vmem>>[vector<16xi32>], vector<16xf32>,
        %gather3A_270 = tpu.vector_load_idx %arg7[%scan3A_171#5] : memref<1024xf32, #tpu.memory_space<vmem>>[vector<16xi32>], vector<16xf32>,
        %jit3A_271 = arith.constant 1.000000e+30 : f32
        %broadcast_in_dim3A_272 = vector.broadcast %jit3A_271 : f32 to vector<16xf32>
        %select_n3A_273 = arith.select %lt3A_35, %gather3A_269, %broadcast_in_dim3A_272 : vector<16xi1>, vector<16xf32>
        %masked_sort3A_274 = arith.constant dense<true> : vector<16xi1>
        %masked_sort3A_275, %masked_sort3A_276, %masked_sort3A_277 = tpu.sort %select_n3A_273, %gather3A_270 masked %masked_sort3A_274 : (vector<16xf32>, vector<16xf32>, vector<16xi1>) -> (vector<16xi1>, vector<16xf32>, vector<16xf32>)
        %jit3A_278 = arith.constant 1.000000e+30 : f32
        %broadcast_in_dim3A_279 = vector.broadcast %jit3A_278 : f32 to vector<16xf32>
        %select_n3A_280 = arith.select %lt3A_35, %gather3A_270, %broadcast_in_dim3A_279 : vector<16xi1>, vector<16xf32>
        %masked_sort3A_281 = arith.constant dense<true> : vector<16xi1>
        %masked_sort3A_282, %masked_sort3A_283, %masked_sort3A_284 = tpu.sort %select_n3A_280, %gather3A_269 masked %masked_sort3A_281 : (vector<16xf32>, vector<16xf32>, vector<16xi1>) -> (vector<16xi1>, vector<16xf32>, vector<16xf32>)
        %eq3A_285 = arith.constant 10 : i32
        %eq3A_286 = vector.broadcast %eq3A_285 : i32 to vector<16xi32>
        %eq3A_287 = arith.cmpi eq, %iota3A, %eq3A_286 : vector<16xi32>
        %select_n3A_288 = arith.select %eq3A_287, %gather3A_267, %masked_sort3A_276 : vector<16xi1>, vector<16xf32>
        %eq3A_289 = arith.constant 11 : i32
        %eq3A_290 = vector.broadcast %eq3A_289 : i32 to vector<16xi32>
        %eq3A_291 = arith.cmpi eq, %iota3A, %eq3A_290 : vector<16xi32>
        %select_n3A_292 = arith.select %eq3A_291, %gather3A_268, %select_n3A_288 : vector<16xi1>, vector<16xf32>
        %swap3A_293 = arith.index_cast %add3A_264 : i32 to index
        %swap3A_294 = arith.constant 0 : index
        %swap3A_295 = tpu.vector_load %arg8[%swap3A_293, %swap3A_294] {strides = array<i32>} : memref<256x64xf32, #tpu.memory_space<vmem>>, vector<16xf32>,
        tpu.vector_store %arg8[%swap3A_293, %swap3A_294], %select_n3A_292 {strides = array<i32>} : memref<256x64xf32, #tpu.memory_space<vmem>>, vector<16xf32>,
        %swap3A_296 = arith.index_cast %add3A_264 : i32 to index
        %swap3A_297 = arith.constant 16 : index
        %swap3A_298 = tpu.vector_load %arg8[%swap3A_296, %swap3A_297] {strides = array<i32>} : memref<256x64xf32, #tpu.memory_space<vmem>>, vector<16xf32>,
        tpu.vector_store %arg8[%swap3A_296, %swap3A_297], %masked_sort3A_277 {strides = array<i32>} : memref<256x64xf32, #tpu.memory_space<vmem>>, vector<16xf32>,
        %swap3A_299 = arith.index_cast %add3A_264 : i32 to index
        %swap3A_300 = arith.constant 32 : index
        %swap3A_301 = tpu.vector_load %arg8[%swap3A_299, %swap3A_300] {strides = array<i32>} : memref<256x64xf32, #tpu.memory_space<vmem>>, vector<16xf32>,
        tpu.vector_store %arg8[%swap3A_299, %swap3A_300], %masked_sort3A_284 {strides = array<i32>} : memref<256x64xf32, #tpu.memory_space<vmem>>, vector<16xf32>,
        %swap3A_302 = arith.index_cast %add3A_264 : i32 to index
        %swap3A_303 = arith.constant 48 : index
        %swap3A_304 = tpu.vector_load %arg8[%swap3A_302, %swap3A_303] {strides = array<i32>} : memref<256x64xf32, #tpu.memory_space<vmem>>, vector<16xf32>,
        tpu.vector_store %arg8[%swap3A_302, %swap3A_303], %masked_sort3A_283 {strides = array<i32>} : memref<256x64xf32, #tpu.memory_space<vmem>>, vector<16xf32>,
        %mul3A_305 = arith.constant 32 : i32
        %mul3A_306 = arith.muli %add3A_56, %mul3A_305 : i32
        %add3A_307 = arith.addi %mul3A_306, %mul3A_103 : i32
        %add3A_308 = arith.constant 3 : i32
        %add3A_309 = arith.addi %add3A_307, %add3A_308 : i32
        %add3A_310 = arith.addi %select_n3A_32, %add3A_309 : i32
        %broadcast_in_dim3A_311 = vector.broadcast %add3A_310 : i32 to vector<16xi32>
        %gather3A_312 = tpu.vector_load_idx %arg6[%broadcast_in_dim3A_311] : memref<1024xf32, #tpu.memory_space<vmem>>[vector<16xi32>], vector<16xf32>,
        %gather3A_313 = tpu.vector_load_idx %arg7[%broadcast_in_dim3A_311] : memref<1024xf32, #tpu.memory_space<vmem>>[vector<16xi32>], vector<16xf32>,
        %gather3A_314 = tpu.vector_load_idx %arg6[%scan3A_171#7] : memref<1024xf32, #tpu.memory_space<vmem>>[vector<16xi32>], vector<16xf32>,
        %gather3A_315 = tpu.vector_load_idx %arg7[%scan3A_171#7] : memref<1024xf32, #tpu.memory_space<vmem>>[vector<16xi32>], vector<16xf32>,
        %jit3A_316 = arith.constant 1.000000e+30 : f32
        %broadcast_in_dim3A_317 = vector.broadcast %jit3A_316 : f32 to vector<16xf32>
        %select_n3A_318 = arith.select %lt3A_35, %gather3A_314, %broadcast_in_dim3A_317 : vector<16xi1>, vector<16xf32>
        %masked_sort3A_319 = arith.constant dense<true> : vector<16xi1>
        %masked_sort3A_320, %masked_sort3A_321, %masked_sort3A_322 = tpu.sort %select_n3A_318, %gather3A_315 masked %masked_sort3A_319 : (vector<16xf32>, vector<16xf32>, vector<16xi1>) -> (vector<16xi1>, vector<16xf32>, vector<16xf32>)
        %jit3A_323 = arith.constant 1.000000e+30 : f32
        %broadcast_in_dim3A_324 = vector.broadcast %jit3A_323 : f32 to vector<16xf32>
        %select_n3A_325 = arith.select %lt3A_35, %gather3A_315, %broadcast_in_dim3A_324 : vector<16xi1>, vector<16xf32>
        %masked_sort3A_326 = arith.constant dense<true> : vector<16xi1>
        %masked_sort3A_327, %masked_sort3A_328, %masked_sort3A_329 = tpu.sort %select_n3A_325, %gather3A_314 masked %masked_sort3A_326 : (vector<16xf32>, vector<16xf32>, vector<16xi1>) -> (vector<16xi1>, vector<16xf32>, vector<16xf32>)
        %eq3A_330 = arith.constant 10 : i32
        %eq3A_331 = vector.broadcast %eq3A_330 : i32 to vector<16xi32>
        %eq3A_332 = arith.cmpi eq, %iota3A, %eq3A_331 : vector<16xi32>
        %select_n3A_333 = arith.select %eq3A_332, %gather3A_312, %masked_sort3A_321 : vector<16xi1>, vector<16xf32>
        %eq3A_334 = arith.constant 11 : i32
        %eq3A_335 = vector.broadcast %eq3A_334 : i32 to vector<16xi32>
        %eq3A_336 = arith.cmpi eq, %iota3A, %eq3A_335 : vector<16xi32>
        %select_n3A_337 = arith.select %eq3A_336, %gather3A_313, %select_n3A_333 : vector<16xi1>, vector<16xf32>
        %swap3A_338 = arith.index_cast %add3A_309 : i32 to index
        %swap3A_339 = arith.constant 0 : index
        %swap3A_340 = tpu.vector_load %arg8[%swap3A_338, %swap3A_339] {strides = array<i32>} : memref<256x64xf32, #tpu.memory_space<vmem>>, vector<16xf32>,
        tpu.vector_store %arg8[%swap3A_338, %swap3A_339], %select_n3A_337 {strides = array<i32>} : memref<256x64xf32, #tpu.memory_space<vmem>>, vector<16xf32>,
        %swap3A_341 = arith.index_cast %add3A_309 : i32 to index
        %swap3A_342 = arith.constant 16 : index
        %swap3A_343 = tpu.vector_load %arg8[%swap3A_341, %swap3A_342] {strides = array<i32>} : memref<256x64xf32, #tpu.memory_space<vmem>>, vector<16xf32>,
        tpu.vector_store %arg8[%swap3A_341, %swap3A_342], %masked_sort3A_322 {strides = array<i32>} : memref<256x64xf32, #tpu.memory_space<vmem>>, vector<16xf32>,
        %swap3A_344 = arith.index_cast %add3A_309 : i32 to index
        %swap3A_345 = arith.constant 32 : index
        %swap3A_346 = tpu.vector_load %arg8[%swap3A_344, %swap3A_345] {strides = array<i32>} : memref<256x64xf32, #tpu.memory_space<vmem>>, vector<16xf32>,
        tpu.vector_store %arg8[%swap3A_344, %swap3A_345], %masked_sort3A_329 {strides = array<i32>} : memref<256x64xf32, #tpu.memory_space<vmem>>, vector<16xf32>,
        %swap3A_347 = arith.index_cast %add3A_309 : i32 to index
        %swap3A_348 = arith.constant 48 : index
        %swap3A_349 = tpu.vector_load %arg8[%swap3A_347, %swap3A_348] {strides = array<i32>} : memref<256x64xf32, #tpu.memory_space<vmem>>, vector<16xf32>,
        tpu.vector_store %arg8[%swap3A_347, %swap3A_348], %masked_sort3A_328 {strides = array<i32>} : memref<256x64xf32, #tpu.memory_space<vmem>>, vector<16xf32>,
        %mul3A_350 = arith.constant 32 : i32
        %mul3A_351 = arith.muli %add3A_56, %mul3A_350 : i32
        %add3A_352 = arith.addi %mul3A_351, %mul3A_103 : i32
        %add3A_353 = arith.constant 4 : i32
        %add3A_354 = arith.addi %add3A_352, %add3A_353 : i32
        %add3A_355 = arith.addi %select_n3A_32, %add3A_354 : i32
        %broadcast_in_dim3A_356 = vector.broadcast %add3A_355 : i32 to vector<16xi32>
        %gather3A_357 = tpu.vector_load_idx %arg6[%broadcast_in_dim3A_356] : memref<1024xf32, #tpu.memory_space<vmem>>[vector<16xi32>], vector<16xf32>,
        %gather3A_358 = tpu.vector_load_idx %arg7[%broadcast_in_dim3A_356] : memref<1024xf32, #tpu.memory_space<vmem>>[vector<16xi32>], vector<16xf32>,
        %gather3A_359 = tpu.vector_load_idx %arg6[%scan3A_171#9] : memref<1024xf32, #tpu.memory_space<vmem>>[vector<16xi32>], vector<16xf32>,
        %gather3A_360 = tpu.vector_load_idx %arg7[%scan3A_171#9] : memref<1024xf32, #tpu.memory_space<vmem>>[vector<16xi32>], vector<16xf32>,
        %jit3A_361 = arith.constant 1.000000e+30 : f32
        %broadcast_in_dim3A_362 = vector.broadcast %jit3A_361 : f32 to vector<16xf32>
        %select_n3A_363 = arith.select %lt3A_35, %gather3A_359, %broadcast_in_dim3A_362 : vector<16xi1>, vector<16xf32>
        %masked_sort3A_364 = arith.constant dense<true> : vector<16xi1>
        %masked_sort3A_365, %masked_sort3A_366, %masked_sort3A_367 = tpu.sort %select_n3A_363, %gather3A_360 masked %masked_sort3A_364 : (vector<16xf32>, vector<16xf32>, vector<16xi1>) -> (vector<16xi1>, vector<16xf32>, vector<16xf32>)
        %jit3A_368 = arith.constant 1.000000e+30 : f32
        %broadcast_in_dim3A_369 = vector.broadcast %jit3A_368 : f32 to vector<16xf32>
        %select_n3A_370 = arith.select %lt3A_35, %gather3A_360, %broadcast_in_dim3A_369 : vector<16xi1>, vector<16xf32>
        %masked_sort3A_371 = arith.constant dense<true> : vector<16xi1>
        %masked_sort3A_372, %masked_sort3A_373, %masked_sort3A_374 = tpu.sort %select_n3A_370, %gather3A_359 masked %masked_sort3A_371 : (vector<16xf32>, vector<16xf32>, vector<16xi1>) -> (vector<16xi1>, vector<16xf32>, vector<16xf32>)
        %eq3A_375 = arith.constant 10 : i32
        %eq3A_376 = vector.broadcast %eq3A_375 : i32 to vector<16xi32>
        %eq3A_377 = arith.cmpi eq, %iota3A, %eq3A_376 : vector<16xi32>
        %select_n3A_378 = arith.select %eq3A_377, %gather3A_357, %masked_sort3A_366 : vector<16xi1>, vector<16xf32>
        %eq3A_379 = arith.constant 11 : i32
        %eq3A_380 = vector.broadcast %eq3A_379 : i32 to vector<16xi32>
        %eq3A_381 = arith.cmpi eq, %iota3A, %eq3A_380 : vector<16xi32>
        %select_n3A_382 = arith.select %eq3A_381, %gather3A_358, %select_n3A_378 : vector<16xi1>, vector<16xf32>
        %swap3A_383 = arith.index_cast %add3A_354 : i32 to index
        %swap3A_384 = arith.constant 0 : index
        %swap3A_385 = tpu.vector_load %arg8[%swap3A_383, %swap3A_384] {strides = array<i32>} : memref<256x64xf32, #tpu.memory_space<vmem>>, vector<16xf32>,
        tpu.vector_store %arg8[%swap3A_383, %swap3A_384], %select_n3A_382 {strides = array<i32>} : memref<256x64xf32, #tpu.memory_space<vmem>>, vector<16xf32>,
        %swap3A_386 = arith.index_cast %add3A_354 : i32 to index
        %swap3A_387 = arith.constant 16 : index
        %swap3A_388 = tpu.vector_load %arg8[%swap3A_386, %swap3A_387] {strides = array<i32>} : memref<256x64xf32, #tpu.memory_space<vmem>>, vector<16xf32>,
        tpu.vector_store %arg8[%swap3A_386, %swap3A_387], %masked_sort3A_367 {strides = array<i32>} : memref<256x64xf32, #tpu.memory_space<vmem>>, vector<16xf32>,
        %swap3A_389 = arith.index_cast %add3A_354 : i32 to index
        %swap3A_390 = arith.constant 32 : index
        %swap3A_391 = tpu.vector_load %arg8[%swap3A_389, %swap3A_390] {strides = array<i32>} : memref<256x64xf32, #tpu.memory_space<vmem>>, vector<16xf32>,
        tpu.vector_store %arg8[%swap3A_389, %swap3A_390], %masked_sort3A_374 {strides = array<i32>} : memref<256x64xf32, #tpu.memory_space<vmem>>, vector<16xf32>,
        %swap3A_392 = arith.index_cast %add3A_354 : i32 to index
        %swap3A_393 = arith.constant 48 : index
        %swap3A_394 = tpu.vector_load %arg8[%swap3A_392, %swap3A_393] {strides = array<i32>} : memref<256x64xf32, #tpu.memory_space<vmem>>, vector<16xf32>,
        tpu.vector_store %arg8[%swap3A_392, %swap3A_393], %masked_sort3A_373 {strides = array<i32>} : memref<256x64xf32, #tpu.memory_space<vmem>>, vector<16xf32>,
        %mul3A_395 = arith.constant 32 : i32
        %mul3A_396 = arith.muli %add3A_56, %mul3A_395 : i32
        %add3A_397 = arith.addi %mul3A_396, %mul3A_103 : i32
        %add3A_398 = arith.constant 5 : i32
        %add3A_399 = arith.addi %add3A_397, %add3A_398 : i32
        %add3A_400 = arith.addi %select_n3A_32, %add3A_399 : i32
        %broadcast_in_dim3A_401 = vector.broadcast %add3A_400 : i32 to vector<16xi32>
        %gather3A_402 = tpu.vector_load_idx %arg6[%broadcast_in_dim3A_401] : memref<1024xf32, #tpu.memory_space<vmem>>[vector<16xi32>], vector<16xf32>,
        %gather3A_403 = tpu.vector_load_idx %arg7[%broadcast_in_dim3A_401] : memref<1024xf32, #tpu.memory_space<vmem>>[vector<16xi32>], vector<16xf32>,
        %gather3A_404 = tpu.vector_load_idx %arg6[%scan3A_171#11] : memref<1024xf32, #tpu.memory_space<vmem>>[vector<16xi32>], vector<16xf32>,
        %gather3A_405 = tpu.vector_load_idx %arg7[%scan3A_171#11] : memref<1024xf32, #tpu.memory_space<vmem>>[vector<16xi32>], vector<16xf32>,
        %jit3A_406 = arith.constant 1.000000e+30 : f32
        %broadcast_in_dim3A_407 = vector.broadcast %jit3A_406 : f32 to vector<16xf32>
        %select_n3A_408 = arith.select %lt3A_35, %gather3A_404, %broadcast_in_dim3A_407 : vector<16xi1>, vector<16xf32>
        %masked_sort3A_409 = arith.constant dense<true> : vector<16xi1>
        %masked_sort3A_410, %masked_sort3A_411, %masked_sort3A_412 = tpu.sort %select_n3A_408, %gather3A_405 masked %masked_sort3A_409 : (vector<16xf32>, vector<16xf32>, vector<16xi1>) -> (vector<16xi1>, vector<16xf32>, vector<16xf32>)
        %jit3A_413 = arith.constant 1.000000e+30 : f32
        %broadcast_in_dim3A_414 = vector.broadcast %jit3A_413 : f32 to vector<16xf32>
        %select_n3A_415 = arith.select %lt3A_35, %gather3A_405, %broadcast_in_dim3A_414 : vector<16xi1>, vector<16xf32>
        %masked_sort3A_416 = arith.constant dense<true> : vector<16xi1>
        %masked_sort3A_417, %masked_sort3A_418, %masked_sort3A_419 = tpu.sort %select_n3A_415, %gather3A_404 masked %masked_sort3A_416 : (vector<16xf32>, vector<16xf32>, vector<16xi1>) -> (vector<16xi1>, vector<16xf32>, vector<16xf32>)
        %eq3A_420 = arith.constant 10 : i32
        %eq3A_421 = vector.broadcast %eq3A_420 : i32 to vector<16xi32>
        %eq3A_422 = arith.cmpi eq, %iota3A, %eq3A_421 : vector<16xi32>
        %select_n3A_423 = arith.select %eq3A_422, %gather3A_402, %masked_sort3A_411 : vector<16xi1>, vector<16xf32>
        %eq3A_424 = arith.constant 11 : i32
        %eq3A_425 = vector.broadcast %eq3A_424 : i32 to vector<16xi32>
        %eq3A_426 = arith.cmpi eq, %iota3A, %eq3A_425 : vector<16xi32>
        %select_n3A_427 = arith.select %eq3A_426, %gather3A_403, %select_n3A_423 : vector<16xi1>, vector<16xf32>
        %swap3A_428 = arith.index_cast %add3A_399 : i32 to index
        %swap3A_429 = arith.constant 0 : index
        %swap3A_430 = tpu.vector_load %arg8[%swap3A_428, %swap3A_429] {strides = array<i32>} : memref<256x64xf32, #tpu.memory_space<vmem>>, vector<16xf32>,
        tpu.vector_store %arg8[%swap3A_428, %swap3A_429], %select_n3A_427 {strides = array<i32>} : memref<256x64xf32, #tpu.memory_space<vmem>>, vector<16xf32>,
        %swap3A_431 = arith.index_cast %add3A_399 : i32 to index
        %swap3A_432 = arith.constant 16 : index
        %swap3A_433 = tpu.vector_load %arg8[%swap3A_431, %swap3A_432] {strides = array<i32>} : memref<256x64xf32, #tpu.memory_space<vmem>>, vector<16xf32>,
        tpu.vector_store %arg8[%swap3A_431, %swap3A_432], %masked_sort3A_412 {strides = array<i32>} : memref<256x64xf32, #tpu.memory_space<vmem>>, vector<16xf32>,
        %swap3A_434 = arith.index_cast %add3A_399 : i32 to index
        %swap3A_435 = arith.constant 32 : index
        %swap3A_436 = tpu.vector_load %arg8[%swap3A_434, %swap3A_435] {strides = array<i32>} : memref<256x64xf32, #tpu.memory_space<vmem>>, vector<16xf32>,
        tpu.vector_store %arg8[%swap3A_434, %swap3A_435], %masked_sort3A_419 {strides = array<i32>} : memref<256x64xf32, #tpu.memory_space<vmem>>, vector<16xf32>,
        %swap3A_437 = arith.index_cast %add3A_399 : i32 to index
        %swap3A_438 = arith.constant 48 : index
        %swap3A_439 = tpu.vector_load %arg8[%swap3A_437, %swap3A_438] {strides = array<i32>} : memref<256x64xf32, #tpu.memory_space<vmem>>, vector<16xf32>,
        tpu.vector_store %arg8[%swap3A_437, %swap3A_438], %masked_sort3A_418 {strides = array<i32>} : memref<256x64xf32, #tpu.memory_space<vmem>>, vector<16xf32>,
        %mul3A_440 = arith.constant 32 : i32
        %mul3A_441 = arith.muli %add3A_56, %mul3A_440 : i32
        %add3A_442 = arith.addi %mul3A_441, %mul3A_103 : i32
        %add3A_443 = arith.constant 6 : i32
        %add3A_444 = arith.addi %add3A_442, %add3A_443 : i32
        %add3A_445 = arith.addi %select_n3A_32, %add3A_444 : i32
        %broadcast_in_dim3A_446 = vector.broadcast %add3A_445 : i32 to vector<16xi32>
        %gather3A_447 = tpu.vector_load_idx %arg6[%broadcast_in_dim3A_446] : memref<1024xf32, #tpu.memory_space<vmem>>[vector<16xi32>], vector<16xf32>,
        %gather3A_448 = tpu.vector_load_idx %arg7[%broadcast_in_dim3A_446] : memref<1024xf32, #tpu.memory_space<vmem>>[vector<16xi32>], vector<16xf32>,
        %gather3A_449 = tpu.vector_load_idx %arg6[%scan3A_171#13] : memref<1024xf32, #tpu.memory_space<vmem>>[vector<16xi32>], vector<16xf32>,
        %gather3A_450 = tpu.vector_load_idx %arg7[%scan3A_171#13] : memref<1024xf32, #tpu.memory_space<vmem>>[vector<16xi32>], vector<16xf32>,
        %jit3A_451 = arith.constant 1.000000e+30 : f32
        %broadcast_in_dim3A_452 = vector.broadcast %jit3A_451 : f32 to vector<16xf32>
        %select_n3A_453 = arith.select %lt3A_35, %gather3A_449, %broadcast_in_dim3A_452 : vector<16xi1>, vector<16xf32>
        %masked_sort3A_454 = arith.constant dense<true> : vector<16xi1>
        %masked_sort3A_455, %masked_sort3A_456, %masked_sort3A_457 = tpu.sort %select_n3A_453, %gather3A_450 masked %masked_sort3A_454 : (vector<16xf32>, vector<16xf32>, vector<16xi1>) -> (vector<16xi1>, vector<16xf32>, vector<16xf32>)
        %jit3A_458 = arith.constant 1.000000e+30 : f32
        %broadcast_in_dim3A_459 = vector.broadcast %jit3A_458 : f32 to vector<16xf32>
        %select_n3A_460 = arith.select %lt3A_35, %gather3A_450, %broadcast_in_dim3A_459 : vector<16xi1>, vector<16xf32>
        %masked_sort3A_461 = arith.constant dense<true> : vector<16xi1>
        %masked_sort3A_462, %masked_sort3A_463, %masked_sort3A_464 = tpu.sort %select_n3A_460, %gather3A_449 masked %masked_sort3A_461 : (vector<16xf32>, vector<16xf32>, vector<16xi1>) -> (vector<16xi1>, vector<16xf32>, vector<16xf32>)
        %eq3A_465 = arith.constant 10 : i32
        %eq3A_466 = vector.broadcast %eq3A_465 : i32 to vector<16xi32>
        %eq3A_467 = arith.cmpi eq, %iota3A, %eq3A_466 : vector<16xi32>
        %select_n3A_468 = arith.select %eq3A_467, %gather3A_447, %masked_sort3A_456 : vector<16xi1>, vector<16xf32>
        %eq3A_469 = arith.constant 11 : i32
        %eq3A_470 = vector.broadcast %eq3A_469 : i32 to vector<16xi32>
        %eq3A_471 = arith.cmpi eq, %iota3A, %eq3A_470 : vector<16xi32>
        %select_n3A_472 = arith.select %eq3A_471, %gather3A_448, %select_n3A_468 : vector<16xi1>, vector<16xf32>
        %swap3A_473 = arith.index_cast %add3A_444 : i32 to index
        %swap3A_474 = arith.constant 0 : index
        %swap3A_475 = tpu.vector_load %arg8[%swap3A_473, %swap3A_474] {strides = array<i32>} : memref<256x64xf32, #tpu.memory_space<vmem>>, vector<16xf32>,
        tpu.vector_store %arg8[%swap3A_473, %swap3A_474], %select_n3A_472 {strides = array<i32>} : memref<256x64xf32, #tpu.memory_space<vmem>>, vector<16xf32>,
        %swap3A_476 = arith.index_cast %add3A_444 : i32 to index
        %swap3A_477 = arith.constant 16 : index
        %swap3A_478 = tpu.vector_load %arg8[%swap3A_476, %swap3A_477] {strides = array<i32>} : memref<256x64xf32, #tpu.memory_space<vmem>>, vector<16xf32>,
        tpu.vector_store %arg8[%swap3A_476, %swap3A_477], %masked_sort3A_457 {strides = array<i32>} : memref<256x64xf32, #tpu.memory_space<vmem>>, vector<16xf32>,
        %swap3A_479 = arith.index_cast %add3A_444 : i32 to index
        %swap3A_480 = arith.constant 32 : index
        %swap3A_481 = tpu.vector_load %arg8[%swap3A_479, %swap3A_480] {strides = array<i32>} : memref<256x64xf32, #tpu.memory_space<vmem>>, vector<16xf32>,
        tpu.vector_store %arg8[%swap3A_479, %swap3A_480], %masked_sort3A_464 {strides = array<i32>} : memref<256x64xf32, #tpu.memory_space<vmem>>, vector<16xf32>,
        %swap3A_482 = arith.index_cast %add3A_444 : i32 to index
        %swap3A_483 = arith.constant 48 : index
        %swap3A_484 = tpu.vector_load %arg8[%swap3A_482, %swap3A_483] {strides = array<i32>} : memref<256x64xf32, #tpu.memory_space<vmem>>, vector<16xf32>,
        tpu.vector_store %arg8[%swap3A_482, %swap3A_483], %masked_sort3A_463 {strides = array<i32>} : memref<256x64xf32, #tpu.memory_space<vmem>>, vector<16xf32>,
        %mul3A_485 = arith.constant 32 : i32
        %mul3A_486 = arith.muli %add3A_56, %mul3A_485 : i32
        %add3A_487 = arith.addi %mul3A_486, %mul3A_103 : i32
        %add3A_488 = arith.constant 7 : i32
        %add3A_489 = arith.addi %add3A_487, %add3A_488 : i32
        %add3A_490 = arith.addi %select_n3A_32, %add3A_489 : i32
        %broadcast_in_dim3A_491 = vector.broadcast %add3A_490 : i32 to vector<16xi32>
        %gather3A_492 = tpu.vector_load_idx %arg6[%broadcast_in_dim3A_491] : memref<1024xf32, #tpu.memory_space<vmem>>[vector<16xi32>], vector<16xf32>,
        %gather3A_493 = tpu.vector_load_idx %arg7[%broadcast_in_dim3A_491] : memref<1024xf32, #tpu.memory_space<vmem>>[vector<16xi32>], vector<16xf32>,
        %gather3A_494 = tpu.vector_load_idx %arg6[%scan3A_171#15] : memref<1024xf32, #tpu.memory_space<vmem>>[vector<16xi32>], vector<16xf32>,
        %gather3A_495 = tpu.vector_load_idx %arg7[%scan3A_171#15] : memref<1024xf32, #tpu.memory_space<vmem>>[vector<16xi32>], vector<16xf32>,
        %jit3A_496 = arith.constant 1.000000e+30 : f32
        %broadcast_in_dim3A_497 = vector.broadcast %jit3A_496 : f32 to vector<16xf32>
        %select_n3A_498 = arith.select %lt3A_35, %gather3A_494, %broadcast_in_dim3A_497 : vector<16xi1>, vector<16xf32>
        %masked_sort3A_499 = arith.constant dense<true> : vector<16xi1>
        %masked_sort3A_500, %masked_sort3A_501, %masked_sort3A_502 = tpu.sort %select_n3A_498, %gather3A_495 masked %masked_sort3A_499 : (vector<16xf32>, vector<16xf32>, vector<16xi1>) -> (vector<16xi1>, vector<16xf32>, vector<16xf32>)
        %jit3A_503 = arith.constant 1.000000e+30 : f32
        %broadcast_in_dim3A_504 = vector.broadcast %jit3A_503 : f32 to vector<16xf32>
        %select_n3A_505 = arith.select %lt3A_35, %gather3A_495, %broadcast_in_dim3A_504 : vector<16xi1>, vector<16xf32>
        %masked_sort3A_506 = arith.constant dense<true> : vector<16xi1>
        %masked_sort3A_507, %masked_sort3A_508, %masked_sort3A_509 = tpu.sort %select_n3A_505, %gather3A_494 masked %masked_sort3A_506 : (vector<16xf32>, vector<16xf32>, vector<16xi1>) -> (vector<16xi1>, vector<16xf32>, vector<16xf32>)
        %eq3A_510 = arith.constant 10 : i32
        %eq3A_511 = vector.broadcast %eq3A_510 : i32 to vector<16xi32>
        %eq3A_512 = arith.cmpi eq, %iota3A, %eq3A_511 : vector<16xi32>
        %select_n3A_513 = arith.select %eq3A_512, %gather3A_492, %masked_sort3A_501 : vector<16xi1>, vector<16xf32>
        %eq3A_514 = arith.constant 11 : i32
        %eq3A_515 = vector.broadcast %eq3A_514 : i32 to vector<16xi32>
        %eq3A_516 = arith.cmpi eq, %iota3A, %eq3A_515 : vector<16xi32>
        %select_n3A_517 = arith.select %eq3A_516, %gather3A_493, %select_n3A_513 : vector<16xi1>, vector<16xf32>
        %swap3A_518 = arith.index_cast %add3A_489 : i32 to index
        %swap3A_519 = arith.constant 0 : index
        %swap3A_520 = tpu.vector_load %arg8[%swap3A_518, %swap3A_519] {strides = array<i32>} : memref<256x64xf32, #tpu.memory_space<vmem>>, vector<16xf32>,
        tpu.vector_store %arg8[%swap3A_518, %swap3A_519], %select_n3A_517 {strides = array<i32>} : memref<256x64xf32, #tpu.memory_space<vmem>>, vector<16xf32>,
        %swap3A_521 = arith.index_cast %add3A_489 : i32 to index
        %swap3A_522 = arith.constant 16 : index
        %swap3A_523 = tpu.vector_load %arg8[%swap3A_521, %swap3A_522] {strides = array<i32>} : memref<256x64xf32, #tpu.memory_space<vmem>>, vector<16xf32>,
        tpu.vector_store %arg8[%swap3A_521, %swap3A_522], %masked_sort3A_502 {strides = array<i32>} : memref<256x64xf32, #tpu.memory_space<vmem>>, vector<16xf32>,
        %swap3A_524 = arith.index_cast %add3A_489 : i32 to index
        %swap3A_525 = arith.constant 32 : index
        %swap3A_526 = tpu.vector_load %arg8[%swap3A_524, %swap3A_525] {strides = array<i32>} : memref<256x64xf32, #tpu.memory_space<vmem>>, vector<16xf32>,
        tpu.vector_store %arg8[%swap3A_524, %swap3A_525], %masked_sort3A_509 {strides = array<i32>} : memref<256x64xf32, #tpu.memory_space<vmem>>, vector<16xf32>,
        %swap3A_527 = arith.index_cast %add3A_489 : i32 to index
        %swap3A_528 = arith.constant 48 : index
        %swap3A_529 = tpu.vector_load %arg8[%swap3A_527, %swap3A_528] {strides = array<i32>} : memref<256x64xf32, #tpu.memory_space<vmem>>, vector<16xf32>,
        tpu.vector_store %arg8[%swap3A_527, %swap3A_528], %masked_sort3A_508 {strides = array<i32>} : memref<256x64xf32, #tpu.memory_space<vmem>>, vector<16xf32>,
        %mul3A_530 = arith.constant 32 : i32
        %mul3A_531 = arith.muli %add3A_56, %mul3A_530 : i32
        %add3A_532 = arith.addi %mul3A_531, %mul3A_103 : i32
        %add3A_533 = arith.constant 8 : i32
        %add3A_534 = arith.addi %add3A_532, %add3A_533 : i32
        %add3A_535 = arith.addi %select_n3A_32, %add3A_534 : i32
        %broadcast_in_dim3A_536 = vector.broadcast %add3A_535 : i32 to vector<16xi32>
        %gather3A_537 = tpu.vector_load_idx %arg6[%broadcast_in_dim3A_536] : memref<1024xf32, #tpu.memory_space<vmem>>[vector<16xi32>], vector<16xf32>,
        %gather3A_538 = tpu.vector_load_idx %arg7[%broadcast_in_dim3A_536] : memref<1024xf32, #tpu.memory_space<vmem>>[vector<16xi32>], vector<16xf32>,
        %gather3A_539 = tpu.vector_load_idx %arg6[%scan3A_171#17] : memref<1024xf32, #tpu.memory_space<vmem>>[vector<16xi32>], vector<16xf32>,
        %gather3A_540 = tpu.vector_load_idx %arg7[%scan3A_171#17] : memref<1024xf32, #tpu.memory_space<vmem>>[vector<16xi32>], vector<16xf32>,
        %jit3A_541 = arith.constant 1.000000e+30 : f32
        %broadcast_in_dim3A_542 = vector.broadcast %jit3A_541 : f32 to vector<16xf32>
        %select_n3A_543 = arith.select %lt3A_35, %gather3A_539, %broadcast_in_dim3A_542 : vector<16xi1>, vector<16xf32>
        %masked_sort3A_544 = arith.constant dense<true> : vector<16xi1>
        %masked_sort3A_545, %masked_sort3A_546, %masked_sort3A_547 = tpu.sort %select_n3A_543, %gather3A_540 masked %masked_sort3A_544 : (vector<16xf32>, vector<16xf32>, vector<16xi1>) -> (vector<16xi1>, vector<16xf32>, vector<16xf32>)
        %jit3A_548 = arith.constant 1.000000e+30 : f32
        %broadcast_in_dim3A_549 = vector.broadcast %jit3A_548 : f32 to vector<16xf32>
        %select_n3A_550 = arith.select %lt3A_35, %gather3A_540, %broadcast_in_dim3A_549 : vector<16xi1>, vector<16xf32>
        %masked_sort3A_551 = arith.constant dense<true> : vector<16xi1>
        %masked_sort3A_552, %masked_sort3A_553, %masked_sort3A_554 = tpu.sort %select_n3A_550, %gather3A_539 masked %masked_sort3A_551 : (vector<16xf32>, vector<16xf32>, vector<16xi1>) -> (vector<16xi1>, vector<16xf32>, vector<16xf32>)
        %eq3A_555 = arith.constant 10 : i32
        %eq3A_556 = vector.broadcast %eq3A_555 : i32 to vector<16xi32>
        %eq3A_557 = arith.cmpi eq, %iota3A, %eq3A_556 : vector<16xi32>
        %select_n3A_558 = arith.select %eq3A_557, %gather3A_537, %masked_sort3A_546 : vector<16xi1>, vector<16xf32>
        %eq3A_559 = arith.constant 11 : i32
        %eq3A_560 = vector.broadcast %eq3A_559 : i32 to vector<16xi32>
        %eq3A_561 = arith.cmpi eq, %iota3A, %eq3A_560 : vector<16xi32>
        %select_n3A_562 = arith.select %eq3A_561, %gather3A_538, %select_n3A_558 : vector<16xi1>, vector<16xf32>
        %swap3A_563 = arith.index_cast %add3A_534 : i32 to index
        %swap3A_564 = arith.constant 0 : index
        %swap3A_565 = tpu.vector_load %arg8[%swap3A_563, %swap3A_564] {strides = array<i32>} : memref<256x64xf32, #tpu.memory_space<vmem>>, vector<16xf32>,
        tpu.vector_store %arg8[%swap3A_563, %swap3A_564], %select_n3A_562 {strides = array<i32>} : memref<256x64xf32, #tpu.memory_space<vmem>>, vector<16xf32>,
        %swap3A_566 = arith.index_cast %add3A_534 : i32 to index
        %swap3A_567 = arith.constant 16 : index
        %swap3A_568 = tpu.vector_load %arg8[%swap3A_566, %swap3A_567] {strides = array<i32>} : memref<256x64xf32, #tpu.memory_space<vmem>>, vector<16xf32>,
        tpu.vector_store %arg8[%swap3A_566, %swap3A_567], %masked_sort3A_547 {strides = array<i32>} : memref<256x64xf32, #tpu.memory_space<vmem>>, vector<16xf32>,
        %swap3A_569 = arith.index_cast %add3A_534 : i32 to index
        %swap3A_570 = arith.constant 32 : index
        %swap3A_571 = tpu.vector_load %arg8[%swap3A_569, %swap3A_570] {strides = array<i32>} : memref<256x64xf32, #tpu.memory_space<vmem>>, vector<16xf32>,
        tpu.vector_store %arg8[%swap3A_569, %swap3A_570], %masked_sort3A_554 {strides = array<i32>} : memref<256x64xf32, #tpu.memory_space<vmem>>, vector<16xf32>,
        %swap3A_572 = arith.index_cast %add3A_534 : i32 to index
        %swap3A_573 = arith.constant 48 : index
        %swap3A_574 = tpu.vector_load %arg8[%swap3A_572, %swap3A_573] {strides = array<i32>} : memref<256x64xf32, #tpu.memory_space<vmem>>, vector<16xf32>,
        tpu.vector_store %arg8[%swap3A_572, %swap3A_573], %masked_sort3A_553 {strides = array<i32>} : memref<256x64xf32, #tpu.memory_space<vmem>>, vector<16xf32>,
        %mul3A_575 = arith.constant 32 : i32
        %mul3A_576 = arith.muli %add3A_56, %mul3A_575 : i32
        %add3A_577 = arith.addi %mul3A_576, %mul3A_103 : i32
        %add3A_578 = arith.constant 9 : i32
        %add3A_579 = arith.addi %add3A_577, %add3A_578 : i32
        %add3A_580 = arith.addi %select_n3A_32, %add3A_579 : i32
        %broadcast_in_dim3A_581 = vector.broadcast %add3A_580 : i32 to vector<16xi32>
        %gather3A_582 = tpu.vector_load_idx %arg6[%broadcast_in_dim3A_581] : memref<1024xf32, #tpu.memory_space<vmem>>[vector<16xi32>], vector<16xf32>,
        %gather3A_583 = tpu.vector_load_idx %arg7[%broadcast_in_dim3A_581] : memref<1024xf32, #tpu.memory_space<vmem>>[vector<16xi32>], vector<16xf32>,
        %gather3A_584 = tpu.vector_load_idx %arg6[%scan3A_171#19] : memref<1024xf32, #tpu.memory_space<vmem>>[vector<16xi32>], vector<16xf32>,
        %gather3A_585 = tpu.vector_load_idx %arg7[%scan3A_171#19] : memref<1024xf32, #tpu.memory_space<vmem>>[vector<16xi32>], vector<16xf32>,
        %jit3A_586 = arith.constant 1.000000e+30 : f32
        %broadcast_in_dim3A_587 = vector.broadcast %jit3A_586 : f32 to vector<16xf32>
        %select_n3A_588 = arith.select %lt3A_35, %gather3A_584, %broadcast_in_dim3A_587 : vector<16xi1>, vector<16xf32>
        %masked_sort3A_589 = arith.constant dense<true> : vector<16xi1>
        %masked_sort3A_590, %masked_sort3A_591, %masked_sort3A_592 = tpu.sort %select_n3A_588, %gather3A_585 masked %masked_sort3A_589 : (vector<16xf32>, vector<16xf32>, vector<16xi1>) -> (vector<16xi1>, vector<16xf32>, vector<16xf32>)
        %jit3A_593 = arith.constant 1.000000e+30 : f32
        %broadcast_in_dim3A_594 = vector.broadcast %jit3A_593 : f32 to vector<16xf32>
        %select_n3A_595 = arith.select %lt3A_35, %gather3A_585, %broadcast_in_dim3A_594 : vector<16xi1>, vector<16xf32>
        %masked_sort3A_596 = arith.constant dense<true> : vector<16xi1>
        %masked_sort3A_597, %masked_sort3A_598, %masked_sort3A_599 = tpu.sort %select_n3A_595, %gather3A_584 masked %masked_sort3A_596 : (vector<16xf32>, vector<16xf32>, vector<16xi1>) -> (vector<16xi1>, vector<16xf32>, vector<16xf32>)
        %eq3A_600 = arith.constant 10 : i32
        %eq3A_601 = vector.broadcast %eq3A_600 : i32 to vector<16xi32>
        %eq3A_602 = arith.cmpi eq, %iota3A, %eq3A_601 : vector<16xi32>
        %select_n3A_603 = arith.select %eq3A_602, %gather3A_582, %masked_sort3A_591 : vector<16xi1>, vector<16xf32>
        %eq3A_604 = arith.constant 11 : i32
        %eq3A_605 = vector.broadcast %eq3A_604 : i32 to vector<16xi32>
        %eq3A_606 = arith.cmpi eq, %iota3A, %eq3A_605 : vector<16xi32>
        %select_n3A_607 = arith.select %eq3A_606, %gather3A_583, %select_n3A_603 : vector<16xi1>, vector<16xf32>
        %swap3A_608 = arith.index_cast %add3A_579 : i32 to index
        %swap3A_609 = arith.constant 0 : index
        %swap3A_610 = tpu.vector_load %arg8[%swap3A_608, %swap3A_609] {strides = array<i32>} : memref<256x64xf32, #tpu.memory_space<vmem>>, vector<16xf32>,
        tpu.vector_store %arg8[%swap3A_608, %swap3A_609], %select_n3A_607 {strides = array<i32>} : memref<256x64xf32, #tpu.memory_space<vmem>>, vector<16xf32>,
        %swap3A_611 = arith.index_cast %add3A_579 : i32 to index
        %swap3A_612 = arith.constant 16 : index
        %swap3A_613 = tpu.vector_load %arg8[%swap3A_611, %swap3A_612] {strides = array<i32>} : memref<256x64xf32, #tpu.memory_space<vmem>>, vector<16xf32>,
        tpu.vector_store %arg8[%swap3A_611, %swap3A_612], %masked_sort3A_592 {strides = array<i32>} : memref<256x64xf32, #tpu.memory_space<vmem>>, vector<16xf32>,
        %swap3A_614 = arith.index_cast %add3A_579 : i32 to index
        %swap3A_615 = arith.constant 32 : index
        %swap3A_616 = tpu.vector_load %arg8[%swap3A_614, %swap3A_615] {strides = array<i32>} : memref<256x64xf32, #tpu.memory_space<vmem>>, vector<16xf32>,
        tpu.vector_store %arg8[%swap3A_614, %swap3A_615], %masked_sort3A_599 {strides = array<i32>} : memref<256x64xf32, #tpu.memory_space<vmem>>, vector<16xf32>,
        %swap3A_617 = arith.index_cast %add3A_579 : i32 to index
        %swap3A_618 = arith.constant 48 : index
        %swap3A_619 = tpu.vector_load %arg8[%swap3A_617, %swap3A_618] {strides = array<i32>} : memref<256x64xf32, #tpu.memory_space<vmem>>, vector<16xf32>,
        tpu.vector_store %arg8[%swap3A_617, %swap3A_618], %masked_sort3A_598 {strides = array<i32>} : memref<256x64xf32, #tpu.memory_space<vmem>>, vector<16xf32>,
        %mul3A_620 = arith.constant 32 : i32
        %mul3A_621 = arith.muli %add3A_56, %mul3A_620 : i32
        %add3A_622 = arith.addi %mul3A_621, %mul3A_103 : i32
        %add3A_623 = arith.constant 10 : i32
        %add3A_624 = arith.addi %add3A_622, %add3A_623 : i32
        %add3A_625 = arith.addi %select_n3A_32, %add3A_624 : i32
        %broadcast_in_dim3A_626 = vector.broadcast %add3A_625 : i32 to vector<16xi32>
        %gather3A_627 = tpu.vector_load_idx %arg6[%broadcast_in_dim3A_626] : memref<1024xf32, #tpu.memory_space<vmem>>[vector<16xi32>], vector<16xf32>,
        %gather3A_628 = tpu.vector_load_idx %arg7[%broadcast_in_dim3A_626] : memref<1024xf32, #tpu.memory_space<vmem>>[vector<16xi32>], vector<16xf32>,
        %gather3A_629 = tpu.vector_load_idx %arg6[%scan3A_171#21] : memref<1024xf32, #tpu.memory_space<vmem>>[vector<16xi32>], vector<16xf32>,
        %gather3A_630 = tpu.vector_load_idx %arg7[%scan3A_171#21] : memref<1024xf32, #tpu.memory_space<vmem>>[vector<16xi32>], vector<16xf32>,
        %jit3A_631 = arith.constant 1.000000e+30 : f32
        %broadcast_in_dim3A_632 = vector.broadcast %jit3A_631 : f32 to vector<16xf32>
        %select_n3A_633 = arith.select %lt3A_35, %gather3A_629, %broadcast_in_dim3A_632 : vector<16xi1>, vector<16xf32>
        %masked_sort3A_634 = arith.constant dense<true> : vector<16xi1>
        %masked_sort3A_635, %masked_sort3A_636, %masked_sort3A_637 = tpu.sort %select_n3A_633, %gather3A_630 masked %masked_sort3A_634 : (vector<16xf32>, vector<16xf32>, vector<16xi1>) -> (vector<16xi1>, vector<16xf32>, vector<16xf32>)
        %jit3A_638 = arith.constant 1.000000e+30 : f32
        %broadcast_in_dim3A_639 = vector.broadcast %jit3A_638 : f32 to vector<16xf32>
        %select_n3A_640 = arith.select %lt3A_35, %gather3A_630, %broadcast_in_dim3A_639 : vector<16xi1>, vector<16xf32>
        %masked_sort3A_641 = arith.constant dense<true> : vector<16xi1>
        %masked_sort3A_642, %masked_sort3A_643, %masked_sort3A_644 = tpu.sort %select_n3A_640, %gather3A_629 masked %masked_sort3A_641 : (vector<16xf32>, vector<16xf32>, vector<16xi1>) -> (vector<16xi1>, vector<16xf32>, vector<16xf32>)
        %eq3A_645 = arith.constant 10 : i32
        %eq3A_646 = vector.broadcast %eq3A_645 : i32 to vector<16xi32>
        %eq3A_647 = arith.cmpi eq, %iota3A, %eq3A_646 : vector<16xi32>
        %select_n3A_648 = arith.select %eq3A_647, %gather3A_627, %masked_sort3A_636 : vector<16xi1>, vector<16xf32>
        %eq3A_649 = arith.constant 11 : i32
        %eq3A_650 = vector.broadcast %eq3A_649 : i32 to vector<16xi32>
        %eq3A_651 = arith.cmpi eq, %iota3A, %eq3A_650 : vector<16xi32>
        %select_n3A_652 = arith.select %eq3A_651, %gather3A_628, %select_n3A_648 : vector<16xi1>, vector<16xf32>
        %swap3A_653 = arith.index_cast %add3A_624 : i32 to index
        %swap3A_654 = arith.constant 0 : index
        %swap3A_655 = tpu.vector_load %arg8[%swap3A_653, %swap3A_654] {strides = array<i32>} : memref<256x64xf32, #tpu.memory_space<vmem>>, vector<16xf32>,
        tpu.vector_store %arg8[%swap3A_653, %swap3A_654], %select_n3A_652 {strides = array<i32>} : memref<256x64xf32, #tpu.memory_space<vmem>>, vector<16xf32>,
        %swap3A_656 = arith.index_cast %add3A_624 : i32 to index
        %swap3A_657 = arith.constant 16 : index
        %swap3A_658 = tpu.vector_load %arg8[%swap3A_656, %swap3A_657] {strides = array<i32>} : memref<256x64xf32, #tpu.memory_space<vmem>>, vector<16xf32>,
        tpu.vector_store %arg8[%swap3A_656, %swap3A_657], %masked_sort3A_637 {strides = array<i32>} : memref<256x64xf32, #tpu.memory_space<vmem>>, vector<16xf32>,
        %swap3A_659 = arith.index_cast %add3A_624 : i32 to index
        %swap3A_660 = arith.constant 32 : index
        %swap3A_661 = tpu.vector_load %arg8[%swap3A_659, %swap3A_660] {strides = array<i32>} : memref<256x64xf32, #tpu.memory_space<vmem>>, vector<16xf32>,
        tpu.vector_store %arg8[%swap3A_659, %swap3A_660], %masked_sort3A_644 {strides = array<i32>} : memref<256x64xf32, #tpu.memory_space<vmem>>, vector<16xf32>,
        %swap3A_662 = arith.index_cast %add3A_624 : i32 to index
        %swap3A_663 = arith.constant 48 : index
        %swap3A_664 = tpu.vector_load %arg8[%swap3A_662, %swap3A_663] {strides = array<i32>} : memref<256x64xf32, #tpu.memory_space<vmem>>, vector<16xf32>,
        tpu.vector_store %arg8[%swap3A_662, %swap3A_663], %masked_sort3A_643 {strides = array<i32>} : memref<256x64xf32, #tpu.memory_space<vmem>>, vector<16xf32>,
        %mul3A_665 = arith.constant 32 : i32
        %mul3A_666 = arith.muli %add3A_56, %mul3A_665 : i32
        %add3A_667 = arith.addi %mul3A_666, %mul3A_103 : i32
        %add3A_668 = arith.constant 11 : i32
        %add3A_669 = arith.addi %add3A_667, %add3A_668 : i32
        %add3A_670 = arith.addi %select_n3A_32, %add3A_669 : i32
        %broadcast_in_dim3A_671 = vector.broadcast %add3A_670 : i32 to vector<16xi32>
        %gather3A_672 = tpu.vector_load_idx %arg6[%broadcast_in_dim3A_671] : memref<1024xf32, #tpu.memory_space<vmem>>[vector<16xi32>], vector<16xf32>,
        %gather3A_673 = tpu.vector_load_idx %arg7[%broadcast_in_dim3A_671] : memref<1024xf32, #tpu.memory_space<vmem>>[vector<16xi32>], vector<16xf32>,
        %gather3A_674 = tpu.vector_load_idx %arg6[%scan3A_171#23] : memref<1024xf32, #tpu.memory_space<vmem>>[vector<16xi32>], vector<16xf32>,
        %gather3A_675 = tpu.vector_load_idx %arg7[%scan3A_171#23] : memref<1024xf32, #tpu.memory_space<vmem>>[vector<16xi32>], vector<16xf32>,
        %jit3A_676 = arith.constant 1.000000e+30 : f32
        %broadcast_in_dim3A_677 = vector.broadcast %jit3A_676 : f32 to vector<16xf32>
        %select_n3A_678 = arith.select %lt3A_35, %gather3A_674, %broadcast_in_dim3A_677 : vector<16xi1>, vector<16xf32>
        %masked_sort3A_679 = arith.constant dense<true> : vector<16xi1>
        %masked_sort3A_680, %masked_sort3A_681, %masked_sort3A_682 = tpu.sort %select_n3A_678, %gather3A_675 masked %masked_sort3A_679 : (vector<16xf32>, vector<16xf32>, vector<16xi1>) -> (vector<16xi1>, vector<16xf32>, vector<16xf32>)
        %jit3A_683 = arith.constant 1.000000e+30 : f32
        %broadcast_in_dim3A_684 = vector.broadcast %jit3A_683 : f32 to vector<16xf32>
        %select_n3A_685 = arith.select %lt3A_35, %gather3A_675, %broadcast_in_dim3A_684 : vector<16xi1>, vector<16xf32>
        %masked_sort3A_686 = arith.constant dense<true> : vector<16xi1>
        %masked_sort3A_687, %masked_sort3A_688, %masked_sort3A_689 = tpu.sort %select_n3A_685, %gather3A_674 masked %masked_sort3A_686 : (vector<16xf32>, vector<16xf32>, vector<16xi1>) -> (vector<16xi1>, vector<16xf32>, vector<16xf32>)
        %eq3A_690 = arith.constant 10 : i32
        %eq3A_691 = vector.broadcast %eq3A_690 : i32 to vector<16xi32>
        %eq3A_692 = arith.cmpi eq, %iota3A, %eq3A_691 : vector<16xi32>
        %select_n3A_693 = arith.select %eq3A_692, %gather3A_672, %masked_sort3A_681 : vector<16xi1>, vector<16xf32>
        %eq3A_694 = arith.constant 11 : i32
        %eq3A_695 = vector.broadcast %eq3A_694 : i32 to vector<16xi32>
        %eq3A_696 = arith.cmpi eq, %iota3A, %eq3A_695 : vector<16xi32>
        %select_n3A_697 = arith.select %eq3A_696, %gather3A_673, %select_n3A_693 : vector<16xi1>, vector<16xf32>
        %swap3A_698 = arith.index_cast %add3A_669 : i32 to index
        %swap3A_699 = arith.constant 0 : index
        %swap3A_700 = tpu.vector_load %arg8[%swap3A_698, %swap3A_699] {strides = array<i32>} : memref<256x64xf32, #tpu.memory_space<vmem>>, vector<16xf32>,
        tpu.vector_store %arg8[%swap3A_698, %swap3A_699], %select_n3A_697 {strides = array<i32>} : memref<256x64xf32, #tpu.memory_space<vmem>>, vector<16xf32>,
        %swap3A_701 = arith.index_cast %add3A_669 : i32 to index
        %swap3A_702 = arith.constant 16 : index
        %swap3A_703 = tpu.vector_load %arg8[%swap3A_701, %swap3A_702] {strides = array<i32>} : memref<256x64xf32, #tpu.memory_space<vmem>>, vector<16xf32>,
        tpu.vector_store %arg8[%swap3A_701, %swap3A_702], %masked_sort3A_682 {strides = array<i32>} : memref<256x64xf32, #tpu.memory_space<vmem>>, vector<16xf32>,
        %swap3A_704 = arith.index_cast %add3A_669 : i32 to index
        %swap3A_705 = arith.constant 32 : index
        %swap3A_706 = tpu.vector_load %arg8[%swap3A_704, %swap3A_705] {strides = array<i32>} : memref<256x64xf32, #tpu.memory_space<vmem>>, vector<16xf32>,
        tpu.vector_store %arg8[%swap3A_704, %swap3A_705], %masked_sort3A_689 {strides = array<i32>} : memref<256x64xf32, #tpu.memory_space<vmem>>, vector<16xf32>,
        %swap3A_707 = arith.index_cast %add3A_669 : i32 to index
        %swap3A_708 = arith.constant 48 : index
        %swap3A_709 = tpu.vector_load %arg8[%swap3A_707, %swap3A_708] {strides = array<i32>} : memref<256x64xf32, #tpu.memory_space<vmem>>, vector<16xf32>,
        tpu.vector_store %arg8[%swap3A_707, %swap3A_708], %masked_sort3A_688 {strides = array<i32>} : memref<256x64xf32, #tpu.memory_space<vmem>>, vector<16xf32>,
        %mul3A_710 = arith.constant 32 : i32
        %mul3A_711 = arith.muli %add3A_56, %mul3A_710 : i32
        %add3A_712 = arith.addi %mul3A_711, %mul3A_103 : i32
        %add3A_713 = arith.constant 12 : i32
        %add3A_714 = arith.addi %add3A_712, %add3A_713 : i32
        %add3A_715 = arith.addi %select_n3A_32, %add3A_714 : i32
        %broadcast_in_dim3A_716 = vector.broadcast %add3A_715 : i32 to vector<16xi32>
        %gather3A_717 = tpu.vector_load_idx %arg6[%broadcast_in_dim3A_716] : memref<1024xf32, #tpu.memory_space<vmem>>[vector<16xi32>], vector<16xf32>,
        %gather3A_718 = tpu.vector_load_idx %arg7[%broadcast_in_dim3A_716] : memref<1024xf32, #tpu.memory_space<vmem>>[vector<16xi32>], vector<16xf32>,
        %gather3A_719 = tpu.vector_load_idx %arg6[%scan3A_171#25] : memref<1024xf32, #tpu.memory_space<vmem>>[vector<16xi32>], vector<16xf32>,
        %gather3A_720 = tpu.vector_load_idx %arg7[%scan3A_171#25] : memref<1024xf32, #tpu.memory_space<vmem>>[vector<16xi32>], vector<16xf32>,
        %jit3A_721 = arith.constant 1.000000e+30 : f32
        %broadcast_in_dim3A_722 = vector.broadcast %jit3A_721 : f32 to vector<16xf32>
        %select_n3A_723 = arith.select %lt3A_35, %gather3A_719, %broadcast_in_dim3A_722 : vector<16xi1>, vector<16xf32>
        %masked_sort3A_724 = arith.constant dense<true> : vector<16xi1>
        %masked_sort3A_725, %masked_sort3A_726, %masked_sort3A_727 = tpu.sort %select_n3A_723, %gather3A_720 masked %masked_sort3A_724 : (vector<16xf32>, vector<16xf32>, vector<16xi1>) -> (vector<16xi1>, vector<16xf32>, vector<16xf32>)
        %jit3A_728 = arith.constant 1.000000e+30 : f32
        %broadcast_in_dim3A_729 = vector.broadcast %jit3A_728 : f32 to vector<16xf32>
        %select_n3A_730 = arith.select %lt3A_35, %gather3A_720, %broadcast_in_dim3A_729 : vector<16xi1>, vector<16xf32>
        %masked_sort3A_731 = arith.constant dense<true> : vector<16xi1>
        %masked_sort3A_732, %masked_sort3A_733, %masked_sort3A_734 = tpu.sort %select_n3A_730, %gather3A_719 masked %masked_sort3A_731 : (vector<16xf32>, vector<16xf32>, vector<16xi1>) -> (vector<16xi1>, vector<16xf32>, vector<16xf32>)
        %eq3A_735 = arith.constant 10 : i32
        %eq3A_736 = vector.broadcast %eq3A_735 : i32 to vector<16xi32>
        %eq3A_737 = arith.cmpi eq, %iota3A, %eq3A_736 : vector<16xi32>
        %select_n3A_738 = arith.select %eq3A_737, %gather3A_717, %masked_sort3A_726 : vector<16xi1>, vector<16xf32>
        %eq3A_739 = arith.constant 11 : i32
        %eq3A_740 = vector.broadcast %eq3A_739 : i32 to vector<16xi32>
        %eq3A_741 = arith.cmpi eq, %iota3A, %eq3A_740 : vector<16xi32>
        %select_n3A_742 = arith.select %eq3A_741, %gather3A_718, %select_n3A_738 : vector<16xi1>, vector<16xf32>
        %swap3A_743 = arith.index_cast %add3A_714 : i32 to index
        %swap3A_744 = arith.constant 0 : index
        %swap3A_745 = tpu.vector_load %arg8[%swap3A_743, %swap3A_744] {strides = array<i32>} : memref<256x64xf32, #tpu.memory_space<vmem>>, vector<16xf32>,
        tpu.vector_store %arg8[%swap3A_743, %swap3A_744], %select_n3A_742 {strides = array<i32>} : memref<256x64xf32, #tpu.memory_space<vmem>>, vector<16xf32>,
        %swap3A_746 = arith.index_cast %add3A_714 : i32 to index
        %swap3A_747 = arith.constant 16 : index
        %swap3A_748 = tpu.vector_load %arg8[%swap3A_746, %swap3A_747] {strides = array<i32>} : memref<256x64xf32, #tpu.memory_space<vmem>>, vector<16xf32>,
        tpu.vector_store %arg8[%swap3A_746, %swap3A_747], %masked_sort3A_727 {strides = array<i32>} : memref<256x64xf32, #tpu.memory_space<vmem>>, vector<16xf32>,
        %swap3A_749 = arith.index_cast %add3A_714 : i32 to index
        %swap3A_750 = arith.constant 32 : index
        %swap3A_751 = tpu.vector_load %arg8[%swap3A_749, %swap3A_750] {strides = array<i32>} : memref<256x64xf32, #tpu.memory_space<vmem>>, vector<16xf32>,
        tpu.vector_store %arg8[%swap3A_749, %swap3A_750], %masked_sort3A_734 {strides = array<i32>} : memref<256x64xf32, #tpu.memory_space<vmem>>, vector<16xf32>,
        %swap3A_752 = arith.index_cast %add3A_714 : i32 to index
        %swap3A_753 = arith.constant 48 : index
        %swap3A_754 = tpu.vector_load %arg8[%swap3A_752, %swap3A_753] {strides = array<i32>} : memref<256x64xf32, #tpu.memory_space<vmem>>, vector<16xf32>,
        tpu.vector_store %arg8[%swap3A_752, %swap3A_753], %masked_sort3A_733 {strides = array<i32>} : memref<256x64xf32, #tpu.memory_space<vmem>>, vector<16xf32>,
        %mul3A_755 = arith.constant 32 : i32
        %mul3A_756 = arith.muli %add3A_56, %mul3A_755 : i32
        %add3A_757 = arith.addi %mul3A_756, %mul3A_103 : i32
        %add3A_758 = arith.constant 13 : i32
        %add3A_759 = arith.addi %add3A_757, %add3A_758 : i32
        %add3A_760 = arith.addi %select_n3A_32, %add3A_759 : i32
        %broadcast_in_dim3A_761 = vector.broadcast %add3A_760 : i32 to vector<16xi32>
        %gather3A_762 = tpu.vector_load_idx %arg6[%broadcast_in_dim3A_761] : memref<1024xf32, #tpu.memory_space<vmem>>[vector<16xi32>], vector<16xf32>,
        %gather3A_763 = tpu.vector_load_idx %arg7[%broadcast_in_dim3A_761] : memref<1024xf32, #tpu.memory_space<vmem>>[vector<16xi32>], vector<16xf32>,
        %gather3A_764 = tpu.vector_load_idx %arg6[%scan3A_171#27] : memref<1024xf32, #tpu.memory_space<vmem>>[vector<16xi32>], vector<16xf32>,
        %gather3A_765 = tpu.vector_load_idx %arg7[%scan3A_171#27] : memref<1024xf32, #tpu.memory_space<vmem>>[vector<16xi32>], vector<16xf32>,
        %jit3A_766 = arith.constant 1.000000e+30 : f32
        %broadcast_in_dim3A_767 = vector.broadcast %jit3A_766 : f32 to vector<16xf32>
        %select_n3A_768 = arith.select %lt3A_35, %gather3A_764, %broadcast_in_dim3A_767 : vector<16xi1>, vector<16xf32>
        %masked_sort3A_769 = arith.constant dense<true> : vector<16xi1>
        %masked_sort3A_770, %masked_sort3A_771, %masked_sort3A_772 = tpu.sort %select_n3A_768, %gather3A_765 masked %masked_sort3A_769 : (vector<16xf32>, vector<16xf32>, vector<16xi1>) -> (vector<16xi1>, vector<16xf32>, vector<16xf32>)
        %jit3A_773 = arith.constant 1.000000e+30 : f32
        %broadcast_in_dim3A_774 = vector.broadcast %jit3A_773 : f32 to vector<16xf32>
        %select_n3A_775 = arith.select %lt3A_35, %gather3A_765, %broadcast_in_dim3A_774 : vector<16xi1>, vector<16xf32>
        %masked_sort3A_776 = arith.constant dense<true> : vector<16xi1>
        %masked_sort3A_777, %masked_sort3A_778, %masked_sort3A_779 = tpu.sort %select_n3A_775, %gather3A_764 masked %masked_sort3A_776 : (vector<16xf32>, vector<16xf32>, vector<16xi1>) -> (vector<16xi1>, vector<16xf32>, vector<16xf32>)
        %eq3A_780 = arith.constant 10 : i32
        %eq3A_781 = vector.broadcast %eq3A_780 : i32 to vector<16xi32>
        %eq3A_782 = arith.cmpi eq, %iota3A, %eq3A_781 : vector<16xi32>
        %select_n3A_783 = arith.select %eq3A_782, %gather3A_762, %masked_sort3A_771 : vector<16xi1>, vector<16xf32>
        %eq3A_784 = arith.constant 11 : i32
        %eq3A_785 = vector.broadcast %eq3A_784 : i32 to vector<16xi32>
        %eq3A_786 = arith.cmpi eq, %iota3A, %eq3A_785 : vector<16xi32>
        %select_n3A_787 = arith.select %eq3A_786, %gather3A_763, %select_n3A_783 : vector<16xi1>, vector<16xf32>
        %swap3A_788 = arith.index_cast %add3A_759 : i32 to index
        %swap3A_789 = arith.constant 0 : index
        %swap3A_790 = tpu.vector_load %arg8[%swap3A_788, %swap3A_789] {strides = array<i32>} : memref<256x64xf32, #tpu.memory_space<vmem>>, vector<16xf32>,
        tpu.vector_store %arg8[%swap3A_788, %swap3A_789], %select_n3A_787 {strides = array<i32>} : memref<256x64xf32, #tpu.memory_space<vmem>>, vector<16xf32>,
        %swap3A_791 = arith.index_cast %add3A_759 : i32 to index
        %swap3A_792 = arith.constant 16 : index
        %swap3A_793 = tpu.vector_load %arg8[%swap3A_791, %swap3A_792] {strides = array<i32>} : memref<256x64xf32, #tpu.memory_space<vmem>>, vector<16xf32>,
        tpu.vector_store %arg8[%swap3A_791, %swap3A_792], %masked_sort3A_772 {strides = array<i32>} : memref<256x64xf32, #tpu.memory_space<vmem>>, vector<16xf32>,
        %swap3A_794 = arith.index_cast %add3A_759 : i32 to index
        %swap3A_795 = arith.constant 32 : index
        %swap3A_796 = tpu.vector_load %arg8[%swap3A_794, %swap3A_795] {strides = array<i32>} : memref<256x64xf32, #tpu.memory_space<vmem>>, vector<16xf32>,
        tpu.vector_store %arg8[%swap3A_794, %swap3A_795], %masked_sort3A_779 {strides = array<i32>} : memref<256x64xf32, #tpu.memory_space<vmem>>, vector<16xf32>,
        %swap3A_797 = arith.index_cast %add3A_759 : i32 to index
        %swap3A_798 = arith.constant 48 : index
        %swap3A_799 = tpu.vector_load %arg8[%swap3A_797, %swap3A_798] {strides = array<i32>} : memref<256x64xf32, #tpu.memory_space<vmem>>, vector<16xf32>,
        tpu.vector_store %arg8[%swap3A_797, %swap3A_798], %masked_sort3A_778 {strides = array<i32>} : memref<256x64xf32, #tpu.memory_space<vmem>>, vector<16xf32>,
        %mul3A_800 = arith.constant 32 : i32
        %mul3A_801 = arith.muli %add3A_56, %mul3A_800 : i32
        %add3A_802 = arith.addi %mul3A_801, %mul3A_103 : i32
        %add3A_803 = arith.constant 14 : i32
        %add3A_804 = arith.addi %add3A_802, %add3A_803 : i32
        %add3A_805 = arith.addi %select_n3A_32, %add3A_804 : i32
        %broadcast_in_dim3A_806 = vector.broadcast %add3A_805 : i32 to vector<16xi32>
        %gather3A_807 = tpu.vector_load_idx %arg6[%broadcast_in_dim3A_806] : memref<1024xf32, #tpu.memory_space<vmem>>[vector<16xi32>], vector<16xf32>,
        %gather3A_808 = tpu.vector_load_idx %arg7[%broadcast_in_dim3A_806] : memref<1024xf32, #tpu.memory_space<vmem>>[vector<16xi32>], vector<16xf32>,
        %gather3A_809 = tpu.vector_load_idx %arg6[%scan3A_171#29] : memref<1024xf32, #tpu.memory_space<vmem>>[vector<16xi32>], vector<16xf32>,
        %gather3A_810 = tpu.vector_load_idx %arg7[%scan3A_171#29] : memref<1024xf32, #tpu.memory_space<vmem>>[vector<16xi32>], vector<16xf32>,
        %jit3A_811 = arith.constant 1.000000e+30 : f32
        %broadcast_in_dim3A_812 = vector.broadcast %jit3A_811 : f32 to vector<16xf32>
        %select_n3A_813 = arith.select %lt3A_35, %gather3A_809, %broadcast_in_dim3A_812 : vector<16xi1>, vector<16xf32>
        %masked_sort3A_814 = arith.constant dense<true> : vector<16xi1>
        %masked_sort3A_815, %masked_sort3A_816, %masked_sort3A_817 = tpu.sort %select_n3A_813, %gather3A_810 masked %masked_sort3A_814 : (vector<16xf32>, vector<16xf32>, vector<16xi1>) -> (vector<16xi1>, vector<16xf32>, vector<16xf32>)
        %jit3A_818 = arith.constant 1.000000e+30 : f32
        %broadcast_in_dim3A_819 = vector.broadcast %jit3A_818 : f32 to vector<16xf32>
        %select_n3A_820 = arith.select %lt3A_35, %gather3A_810, %broadcast_in_dim3A_819 : vector<16xi1>, vector<16xf32>
        %masked_sort3A_821 = arith.constant dense<true> : vector<16xi1>
        %masked_sort3A_822, %masked_sort3A_823, %masked_sort3A_824 = tpu.sort %select_n3A_820, %gather3A_809 masked %masked_sort3A_821 : (vector<16xf32>, vector<16xf32>, vector<16xi1>) -> (vector<16xi1>, vector<16xf32>, vector<16xf32>)
        %eq3A_825 = arith.constant 10 : i32
        %eq3A_826 = vector.broadcast %eq3A_825 : i32 to vector<16xi32>
        %eq3A_827 = arith.cmpi eq, %iota3A, %eq3A_826 : vector<16xi32>
        %select_n3A_828 = arith.select %eq3A_827, %gather3A_807, %masked_sort3A_816 : vector<16xi1>, vector<16xf32>
        %eq3A_829 = arith.constant 11 : i32
        %eq3A_830 = vector.broadcast %eq3A_829 : i32 to vector<16xi32>
        %eq3A_831 = arith.cmpi eq, %iota3A, %eq3A_830 : vector<16xi32>
        %select_n3A_832 = arith.select %eq3A_831, %gather3A_808, %select_n3A_828 : vector<16xi1>, vector<16xf32>
        %swap3A_833 = arith.index_cast %add3A_804 : i32 to index
        %swap3A_834 = arith.constant 0 : index
        %swap3A_835 = tpu.vector_load %arg8[%swap3A_833, %swap3A_834] {strides = array<i32>} : memref<256x64xf32, #tpu.memory_space<vmem>>, vector<16xf32>,
        tpu.vector_store %arg8[%swap3A_833, %swap3A_834], %select_n3A_832 {strides = array<i32>} : memref<256x64xf32, #tpu.memory_space<vmem>>, vector<16xf32>,
        %swap3A_836 = arith.index_cast %add3A_804 : i32 to index
        %swap3A_837 = arith.constant 16 : index
        %swap3A_838 = tpu.vector_load %arg8[%swap3A_836, %swap3A_837] {strides = array<i32>} : memref<256x64xf32, #tpu.memory_space<vmem>>, vector<16xf32>,
        tpu.vector_store %arg8[%swap3A_836, %swap3A_837], %masked_sort3A_817 {strides = array<i32>} : memref<256x64xf32, #tpu.memory_space<vmem>>, vector<16xf32>,
        %swap3A_839 = arith.index_cast %add3A_804 : i32 to index
        %swap3A_840 = arith.constant 32 : index
        %swap3A_841 = tpu.vector_load %arg8[%swap3A_839, %swap3A_840] {strides = array<i32>} : memref<256x64xf32, #tpu.memory_space<vmem>>, vector<16xf32>,
        tpu.vector_store %arg8[%swap3A_839, %swap3A_840], %masked_sort3A_824 {strides = array<i32>} : memref<256x64xf32, #tpu.memory_space<vmem>>, vector<16xf32>,
        %swap3A_842 = arith.index_cast %add3A_804 : i32 to index
        %swap3A_843 = arith.constant 48 : index
        %swap3A_844 = tpu.vector_load %arg8[%swap3A_842, %swap3A_843] {strides = array<i32>} : memref<256x64xf32, #tpu.memory_space<vmem>>, vector<16xf32>,
        tpu.vector_store %arg8[%swap3A_842, %swap3A_843], %masked_sort3A_823 {strides = array<i32>} : memref<256x64xf32, #tpu.memory_space<vmem>>, vector<16xf32>,
        %mul3A_845 = arith.constant 32 : i32
        %mul3A_846 = arith.muli %add3A_56, %mul3A_845 : i32
        %add3A_847 = arith.addi %mul3A_846, %mul3A_103 : i32
        %add3A_848 = arith.constant 15 : i32
        %add3A_849 = arith.addi %add3A_847, %add3A_848 : i32
        %add3A_850 = arith.addi %select_n3A_32, %add3A_849 : i32
        %broadcast_in_dim3A_851 = vector.broadcast %add3A_850 : i32 to vector<16xi32>
        %gather3A_852 = tpu.vector_load_idx %arg6[%broadcast_in_dim3A_851] : memref<1024xf32, #tpu.memory_space<vmem>>[vector<16xi32>], vector<16xf32>,
        %gather3A_853 = tpu.vector_load_idx %arg7[%broadcast_in_dim3A_851] : memref<1024xf32, #tpu.memory_space<vmem>>[vector<16xi32>], vector<16xf32>,
        %gather3A_854 = tpu.vector_load_idx %arg6[%scan3A_171#31] : memref<1024xf32, #tpu.memory_space<vmem>>[vector<16xi32>], vector<16xf32>,
        %gather3A_855 = tpu.vector_load_idx %arg7[%scan3A_171#31] : memref<1024xf32, #tpu.memory_space<vmem>>[vector<16xi32>], vector<16xf32>,
        %jit3A_856 = arith.constant 1.000000e+30 : f32
        %broadcast_in_dim3A_857 = vector.broadcast %jit3A_856 : f32 to vector<16xf32>
        %select_n3A_858 = arith.select %lt3A_35, %gather3A_854, %broadcast_in_dim3A_857 : vector<16xi1>, vector<16xf32>
        %masked_sort3A_859 = arith.constant dense<true> : vector<16xi1>
        %masked_sort3A_860, %masked_sort3A_861, %masked_sort3A_862 = tpu.sort %select_n3A_858, %gather3A_855 masked %masked_sort3A_859 : (vector<16xf32>, vector<16xf32>, vector<16xi1>) -> (vector<16xi1>, vector<16xf32>, vector<16xf32>)
        %jit3A_863 = arith.constant 1.000000e+30 : f32
        %broadcast_in_dim3A_864 = vector.broadcast %jit3A_863 : f32 to vector<16xf32>
        %select_n3A_865 = arith.select %lt3A_35, %gather3A_855, %broadcast_in_dim3A_864 : vector<16xi1>, vector<16xf32>
        %masked_sort3A_866 = arith.constant dense<true> : vector<16xi1>
        %masked_sort3A_867, %masked_sort3A_868, %masked_sort3A_869 = tpu.sort %select_n3A_865, %gather3A_854 masked %masked_sort3A_866 : (vector<16xf32>, vector<16xf32>, vector<16xi1>) -> (vector<16xi1>, vector<16xf32>, vector<16xf32>)
        %eq3A_870 = arith.constant 10 : i32
        %eq3A_871 = vector.broadcast %eq3A_870 : i32 to vector<16xi32>
        %eq3A_872 = arith.cmpi eq, %iota3A, %eq3A_871 : vector<16xi32>
        %select_n3A_873 = arith.select %eq3A_872, %gather3A_852, %masked_sort3A_861 : vector<16xi1>, vector<16xf32>
        %eq3A_874 = arith.constant 11 : i32
        %eq3A_875 = vector.broadcast %eq3A_874 : i32 to vector<16xi32>
        %eq3A_876 = arith.cmpi eq, %iota3A, %eq3A_875 : vector<16xi32>
        %select_n3A_877 = arith.select %eq3A_876, %gather3A_853, %select_n3A_873 : vector<16xi1>, vector<16xf32>
        %swap3A_878 = arith.index_cast %add3A_849 : i32 to index
        %swap3A_879 = arith.constant 0 : index
        %swap3A_880 = tpu.vector_load %arg8[%swap3A_878, %swap3A_879] {strides = array<i32>} : memref<256x64xf32, #tpu.memory_space<vmem>>, vector<16xf32>,
        tpu.vector_store %arg8[%swap3A_878, %swap3A_879], %select_n3A_877 {strides = array<i32>} : memref<256x64xf32, #tpu.memory_space<vmem>>, vector<16xf32>,
        %swap3A_881 = arith.index_cast %add3A_849 : i32 to index
        %swap3A_882 = arith.constant 16 : index
        %swap3A_883 = tpu.vector_load %arg8[%swap3A_881, %swap3A_882] {strides = array<i32>} : memref<256x64xf32, #tpu.memory_space<vmem>>, vector<16xf32>,
        tpu.vector_store %arg8[%swap3A_881, %swap3A_882], %masked_sort3A_862 {strides = array<i32>} : memref<256x64xf32, #tpu.memory_space<vmem>>, vector<16xf32>,
        %swap3A_884 = arith.index_cast %add3A_849 : i32 to index
        %swap3A_885 = arith.constant 32 : index
        %swap3A_886 = tpu.vector_load %arg8[%swap3A_884, %swap3A_885] {strides = array<i32>} : memref<256x64xf32, #tpu.memory_space<vmem>>, vector<16xf32>,
        tpu.vector_store %arg8[%swap3A_884, %swap3A_885], %masked_sort3A_869 {strides = array<i32>} : memref<256x64xf32, #tpu.memory_space<vmem>>, vector<16xf32>,
        %swap3A_887 = arith.index_cast %add3A_849 : i32 to index
        %swap3A_888 = arith.constant 48 : index
        %swap3A_889 = tpu.vector_load %arg8[%swap3A_887, %swap3A_888] {strides = array<i32>} : memref<256x64xf32, #tpu.memory_space<vmem>>, vector<16xf32>,
        tpu.vector_store %arg8[%swap3A_887, %swap3A_888], %masked_sort3A_868 {strides = array<i32>} : memref<256x64xf32, #tpu.memory_space<vmem>>, vector<16xf32>,
        %scan3A_890 = arith.constant 0 : i32
        scf.yield %scan3A_890 : i32
      }
      %scan3A_69 = arith.constant 2 : i32
      %add3A_70 = arith.constant 2 : i32
      %add3A_71 = arith.addi %add3A_56, %add3A_70 : i32
      %lt3A_72 = arith.constant 8 : i32
      %lt3A_73 = arith.cmpi slt, %add3A_71, %lt3A_72 : i32
      %convert_element_type3A = arith.extui %lt3A_73 : i1 to i32
      %cond3A = arith.constant 0 : i32
      %cond3A_74 = arith.cmpi ne, %convert_element_type3A, %cond3A : i32
      scf.if %cond3A_74 {
        %add3A_100 = arith.constant 2 : i32
        %add3A_101 = arith.addi %add3A_56, %add3A_100 : i32
        %mul3A_102 = arith.constant 32 : i32
        %mul3A_103 = arith.muli %add3A_101, %mul3A_102 : i32
        %add3A_104 = arith.addi %mul3A_2, %mul3A_103 : i32
        %dma_start3A_105 = arith.constant 0 : i32
        %dma_start3A_106 = tpu.memref_slice %arg4[%add3A_104, %dma_start3A_105] : memref<8192x1024xf32, #tpu.memory_space<hbm>> -> memref<32x1024xf32, #tpu.memory_space<hbm>>
        %dma_start3A_107 = arith.constant 0 : i32
        %dma_start3A_108 = tpu.memref_slice %arg4[%add3A_104, %dma_start3A_107] : memref<8192x1024xf32, #tpu.memory_space<hbm>> -> memref<32x1024xf32, #tpu.memory_space<hbm>>
        tpu.enqueue_dma source(%dma_start3A_108 : memref<32x1024xf32, #tpu.memory_space<hbm>>) target(%arg9 : memref<32x1024xf32, #tpu.memory_space<vmem>>) target_semaphore(%arg11 : memref<!tpu.dma_semaphore, #tpu.memory_space<semaphore_mem>>)
      } else {
      }
      %mul3A_75 = arith.constant 2 : i32
      %mul3A_76 = arith.muli %scan3A_52, %mul3A_75 : i32
      %add3A_77 = arith.constant 1 : i32
      %add3A_78 = arith.addi %mul3A_76, %add3A_77 : i32
      %mul3A_79 = arith.constant 32 : i32
      %mul3A_80 = arith.muli %add3A_78, %mul3A_79 : i32
      %add3A_81 = arith.addi %mul3A_2, %mul3A_80 : i32
      %dma_wait3A_82 = arith.constant 0 : i32
      %dma_wait3A_83 = tpu.memref_slice %arg4[%add3A_81, %dma_wait3A_82] : memref<8192x1024xf32, #tpu.memory_space<hbm>> -> memref<32x1024xf32, #tpu.memory_space<hbm>>
      %dma_wait3A_84 = arith.constant 0 : i32
      %dma_wait3A_85 = tpu.memref_slice %arg4[%add3A_81, %dma_wait3A_84] : memref<8192x1024xf32, #tpu.memory_space<hbm>> -> memref<32x1024xf32, #tpu.memory_space<hbm>>
      tpu.wait_dma2 semaphore(%arg12 : memref<!tpu.dma_semaphore, #tpu.memory_space<semaphore_mem>>) src(%dma_wait3A_85 : memref<32x1024xf32, #tpu.memory_space<hbm>>) dst(%arg10 : memref<32x1024xf32, #tpu.memory_space<vmem>>)
      %scan3A_86 = arith.constant 0 : i32
      %scan3A_87 = arith.constant 0 : i32
      %scan3A_88 = arith.constant 2 : i32
      %scan3A_89 = arith.addi %scan3A_87, %scan3A_88 : i32
      %scan3A_90 = arith.constant 1 : i32
      %scan3A_91 = scf.for %scan3A_100 = %scan3A_87 to %scan3A_89 step %scan3A_90 iter_args(%scan3A_101 = %scan3A_86) -> (i32)  : i32 {
        %mul3A_102 = arith.constant 16 : i32
        %mul3A_103 = arith.muli %scan3A_100, %mul3A_102 : i32
        %broadcast_in_dim3A = arith.constant 1.000000e+30 : f32
        %broadcast_in_dim3A_104 = vector.broadcast %broadcast_in_dim3A : f32 to vector<16xf32>
        %broadcast_in_dim3A_105 = arith.constant 0 : i32
        %broadcast_in_dim3A_106 = vector.broadcast %broadcast_in_dim3A_105 : i32 to vector<16xi32>
        %broadcast_in_dim3A_107 = arith.constant 1.000000e+30 : f32
        %broadcast_in_dim3A_108 = vector.broadcast %broadcast_in_dim3A_107 : f32 to vector<16xf32>
        %broadcast_in_dim3A_109 = arith.constant 0 : i32
        %broadcast_in_dim3A_110 = vector.broadcast %broadcast_in_dim3A_109 : i32 to vector<16xi32>
        %broadcast_in_dim3A_111 = arith.constant 1.000000e+30 : f32
        %broadcast_in_dim3A_112 = vector.broadcast %broadcast_in_dim3A_111 : f32 to vector<16xf32>
        %broadcast_in_dim3A_113 = arith.constant 0 : i32
        %broadcast_in_dim3A_114 = vector.broadcast %broadcast_in_dim3A_113 : i32 to vector<16xi32>
        %broadcast_in_dim3A_115 = arith.constant 1.000000e+30 : f32
        %broadcast_in_dim3A_116 = vector.broadcast %broadcast_in_dim3A_115 : f32 to vector<16xf32>
        %broadcast_in_dim3A_117 = arith.constant 0 : i32
        %broadcast_in_dim3A_118 = vector.broadcast %broadcast_in_dim3A_117 : i32 to vector<16xi32>
        %broadcast_in_dim3A_119 = arith.constant 1.000000e+30 : f32
        %broadcast_in_dim3A_120 = vector.broadcast %broadcast_in_dim3A_119 : f32 to vector<16xf32>
        %broadcast_in_dim3A_121 = arith.constant 0 : i32
        %broadcast_in_dim3A_122 = vector.broadcast %broadcast_in_dim3A_121 : i32 to vector<16xi32>
        %broadcast_in_dim3A_123 = arith.constant 1.000000e+30 : f32
        %broadcast_in_dim3A_124 = vector.broadcast %broadcast_in_dim3A_123 : f32 to vector<16xf32>
        %broadcast_in_dim3A_125 = arith.constant 0 : i32
        %broadcast_in_dim3A_126 = vector.broadcast %broadcast_in_dim3A_125 : i32 to vector<16xi32>
        %broadcast_in_dim3A_127 = arith.constant 1.000000e+30 : f32
        %broadcast_in_dim3A_128 = vector.broadcast %broadcast_in_dim3A_127 : f32 to vector<16xf32>
        %broadcast_in_dim3A_129 = arith.constant 0 : i32
        %broadcast_in_dim3A_130 = vector.broadcast %broadcast_in_dim3A_129 : i32 to vector<16xi32>
        %broadcast_in_dim3A_131 = arith.constant 1.000000e+30 : f32
        %broadcast_in_dim3A_132 = vector.broadcast %broadcast_in_dim3A_131 : f32 to vector<16xf32>
        %broadcast_in_dim3A_133 = arith.constant 0 : i32
        %broadcast_in_dim3A_134 = vector.broadcast %broadcast_in_dim3A_133 : i32 to vector<16xi32>
        %broadcast_in_dim3A_135 = arith.constant 1.000000e+30 : f32
        %broadcast_in_dim3A_136 = vector.broadcast %broadcast_in_dim3A_135 : f32 to vector<16xf32>
        %broadcast_in_dim3A_137 = arith.constant 0 : i32
        %broadcast_in_dim3A_138 = vector.broadcast %broadcast_in_dim3A_137 : i32 to vector<16xi32>
        %broadcast_in_dim3A_139 = arith.constant 1.000000e+30 : f32
        %broadcast_in_dim3A_140 = vector.broadcast %broadcast_in_dim3A_139 : f32 to vector<16xf32>
        %broadcast_in_dim3A_141 = arith.constant 0 : i32
        %broadcast_in_dim3A_142 = vector.broadcast %broadcast_in_dim3A_141 : i32 to vector<16xi32>
        %broadcast_in_dim3A_143 = arith.constant 1.000000e+30 : f32
        %broadcast_in_dim3A_144 = vector.broadcast %broadcast_in_dim3A_143 : f32 to vector<16xf32>
        %broadcast_in_dim3A_145 = arith.constant 0 : i32
        %broadcast_in_dim3A_146 = vector.broadcast %broadcast_in_dim3A_145 : i32 to vector<16xi32>
        %broadcast_in_dim3A_147 = arith.constant 1.000000e+30 : f32
        %broadcast_in_dim3A_148 = vector.broadcast %broadcast_in_dim3A_147 : f32 to vector<16xf32>
        %broadcast_in_dim3A_149 = arith.constant 0 : i32
        %broadcast_in_dim3A_150 = vector.broadcast %broadcast_in_dim3A_149 : i32 to vector<16xi32>
        %broadcast_in_dim3A_151 = arith.constant 1.000000e+30 : f32
        %broadcast_in_dim3A_152 = vector.broadcast %broadcast_in_dim3A_151 : f32 to vector<16xf32>
        %broadcast_in_dim3A_153 = arith.constant 0 : i32
        %broadcast_in_dim3A_154 = vector.broadcast %broadcast_in_dim3A_153 : i32 to vector<16xi32>
        %broadcast_in_dim3A_155 = arith.constant 1.000000e+30 : f32
        %broadcast_in_dim3A_156 = vector.broadcast %broadcast_in_dim3A_155 : f32 to vector<16xf32>
        %broadcast_in_dim3A_157 = arith.constant 0 : i32
        %broadcast_in_dim3A_158 = vector.broadcast %broadcast_in_dim3A_157 : i32 to vector<16xi32>
        %broadcast_in_dim3A_159 = arith.constant 1.000000e+30 : f32
        %broadcast_in_dim3A_160 = vector.broadcast %broadcast_in_dim3A_159 : f32 to vector<16xf32>
        %broadcast_in_dim3A_161 = arith.constant 0 : i32
        %broadcast_in_dim3A_162 = vector.broadcast %broadcast_in_dim3A_161 : i32 to vector<16xi32>
        %broadcast_in_dim3A_163 = arith.constant 1.000000e+30 : f32
        %broadcast_in_dim3A_164 = vector.broadcast %broadcast_in_dim3A_163 : f32 to vector<16xf32>
        %broadcast_in_dim3A_165 = arith.constant 0 : i32
        %broadcast_in_dim3A_166 = vector.broadcast %broadcast_in_dim3A_165 : i32 to vector<16xi32>
        %scan3A_167 = arith.constant 0 : i32
        %scan3A_168 = arith.constant 64 : i32
        %scan3A_169 = arith.addi %scan3A_167, %scan3A_168 : i32
        %scan3A_170 = arith.constant 1 : i32
        %scan3A_171:32 = scf.for %scan3A_891 = %scan3A_167 to %scan3A_169 step %scan3A_170 iter_args(%scan3A_892 = %broadcast_in_dim3A_104, %scan3A_893 = %broadcast_in_dim3A_106, %scan3A_894 = %broadcast_in_dim3A_108, %scan3A_895 = %broadcast_in_dim3A_110, %scan3A_896 = %broadcast_in_dim3A_112, %scan3A_897 = %broadcast_in_dim3A_114, %scan3A_898 = %broadcast_in_dim3A_116, %scan3A_899 = %broadcast_in_dim3A_118, %scan3A_900 = %broadcast_in_dim3A_120, %scan3A_901 = %broadcast_in_dim3A_122, %scan3A_902 = %broadcast_in_dim3A_124, %scan3A_903 = %broadcast_in_dim3A_126, %scan3A_904 = %broadcast_in_dim3A_128, %scan3A_905 = %broadcast_in_dim3A_130, %scan3A_906 = %broadcast_in_dim3A_132, %scan3A_907 = %broadcast_in_dim3A_134, %scan3A_908 = %broadcast_in_dim3A_136, %scan3A_909 = %broadcast_in_dim3A_138, %scan3A_910 = %broadcast_in_dim3A_140, %scan3A_911 = %broadcast_in_dim3A_142, %scan3A_912 = %broadcast_in_dim3A_144, %scan3A_913 = %broadcast_in_dim3A_146, %scan3A_914 = %broadcast_in_dim3A_148, %scan3A_915 = %broadcast_in_dim3A_150, %scan3A_916 = %broadcast_in_dim3A_152, %scan3A_917 = %broadcast_in_dim3A_154, %scan3A_918 = %broadcast_in_dim3A_156, %scan3A_919 = %broadcast_in_dim3A_158, %scan3A_920 = %broadcast_in_dim3A_160, %scan3A_921 = %broadcast_in_dim3A_162, %scan3A_922 = %broadcast_in_dim3A_164, %scan3A_923 = %broadcast_in_dim3A_166) -> (vector<16xf32>, vector<16xi32>, vector<16xf32>, vector<16xi32>, vector<16xf32>, vector<16xi32>, vector<16xf32>, vector<16xi32>, vector<16xf32>, vector<16xi32>, vector<16xf32>, vector<16xi32>, vector<16xf32>, vector<16xi32>, vector<16xf32>, vector<16xi32>, vector<16xf32>, vector<16xi32>, vector<16xf32>, vector<16xi32>, vector<16xf32>, vector<16xi32>, vector<16xf32>, vector<16xi32>, vector<16xf32>, vector<16xi32>, vector<16xf32>, vector<16xi32>, vector<16xf32>, vector<16xi32>, vector<16xf32>, vector<16xi32>)  : i32 {
          %sub3A_924 = arith.constant 63 : i32
          %sub3A_925 = arith.subi %sub3A_924, %scan3A_891 : i32
          %mul3A_926 = arith.constant 16 : i32
          %mul3A_927 = arith.muli %sub3A_925, %mul3A_926 : i32
          %add3A_928 = arith.constant 0 : i32
          %add3A_929 = arith.addi %mul3A_103, %add3A_928 : i32
          %get3A = arith.index_cast %add3A_929 : i32 to index
          %get3A_930 = arith.index_cast %mul3A_927 : i32 to index
          %get3A_931 = tpu.vector_load %arg10[%get3A, %get3A_930] {strides = array<i32>} : memref<32x1024xf32, #tpu.memory_space<vmem>>, vector<16xf32>,
          %add3A_932 = vector.broadcast %mul3A_927 : i32 to vector<16xi32>
          %add3A_933 = arith.addi %iota3A, %add3A_932 : vector<16xi32>
          %masked_sort3A_934 = arith.constant dense<true> : vector<16xi1>
          %masked_sort3A_935, %masked_sort3A_936, %masked_sort3A_937 = tpu.sort %get3A_931, %add3A_933 masked %masked_sort3A_934 {descending = true} : (vector<16xf32>, vector<16xi32>, vector<16xi1>) -> (vector<16xi1>, vector<16xf32>, vector<16xi32>)
          %le3A = arith.cmpf ole, %scan3A_892, %masked_sort3A_936 : vector<16xf32>
          %select_n3A_938 = arith.select %le3A, %scan3A_892, %masked_sort3A_936 : vector<16xi1>, vector<16xf32>
          %select_n3A_939 = arith.select %le3A, %scan3A_893, %masked_sort3A_937 : vector<16xi1>, vector<16xi32>
          %masked_sort3A_940 = arith.constant dense<true> : vector<16xi1>
          %masked_sort3A_941, %masked_sort3A_942, %masked_sort3A_943 = tpu.sort %select_n3A_938, %select_n3A_939 masked %masked_sort3A_940 : (vector<16xf32>, vector<16xi32>, vector<16xi1>) -> (vector<16xi1>, vector<16xf32>, vector<16xi32>)
          %add3A_944 = arith.constant 1 : i32
          %add3A_945 = arith.addi %mul3A_103, %add3A_944 : i32
          %get3A_946 = arith.index_cast %add3A_945 : i32 to index
          %get3A_947 = arith.index_cast %mul3A_927 : i32 to index
          %get3A_948 = tpu.vector_load %arg10[%get3A_946, %get3A_947] {strides = array<i32>} : memref<32x1024xf32, #tpu.memory_space<vmem>>, vector<16xf32>,
          %add3A_949 = vector.broadcast %mul3A_927 : i32 to vector<16xi32>
          %add3A_950 = arith.addi %iota3A, %add3A_949 : vector<16xi32>
          %masked_sort3A_951 = arith.constant dense<true> : vector<16xi1>
          %masked_sort3A_952, %masked_sort3A_953, %masked_sort3A_954 = tpu.sort %get3A_948, %add3A_950 masked %masked_sort3A_951 {descending = true} : (vector<16xf32>, vector<16xi32>, vector<16xi1>) -> (vector<16xi1>, vector<16xf32>, vector<16xi32>)
          %le3A_955 = arith.cmpf ole, %scan3A_894, %masked_sort3A_953 : vector<16xf32>
          %select_n3A_956 = arith.select %le3A_955, %scan3A_894, %masked_sort3A_953 : vector<16xi1>, vector<16xf32>
          %select_n3A_957 = arith.select %le3A_955, %scan3A_895, %masked_sort3A_954 : vector<16xi1>, vector<16xi32>
          %masked_sort3A_958 = arith.constant dense<true> : vector<16xi1>
          %masked_sort3A_959, %masked_sort3A_960, %masked_sort3A_961 = tpu.sort %select_n3A_956, %select_n3A_957 masked %masked_sort3A_958 : (vector<16xf32>, vector<16xi32>, vector<16xi1>) -> (vector<16xi1>, vector<16xf32>, vector<16xi32>)
          %add3A_962 = arith.constant 2 : i32
          %add3A_963 = arith.addi %mul3A_103, %add3A_962 : i32
          %get3A_964 = arith.index_cast %add3A_963 : i32 to index
          %get3A_965 = arith.index_cast %mul3A_927 : i32 to index
          %get3A_966 = tpu.vector_load %arg10[%get3A_964, %get3A_965] {strides = array<i32>} : memref<32x1024xf32, #tpu.memory_space<vmem>>, vector<16xf32>,
          %add3A_967 = vector.broadcast %mul3A_927 : i32 to vector<16xi32>
          %add3A_968 = arith.addi %iota3A, %add3A_967 : vector<16xi32>
          %masked_sort3A_969 = arith.constant dense<true> : vector<16xi1>
          %masked_sort3A_970, %masked_sort3A_971, %masked_sort3A_972 = tpu.sort %get3A_966, %add3A_968 masked %masked_sort3A_969 {descending = true} : (vector<16xf32>, vector<16xi32>, vector<16xi1>) -> (vector<16xi1>, vector<16xf32>, vector<16xi32>)
          %le3A_973 = arith.cmpf ole, %scan3A_896, %masked_sort3A_971 : vector<16xf32>
          %select_n3A_974 = arith.select %le3A_973, %scan3A_896, %masked_sort3A_971 : vector<16xi1>, vector<16xf32>
          %select_n3A_975 = arith.select %le3A_973, %scan3A_897, %masked_sort3A_972 : vector<16xi1>, vector<16xi32>
          %masked_sort3A_976 = arith.constant dense<true> : vector<16xi1>
          %masked_sort3A_977, %masked_sort3A_978, %masked_sort3A_979 = tpu.sort %select_n3A_974, %select_n3A_975 masked %masked_sort3A_976 : (vector<16xf32>, vector<16xi32>, vector<16xi1>) -> (vector<16xi1>, vector<16xf32>, vector<16xi32>)
          %add3A_980 = arith.constant 3 : i32
          %add3A_981 = arith.addi %mul3A_103, %add3A_980 : i32
          %get3A_982 = arith.index_cast %add3A_981 : i32 to index
          %get3A_983 = arith.index_cast %mul3A_927 : i32 to index
          %get3A_984 = tpu.vector_load %arg10[%get3A_982, %get3A_983] {strides = array<i32>} : memref<32x1024xf32, #tpu.memory_space<vmem>>, vector<16xf32>,
          %add3A_985 = vector.broadcast %mul3A_927 : i32 to vector<16xi32>
          %add3A_986 = arith.addi %iota3A, %add3A_985 : vector<16xi32>
          %masked_sort3A_987 = arith.constant dense<true> : vector<16xi1>
          %masked_sort3A_988, %masked_sort3A_989, %masked_sort3A_990 = tpu.sort %get3A_984, %add3A_986 masked %masked_sort3A_987 {descending = true} : (vector<16xf32>, vector<16xi32>, vector<16xi1>) -> (vector<16xi1>, vector<16xf32>, vector<16xi32>)
          %le3A_991 = arith.cmpf ole, %scan3A_898, %masked_sort3A_989 : vector<16xf32>
          %select_n3A_992 = arith.select %le3A_991, %scan3A_898, %masked_sort3A_989 : vector<16xi1>, vector<16xf32>
          %select_n3A_993 = arith.select %le3A_991, %scan3A_899, %masked_sort3A_990 : vector<16xi1>, vector<16xi32>
          %masked_sort3A_994 = arith.constant dense<true> : vector<16xi1>
          %masked_sort3A_995, %masked_sort3A_996, %masked_sort3A_997 = tpu.sort %select_n3A_992, %select_n3A_993 masked %masked_sort3A_994 : (vector<16xf32>, vector<16xi32>, vector<16xi1>) -> (vector<16xi1>, vector<16xf32>, vector<16xi32>)
          %add3A_998 = arith.constant 4 : i32
          %add3A_999 = arith.addi %mul3A_103, %add3A_998 : i32
          %get3A_1000 = arith.index_cast %add3A_999 : i32 to index
          %get3A_1001 = arith.index_cast %mul3A_927 : i32 to index
          %get3A_1002 = tpu.vector_load %arg10[%get3A_1000, %get3A_1001] {strides = array<i32>} : memref<32x1024xf32, #tpu.memory_space<vmem>>, vector<16xf32>,
          %add3A_1003 = vector.broadcast %mul3A_927 : i32 to vector<16xi32>
          %add3A_1004 = arith.addi %iota3A, %add3A_1003 : vector<16xi32>
          %masked_sort3A_1005 = arith.constant dense<true> : vector<16xi1>
          %masked_sort3A_1006, %masked_sort3A_1007, %masked_sort3A_1008 = tpu.sort %get3A_1002, %add3A_1004 masked %masked_sort3A_1005 {descending = true} : (vector<16xf32>, vector<16xi32>, vector<16xi1>) -> (vector<16xi1>, vector<16xf32>, vector<16xi32>)
          %le3A_1009 = arith.cmpf ole, %scan3A_900, %masked_sort3A_1007 : vector<16xf32>
          %select_n3A_1010 = arith.select %le3A_1009, %scan3A_900, %masked_sort3A_1007 : vector<16xi1>, vector<16xf32>
          %select_n3A_1011 = arith.select %le3A_1009, %scan3A_901, %masked_sort3A_1008 : vector<16xi1>, vector<16xi32>
          %masked_sort3A_1012 = arith.constant dense<true> : vector<16xi1>
          %masked_sort3A_1013, %masked_sort3A_1014, %masked_sort3A_1015 = tpu.sort %select_n3A_1010, %select_n3A_1011 masked %masked_sort3A_1012 : (vector<16xf32>, vector<16xi32>, vector<16xi1>) -> (vector<16xi1>, vector<16xf32>, vector<16xi32>)
          %add3A_1016 = arith.constant 5 : i32
          %add3A_1017 = arith.addi %mul3A_103, %add3A_1016 : i32
          %get3A_1018 = arith.index_cast %add3A_1017 : i32 to index
          %get3A_1019 = arith.index_cast %mul3A_927 : i32 to index
          %get3A_1020 = tpu.vector_load %arg10[%get3A_1018, %get3A_1019] {strides = array<i32>} : memref<32x1024xf32, #tpu.memory_space<vmem>>, vector<16xf32>,
          %add3A_1021 = vector.broadcast %mul3A_927 : i32 to vector<16xi32>
          %add3A_1022 = arith.addi %iota3A, %add3A_1021 : vector<16xi32>
          %masked_sort3A_1023 = arith.constant dense<true> : vector<16xi1>
          %masked_sort3A_1024, %masked_sort3A_1025, %masked_sort3A_1026 = tpu.sort %get3A_1020, %add3A_1022 masked %masked_sort3A_1023 {descending = true} : (vector<16xf32>, vector<16xi32>, vector<16xi1>) -> (vector<16xi1>, vector<16xf32>, vector<16xi32>)
          %le3A_1027 = arith.cmpf ole, %scan3A_902, %masked_sort3A_1025 : vector<16xf32>
          %select_n3A_1028 = arith.select %le3A_1027, %scan3A_902, %masked_sort3A_1025 : vector<16xi1>, vector<16xf32>
          %select_n3A_1029 = arith.select %le3A_1027, %scan3A_903, %masked_sort3A_1026 : vector<16xi1>, vector<16xi32>
          %masked_sort3A_1030 = arith.constant dense<true> : vector<16xi1>
          %masked_sort3A_1031, %masked_sort3A_1032, %masked_sort3A_1033 = tpu.sort %select_n3A_1028, %select_n3A_1029 masked %masked_sort3A_1030 : (vector<16xf32>, vector<16xi32>, vector<16xi1>) -> (vector<16xi1>, vector<16xf32>, vector<16xi32>)
          %add3A_1034 = arith.constant 6 : i32
          %add3A_1035 = arith.addi %mul3A_103, %add3A_1034 : i32
          %get3A_1036 = arith.index_cast %add3A_1035 : i32 to index
          %get3A_1037 = arith.index_cast %mul3A_927 : i32 to index
          %get3A_1038 = tpu.vector_load %arg10[%get3A_1036, %get3A_1037] {strides = array<i32>} : memref<32x1024xf32, #tpu.memory_space<vmem>>, vector<16xf32>,
          %add3A_1039 = vector.broadcast %mul3A_927 : i32 to vector<16xi32>
          %add3A_1040 = arith.addi %iota3A, %add3A_1039 : vector<16xi32>
          %masked_sort3A_1041 = arith.constant dense<true> : vector<16xi1>
          %masked_sort3A_1042, %masked_sort3A_1043, %masked_sort3A_1044 = tpu.sort %get3A_1038, %add3A_1040 masked %masked_sort3A_1041 {descending = true} : (vector<16xf32>, vector<16xi32>, vector<16xi1>) -> (vector<16xi1>, vector<16xf32>, vector<16xi32>)
          %le3A_1045 = arith.cmpf ole, %scan3A_904, %masked_sort3A_1043 : vector<16xf32>
          %select_n3A_1046 = arith.select %le3A_1045, %scan3A_904, %masked_sort3A_1043 : vector<16xi1>, vector<16xf32>
          %select_n3A_1047 = arith.select %le3A_1045, %scan3A_905, %masked_sort3A_1044 : vector<16xi1>, vector<16xi32>
          %masked_sort3A_1048 = arith.constant dense<true> : vector<16xi1>
          %masked_sort3A_1049, %masked_sort3A_1050, %masked_sort3A_1051 = tpu.sort %select_n3A_1046, %select_n3A_1047 masked %masked_sort3A_1048 : (vector<16xf32>, vector<16xi32>, vector<16xi1>) -> (vector<16xi1>, vector<16xf32>, vector<16xi32>)
          %add3A_1052 = arith.constant 7 : i32
          %add3A_1053 = arith.addi %mul3A_103, %add3A_1052 : i32
          %get3A_1054 = arith.index_cast %add3A_1053 : i32 to index
          %get3A_1055 = arith.index_cast %mul3A_927 : i32 to index
          %get3A_1056 = tpu.vector_load %arg10[%get3A_1054, %get3A_1055] {strides = array<i32>} : memref<32x1024xf32, #tpu.memory_space<vmem>>, vector<16xf32>,
          %add3A_1057 = vector.broadcast %mul3A_927 : i32 to vector<16xi32>
          %add3A_1058 = arith.addi %iota3A, %add3A_1057 : vector<16xi32>
          %masked_sort3A_1059 = arith.constant dense<true> : vector<16xi1>
          %masked_sort3A_1060, %masked_sort3A_1061, %masked_sort3A_1062 = tpu.sort %get3A_1056, %add3A_1058 masked %masked_sort3A_1059 {descending = true} : (vector<16xf32>, vector<16xi32>, vector<16xi1>) -> (vector<16xi1>, vector<16xf32>, vector<16xi32>)
          %le3A_1063 = arith.cmpf ole, %scan3A_906, %masked_sort3A_1061 : vector<16xf32>
          %select_n3A_1064 = arith.select %le3A_1063, %scan3A_906, %masked_sort3A_1061 : vector<16xi1>, vector<16xf32>
          %select_n3A_1065 = arith.select %le3A_1063, %scan3A_907, %masked_sort3A_1062 : vector<16xi1>, vector<16xi32>
          %masked_sort3A_1066 = arith.constant dense<true> : vector<16xi1>
          %masked_sort3A_1067, %masked_sort3A_1068, %masked_sort3A_1069 = tpu.sort %select_n3A_1064, %select_n3A_1065 masked %masked_sort3A_1066 : (vector<16xf32>, vector<16xi32>, vector<16xi1>) -> (vector<16xi1>, vector<16xf32>, vector<16xi32>)
          %add3A_1070 = arith.constant 8 : i32
          %add3A_1071 = arith.addi %mul3A_103, %add3A_1070 : i32
          %get3A_1072 = arith.index_cast %add3A_1071 : i32 to index
          %get3A_1073 = arith.index_cast %mul3A_927 : i32 to index
          %get3A_1074 = tpu.vector_load %arg10[%get3A_1072, %get3A_1073] {strides = array<i32>} : memref<32x1024xf32, #tpu.memory_space<vmem>>, vector<16xf32>,
          %add3A_1075 = vector.broadcast %mul3A_927 : i32 to vector<16xi32>
          %add3A_1076 = arith.addi %iota3A, %add3A_1075 : vector<16xi32>
          %masked_sort3A_1077 = arith.constant dense<true> : vector<16xi1>
          %masked_sort3A_1078, %masked_sort3A_1079, %masked_sort3A_1080 = tpu.sort %get3A_1074, %add3A_1076 masked %masked_sort3A_1077 {descending = true} : (vector<16xf32>, vector<16xi32>, vector<16xi1>) -> (vector<16xi1>, vector<16xf32>, vector<16xi32>)
          %le3A_1081 = arith.cmpf ole, %scan3A_908, %masked_sort3A_1079 : vector<16xf32>
          %select_n3A_1082 = arith.select %le3A_1081, %scan3A_908, %masked_sort3A_1079 : vector<16xi1>, vector<16xf32>
          %select_n3A_1083 = arith.select %le3A_1081, %scan3A_909, %masked_sort3A_1080 : vector<16xi1>, vector<16xi32>
          %masked_sort3A_1084 = arith.constant dense<true> : vector<16xi1>
          %masked_sort3A_1085, %masked_sort3A_1086, %masked_sort3A_1087 = tpu.sort %select_n3A_1082, %select_n3A_1083 masked %masked_sort3A_1084 : (vector<16xf32>, vector<16xi32>, vector<16xi1>) -> (vector<16xi1>, vector<16xf32>, vector<16xi32>)
          %add3A_1088 = arith.constant 9 : i32
          %add3A_1089 = arith.addi %mul3A_103, %add3A_1088 : i32
          %get3A_1090 = arith.index_cast %add3A_1089 : i32 to index
          %get3A_1091 = arith.index_cast %mul3A_927 : i32 to index
          %get3A_1092 = tpu.vector_load %arg10[%get3A_1090, %get3A_1091] {strides = array<i32>} : memref<32x1024xf32, #tpu.memory_space<vmem>>, vector<16xf32>,
          %add3A_1093 = vector.broadcast %mul3A_927 : i32 to vector<16xi32>
          %add3A_1094 = arith.addi %iota3A, %add3A_1093 : vector<16xi32>
          %masked_sort3A_1095 = arith.constant dense<true> : vector<16xi1>
          %masked_sort3A_1096, %masked_sort3A_1097, %masked_sort3A_1098 = tpu.sort %get3A_1092, %add3A_1094 masked %masked_sort3A_1095 {descending = true} : (vector<16xf32>, vector<16xi32>, vector<16xi1>) -> (vector<16xi1>, vector<16xf32>, vector<16xi32>)
          %le3A_1099 = arith.cmpf ole, %scan3A_910, %masked_sort3A_1097 : vector<16xf32>
          %select_n3A_1100 = arith.select %le3A_1099, %scan3A_910, %masked_sort3A_1097 : vector<16xi1>, vector<16xf32>
          %select_n3A_1101 = arith.select %le3A_1099, %scan3A_911, %masked_sort3A_1098 : vector<16xi1>, vector<16xi32>
          %masked_sort3A_1102 = arith.constant dense<true> : vector<16xi1>
          %masked_sort3A_1103, %masked_sort3A_1104, %masked_sort3A_1105 = tpu.sort %select_n3A_1100, %select_n3A_1101 masked %masked_sort3A_1102 : (vector<16xf32>, vector<16xi32>, vector<16xi1>) -> (vector<16xi1>, vector<16xf32>, vector<16xi32>)
          %add3A_1106 = arith.constant 10 : i32
          %add3A_1107 = arith.addi %mul3A_103, %add3A_1106 : i32
          %get3A_1108 = arith.index_cast %add3A_1107 : i32 to index
          %get3A_1109 = arith.index_cast %mul3A_927 : i32 to index
          %get3A_1110 = tpu.vector_load %arg10[%get3A_1108, %get3A_1109] {strides = array<i32>} : memref<32x1024xf32, #tpu.memory_space<vmem>>, vector<16xf32>,
          %add3A_1111 = vector.broadcast %mul3A_927 : i32 to vector<16xi32>
          %add3A_1112 = arith.addi %iota3A, %add3A_1111 : vector<16xi32>
          %masked_sort3A_1113 = arith.constant dense<true> : vector<16xi1>
          %masked_sort3A_1114, %masked_sort3A_1115, %masked_sort3A_1116 = tpu.sort %get3A_1110, %add3A_1112 masked %masked_sort3A_1113 {descending = true} : (vector<16xf32>, vector<16xi32>, vector<16xi1>) -> (vector<16xi1>, vector<16xf32>, vector<16xi32>)
          %le3A_1117 = arith.cmpf ole, %scan3A_912, %masked_sort3A_1115 : vector<16xf32>
          %select_n3A_1118 = arith.select %le3A_1117, %scan3A_912, %masked_sort3A_1115 : vector<16xi1>, vector<16xf32>
          %select_n3A_1119 = arith.select %le3A_1117, %scan3A_913, %masked_sort3A_1116 : vector<16xi1>, vector<16xi32>
          %masked_sort3A_1120 = arith.constant dense<true> : vector<16xi1>
          %masked_sort3A_1121, %masked_sort3A_1122, %masked_sort3A_1123 = tpu.sort %select_n3A_1118, %select_n3A_1119 masked %masked_sort3A_1120 : (vector<16xf32>, vector<16xi32>, vector<16xi1>) -> (vector<16xi1>, vector<16xf32>, vector<16xi32>)
          %add3A_1124 = arith.constant 11 : i32
          %add3A_1125 = arith.addi %mul3A_103, %add3A_1124 : i32
          %get3A_1126 = arith.index_cast %add3A_1125 : i32 to index
          %get3A_1127 = arith.index_cast %mul3A_927 : i32 to index
          %get3A_1128 = tpu.vector_load %arg10[%get3A_1126, %get3A_1127] {strides = array<i32>} : memref<32x1024xf32, #tpu.memory_space<vmem>>, vector<16xf32>,
          %add3A_1129 = vector.broadcast %mul3A_927 : i32 to vector<16xi32>
          %add3A_1130 = arith.addi %iota3A, %add3A_1129 : vector<16xi32>
          %masked_sort3A_1131 = arith.constant dense<true> : vector<16xi1>
          %masked_sort3A_1132, %masked_sort3A_1133, %masked_sort3A_1134 = tpu.sort %get3A_1128, %add3A_1130 masked %masked_sort3A_1131 {descending = true} : (vector<16xf32>, vector<16xi32>, vector<16xi1>) -> (vector<16xi1>, vector<16xf32>, vector<16xi32>)
          %le3A_1135 = arith.cmpf ole, %scan3A_914, %masked_sort3A_1133 : vector<16xf32>
          %select_n3A_1136 = arith.select %le3A_1135, %scan3A_914, %masked_sort3A_1133 : vector<16xi1>, vector<16xf32>
          %select_n3A_1137 = arith.select %le3A_1135, %scan3A_915, %masked_sort3A_1134 : vector<16xi1>, vector<16xi32>
          %masked_sort3A_1138 = arith.constant dense<true> : vector<16xi1>
          %masked_sort3A_1139, %masked_sort3A_1140, %masked_sort3A_1141 = tpu.sort %select_n3A_1136, %select_n3A_1137 masked %masked_sort3A_1138 : (vector<16xf32>, vector<16xi32>, vector<16xi1>) -> (vector<16xi1>, vector<16xf32>, vector<16xi32>)
          %add3A_1142 = arith.constant 12 : i32
          %add3A_1143 = arith.addi %mul3A_103, %add3A_1142 : i32
          %get3A_1144 = arith.index_cast %add3A_1143 : i32 to index
          %get3A_1145 = arith.index_cast %mul3A_927 : i32 to index
          %get3A_1146 = tpu.vector_load %arg10[%get3A_1144, %get3A_1145] {strides = array<i32>} : memref<32x1024xf32, #tpu.memory_space<vmem>>, vector<16xf32>,
          %add3A_1147 = vector.broadcast %mul3A_927 : i32 to vector<16xi32>
          %add3A_1148 = arith.addi %iota3A, %add3A_1147 : vector<16xi32>
          %masked_sort3A_1149 = arith.constant dense<true> : vector<16xi1>
          %masked_sort3A_1150, %masked_sort3A_1151, %masked_sort3A_1152 = tpu.sort %get3A_1146, %add3A_1148 masked %masked_sort3A_1149 {descending = true} : (vector<16xf32>, vector<16xi32>, vector<16xi1>) -> (vector<16xi1>, vector<16xf32>, vector<16xi32>)
          %le3A_1153 = arith.cmpf ole, %scan3A_916, %masked_sort3A_1151 : vector<16xf32>
          %select_n3A_1154 = arith.select %le3A_1153, %scan3A_916, %masked_sort3A_1151 : vector<16xi1>, vector<16xf32>
          %select_n3A_1155 = arith.select %le3A_1153, %scan3A_917, %masked_sort3A_1152 : vector<16xi1>, vector<16xi32>
          %masked_sort3A_1156 = arith.constant dense<true> : vector<16xi1>
          %masked_sort3A_1157, %masked_sort3A_1158, %masked_sort3A_1159 = tpu.sort %select_n3A_1154, %select_n3A_1155 masked %masked_sort3A_1156 : (vector<16xf32>, vector<16xi32>, vector<16xi1>) -> (vector<16xi1>, vector<16xf32>, vector<16xi32>)
          %add3A_1160 = arith.constant 13 : i32
          %add3A_1161 = arith.addi %mul3A_103, %add3A_1160 : i32
          %get3A_1162 = arith.index_cast %add3A_1161 : i32 to index
          %get3A_1163 = arith.index_cast %mul3A_927 : i32 to index
          %get3A_1164 = tpu.vector_load %arg10[%get3A_1162, %get3A_1163] {strides = array<i32>} : memref<32x1024xf32, #tpu.memory_space<vmem>>, vector<16xf32>,
          %add3A_1165 = vector.broadcast %mul3A_927 : i32 to vector<16xi32>
          %add3A_1166 = arith.addi %iota3A, %add3A_1165 : vector<16xi32>
          %masked_sort3A_1167 = arith.constant dense<true> : vector<16xi1>
          %masked_sort3A_1168, %masked_sort3A_1169, %masked_sort3A_1170 = tpu.sort %get3A_1164, %add3A_1166 masked %masked_sort3A_1167 {descending = true} : (vector<16xf32>, vector<16xi32>, vector<16xi1>) -> (vector<16xi1>, vector<16xf32>, vector<16xi32>)
          %le3A_1171 = arith.cmpf ole, %scan3A_918, %masked_sort3A_1169 : vector<16xf32>
          %select_n3A_1172 = arith.select %le3A_1171, %scan3A_918, %masked_sort3A_1169 : vector<16xi1>, vector<16xf32>
          %select_n3A_1173 = arith.select %le3A_1171, %scan3A_919, %masked_sort3A_1170 : vector<16xi1>, vector<16xi32>
          %masked_sort3A_1174 = arith.constant dense<true> : vector<16xi1>
          %masked_sort3A_1175, %masked_sort3A_1176, %masked_sort3A_1177 = tpu.sort %select_n3A_1172, %select_n3A_1173 masked %masked_sort3A_1174 : (vector<16xf32>, vector<16xi32>, vector<16xi1>) -> (vector<16xi1>, vector<16xf32>, vector<16xi32>)
          %add3A_1178 = arith.constant 14 : i32
          %add3A_1179 = arith.addi %mul3A_103, %add3A_1178 : i32
          %get3A_1180 = arith.index_cast %add3A_1179 : i32 to index
          %get3A_1181 = arith.index_cast %mul3A_927 : i32 to index
          %get3A_1182 = tpu.vector_load %arg10[%get3A_1180, %get3A_1181] {strides = array<i32>} : memref<32x1024xf32, #tpu.memory_space<vmem>>, vector<16xf32>,
          %add3A_1183 = vector.broadcast %mul3A_927 : i32 to vector<16xi32>
          %add3A_1184 = arith.addi %iota3A, %add3A_1183 : vector<16xi32>
          %masked_sort3A_1185 = arith.constant dense<true> : vector<16xi1>
          %masked_sort3A_1186, %masked_sort3A_1187, %masked_sort3A_1188 = tpu.sort %get3A_1182, %add3A_1184 masked %masked_sort3A_1185 {descending = true} : (vector<16xf32>, vector<16xi32>, vector<16xi1>) -> (vector<16xi1>, vector<16xf32>, vector<16xi32>)
          %le3A_1189 = arith.cmpf ole, %scan3A_920, %masked_sort3A_1187 : vector<16xf32>
          %select_n3A_1190 = arith.select %le3A_1189, %scan3A_920, %masked_sort3A_1187 : vector<16xi1>, vector<16xf32>
          %select_n3A_1191 = arith.select %le3A_1189, %scan3A_921, %masked_sort3A_1188 : vector<16xi1>, vector<16xi32>
          %masked_sort3A_1192 = arith.constant dense<true> : vector<16xi1>
          %masked_sort3A_1193, %masked_sort3A_1194, %masked_sort3A_1195 = tpu.sort %select_n3A_1190, %select_n3A_1191 masked %masked_sort3A_1192 : (vector<16xf32>, vector<16xi32>, vector<16xi1>) -> (vector<16xi1>, vector<16xf32>, vector<16xi32>)
          %add3A_1196 = arith.constant 15 : i32
          %add3A_1197 = arith.addi %mul3A_103, %add3A_1196 : i32
          %get3A_1198 = arith.index_cast %add3A_1197 : i32 to index
          %get3A_1199 = arith.index_cast %mul3A_927 : i32 to index
          %get3A_1200 = tpu.vector_load %arg10[%get3A_1198, %get3A_1199] {strides = array<i32>} : memref<32x1024xf32, #tpu.memory_space<vmem>>, vector<16xf32>,
          %add3A_1201 = vector.broadcast %mul3A_927 : i32 to vector<16xi32>
          %add3A_1202 = arith.addi %iota3A, %add3A_1201 : vector<16xi32>
          %masked_sort3A_1203 = arith.constant dense<true> : vector<16xi1>
          %masked_sort3A_1204, %masked_sort3A_1205, %masked_sort3A_1206 = tpu.sort %get3A_1200, %add3A_1202 masked %masked_sort3A_1203 {descending = true} : (vector<16xf32>, vector<16xi32>, vector<16xi1>) -> (vector<16xi1>, vector<16xf32>, vector<16xi32>)
          %le3A_1207 = arith.cmpf ole, %scan3A_922, %masked_sort3A_1205 : vector<16xf32>
          %select_n3A_1208 = arith.select %le3A_1207, %scan3A_922, %masked_sort3A_1205 : vector<16xi1>, vector<16xf32>
          %select_n3A_1209 = arith.select %le3A_1207, %scan3A_923, %masked_sort3A_1206 : vector<16xi1>, vector<16xi32>
          %masked_sort3A_1210 = arith.constant dense<true> : vector<16xi1>
          %masked_sort3A_1211, %masked_sort3A_1212, %masked_sort3A_1213 = tpu.sort %select_n3A_1208, %select_n3A_1209 masked %masked_sort3A_1210 : (vector<16xf32>, vector<16xi32>, vector<16xi1>) -> (vector<16xi1>, vector<16xf32>, vector<16xi32>)
          scf.yield %masked_sort3A_942, %masked_sort3A_943, %masked_sort3A_960, %masked_sort3A_961, %masked_sort3A_978, %masked_sort3A_979, %masked_sort3A_996, %masked_sort3A_997, %masked_sort3A_1014, %masked_sort3A_1015, %masked_sort3A_1032, %masked_sort3A_1033, %masked_sort3A_1050, %masked_sort3A_1051, %masked_sort3A_1068, %masked_sort3A_1069, %masked_sort3A_1086, %masked_sort3A_1087, %masked_sort3A_1104, %masked_sort3A_1105, %masked_sort3A_1122, %masked_sort3A_1123, %masked_sort3A_1140, %masked_sort3A_1141, %masked_sort3A_1158, %masked_sort3A_1159, %masked_sort3A_1176, %masked_sort3A_1177, %masked_sort3A_1194, %masked_sort3A_1195, %masked_sort3A_1212, %masked_sort3A_1213 : vector<16xf32>, vector<16xi32>, vector<16xf32>, vector<16xi32>, vector<16xf32>, vector<16xi32>, vector<16xf32>, vector<16xi32>, vector<16xf32>, vector<16xi32>, vector<16xf32>, vector<16xi32>, vector<16xf32>, vector<16xi32>, vector<16xf32>, vector<16xi32>, vector<16xf32>, vector<16xi32>, vector<16xf32>, vector<16xi32>, vector<16xf32>, vector<16xi32>, vector<16xf32>, vector<16xi32>, vector<16xf32>, vector<16xi32>, vector<16xf32>, vector<16xi32>, vector<16xf32>, vector<16xi32>, vector<16xf32>, vector<16xi32>
        }
        %scan3A_172 = arith.constant 64 : i32
        %mul3A_173 = arith.constant 32 : i32
        %mul3A_174 = arith.muli %add3A_78, %mul3A_173 : i32
        %add3A_175 = arith.addi %mul3A_174, %mul3A_103 : i32
        %add3A_176 = arith.constant 0 : i32
        %add3A_177 = arith.addi %add3A_175, %add3A_176 : i32
        %add3A_178 = arith.addi %select_n3A_32, %add3A_177 : i32
        %broadcast_in_dim3A_179 = vector.broadcast %add3A_178 : i32 to vector<16xi32>
        %gather3A = tpu.vector_load_idx %arg6[%broadcast_in_dim3A_179] : memref<1024xf32, #tpu.memory_space<vmem>>[vector<16xi32>], vector<16xf32>,
        %gather3A_180 = tpu.vector_load_idx %arg7[%broadcast_in_dim3A_179] : memref<1024xf32, #tpu.memory_space<vmem>>[vector<16xi32>], vector<16xf32>,
        %gather3A_181 = tpu.vector_load_idx %arg6[%scan3A_171#1] : memref<1024xf32, #tpu.memory_space<vmem>>[vector<16xi32>], vector<16xf32>,
        %gather3A_182 = tpu.vector_load_idx %arg7[%scan3A_171#1] : memref<1024xf32, #tpu.memory_space<vmem>>[vector<16xi32>], vector<16xf32>,
        %jit3A_183 = arith.constant 1.000000e+30 : f32
        %broadcast_in_dim3A_184 = vector.broadcast %jit3A_183 : f32 to vector<16xf32>
        %select_n3A_185 = arith.select %lt3A_35, %gather3A_181, %broadcast_in_dim3A_184 : vector<16xi1>, vector<16xf32>
        %masked_sort3A = arith.constant dense<true> : vector<16xi1>
        %masked_sort3A_186, %masked_sort3A_187, %masked_sort3A_188 = tpu.sort %select_n3A_185, %gather3A_182 masked %masked_sort3A : (vector<16xf32>, vector<16xf32>, vector<16xi1>) -> (vector<16xi1>, vector<16xf32>, vector<16xf32>)
        %jit3A_189 = arith.constant 1.000000e+30 : f32
        %broadcast_in_dim3A_190 = vector.broadcast %jit3A_189 : f32 to vector<16xf32>
        %select_n3A_191 = arith.select %lt3A_35, %gather3A_182, %broadcast_in_dim3A_190 : vector<16xi1>, vector<16xf32>
        %masked_sort3A_192 = arith.constant dense<true> : vector<16xi1>
        %masked_sort3A_193, %masked_sort3A_194, %masked_sort3A_195 = tpu.sort %select_n3A_191, %gather3A_181 masked %masked_sort3A_192 : (vector<16xf32>, vector<16xf32>, vector<16xi1>) -> (vector<16xi1>, vector<16xf32>, vector<16xf32>)
        %eq3A_196 = arith.constant 10 : i32
        %eq3A_197 = vector.broadcast %eq3A_196 : i32 to vector<16xi32>
        %eq3A_198 = arith.cmpi eq, %iota3A, %eq3A_197 : vector<16xi32>
        %select_n3A_199 = arith.select %eq3A_198, %gather3A, %masked_sort3A_187 : vector<16xi1>, vector<16xf32>
        %eq3A_200 = arith.constant 11 : i32
        %eq3A_201 = vector.broadcast %eq3A_200 : i32 to vector<16xi32>
        %eq3A_202 = arith.cmpi eq, %iota3A, %eq3A_201 : vector<16xi32>
        %select_n3A_203 = arith.select %eq3A_202, %gather3A_180, %select_n3A_199 : vector<16xi1>, vector<16xf32>
        %swap3A = arith.index_cast %add3A_177 : i32 to index
        %swap3A_204 = arith.constant 0 : index
        %swap3A_205 = tpu.vector_load %arg8[%swap3A, %swap3A_204] {strides = array<i32>} : memref<256x64xf32, #tpu.memory_space<vmem>>, vector<16xf32>,
        tpu.vector_store %arg8[%swap3A, %swap3A_204], %select_n3A_203 {strides = array<i32>} : memref<256x64xf32, #tpu.memory_space<vmem>>, vector<16xf32>,
        %swap3A_206 = arith.index_cast %add3A_177 : i32 to index
        %swap3A_207 = arith.constant 16 : index
        %swap3A_208 = tpu.vector_load %arg8[%swap3A_206, %swap3A_207] {strides = array<i32>} : memref<256x64xf32, #tpu.memory_space<vmem>>, vector<16xf32>,
        tpu.vector_store %arg8[%swap3A_206, %swap3A_207], %masked_sort3A_188 {strides = array<i32>} : memref<256x64xf32, #tpu.memory_space<vmem>>, vector<16xf32>,
        %swap3A_209 = arith.index_cast %add3A_177 : i32 to index
        %swap3A_210 = arith.constant 32 : index
        %swap3A_211 = tpu.vector_load %arg8[%swap3A_209, %swap3A_210] {strides = array<i32>} : memref<256x64xf32, #tpu.memory_space<vmem>>, vector<16xf32>,
        tpu.vector_store %arg8[%swap3A_209, %swap3A_210], %masked_sort3A_195 {strides = array<i32>} : memref<256x64xf32, #tpu.memory_space<vmem>>, vector<16xf32>,
        %swap3A_212 = arith.index_cast %add3A_177 : i32 to index
        %swap3A_213 = arith.constant 48 : index
        %swap3A_214 = tpu.vector_load %arg8[%swap3A_212, %swap3A_213] {strides = array<i32>} : memref<256x64xf32, #tpu.memory_space<vmem>>, vector<16xf32>,
        tpu.vector_store %arg8[%swap3A_212, %swap3A_213], %masked_sort3A_194 {strides = array<i32>} : memref<256x64xf32, #tpu.memory_space<vmem>>, vector<16xf32>,
        %mul3A_215 = arith.constant 32 : i32
        %mul3A_216 = arith.muli %add3A_78, %mul3A_215 : i32
        %add3A_217 = arith.addi %mul3A_216, %mul3A_103 : i32
        %add3A_218 = arith.constant 1 : i32
        %add3A_219 = arith.addi %add3A_217, %add3A_218 : i32
        %add3A_220 = arith.addi %select_n3A_32, %add3A_219 : i32
        %broadcast_in_dim3A_221 = vector.broadcast %add3A_220 : i32 to vector<16xi32>
        %gather3A_222 = tpu.vector_load_idx %arg6[%broadcast_in_dim3A_221] : memref<1024xf32, #tpu.memory_space<vmem>>[vector<16xi32>], vector<16xf32>,
        %gather3A_223 = tpu.vector_load_idx %arg7[%broadcast_in_dim3A_221] : memref<1024xf32, #tpu.memory_space<vmem>>[vector<16xi32>], vector<16xf32>,
        %gather3A_224 = tpu.vector_load_idx %arg6[%scan3A_171#3] : memref<1024xf32, #tpu.memory_space<vmem>>[vector<16xi32>], vector<16xf32>,
        %gather3A_225 = tpu.vector_load_idx %arg7[%scan3A_171#3] : memref<1024xf32, #tpu.memory_space<vmem>>[vector<16xi32>], vector<16xf32>,
        %jit3A_226 = arith.constant 1.000000e+30 : f32
        %broadcast_in_dim3A_227 = vector.broadcast %jit3A_226 : f32 to vector<16xf32>
        %select_n3A_228 = arith.select %lt3A_35, %gather3A_224, %broadcast_in_dim3A_227 : vector<16xi1>, vector<16xf32>
        %masked_sort3A_229 = arith.constant dense<true> : vector<16xi1>
        %masked_sort3A_230, %masked_sort3A_231, %masked_sort3A_232 = tpu.sort %select_n3A_228, %gather3A_225 masked %masked_sort3A_229 : (vector<16xf32>, vector<16xf32>, vector<16xi1>) -> (vector<16xi1>, vector<16xf32>, vector<16xf32>)
        %jit3A_233 = arith.constant 1.000000e+30 : f32
        %broadcast_in_dim3A_234 = vector.broadcast %jit3A_233 : f32 to vector<16xf32>
        %select_n3A_235 = arith.select %lt3A_35, %gather3A_225, %broadcast_in_dim3A_234 : vector<16xi1>, vector<16xf32>
        %masked_sort3A_236 = arith.constant dense<true> : vector<16xi1>
        %masked_sort3A_237, %masked_sort3A_238, %masked_sort3A_239 = tpu.sort %select_n3A_235, %gather3A_224 masked %masked_sort3A_236 : (vector<16xf32>, vector<16xf32>, vector<16xi1>) -> (vector<16xi1>, vector<16xf32>, vector<16xf32>)
        %eq3A_240 = arith.constant 10 : i32
        %eq3A_241 = vector.broadcast %eq3A_240 : i32 to vector<16xi32>
        %eq3A_242 = arith.cmpi eq, %iota3A, %eq3A_241 : vector<16xi32>
        %select_n3A_243 = arith.select %eq3A_242, %gather3A_222, %masked_sort3A_231 : vector<16xi1>, vector<16xf32>
        %eq3A_244 = arith.constant 11 : i32
        %eq3A_245 = vector.broadcast %eq3A_244 : i32 to vector<16xi32>
        %eq3A_246 = arith.cmpi eq, %iota3A, %eq3A_245 : vector<16xi32>
        %select_n3A_247 = arith.select %eq3A_246, %gather3A_223, %select_n3A_243 : vector<16xi1>, vector<16xf32>
        %swap3A_248 = arith.index_cast %add3A_219 : i32 to index
        %swap3A_249 = arith.constant 0 : index
        %swap3A_250 = tpu.vector_load %arg8[%swap3A_248, %swap3A_249] {strides = array<i32>} : memref<256x64xf32, #tpu.memory_space<vmem>>, vector<16xf32>,
        tpu.vector_store %arg8[%swap3A_248, %swap3A_249], %select_n3A_247 {strides = array<i32>} : memref<256x64xf32, #tpu.memory_space<vmem>>, vector<16xf32>,
        %swap3A_251 = arith.index_cast %add3A_219 : i32 to index
        %swap3A_252 = arith.constant 16 : index
        %swap3A_253 = tpu.vector_load %arg8[%swap3A_251, %swap3A_252] {strides = array<i32>} : memref<256x64xf32, #tpu.memory_space<vmem>>, vector<16xf32>,
        tpu.vector_store %arg8[%swap3A_251, %swap3A_252], %masked_sort3A_232 {strides = array<i32>} : memref<256x64xf32, #tpu.memory_space<vmem>>, vector<16xf32>,
        %swap3A_254 = arith.index_cast %add3A_219 : i32 to index
        %swap3A_255 = arith.constant 32 : index
        %swap3A_256 = tpu.vector_load %arg8[%swap3A_254, %swap3A_255] {strides = array<i32>} : memref<256x64xf32, #tpu.memory_space<vmem>>, vector<16xf32>,
        tpu.vector_store %arg8[%swap3A_254, %swap3A_255], %masked_sort3A_239 {strides = array<i32>} : memref<256x64xf32, #tpu.memory_space<vmem>>, vector<16xf32>,
        %swap3A_257 = arith.index_cast %add3A_219 : i32 to index
        %swap3A_258 = arith.constant 48 : index
        %swap3A_259 = tpu.vector_load %arg8[%swap3A_257, %swap3A_258] {strides = array<i32>} : memref<256x64xf32, #tpu.memory_space<vmem>>, vector<16xf32>,
        tpu.vector_store %arg8[%swap3A_257, %swap3A_258], %masked_sort3A_238 {strides = array<i32>} : memref<256x64xf32, #tpu.memory_space<vmem>>, vector<16xf32>,
        %mul3A_260 = arith.constant 32 : i32
        %mul3A_261 = arith.muli %add3A_78, %mul3A_260 : i32
        %add3A_262 = arith.addi %mul3A_261, %mul3A_103 : i32
        %add3A_263 = arith.constant 2 : i32
        %add3A_264 = arith.addi %add3A_262, %add3A_263 : i32
        %add3A_265 = arith.addi %select_n3A_32, %add3A_264 : i32
        %broadcast_in_dim3A_266 = vector.broadcast %add3A_265 : i32 to vector<16xi32>
        %gather3A_267 = tpu.vector_load_idx %arg6[%broadcast_in_dim3A_266] : memref<1024xf32, #tpu.memory_space<vmem>>[vector<16xi32>], vector<16xf32>,
        %gather3A_268 = tpu.vector_load_idx %arg7[%broadcast_in_dim3A_266] : memref<1024xf32, #tpu.memory_space<vmem>>[vector<16xi32>], vector<16xf32>,
        %gather3A_269 = tpu.vector_load_idx %arg6[%scan3A_171#5] : memref<1024xf32, #tpu.memory_space<vmem>>[vector<16xi32>], vector<16xf32>,
        %gather3A_270 = tpu.vector_load_idx %arg7[%scan3A_171#5] : memref<1024xf32, #tpu.memory_space<vmem>>[vector<16xi32>], vector<16xf32>,
        %jit3A_271 = arith.constant 1.000000e+30 : f32
        %broadcast_in_dim3A_272 = vector.broadcast %jit3A_271 : f32 to vector<16xf32>
        %select_n3A_273 = arith.select %lt3A_35, %gather3A_269, %broadcast_in_dim3A_272 : vector<16xi1>, vector<16xf32>
        %masked_sort3A_274 = arith.constant dense<true> : vector<16xi1>
        %masked_sort3A_275, %masked_sort3A_276, %masked_sort3A_277 = tpu.sort %select_n3A_273, %gather3A_270 masked %masked_sort3A_274 : (vector<16xf32>, vector<16xf32>, vector<16xi1>) -> (vector<16xi1>, vector<16xf32>, vector<16xf32>)
        %jit3A_278 = arith.constant 1.000000e+30 : f32
        %broadcast_in_dim3A_279 = vector.broadcast %jit3A_278 : f32 to vector<16xf32>
        %select_n3A_280 = arith.select %lt3A_35, %gather3A_270, %broadcast_in_dim3A_279 : vector<16xi1>, vector<16xf32>
        %masked_sort3A_281 = arith.constant dense<true> : vector<16xi1>
        %masked_sort3A_282, %masked_sort3A_283, %masked_sort3A_284 = tpu.sort %select_n3A_280, %gather3A_269 masked %masked_sort3A_281 : (vector<16xf32>, vector<16xf32>, vector<16xi1>) -> (vector<16xi1>, vector<16xf32>, vector<16xf32>)
        %eq3A_285 = arith.constant 10 : i32
        %eq3A_286 = vector.broadcast %eq3A_285 : i32 to vector<16xi32>
        %eq3A_287 = arith.cmpi eq, %iota3A, %eq3A_286 : vector<16xi32>
        %select_n3A_288 = arith.select %eq3A_287, %gather3A_267, %masked_sort3A_276 : vector<16xi1>, vector<16xf32>
        %eq3A_289 = arith.constant 11 : i32
        %eq3A_290 = vector.broadcast %eq3A_289 : i32 to vector<16xi32>
        %eq3A_291 = arith.cmpi eq, %iota3A, %eq3A_290 : vector<16xi32>
        %select_n3A_292 = arith.select %eq3A_291, %gather3A_268, %select_n3A_288 : vector<16xi1>, vector<16xf32>
        %swap3A_293 = arith.index_cast %add3A_264 : i32 to index
        %swap3A_294 = arith.constant 0 : index
        %swap3A_295 = tpu.vector_load %arg8[%swap3A_293, %swap3A_294] {strides = array<i32>} : memref<256x64xf32, #tpu.memory_space<vmem>>, vector<16xf32>,
        tpu.vector_store %arg8[%swap3A_293, %swap3A_294], %select_n3A_292 {strides = array<i32>} : memref<256x64xf32, #tpu.memory_space<vmem>>, vector<16xf32>,
        %swap3A_296 = arith.index_cast %add3A_264 : i32 to index
        %swap3A_297 = arith.constant 16 : index
        %swap3A_298 = tpu.vector_load %arg8[%swap3A_296, %swap3A_297] {strides = array<i32>} : memref<256x64xf32, #tpu.memory_space<vmem>>, vector<16xf32>,
        tpu.vector_store %arg8[%swap3A_296, %swap3A_297], %masked_sort3A_277 {strides = array<i32>} : memref<256x64xf32, #tpu.memory_space<vmem>>, vector<16xf32>,
        %swap3A_299 = arith.index_cast %add3A_264 : i32 to index
        %swap3A_300 = arith.constant 32 : index
        %swap3A_301 = tpu.vector_load %arg8[%swap3A_299, %swap3A_300] {strides = array<i32>} : memref<256x64xf32, #tpu.memory_space<vmem>>, vector<16xf32>,
        tpu.vector_store %arg8[%swap3A_299, %swap3A_300], %masked_sort3A_284 {strides = array<i32>} : memref<256x64xf32, #tpu.memory_space<vmem>>, vector<16xf32>,
        %swap3A_302 = arith.index_cast %add3A_264 : i32 to index
        %swap3A_303 = arith.constant 48 : index
        %swap3A_304 = tpu.vector_load %arg8[%swap3A_302, %swap3A_303] {strides = array<i32>} : memref<256x64xf32, #tpu.memory_space<vmem>>, vector<16xf32>,
        tpu.vector_store %arg8[%swap3A_302, %swap3A_303], %masked_sort3A_283 {strides = array<i32>} : memref<256x64xf32, #tpu.memory_space<vmem>>, vector<16xf32>,
        %mul3A_305 = arith.constant 32 : i32
        %mul3A_306 = arith.muli %add3A_78, %mul3A_305 : i32
        %add3A_307 = arith.addi %mul3A_306, %mul3A_103 : i32
        %add3A_308 = arith.constant 3 : i32
        %add3A_309 = arith.addi %add3A_307, %add3A_308 : i32
        %add3A_310 = arith.addi %select_n3A_32, %add3A_309 : i32
        %broadcast_in_dim3A_311 = vector.broadcast %add3A_310 : i32 to vector<16xi32>
        %gather3A_312 = tpu.vector_load_idx %arg6[%broadcast_in_dim3A_311] : memref<1024xf32, #tpu.memory_space<vmem>>[vector<16xi32>], vector<16xf32>,
        %gather3A_313 = tpu.vector_load_idx %arg7[%broadcast_in_dim3A_311] : memref<1024xf32, #tpu.memory_space<vmem>>[vector<16xi32>], vector<16xf32>,
        %gather3A_314 = tpu.vector_load_idx %arg6[%scan3A_171#7] : memref<1024xf32, #tpu.memory_space<vmem>>[vector<16xi32>], vector<16xf32>,
        %gather3A_315 = tpu.vector_load_idx %arg7[%scan3A_171#7] : memref<1024xf32, #tpu.memory_space<vmem>>[vector<16xi32>], vector<16xf32>,
        %jit3A_316 = arith.constant 1.000000e+30 : f32
        %broadcast_in_dim3A_317 = vector.broadcast %jit3A_316 : f32 to vector<16xf32>
        %select_n3A_318 = arith.select %lt3A_35, %gather3A_314, %broadcast_in_dim3A_317 : vector<16xi1>, vector<16xf32>
        %masked_sort3A_319 = arith.constant dense<true> : vector<16xi1>
        %masked_sort3A_320, %masked_sort3A_321, %masked_sort3A_322 = tpu.sort %select_n3A_318, %gather3A_315 masked %masked_sort3A_319 : (vector<16xf32>, vector<16xf32>, vector<16xi1>) -> (vector<16xi1>, vector<16xf32>, vector<16xf32>)
        %jit3A_323 = arith.constant 1.000000e+30 : f32
        %broadcast_in_dim3A_324 = vector.broadcast %jit3A_323 : f32 to vector<16xf32>
        %select_n3A_325 = arith.select %lt3A_35, %gather3A_315, %broadcast_in_dim3A_324 : vector<16xi1>, vector<16xf32>
        %masked_sort3A_326 = arith.constant dense<true> : vector<16xi1>
        %masked_sort3A_327, %masked_sort3A_328, %masked_sort3A_329 = tpu.sort %select_n3A_325, %gather3A_314 masked %masked_sort3A_326 : (vector<16xf32>, vector<16xf32>, vector<16xi1>) -> (vector<16xi1>, vector<16xf32>, vector<16xf32>)
        %eq3A_330 = arith.constant 10 : i32
        %eq3A_331 = vector.broadcast %eq3A_330 : i32 to vector<16xi32>
        %eq3A_332 = arith.cmpi eq, %iota3A, %eq3A_331 : vector<16xi32>
        %select_n3A_333 = arith.select %eq3A_332, %gather3A_312, %masked_sort3A_321 : vector<16xi1>, vector<16xf32>
        %eq3A_334 = arith.constant 11 : i32
        %eq3A_335 = vector.broadcast %eq3A_334 : i32 to vector<16xi32>
        %eq3A_336 = arith.cmpi eq, %iota3A, %eq3A_335 : vector<16xi32>
        %select_n3A_337 = arith.select %eq3A_336, %gather3A_313, %select_n3A_333 : vector<16xi1>, vector<16xf32>
        %swap3A_338 = arith.index_cast %add3A_309 : i32 to index
        %swap3A_339 = arith.constant 0 : index
        %swap3A_340 = tpu.vector_load %arg8[%swap3A_338, %swap3A_339] {strides = array<i32>} : memref<256x64xf32, #tpu.memory_space<vmem>>, vector<16xf32>,
        tpu.vector_store %arg8[%swap3A_338, %swap3A_339], %select_n3A_337 {strides = array<i32>} : memref<256x64xf32, #tpu.memory_space<vmem>>, vector<16xf32>,
        %swap3A_341 = arith.index_cast %add3A_309 : i32 to index
        %swap3A_342 = arith.constant 16 : index
        %swap3A_343 = tpu.vector_load %arg8[%swap3A_341, %swap3A_342] {strides = array<i32>} : memref<256x64xf32, #tpu.memory_space<vmem>>, vector<16xf32>,
        tpu.vector_store %arg8[%swap3A_341, %swap3A_342], %masked_sort3A_322 {strides = array<i32>} : memref<256x64xf32, #tpu.memory_space<vmem>>, vector<16xf32>,
        %swap3A_344 = arith.index_cast %add3A_309 : i32 to index
        %swap3A_345 = arith.constant 32 : index
        %swap3A_346 = tpu.vector_load %arg8[%swap3A_344, %swap3A_345] {strides = array<i32>} : memref<256x64xf32, #tpu.memory_space<vmem>>, vector<16xf32>,
        tpu.vector_store %arg8[%swap3A_344, %swap3A_345], %masked_sort3A_329 {strides = array<i32>} : memref<256x64xf32, #tpu.memory_space<vmem>>, vector<16xf32>,
        %swap3A_347 = arith.index_cast %add3A_309 : i32 to index
        %swap3A_348 = arith.constant 48 : index
        %swap3A_349 = tpu.vector_load %arg8[%swap3A_347, %swap3A_348] {strides = array<i32>} : memref<256x64xf32, #tpu.memory_space<vmem>>, vector<16xf32>,
        tpu.vector_store %arg8[%swap3A_347, %swap3A_348], %masked_sort3A_328 {strides = array<i32>} : memref<256x64xf32, #tpu.memory_space<vmem>>, vector<16xf32>,
        %mul3A_350 = arith.constant 32 : i32
        %mul3A_351 = arith.muli %add3A_78, %mul3A_350 : i32
        %add3A_352 = arith.addi %mul3A_351, %mul3A_103 : i32
        %add3A_353 = arith.constant 4 : i32
        %add3A_354 = arith.addi %add3A_352, %add3A_353 : i32
        %add3A_355 = arith.addi %select_n3A_32, %add3A_354 : i32
        %broadcast_in_dim3A_356 = vector.broadcast %add3A_355 : i32 to vector<16xi32>
        %gather3A_357 = tpu.vector_load_idx %arg6[%broadcast_in_dim3A_356] : memref<1024xf32, #tpu.memory_space<vmem>>[vector<16xi32>], vector<16xf32>,
        %gather3A_358 = tpu.vector_load_idx %arg7[%broadcast_in_dim3A_356] : memref<1024xf32, #tpu.memory_space<vmem>>[vector<16xi32>], vector<16xf32>,
        %gather3A_359 = tpu.vector_load_idx %arg6[%scan3A_171#9] : memref<1024xf32, #tpu.memory_space<vmem>>[vector<16xi32>], vector<16xf32>,
        %gather3A_360 = tpu.vector_load_idx %arg7[%scan3A_171#9] : memref<1024xf32, #tpu.memory_space<vmem>>[vector<16xi32>], vector<16xf32>,
        %jit3A_361 = arith.constant 1.000000e+30 : f32
        %broadcast_in_dim3A_362 = vector.broadcast %jit3A_361 : f32 to vector<16xf32>
        %select_n3A_363 = arith.select %lt3A_35, %gather3A_359, %broadcast_in_dim3A_362 : vector<16xi1>, vector<16xf32>
        %masked_sort3A_364 = arith.constant dense<true> : vector<16xi1>
        %masked_sort3A_365, %masked_sort3A_366, %masked_sort3A_367 = tpu.sort %select_n3A_363, %gather3A_360 masked %masked_sort3A_364 : (vector<16xf32>, vector<16xf32>, vector<16xi1>) -> (vector<16xi1>, vector<16xf32>, vector<16xf32>)
        %jit3A_368 = arith.constant 1.000000e+30 : f32
        %broadcast_in_dim3A_369 = vector.broadcast %jit3A_368 : f32 to vector<16xf32>
        %select_n3A_370 = arith.select %lt3A_35, %gather3A_360, %broadcast_in_dim3A_369 : vector<16xi1>, vector<16xf32>
        %masked_sort3A_371 = arith.constant dense<true> : vector<16xi1>
        %masked_sort3A_372, %masked_sort3A_373, %masked_sort3A_374 = tpu.sort %select_n3A_370, %gather3A_359 masked %masked_sort3A_371 : (vector<16xf32>, vector<16xf32>, vector<16xi1>) -> (vector<16xi1>, vector<16xf32>, vector<16xf32>)
        %eq3A_375 = arith.constant 10 : i32
        %eq3A_376 = vector.broadcast %eq3A_375 : i32 to vector<16xi32>
        %eq3A_377 = arith.cmpi eq, %iota3A, %eq3A_376 : vector<16xi32>
        %select_n3A_378 = arith.select %eq3A_377, %gather3A_357, %masked_sort3A_366 : vector<16xi1>, vector<16xf32>
        %eq3A_379 = arith.constant 11 : i32
        %eq3A_380 = vector.broadcast %eq3A_379 : i32 to vector<16xi32>
        %eq3A_381 = arith.cmpi eq, %iota3A, %eq3A_380 : vector<16xi32>
        %select_n3A_382 = arith.select %eq3A_381, %gather3A_358, %select_n3A_378 : vector<16xi1>, vector<16xf32>
        %swap3A_383 = arith.index_cast %add3A_354 : i32 to index
        %swap3A_384 = arith.constant 0 : index
        %swap3A_385 = tpu.vector_load %arg8[%swap3A_383, %swap3A_384] {strides = array<i32>} : memref<256x64xf32, #tpu.memory_space<vmem>>, vector<16xf32>,
        tpu.vector_store %arg8[%swap3A_383, %swap3A_384], %select_n3A_382 {strides = array<i32>} : memref<256x64xf32, #tpu.memory_space<vmem>>, vector<16xf32>,
        %swap3A_386 = arith.index_cast %add3A_354 : i32 to index
        %swap3A_387 = arith.constant 16 : index
        %swap3A_388 = tpu.vector_load %arg8[%swap3A_386, %swap3A_387] {strides = array<i32>} : memref<256x64xf32, #tpu.memory_space<vmem>>, vector<16xf32>,
        tpu.vector_store %arg8[%swap3A_386, %swap3A_387], %masked_sort3A_367 {strides = array<i32>} : memref<256x64xf32, #tpu.memory_space<vmem>>, vector<16xf32>,
        %swap3A_389 = arith.index_cast %add3A_354 : i32 to index
        %swap3A_390 = arith.constant 32 : index
        %swap3A_391 = tpu.vector_load %arg8[%swap3A_389, %swap3A_390] {strides = array<i32>} : memref<256x64xf32, #tpu.memory_space<vmem>>, vector<16xf32>,
        tpu.vector_store %arg8[%swap3A_389, %swap3A_390], %masked_sort3A_374 {strides = array<i32>} : memref<256x64xf32, #tpu.memory_space<vmem>>, vector<16xf32>,
        %swap3A_392 = arith.index_cast %add3A_354 : i32 to index
        %swap3A_393 = arith.constant 48 : index
        %swap3A_394 = tpu.vector_load %arg8[%swap3A_392, %swap3A_393] {strides = array<i32>} : memref<256x64xf32, #tpu.memory_space<vmem>>, vector<16xf32>,
        tpu.vector_store %arg8[%swap3A_392, %swap3A_393], %masked_sort3A_373 {strides = array<i32>} : memref<256x64xf32, #tpu.memory_space<vmem>>, vector<16xf32>,
        %mul3A_395 = arith.constant 32 : i32
        %mul3A_396 = arith.muli %add3A_78, %mul3A_395 : i32
        %add3A_397 = arith.addi %mul3A_396, %mul3A_103 : i32
        %add3A_398 = arith.constant 5 : i32
        %add3A_399 = arith.addi %add3A_397, %add3A_398 : i32
        %add3A_400 = arith.addi %select_n3A_32, %add3A_399 : i32
        %broadcast_in_dim3A_401 = vector.broadcast %add3A_400 : i32 to vector<16xi32>
        %gather3A_402 = tpu.vector_load_idx %arg6[%broadcast_in_dim3A_401] : memref<1024xf32, #tpu.memory_space<vmem>>[vector<16xi32>], vector<16xf32>,
        %gather3A_403 = tpu.vector_load_idx %arg7[%broadcast_in_dim3A_401] : memref<1024xf32, #tpu.memory_space<vmem>>[vector<16xi32>], vector<16xf32>,
        %gather3A_404 = tpu.vector_load_idx %arg6[%scan3A_171#11] : memref<1024xf32, #tpu.memory_space<vmem>>[vector<16xi32>], vector<16xf32>,
        %gather3A_405 = tpu.vector_load_idx %arg7[%scan3A_171#11] : memref<1024xf32, #tpu.memory_space<vmem>>[vector<16xi32>], vector<16xf32>,
        %jit3A_406 = arith.constant 1.000000e+30 : f32
        %broadcast_in_dim3A_407 = vector.broadcast %jit3A_406 : f32 to vector<16xf32>
        %select_n3A_408 = arith.select %lt3A_35, %gather3A_404, %broadcast_in_dim3A_407 : vector<16xi1>, vector<16xf32>
        %masked_sort3A_409 = arith.constant dense<true> : vector<16xi1>
        %masked_sort3A_410, %masked_sort3A_411, %masked_sort3A_412 = tpu.sort %select_n3A_408, %gather3A_405 masked %masked_sort3A_409 : (vector<16xf32>, vector<16xf32>, vector<16xi1>) -> (vector<16xi1>, vector<16xf32>, vector<16xf32>)
        %jit3A_413 = arith.constant 1.000000e+30 : f32
        %broadcast_in_dim3A_414 = vector.broadcast %jit3A_413 : f32 to vector<16xf32>
        %select_n3A_415 = arith.select %lt3A_35, %gather3A_405, %broadcast_in_dim3A_414 : vector<16xi1>, vector<16xf32>
        %masked_sort3A_416 = arith.constant dense<true> : vector<16xi1>
        %masked_sort3A_417, %masked_sort3A_418, %masked_sort3A_419 = tpu.sort %select_n3A_415, %gather3A_404 masked %masked_sort3A_416 : (vector<16xf32>, vector<16xf32>, vector<16xi1>) -> (vector<16xi1>, vector<16xf32>, vector<16xf32>)
        %eq3A_420 = arith.constant 10 : i32
        %eq3A_421 = vector.broadcast %eq3A_420 : i32 to vector<16xi32>
        %eq3A_422 = arith.cmpi eq, %iota3A, %eq3A_421 : vector<16xi32>
        %select_n3A_423 = arith.select %eq3A_422, %gather3A_402, %masked_sort3A_411 : vector<16xi1>, vector<16xf32>
        %eq3A_424 = arith.constant 11 : i32
        %eq3A_425 = vector.broadcast %eq3A_424 : i32 to vector<16xi32>
        %eq3A_426 = arith.cmpi eq, %iota3A, %eq3A_425 : vector<16xi32>
        %select_n3A_427 = arith.select %eq3A_426, %gather3A_403, %select_n3A_423 : vector<16xi1>, vector<16xf32>
        %swap3A_428 = arith.index_cast %add3A_399 : i32 to index
        %swap3A_429 = arith.constant 0 : index
        %swap3A_430 = tpu.vector_load %arg8[%swap3A_428, %swap3A_429] {strides = array<i32>} : memref<256x64xf32, #tpu.memory_space<vmem>>, vector<16xf32>,
        tpu.vector_store %arg8[%swap3A_428, %swap3A_429], %select_n3A_427 {strides = array<i32>} : memref<256x64xf32, #tpu.memory_space<vmem>>, vector<16xf32>,
        %swap3A_431 = arith.index_cast %add3A_399 : i32 to index
        %swap3A_432 = arith.constant 16 : index
        %swap3A_433 = tpu.vector_load %arg8[%swap3A_431, %swap3A_432] {strides = array<i32>} : memref<256x64xf32, #tpu.memory_space<vmem>>, vector<16xf32>,
        tpu.vector_store %arg8[%swap3A_431, %swap3A_432], %masked_sort3A_412 {strides = array<i32>} : memref<256x64xf32, #tpu.memory_space<vmem>>, vector<16xf32>,
        %swap3A_434 = arith.index_cast %add3A_399 : i32 to index
        %swap3A_435 = arith.constant 32 : index
        %swap3A_436 = tpu.vector_load %arg8[%swap3A_434, %swap3A_435] {strides = array<i32>} : memref<256x64xf32, #tpu.memory_space<vmem>>, vector<16xf32>,
        tpu.vector_store %arg8[%swap3A_434, %swap3A_435], %masked_sort3A_419 {strides = array<i32>} : memref<256x64xf32, #tpu.memory_space<vmem>>, vector<16xf32>,
        %swap3A_437 = arith.index_cast %add3A_399 : i32 to index
        %swap3A_438 = arith.constant 48 : index
        %swap3A_439 = tpu.vector_load %arg8[%swap3A_437, %swap3A_438] {strides = array<i32>} : memref<256x64xf32, #tpu.memory_space<vmem>>, vector<16xf32>,
        tpu.vector_store %arg8[%swap3A_437, %swap3A_438], %masked_sort3A_418 {strides = array<i32>} : memref<256x64xf32, #tpu.memory_space<vmem>>, vector<16xf32>,
        %mul3A_440 = arith.constant 32 : i32
        %mul3A_441 = arith.muli %add3A_78, %mul3A_440 : i32
        %add3A_442 = arith.addi %mul3A_441, %mul3A_103 : i32
        %add3A_443 = arith.constant 6 : i32
        %add3A_444 = arith.addi %add3A_442, %add3A_443 : i32
        %add3A_445 = arith.addi %select_n3A_32, %add3A_444 : i32
        %broadcast_in_dim3A_446 = vector.broadcast %add3A_445 : i32 to vector<16xi32>
        %gather3A_447 = tpu.vector_load_idx %arg6[%broadcast_in_dim3A_446] : memref<1024xf32, #tpu.memory_space<vmem>>[vector<16xi32>], vector<16xf32>,
        %gather3A_448 = tpu.vector_load_idx %arg7[%broadcast_in_dim3A_446] : memref<1024xf32, #tpu.memory_space<vmem>>[vector<16xi32>], vector<16xf32>,
        %gather3A_449 = tpu.vector_load_idx %arg6[%scan3A_171#13] : memref<1024xf32, #tpu.memory_space<vmem>>[vector<16xi32>], vector<16xf32>,
        %gather3A_450 = tpu.vector_load_idx %arg7[%scan3A_171#13] : memref<1024xf32, #tpu.memory_space<vmem>>[vector<16xi32>], vector<16xf32>,
        %jit3A_451 = arith.constant 1.000000e+30 : f32
        %broadcast_in_dim3A_452 = vector.broadcast %jit3A_451 : f32 to vector<16xf32>
        %select_n3A_453 = arith.select %lt3A_35, %gather3A_449, %broadcast_in_dim3A_452 : vector<16xi1>, vector<16xf32>
        %masked_sort3A_454 = arith.constant dense<true> : vector<16xi1>
        %masked_sort3A_455, %masked_sort3A_456, %masked_sort3A_457 = tpu.sort %select_n3A_453, %gather3A_450 masked %masked_sort3A_454 : (vector<16xf32>, vector<16xf32>, vector<16xi1>) -> (vector<16xi1>, vector<16xf32>, vector<16xf32>)
        %jit3A_458 = arith.constant 1.000000e+30 : f32
        %broadcast_in_dim3A_459 = vector.broadcast %jit3A_458 : f32 to vector<16xf32>
        %select_n3A_460 = arith.select %lt3A_35, %gather3A_450, %broadcast_in_dim3A_459 : vector<16xi1>, vector<16xf32>
        %masked_sort3A_461 = arith.constant dense<true> : vector<16xi1>
        %masked_sort3A_462, %masked_sort3A_463, %masked_sort3A_464 = tpu.sort %select_n3A_460, %gather3A_449 masked %masked_sort3A_461 : (vector<16xf32>, vector<16xf32>, vector<16xi1>) -> (vector<16xi1>, vector<16xf32>, vector<16xf32>)
        %eq3A_465 = arith.constant 10 : i32
        %eq3A_466 = vector.broadcast %eq3A_465 : i32 to vector<16xi32>
        %eq3A_467 = arith.cmpi eq, %iota3A, %eq3A_466 : vector<16xi32>
        %select_n3A_468 = arith.select %eq3A_467, %gather3A_447, %masked_sort3A_456 : vector<16xi1>, vector<16xf32>
        %eq3A_469 = arith.constant 11 : i32
        %eq3A_470 = vector.broadcast %eq3A_469 : i32 to vector<16xi32>
        %eq3A_471 = arith.cmpi eq, %iota3A, %eq3A_470 : vector<16xi32>
        %select_n3A_472 = arith.select %eq3A_471, %gather3A_448, %select_n3A_468 : vector<16xi1>, vector<16xf32>
        %swap3A_473 = arith.index_cast %add3A_444 : i32 to index
        %swap3A_474 = arith.constant 0 : index
        %swap3A_475 = tpu.vector_load %arg8[%swap3A_473, %swap3A_474] {strides = array<i32>} : memref<256x64xf32, #tpu.memory_space<vmem>>, vector<16xf32>,
        tpu.vector_store %arg8[%swap3A_473, %swap3A_474], %select_n3A_472 {strides = array<i32>} : memref<256x64xf32, #tpu.memory_space<vmem>>, vector<16xf32>,
        %swap3A_476 = arith.index_cast %add3A_444 : i32 to index
        %swap3A_477 = arith.constant 16 : index
        %swap3A_478 = tpu.vector_load %arg8[%swap3A_476, %swap3A_477] {strides = array<i32>} : memref<256x64xf32, #tpu.memory_space<vmem>>, vector<16xf32>,
        tpu.vector_store %arg8[%swap3A_476, %swap3A_477], %masked_sort3A_457 {strides = array<i32>} : memref<256x64xf32, #tpu.memory_space<vmem>>, vector<16xf32>,
        %swap3A_479 = arith.index_cast %add3A_444 : i32 to index
        %swap3A_480 = arith.constant 32 : index
        %swap3A_481 = tpu.vector_load %arg8[%swap3A_479, %swap3A_480] {strides = array<i32>} : memref<256x64xf32, #tpu.memory_space<vmem>>, vector<16xf32>,
        tpu.vector_store %arg8[%swap3A_479, %swap3A_480], %masked_sort3A_464 {strides = array<i32>} : memref<256x64xf32, #tpu.memory_space<vmem>>, vector<16xf32>,
        %swap3A_482 = arith.index_cast %add3A_444 : i32 to index
        %swap3A_483 = arith.constant 48 : index
        %swap3A_484 = tpu.vector_load %arg8[%swap3A_482, %swap3A_483] {strides = array<i32>} : memref<256x64xf32, #tpu.memory_space<vmem>>, vector<16xf32>,
        tpu.vector_store %arg8[%swap3A_482, %swap3A_483], %masked_sort3A_463 {strides = array<i32>} : memref<256x64xf32, #tpu.memory_space<vmem>>, vector<16xf32>,
        %mul3A_485 = arith.constant 32 : i32
        %mul3A_486 = arith.muli %add3A_78, %mul3A_485 : i32
        %add3A_487 = arith.addi %mul3A_486, %mul3A_103 : i32
        %add3A_488 = arith.constant 7 : i32
        %add3A_489 = arith.addi %add3A_487, %add3A_488 : i32
        %add3A_490 = arith.addi %select_n3A_32, %add3A_489 : i32
        %broadcast_in_dim3A_491 = vector.broadcast %add3A_490 : i32 to vector<16xi32>
        %gather3A_492 = tpu.vector_load_idx %arg6[%broadcast_in_dim3A_491] : memref<1024xf32, #tpu.memory_space<vmem>>[vector<16xi32>], vector<16xf32>,
        %gather3A_493 = tpu.vector_load_idx %arg7[%broadcast_in_dim3A_491] : memref<1024xf32, #tpu.memory_space<vmem>>[vector<16xi32>], vector<16xf32>,
        %gather3A_494 = tpu.vector_load_idx %arg6[%scan3A_171#15] : memref<1024xf32, #tpu.memory_space<vmem>>[vector<16xi32>], vector<16xf32>,
        %gather3A_495 = tpu.vector_load_idx %arg7[%scan3A_171#15] : memref<1024xf32, #tpu.memory_space<vmem>>[vector<16xi32>], vector<16xf32>,
        %jit3A_496 = arith.constant 1.000000e+30 : f32
        %broadcast_in_dim3A_497 = vector.broadcast %jit3A_496 : f32 to vector<16xf32>
        %select_n3A_498 = arith.select %lt3A_35, %gather3A_494, %broadcast_in_dim3A_497 : vector<16xi1>, vector<16xf32>
        %masked_sort3A_499 = arith.constant dense<true> : vector<16xi1>
        %masked_sort3A_500, %masked_sort3A_501, %masked_sort3A_502 = tpu.sort %select_n3A_498, %gather3A_495 masked %masked_sort3A_499 : (vector<16xf32>, vector<16xf32>, vector<16xi1>) -> (vector<16xi1>, vector<16xf32>, vector<16xf32>)
        %jit3A_503 = arith.constant 1.000000e+30 : f32
        %broadcast_in_dim3A_504 = vector.broadcast %jit3A_503 : f32 to vector<16xf32>
        %select_n3A_505 = arith.select %lt3A_35, %gather3A_495, %broadcast_in_dim3A_504 : vector<16xi1>, vector<16xf32>
        %masked_sort3A_506 = arith.constant dense<true> : vector<16xi1>
        %masked_sort3A_507, %masked_sort3A_508, %masked_sort3A_509 = tpu.sort %select_n3A_505, %gather3A_494 masked %masked_sort3A_506 : (vector<16xf32>, vector<16xf32>, vector<16xi1>) -> (vector<16xi1>, vector<16xf32>, vector<16xf32>)
        %eq3A_510 = arith.constant 10 : i32
        %eq3A_511 = vector.broadcast %eq3A_510 : i32 to vector<16xi32>
        %eq3A_512 = arith.cmpi eq, %iota3A, %eq3A_511 : vector<16xi32>
        %select_n3A_513 = arith.select %eq3A_512, %gather3A_492, %masked_sort3A_501 : vector<16xi1>, vector<16xf32>
        %eq3A_514 = arith.constant 11 : i32
        %eq3A_515 = vector.broadcast %eq3A_514 : i32 to vector<16xi32>
        %eq3A_516 = arith.cmpi eq, %iota3A, %eq3A_515 : vector<16xi32>
        %select_n3A_517 = arith.select %eq3A_516, %gather3A_493, %select_n3A_513 : vector<16xi1>, vector<16xf32>
        %swap3A_518 = arith.index_cast %add3A_489 : i32 to index
        %swap3A_519 = arith.constant 0 : index
        %swap3A_520 = tpu.vector_load %arg8[%swap3A_518, %swap3A_519] {strides = array<i32>} : memref<256x64xf32, #tpu.memory_space<vmem>>, vector<16xf32>,
        tpu.vector_store %arg8[%swap3A_518, %swap3A_519], %select_n3A_517 {strides = array<i32>} : memref<256x64xf32, #tpu.memory_space<vmem>>, vector<16xf32>,
        %swap3A_521 = arith.index_cast %add3A_489 : i32 to index
        %swap3A_522 = arith.constant 16 : index
        %swap3A_523 = tpu.vector_load %arg8[%swap3A_521, %swap3A_522] {strides = array<i32>} : memref<256x64xf32, #tpu.memory_space<vmem>>, vector<16xf32>,
        tpu.vector_store %arg8[%swap3A_521, %swap3A_522], %masked_sort3A_502 {strides = array<i32>} : memref<256x64xf32, #tpu.memory_space<vmem>>, vector<16xf32>,
        %swap3A_524 = arith.index_cast %add3A_489 : i32 to index
        %swap3A_525 = arith.constant 32 : index
        %swap3A_526 = tpu.vector_load %arg8[%swap3A_524, %swap3A_525] {strides = array<i32>} : memref<256x64xf32, #tpu.memory_space<vmem>>, vector<16xf32>,
        tpu.vector_store %arg8[%swap3A_524, %swap3A_525], %masked_sort3A_509 {strides = array<i32>} : memref<256x64xf32, #tpu.memory_space<vmem>>, vector<16xf32>,
        %swap3A_527 = arith.index_cast %add3A_489 : i32 to index
        %swap3A_528 = arith.constant 48 : index
        %swap3A_529 = tpu.vector_load %arg8[%swap3A_527, %swap3A_528] {strides = array<i32>} : memref<256x64xf32, #tpu.memory_space<vmem>>, vector<16xf32>,
        tpu.vector_store %arg8[%swap3A_527, %swap3A_528], %masked_sort3A_508 {strides = array<i32>} : memref<256x64xf32, #tpu.memory_space<vmem>>, vector<16xf32>,
        %mul3A_530 = arith.constant 32 : i32
        %mul3A_531 = arith.muli %add3A_78, %mul3A_530 : i32
        %add3A_532 = arith.addi %mul3A_531, %mul3A_103 : i32
        %add3A_533 = arith.constant 8 : i32
        %add3A_534 = arith.addi %add3A_532, %add3A_533 : i32
        %add3A_535 = arith.addi %select_n3A_32, %add3A_534 : i32
        %broadcast_in_dim3A_536 = vector.broadcast %add3A_535 : i32 to vector<16xi32>
        %gather3A_537 = tpu.vector_load_idx %arg6[%broadcast_in_dim3A_536] : memref<1024xf32, #tpu.memory_space<vmem>>[vector<16xi32>], vector<16xf32>,
        %gather3A_538 = tpu.vector_load_idx %arg7[%broadcast_in_dim3A_536] : memref<1024xf32, #tpu.memory_space<vmem>>[vector<16xi32>], vector<16xf32>,
        %gather3A_539 = tpu.vector_load_idx %arg6[%scan3A_171#17] : memref<1024xf32, #tpu.memory_space<vmem>>[vector<16xi32>], vector<16xf32>,
        %gather3A_540 = tpu.vector_load_idx %arg7[%scan3A_171#17] : memref<1024xf32, #tpu.memory_space<vmem>>[vector<16xi32>], vector<16xf32>,
        %jit3A_541 = arith.constant 1.000000e+30 : f32
        %broadcast_in_dim3A_542 = vector.broadcast %jit3A_541 : f32 to vector<16xf32>
        %select_n3A_543 = arith.select %lt3A_35, %gather3A_539, %broadcast_in_dim3A_542 : vector<16xi1>, vector<16xf32>
        %masked_sort3A_544 = arith.constant dense<true> : vector<16xi1>
        %masked_sort3A_545, %masked_sort3A_546, %masked_sort3A_547 = tpu.sort %select_n3A_543, %gather3A_540 masked %masked_sort3A_544 : (vector<16xf32>, vector<16xf32>, vector<16xi1>) -> (vector<16xi1>, vector<16xf32>, vector<16xf32>)
        %jit3A_548 = arith.constant 1.000000e+30 : f32
        %broadcast_in_dim3A_549 = vector.broadcast %jit3A_548 : f32 to vector<16xf32>
        %select_n3A_550 = arith.select %lt3A_35, %gather3A_540, %broadcast_in_dim3A_549 : vector<16xi1>, vector<16xf32>
        %masked_sort3A_551 = arith.constant dense<true> : vector<16xi1>
        %masked_sort3A_552, %masked_sort3A_553, %masked_sort3A_554 = tpu.sort %select_n3A_550, %gather3A_539 masked %masked_sort3A_551 : (vector<16xf32>, vector<16xf32>, vector<16xi1>) -> (vector<16xi1>, vector<16xf32>, vector<16xf32>)
        %eq3A_555 = arith.constant 10 : i32
        %eq3A_556 = vector.broadcast %eq3A_555 : i32 to vector<16xi32>
        %eq3A_557 = arith.cmpi eq, %iota3A, %eq3A_556 : vector<16xi32>
        %select_n3A_558 = arith.select %eq3A_557, %gather3A_537, %masked_sort3A_546 : vector<16xi1>, vector<16xf32>
        %eq3A_559 = arith.constant 11 : i32
        %eq3A_560 = vector.broadcast %eq3A_559 : i32 to vector<16xi32>
        %eq3A_561 = arith.cmpi eq, %iota3A, %eq3A_560 : vector<16xi32>
        %select_n3A_562 = arith.select %eq3A_561, %gather3A_538, %select_n3A_558 : vector<16xi1>, vector<16xf32>
        %swap3A_563 = arith.index_cast %add3A_534 : i32 to index
        %swap3A_564 = arith.constant 0 : index
        %swap3A_565 = tpu.vector_load %arg8[%swap3A_563, %swap3A_564] {strides = array<i32>} : memref<256x64xf32, #tpu.memory_space<vmem>>, vector<16xf32>,
        tpu.vector_store %arg8[%swap3A_563, %swap3A_564], %select_n3A_562 {strides = array<i32>} : memref<256x64xf32, #tpu.memory_space<vmem>>, vector<16xf32>,
        %swap3A_566 = arith.index_cast %add3A_534 : i32 to index
        %swap3A_567 = arith.constant 16 : index
        %swap3A_568 = tpu.vector_load %arg8[%swap3A_566, %swap3A_567] {strides = array<i32>} : memref<256x64xf32, #tpu.memory_space<vmem>>, vector<16xf32>,
        tpu.vector_store %arg8[%swap3A_566, %swap3A_567], %masked_sort3A_547 {strides = array<i32>} : memref<256x64xf32, #tpu.memory_space<vmem>>, vector<16xf32>,
        %swap3A_569 = arith.index_cast %add3A_534 : i32 to index
        %swap3A_570 = arith.constant 32 : index
        %swap3A_571 = tpu.vector_load %arg8[%swap3A_569, %swap3A_570] {strides = array<i32>} : memref<256x64xf32, #tpu.memory_space<vmem>>, vector<16xf32>,
        tpu.vector_store %arg8[%swap3A_569, %swap3A_570], %masked_sort3A_554 {strides = array<i32>} : memref<256x64xf32, #tpu.memory_space<vmem>>, vector<16xf32>,
        %swap3A_572 = arith.index_cast %add3A_534 : i32 to index
        %swap3A_573 = arith.constant 48 : index
        %swap3A_574 = tpu.vector_load %arg8[%swap3A_572, %swap3A_573] {strides = array<i32>} : memref<256x64xf32, #tpu.memory_space<vmem>>, vector<16xf32>,
        tpu.vector_store %arg8[%swap3A_572, %swap3A_573], %masked_sort3A_553 {strides = array<i32>} : memref<256x64xf32, #tpu.memory_space<vmem>>, vector<16xf32>,
        %mul3A_575 = arith.constant 32 : i32
        %mul3A_576 = arith.muli %add3A_78, %mul3A_575 : i32
        %add3A_577 = arith.addi %mul3A_576, %mul3A_103 : i32
        %add3A_578 = arith.constant 9 : i32
        %add3A_579 = arith.addi %add3A_577, %add3A_578 : i32
        %add3A_580 = arith.addi %select_n3A_32, %add3A_579 : i32
        %broadcast_in_dim3A_581 = vector.broadcast %add3A_580 : i32 to vector<16xi32>
        %gather3A_582 = tpu.vector_load_idx %arg6[%broadcast_in_dim3A_581] : memref<1024xf32, #tpu.memory_space<vmem>>[vector<16xi32>], vector<16xf32>,
        %gather3A_583 = tpu.vector_load_idx %arg7[%broadcast_in_dim3A_581] : memref<1024xf32, #tpu.memory_space<vmem>>[vector<16xi32>], vector<16xf32>,
        %gather3A_584 = tpu.vector_load_idx %arg6[%scan3A_171#19] : memref<1024xf32, #tpu.memory_space<vmem>>[vector<16xi32>], vector<16xf32>,
        %gather3A_585 = tpu.vector_load_idx %arg7[%scan3A_171#19] : memref<1024xf32, #tpu.memory_space<vmem>>[vector<16xi32>], vector<16xf32>,
        %jit3A_586 = arith.constant 1.000000e+30 : f32
        %broadcast_in_dim3A_587 = vector.broadcast %jit3A_586 : f32 to vector<16xf32>
        %select_n3A_588 = arith.select %lt3A_35, %gather3A_584, %broadcast_in_dim3A_587 : vector<16xi1>, vector<16xf32>
        %masked_sort3A_589 = arith.constant dense<true> : vector<16xi1>
        %masked_sort3A_590, %masked_sort3A_591, %masked_sort3A_592 = tpu.sort %select_n3A_588, %gather3A_585 masked %masked_sort3A_589 : (vector<16xf32>, vector<16xf32>, vector<16xi1>) -> (vector<16xi1>, vector<16xf32>, vector<16xf32>)
        %jit3A_593 = arith.constant 1.000000e+30 : f32
        %broadcast_in_dim3A_594 = vector.broadcast %jit3A_593 : f32 to vector<16xf32>
        %select_n3A_595 = arith.select %lt3A_35, %gather3A_585, %broadcast_in_dim3A_594 : vector<16xi1>, vector<16xf32>
        %masked_sort3A_596 = arith.constant dense<true> : vector<16xi1>
        %masked_sort3A_597, %masked_sort3A_598, %masked_sort3A_599 = tpu.sort %select_n3A_595, %gather3A_584 masked %masked_sort3A_596 : (vector<16xf32>, vector<16xf32>, vector<16xi1>) -> (vector<16xi1>, vector<16xf32>, vector<16xf32>)
        %eq3A_600 = arith.constant 10 : i32
        %eq3A_601 = vector.broadcast %eq3A_600 : i32 to vector<16xi32>
        %eq3A_602 = arith.cmpi eq, %iota3A, %eq3A_601 : vector<16xi32>
        %select_n3A_603 = arith.select %eq3A_602, %gather3A_582, %masked_sort3A_591 : vector<16xi1>, vector<16xf32>
        %eq3A_604 = arith.constant 11 : i32
        %eq3A_605 = vector.broadcast %eq3A_604 : i32 to vector<16xi32>
        %eq3A_606 = arith.cmpi eq, %iota3A, %eq3A_605 : vector<16xi32>
        %select_n3A_607 = arith.select %eq3A_606, %gather3A_583, %select_n3A_603 : vector<16xi1>, vector<16xf32>
        %swap3A_608 = arith.index_cast %add3A_579 : i32 to index
        %swap3A_609 = arith.constant 0 : index
        %swap3A_610 = tpu.vector_load %arg8[%swap3A_608, %swap3A_609] {strides = array<i32>} : memref<256x64xf32, #tpu.memory_space<vmem>>, vector<16xf32>,
        tpu.vector_store %arg8[%swap3A_608, %swap3A_609], %select_n3A_607 {strides = array<i32>} : memref<256x64xf32, #tpu.memory_space<vmem>>, vector<16xf32>,
        %swap3A_611 = arith.index_cast %add3A_579 : i32 to index
        %swap3A_612 = arith.constant 16 : index
        %swap3A_613 = tpu.vector_load %arg8[%swap3A_611, %swap3A_612] {strides = array<i32>} : memref<256x64xf32, #tpu.memory_space<vmem>>, vector<16xf32>,
        tpu.vector_store %arg8[%swap3A_611, %swap3A_612], %masked_sort3A_592 {strides = array<i32>} : memref<256x64xf32, #tpu.memory_space<vmem>>, vector<16xf32>,
        %swap3A_614 = arith.index_cast %add3A_579 : i32 to index
        %swap3A_615 = arith.constant 32 : index
        %swap3A_616 = tpu.vector_load %arg8[%swap3A_614, %swap3A_615] {strides = array<i32>} : memref<256x64xf32, #tpu.memory_space<vmem>>, vector<16xf32>,
        tpu.vector_store %arg8[%swap3A_614, %swap3A_615], %masked_sort3A_599 {strides = array<i32>} : memref<256x64xf32, #tpu.memory_space<vmem>>, vector<16xf32>,
        %swap3A_617 = arith.index_cast %add3A_579 : i32 to index
        %swap3A_618 = arith.constant 48 : index
        %swap3A_619 = tpu.vector_load %arg8[%swap3A_617, %swap3A_618] {strides = array<i32>} : memref<256x64xf32, #tpu.memory_space<vmem>>, vector<16xf32>,
        tpu.vector_store %arg8[%swap3A_617, %swap3A_618], %masked_sort3A_598 {strides = array<i32>} : memref<256x64xf32, #tpu.memory_space<vmem>>, vector<16xf32>,
        %mul3A_620 = arith.constant 32 : i32
        %mul3A_621 = arith.muli %add3A_78, %mul3A_620 : i32
        %add3A_622 = arith.addi %mul3A_621, %mul3A_103 : i32
        %add3A_623 = arith.constant 10 : i32
        %add3A_624 = arith.addi %add3A_622, %add3A_623 : i32
        %add3A_625 = arith.addi %select_n3A_32, %add3A_624 : i32
        %broadcast_in_dim3A_626 = vector.broadcast %add3A_625 : i32 to vector<16xi32>
        %gather3A_627 = tpu.vector_load_idx %arg6[%broadcast_in_dim3A_626] : memref<1024xf32, #tpu.memory_space<vmem>>[vector<16xi32>], vector<16xf32>,
        %gather3A_628 = tpu.vector_load_idx %arg7[%broadcast_in_dim3A_626] : memref<1024xf32, #tpu.memory_space<vmem>>[vector<16xi32>], vector<16xf32>,
        %gather3A_629 = tpu.vector_load_idx %arg6[%scan3A_171#21] : memref<1024xf32, #tpu.memory_space<vmem>>[vector<16xi32>], vector<16xf32>,
        %gather3A_630 = tpu.vector_load_idx %arg7[%scan3A_171#21] : memref<1024xf32, #tpu.memory_space<vmem>>[vector<16xi32>], vector<16xf32>,
        %jit3A_631 = arith.constant 1.000000e+30 : f32
        %broadcast_in_dim3A_632 = vector.broadcast %jit3A_631 : f32 to vector<16xf32>
        %select_n3A_633 = arith.select %lt3A_35, %gather3A_629, %broadcast_in_dim3A_632 : vector<16xi1>, vector<16xf32>
        %masked_sort3A_634 = arith.constant dense<true> : vector<16xi1>
        %masked_sort3A_635, %masked_sort3A_636, %masked_sort3A_637 = tpu.sort %select_n3A_633, %gather3A_630 masked %masked_sort3A_634 : (vector<16xf32>, vector<16xf32>, vector<16xi1>) -> (vector<16xi1>, vector<16xf32>, vector<16xf32>)
        %jit3A_638 = arith.constant 1.000000e+30 : f32
        %broadcast_in_dim3A_639 = vector.broadcast %jit3A_638 : f32 to vector<16xf32>
        %select_n3A_640 = arith.select %lt3A_35, %gather3A_630, %broadcast_in_dim3A_639 : vector<16xi1>, vector<16xf32>
        %masked_sort3A_641 = arith.constant dense<true> : vector<16xi1>
        %masked_sort3A_642, %masked_sort3A_643, %masked_sort3A_644 = tpu.sort %select_n3A_640, %gather3A_629 masked %masked_sort3A_641 : (vector<16xf32>, vector<16xf32>, vector<16xi1>) -> (vector<16xi1>, vector<16xf32>, vector<16xf32>)
        %eq3A_645 = arith.constant 10 : i32
        %eq3A_646 = vector.broadcast %eq3A_645 : i32 to vector<16xi32>
        %eq3A_647 = arith.cmpi eq, %iota3A, %eq3A_646 : vector<16xi32>
        %select_n3A_648 = arith.select %eq3A_647, %gather3A_627, %masked_sort3A_636 : vector<16xi1>, vector<16xf32>
        %eq3A_649 = arith.constant 11 : i32
        %eq3A_650 = vector.broadcast %eq3A_649 : i32 to vector<16xi32>
        %eq3A_651 = arith.cmpi eq, %iota3A, %eq3A_650 : vector<16xi32>
        %select_n3A_652 = arith.select %eq3A_651, %gather3A_628, %select_n3A_648 : vector<16xi1>, vector<16xf32>
        %swap3A_653 = arith.index_cast %add3A_624 : i32 to index
        %swap3A_654 = arith.constant 0 : index
        %swap3A_655 = tpu.vector_load %arg8[%swap3A_653, %swap3A_654] {strides = array<i32>} : memref<256x64xf32, #tpu.memory_space<vmem>>, vector<16xf32>,
        tpu.vector_store %arg8[%swap3A_653, %swap3A_654], %select_n3A_652 {strides = array<i32>} : memref<256x64xf32, #tpu.memory_space<vmem>>, vector<16xf32>,
        %swap3A_656 = arith.index_cast %add3A_624 : i32 to index
        %swap3A_657 = arith.constant 16 : index
        %swap3A_658 = tpu.vector_load %arg8[%swap3A_656, %swap3A_657] {strides = array<i32>} : memref<256x64xf32, #tpu.memory_space<vmem>>, vector<16xf32>,
        tpu.vector_store %arg8[%swap3A_656, %swap3A_657], %masked_sort3A_637 {strides = array<i32>} : memref<256x64xf32, #tpu.memory_space<vmem>>, vector<16xf32>,
        %swap3A_659 = arith.index_cast %add3A_624 : i32 to index
        %swap3A_660 = arith.constant 32 : index
        %swap3A_661 = tpu.vector_load %arg8[%swap3A_659, %swap3A_660] {strides = array<i32>} : memref<256x64xf32, #tpu.memory_space<vmem>>, vector<16xf32>,
        tpu.vector_store %arg8[%swap3A_659, %swap3A_660], %masked_sort3A_644 {strides = array<i32>} : memref<256x64xf32, #tpu.memory_space<vmem>>, vector<16xf32>,
        %swap3A_662 = arith.index_cast %add3A_624 : i32 to index
        %swap3A_663 = arith.constant 48 : index
        %swap3A_664 = tpu.vector_load %arg8[%swap3A_662, %swap3A_663] {strides = array<i32>} : memref<256x64xf32, #tpu.memory_space<vmem>>, vector<16xf32>,
        tpu.vector_store %arg8[%swap3A_662, %swap3A_663], %masked_sort3A_643 {strides = array<i32>} : memref<256x64xf32, #tpu.memory_space<vmem>>, vector<16xf32>,
        %mul3A_665 = arith.constant 32 : i32
        %mul3A_666 = arith.muli %add3A_78, %mul3A_665 : i32
        %add3A_667 = arith.addi %mul3A_666, %mul3A_103 : i32
        %add3A_668 = arith.constant 11 : i32
        %add3A_669 = arith.addi %add3A_667, %add3A_668 : i32
        %add3A_670 = arith.addi %select_n3A_32, %add3A_669 : i32
        %broadcast_in_dim3A_671 = vector.broadcast %add3A_670 : i32 to vector<16xi32>
        %gather3A_672 = tpu.vector_load_idx %arg6[%broadcast_in_dim3A_671] : memref<1024xf32, #tpu.memory_space<vmem>>[vector<16xi32>], vector<16xf32>,
        %gather3A_673 = tpu.vector_load_idx %arg7[%broadcast_in_dim3A_671] : memref<1024xf32, #tpu.memory_space<vmem>>[vector<16xi32>], vector<16xf32>,
        %gather3A_674 = tpu.vector_load_idx %arg6[%scan3A_171#23] : memref<1024xf32, #tpu.memory_space<vmem>>[vector<16xi32>], vector<16xf32>,
        %gather3A_675 = tpu.vector_load_idx %arg7[%scan3A_171#23] : memref<1024xf32, #tpu.memory_space<vmem>>[vector<16xi32>], vector<16xf32>,
        %jit3A_676 = arith.constant 1.000000e+30 : f32
        %broadcast_in_dim3A_677 = vector.broadcast %jit3A_676 : f32 to vector<16xf32>
        %select_n3A_678 = arith.select %lt3A_35, %gather3A_674, %broadcast_in_dim3A_677 : vector<16xi1>, vector<16xf32>
        %masked_sort3A_679 = arith.constant dense<true> : vector<16xi1>
        %masked_sort3A_680, %masked_sort3A_681, %masked_sort3A_682 = tpu.sort %select_n3A_678, %gather3A_675 masked %masked_sort3A_679 : (vector<16xf32>, vector<16xf32>, vector<16xi1>) -> (vector<16xi1>, vector<16xf32>, vector<16xf32>)
        %jit3A_683 = arith.constant 1.000000e+30 : f32
        %broadcast_in_dim3A_684 = vector.broadcast %jit3A_683 : f32 to vector<16xf32>
        %select_n3A_685 = arith.select %lt3A_35, %gather3A_675, %broadcast_in_dim3A_684 : vector<16xi1>, vector<16xf32>
        %masked_sort3A_686 = arith.constant dense<true> : vector<16xi1>
        %masked_sort3A_687, %masked_sort3A_688, %masked_sort3A_689 = tpu.sort %select_n3A_685, %gather3A_674 masked %masked_sort3A_686 : (vector<16xf32>, vector<16xf32>, vector<16xi1>) -> (vector<16xi1>, vector<16xf32>, vector<16xf32>)
        %eq3A_690 = arith.constant 10 : i32
        %eq3A_691 = vector.broadcast %eq3A_690 : i32 to vector<16xi32>
        %eq3A_692 = arith.cmpi eq, %iota3A, %eq3A_691 : vector<16xi32>
        %select_n3A_693 = arith.select %eq3A_692, %gather3A_672, %masked_sort3A_681 : vector<16xi1>, vector<16xf32>
        %eq3A_694 = arith.constant 11 : i32
        %eq3A_695 = vector.broadcast %eq3A_694 : i32 to vector<16xi32>
        %eq3A_696 = arith.cmpi eq, %iota3A, %eq3A_695 : vector<16xi32>
        %select_n3A_697 = arith.select %eq3A_696, %gather3A_673, %select_n3A_693 : vector<16xi1>, vector<16xf32>
        %swap3A_698 = arith.index_cast %add3A_669 : i32 to index
        %swap3A_699 = arith.constant 0 : index
        %swap3A_700 = tpu.vector_load %arg8[%swap3A_698, %swap3A_699] {strides = array<i32>} : memref<256x64xf32, #tpu.memory_space<vmem>>, vector<16xf32>,
        tpu.vector_store %arg8[%swap3A_698, %swap3A_699], %select_n3A_697 {strides = array<i32>} : memref<256x64xf32, #tpu.memory_space<vmem>>, vector<16xf32>,
        %swap3A_701 = arith.index_cast %add3A_669 : i32 to index
        %swap3A_702 = arith.constant 16 : index
        %swap3A_703 = tpu.vector_load %arg8[%swap3A_701, %swap3A_702] {strides = array<i32>} : memref<256x64xf32, #tpu.memory_space<vmem>>, vector<16xf32>,
        tpu.vector_store %arg8[%swap3A_701, %swap3A_702], %masked_sort3A_682 {strides = array<i32>} : memref<256x64xf32, #tpu.memory_space<vmem>>, vector<16xf32>,
        %swap3A_704 = arith.index_cast %add3A_669 : i32 to index
        %swap3A_705 = arith.constant 32 : index
        %swap3A_706 = tpu.vector_load %arg8[%swap3A_704, %swap3A_705] {strides = array<i32>} : memref<256x64xf32, #tpu.memory_space<vmem>>, vector<16xf32>,
        tpu.vector_store %arg8[%swap3A_704, %swap3A_705], %masked_sort3A_689 {strides = array<i32>} : memref<256x64xf32, #tpu.memory_space<vmem>>, vector<16xf32>,
        %swap3A_707 = arith.index_cast %add3A_669 : i32 to index
        %swap3A_708 = arith.constant 48 : index
        %swap3A_709 = tpu.vector_load %arg8[%swap3A_707, %swap3A_708] {strides = array<i32>} : memref<256x64xf32, #tpu.memory_space<vmem>>, vector<16xf32>,
        tpu.vector_store %arg8[%swap3A_707, %swap3A_708], %masked_sort3A_688 {strides = array<i32>} : memref<256x64xf32, #tpu.memory_space<vmem>>, vector<16xf32>,
        %mul3A_710 = arith.constant 32 : i32
        %mul3A_711 = arith.muli %add3A_78, %mul3A_710 : i32
        %add3A_712 = arith.addi %mul3A_711, %mul3A_103 : i32
        %add3A_713 = arith.constant 12 : i32
        %add3A_714 = arith.addi %add3A_712, %add3A_713 : i32
        %add3A_715 = arith.addi %select_n3A_32, %add3A_714 : i32
        %broadcast_in_dim3A_716 = vector.broadcast %add3A_715 : i32 to vector<16xi32>
        %gather3A_717 = tpu.vector_load_idx %arg6[%broadcast_in_dim3A_716] : memref<1024xf32, #tpu.memory_space<vmem>>[vector<16xi32>], vector<16xf32>,
        %gather3A_718 = tpu.vector_load_idx %arg7[%broadcast_in_dim3A_716] : memref<1024xf32, #tpu.memory_space<vmem>>[vector<16xi32>], vector<16xf32>,
        %gather3A_719 = tpu.vector_load_idx %arg6[%scan3A_171#25] : memref<1024xf32, #tpu.memory_space<vmem>>[vector<16xi32>], vector<16xf32>,
        %gather3A_720 = tpu.vector_load_idx %arg7[%scan3A_171#25] : memref<1024xf32, #tpu.memory_space<vmem>>[vector<16xi32>], vector<16xf32>,
        %jit3A_721 = arith.constant 1.000000e+30 : f32
        %broadcast_in_dim3A_722 = vector.broadcast %jit3A_721 : f32 to vector<16xf32>
        %select_n3A_723 = arith.select %lt3A_35, %gather3A_719, %broadcast_in_dim3A_722 : vector<16xi1>, vector<16xf32>
        %masked_sort3A_724 = arith.constant dense<true> : vector<16xi1>
        %masked_sort3A_725, %masked_sort3A_726, %masked_sort3A_727 = tpu.sort %select_n3A_723, %gather3A_720 masked %masked_sort3A_724 : (vector<16xf32>, vector<16xf32>, vector<16xi1>) -> (vector<16xi1>, vector<16xf32>, vector<16xf32>)
        %jit3A_728 = arith.constant 1.000000e+30 : f32
        %broadcast_in_dim3A_729 = vector.broadcast %jit3A_728 : f32 to vector<16xf32>
        %select_n3A_730 = arith.select %lt3A_35, %gather3A_720, %broadcast_in_dim3A_729 : vector<16xi1>, vector<16xf32>
        %masked_sort3A_731 = arith.constant dense<true> : vector<16xi1>
        %masked_sort3A_732, %masked_sort3A_733, %masked_sort3A_734 = tpu.sort %select_n3A_730, %gather3A_719 masked %masked_sort3A_731 : (vector<16xf32>, vector<16xf32>, vector<16xi1>) -> (vector<16xi1>, vector<16xf32>, vector<16xf32>)
        %eq3A_735 = arith.constant 10 : i32
        %eq3A_736 = vector.broadcast %eq3A_735 : i32 to vector<16xi32>
        %eq3A_737 = arith.cmpi eq, %iota3A, %eq3A_736 : vector<16xi32>
        %select_n3A_738 = arith.select %eq3A_737, %gather3A_717, %masked_sort3A_726 : vector<16xi1>, vector<16xf32>
        %eq3A_739 = arith.constant 11 : i32
        %eq3A_740 = vector.broadcast %eq3A_739 : i32 to vector<16xi32>
        %eq3A_741 = arith.cmpi eq, %iota3A, %eq3A_740 : vector<16xi32>
        %select_n3A_742 = arith.select %eq3A_741, %gather3A_718, %select_n3A_738 : vector<16xi1>, vector<16xf32>
        %swap3A_743 = arith.index_cast %add3A_714 : i32 to index
        %swap3A_744 = arith.constant 0 : index
        %swap3A_745 = tpu.vector_load %arg8[%swap3A_743, %swap3A_744] {strides = array<i32>} : memref<256x64xf32, #tpu.memory_space<vmem>>, vector<16xf32>,
        tpu.vector_store %arg8[%swap3A_743, %swap3A_744], %select_n3A_742 {strides = array<i32>} : memref<256x64xf32, #tpu.memory_space<vmem>>, vector<16xf32>,
        %swap3A_746 = arith.index_cast %add3A_714 : i32 to index
        %swap3A_747 = arith.constant 16 : index
        %swap3A_748 = tpu.vector_load %arg8[%swap3A_746, %swap3A_747] {strides = array<i32>} : memref<256x64xf32, #tpu.memory_space<vmem>>, vector<16xf32>,
        tpu.vector_store %arg8[%swap3A_746, %swap3A_747], %masked_sort3A_727 {strides = array<i32>} : memref<256x64xf32, #tpu.memory_space<vmem>>, vector<16xf32>,
        %swap3A_749 = arith.index_cast %add3A_714 : i32 to index
        %swap3A_750 = arith.constant 32 : index
        %swap3A_751 = tpu.vector_load %arg8[%swap3A_749, %swap3A_750] {strides = array<i32>} : memref<256x64xf32, #tpu.memory_space<vmem>>, vector<16xf32>,
        tpu.vector_store %arg8[%swap3A_749, %swap3A_750], %masked_sort3A_734 {strides = array<i32>} : memref<256x64xf32, #tpu.memory_space<vmem>>, vector<16xf32>,
        %swap3A_752 = arith.index_cast %add3A_714 : i32 to index
        %swap3A_753 = arith.constant 48 : index
        %swap3A_754 = tpu.vector_load %arg8[%swap3A_752, %swap3A_753] {strides = array<i32>} : memref<256x64xf32, #tpu.memory_space<vmem>>, vector<16xf32>,
        tpu.vector_store %arg8[%swap3A_752, %swap3A_753], %masked_sort3A_733 {strides = array<i32>} : memref<256x64xf32, #tpu.memory_space<vmem>>, vector<16xf32>,
        %mul3A_755 = arith.constant 32 : i32
        %mul3A_756 = arith.muli %add3A_78, %mul3A_755 : i32
        %add3A_757 = arith.addi %mul3A_756, %mul3A_103 : i32
        %add3A_758 = arith.constant 13 : i32
        %add3A_759 = arith.addi %add3A_757, %add3A_758 : i32
        %add3A_760 = arith.addi %select_n3A_32, %add3A_759 : i32
        %broadcast_in_dim3A_761 = vector.broadcast %add3A_760 : i32 to vector<16xi32>
        %gather3A_762 = tpu.vector_load_idx %arg6[%broadcast_in_dim3A_761] : memref<1024xf32, #tpu.memory_space<vmem>>[vector<16xi32>], vector<16xf32>,
        %gather3A_763 = tpu.vector_load_idx %arg7[%broadcast_in_dim3A_761] : memref<1024xf32, #tpu.memory_space<vmem>>[vector<16xi32>], vector<16xf32>,
        %gather3A_764 = tpu.vector_load_idx %arg6[%scan3A_171#27] : memref<1024xf32, #tpu.memory_space<vmem>>[vector<16xi32>], vector<16xf32>,
        %gather3A_765 = tpu.vector_load_idx %arg7[%scan3A_171#27] : memref<1024xf32, #tpu.memory_space<vmem>>[vector<16xi32>], vector<16xf32>,
        %jit3A_766 = arith.constant 1.000000e+30 : f32
        %broadcast_in_dim3A_767 = vector.broadcast %jit3A_766 : f32 to vector<16xf32>
        %select_n3A_768 = arith.select %lt3A_35, %gather3A_764, %broadcast_in_dim3A_767 : vector<16xi1>, vector<16xf32>
        %masked_sort3A_769 = arith.constant dense<true> : vector<16xi1>
        %masked_sort3A_770, %masked_sort3A_771, %masked_sort3A_772 = tpu.sort %select_n3A_768, %gather3A_765 masked %masked_sort3A_769 : (vector<16xf32>, vector<16xf32>, vector<16xi1>) -> (vector<16xi1>, vector<16xf32>, vector<16xf32>)
        %jit3A_773 = arith.constant 1.000000e+30 : f32
        %broadcast_in_dim3A_774 = vector.broadcast %jit3A_773 : f32 to vector<16xf32>
        %select_n3A_775 = arith.select %lt3A_35, %gather3A_765, %broadcast_in_dim3A_774 : vector<16xi1>, vector<16xf32>
        %masked_sort3A_776 = arith.constant dense<true> : vector<16xi1>
        %masked_sort3A_777, %masked_sort3A_778, %masked_sort3A_779 = tpu.sort %select_n3A_775, %gather3A_764 masked %masked_sort3A_776 : (vector<16xf32>, vector<16xf32>, vector<16xi1>) -> (vector<16xi1>, vector<16xf32>, vector<16xf32>)
        %eq3A_780 = arith.constant 10 : i32
        %eq3A_781 = vector.broadcast %eq3A_780 : i32 to vector<16xi32>
        %eq3A_782 = arith.cmpi eq, %iota3A, %eq3A_781 : vector<16xi32>
        %select_n3A_783 = arith.select %eq3A_782, %gather3A_762, %masked_sort3A_771 : vector<16xi1>, vector<16xf32>
        %eq3A_784 = arith.constant 11 : i32
        %eq3A_785 = vector.broadcast %eq3A_784 : i32 to vector<16xi32>
        %eq3A_786 = arith.cmpi eq, %iota3A, %eq3A_785 : vector<16xi32>
        %select_n3A_787 = arith.select %eq3A_786, %gather3A_763, %select_n3A_783 : vector<16xi1>, vector<16xf32>
        %swap3A_788 = arith.index_cast %add3A_759 : i32 to index
        %swap3A_789 = arith.constant 0 : index
        %swap3A_790 = tpu.vector_load %arg8[%swap3A_788, %swap3A_789] {strides = array<i32>} : memref<256x64xf32, #tpu.memory_space<vmem>>, vector<16xf32>,
        tpu.vector_store %arg8[%swap3A_788, %swap3A_789], %select_n3A_787 {strides = array<i32>} : memref<256x64xf32, #tpu.memory_space<vmem>>, vector<16xf32>,
        %swap3A_791 = arith.index_cast %add3A_759 : i32 to index
        %swap3A_792 = arith.constant 16 : index
        %swap3A_793 = tpu.vector_load %arg8[%swap3A_791, %swap3A_792] {strides = array<i32>} : memref<256x64xf32, #tpu.memory_space<vmem>>, vector<16xf32>,
        tpu.vector_store %arg8[%swap3A_791, %swap3A_792], %masked_sort3A_772 {strides = array<i32>} : memref<256x64xf32, #tpu.memory_space<vmem>>, vector<16xf32>,
        %swap3A_794 = arith.index_cast %add3A_759 : i32 to index
        %swap3A_795 = arith.constant 32 : index
        %swap3A_796 = tpu.vector_load %arg8[%swap3A_794, %swap3A_795] {strides = array<i32>} : memref<256x64xf32, #tpu.memory_space<vmem>>, vector<16xf32>,
        tpu.vector_store %arg8[%swap3A_794, %swap3A_795], %masked_sort3A_779 {strides = array<i32>} : memref<256x64xf32, #tpu.memory_space<vmem>>, vector<16xf32>,
        %swap3A_797 = arith.index_cast %add3A_759 : i32 to index
        %swap3A_798 = arith.constant 48 : index
        %swap3A_799 = tpu.vector_load %arg8[%swap3A_797, %swap3A_798] {strides = array<i32>} : memref<256x64xf32, #tpu.memory_space<vmem>>, vector<16xf32>,
        tpu.vector_store %arg8[%swap3A_797, %swap3A_798], %masked_sort3A_778 {strides = array<i32>} : memref<256x64xf32, #tpu.memory_space<vmem>>, vector<16xf32>,
        %mul3A_800 = arith.constant 32 : i32
        %mul3A_801 = arith.muli %add3A_78, %mul3A_800 : i32
        %add3A_802 = arith.addi %mul3A_801, %mul3A_103 : i32
        %add3A_803 = arith.constant 14 : i32
        %add3A_804 = arith.addi %add3A_802, %add3A_803 : i32
        %add3A_805 = arith.addi %select_n3A_32, %add3A_804 : i32
        %broadcast_in_dim3A_806 = vector.broadcast %add3A_805 : i32 to vector<16xi32>
        %gather3A_807 = tpu.vector_load_idx %arg6[%broadcast_in_dim3A_806] : memref<1024xf32, #tpu.memory_space<vmem>>[vector<16xi32>], vector<16xf32>,
        %gather3A_808 = tpu.vector_load_idx %arg7[%broadcast_in_dim3A_806] : memref<1024xf32, #tpu.memory_space<vmem>>[vector<16xi32>], vector<16xf32>,
        %gather3A_809 = tpu.vector_load_idx %arg6[%scan3A_171#29] : memref<1024xf32, #tpu.memory_space<vmem>>[vector<16xi32>], vector<16xf32>,
        %gather3A_810 = tpu.vector_load_idx %arg7[%scan3A_171#29] : memref<1024xf32, #tpu.memory_space<vmem>>[vector<16xi32>], vector<16xf32>,
        %jit3A_811 = arith.constant 1.000000e+30 : f32
        %broadcast_in_dim3A_812 = vector.broadcast %jit3A_811 : f32 to vector<16xf32>
        %select_n3A_813 = arith.select %lt3A_35, %gather3A_809, %broadcast_in_dim3A_812 : vector<16xi1>, vector<16xf32>
        %masked_sort3A_814 = arith.constant dense<true> : vector<16xi1>
        %masked_sort3A_815, %masked_sort3A_816, %masked_sort3A_817 = tpu.sort %select_n3A_813, %gather3A_810 masked %masked_sort3A_814 : (vector<16xf32>, vector<16xf32>, vector<16xi1>) -> (vector<16xi1>, vector<16xf32>, vector<16xf32>)
        %jit3A_818 = arith.constant 1.000000e+30 : f32
        %broadcast_in_dim3A_819 = vector.broadcast %jit3A_818 : f32 to vector<16xf32>
        %select_n3A_820 = arith.select %lt3A_35, %gather3A_810, %broadcast_in_dim3A_819 : vector<16xi1>, vector<16xf32>
        %masked_sort3A_821 = arith.constant dense<true> : vector<16xi1>
        %masked_sort3A_822, %masked_sort3A_823, %masked_sort3A_824 = tpu.sort %select_n3A_820, %gather3A_809 masked %masked_sort3A_821 : (vector<16xf32>, vector<16xf32>, vector<16xi1>) -> (vector<16xi1>, vector<16xf32>, vector<16xf32>)
        %eq3A_825 = arith.constant 10 : i32
        %eq3A_826 = vector.broadcast %eq3A_825 : i32 to vector<16xi32>
        %eq3A_827 = arith.cmpi eq, %iota3A, %eq3A_826 : vector<16xi32>
        %select_n3A_828 = arith.select %eq3A_827, %gather3A_807, %masked_sort3A_816 : vector<16xi1>, vector<16xf32>
        %eq3A_829 = arith.constant 11 : i32
        %eq3A_830 = vector.broadcast %eq3A_829 : i32 to vector<16xi32>
        %eq3A_831 = arith.cmpi eq, %iota3A, %eq3A_830 : vector<16xi32>
        %select_n3A_832 = arith.select %eq3A_831, %gather3A_808, %select_n3A_828 : vector<16xi1>, vector<16xf32>
        %swap3A_833 = arith.index_cast %add3A_804 : i32 to index
        %swap3A_834 = arith.constant 0 : index
        %swap3A_835 = tpu.vector_load %arg8[%swap3A_833, %swap3A_834] {strides = array<i32>} : memref<256x64xf32, #tpu.memory_space<vmem>>, vector<16xf32>,
        tpu.vector_store %arg8[%swap3A_833, %swap3A_834], %select_n3A_832 {strides = array<i32>} : memref<256x64xf32, #tpu.memory_space<vmem>>, vector<16xf32>,
        %swap3A_836 = arith.index_cast %add3A_804 : i32 to index
        %swap3A_837 = arith.constant 16 : index
        %swap3A_838 = tpu.vector_load %arg8[%swap3A_836, %swap3A_837] {strides = array<i32>} : memref<256x64xf32, #tpu.memory_space<vmem>>, vector<16xf32>,
        tpu.vector_store %arg8[%swap3A_836, %swap3A_837], %masked_sort3A_817 {strides = array<i32>} : memref<256x64xf32, #tpu.memory_space<vmem>>, vector<16xf32>,
        %swap3A_839 = arith.index_cast %add3A_804 : i32 to index
        %swap3A_840 = arith.constant 32 : index
        %swap3A_841 = tpu.vector_load %arg8[%swap3A_839, %swap3A_840] {strides = array<i32>} : memref<256x64xf32, #tpu.memory_space<vmem>>, vector<16xf32>,
        tpu.vector_store %arg8[%swap3A_839, %swap3A_840], %masked_sort3A_824 {strides = array<i32>} : memref<256x64xf32, #tpu.memory_space<vmem>>, vector<16xf32>,
        %swap3A_842 = arith.index_cast %add3A_804 : i32 to index
        %swap3A_843 = arith.constant 48 : index
        %swap3A_844 = tpu.vector_load %arg8[%swap3A_842, %swap3A_843] {strides = array<i32>} : memref<256x64xf32, #tpu.memory_space<vmem>>, vector<16xf32>,
        tpu.vector_store %arg8[%swap3A_842, %swap3A_843], %masked_sort3A_823 {strides = array<i32>} : memref<256x64xf32, #tpu.memory_space<vmem>>, vector<16xf32>,
        %mul3A_845 = arith.constant 32 : i32
        %mul3A_846 = arith.muli %add3A_78, %mul3A_845 : i32
        %add3A_847 = arith.addi %mul3A_846, %mul3A_103 : i32
        %add3A_848 = arith.constant 15 : i32
        %add3A_849 = arith.addi %add3A_847, %add3A_848 : i32
        %add3A_850 = arith.addi %select_n3A_32, %add3A_849 : i32
        %broadcast_in_dim3A_851 = vector.broadcast %add3A_850 : i32 to vector<16xi32>
        %gather3A_852 = tpu.vector_load_idx %arg6[%broadcast_in_dim3A_851] : memref<1024xf32, #tpu.memory_space<vmem>>[vector<16xi32>], vector<16xf32>,
        %gather3A_853 = tpu.vector_load_idx %arg7[%broadcast_in_dim3A_851] : memref<1024xf32, #tpu.memory_space<vmem>>[vector<16xi32>], vector<16xf32>,
        %gather3A_854 = tpu.vector_load_idx %arg6[%scan3A_171#31] : memref<1024xf32, #tpu.memory_space<vmem>>[vector<16xi32>], vector<16xf32>,
        %gather3A_855 = tpu.vector_load_idx %arg7[%scan3A_171#31] : memref<1024xf32, #tpu.memory_space<vmem>>[vector<16xi32>], vector<16xf32>,
        %jit3A_856 = arith.constant 1.000000e+30 : f32
        %broadcast_in_dim3A_857 = vector.broadcast %jit3A_856 : f32 to vector<16xf32>
        %select_n3A_858 = arith.select %lt3A_35, %gather3A_854, %broadcast_in_dim3A_857 : vector<16xi1>, vector<16xf32>
        %masked_sort3A_859 = arith.constant dense<true> : vector<16xi1>
        %masked_sort3A_860, %masked_sort3A_861, %masked_sort3A_862 = tpu.sort %select_n3A_858, %gather3A_855 masked %masked_sort3A_859 : (vector<16xf32>, vector<16xf32>, vector<16xi1>) -> (vector<16xi1>, vector<16xf32>, vector<16xf32>)
        %jit3A_863 = arith.constant 1.000000e+30 : f32
        %broadcast_in_dim3A_864 = vector.broadcast %jit3A_863 : f32 to vector<16xf32>
        %select_n3A_865 = arith.select %lt3A_35, %gather3A_855, %broadcast_in_dim3A_864 : vector<16xi1>, vector<16xf32>
        %masked_sort3A_866 = arith.constant dense<true> : vector<16xi1>
        %masked_sort3A_867, %masked_sort3A_868, %masked_sort3A_869 = tpu.sort %select_n3A_865, %gather3A_854 masked %masked_sort3A_866 : (vector<16xf32>, vector<16xf32>, vector<16xi1>) -> (vector<16xi1>, vector<16xf32>, vector<16xf32>)
        %eq3A_870 = arith.constant 10 : i32
        %eq3A_871 = vector.broadcast %eq3A_870 : i32 to vector<16xi32>
        %eq3A_872 = arith.cmpi eq, %iota3A, %eq3A_871 : vector<16xi32>
        %select_n3A_873 = arith.select %eq3A_872, %gather3A_852, %masked_sort3A_861 : vector<16xi1>, vector<16xf32>
        %eq3A_874 = arith.constant 11 : i32
        %eq3A_875 = vector.broadcast %eq3A_874 : i32 to vector<16xi32>
        %eq3A_876 = arith.cmpi eq, %iota3A, %eq3A_875 : vector<16xi32>
        %select_n3A_877 = arith.select %eq3A_876, %gather3A_853, %select_n3A_873 : vector<16xi1>, vector<16xf32>
        %swap3A_878 = arith.index_cast %add3A_849 : i32 to index
        %swap3A_879 = arith.constant 0 : index
        %swap3A_880 = tpu.vector_load %arg8[%swap3A_878, %swap3A_879] {strides = array<i32>} : memref<256x64xf32, #tpu.memory_space<vmem>>, vector<16xf32>,
        tpu.vector_store %arg8[%swap3A_878, %swap3A_879], %select_n3A_877 {strides = array<i32>} : memref<256x64xf32, #tpu.memory_space<vmem>>, vector<16xf32>,
        %swap3A_881 = arith.index_cast %add3A_849 : i32 to index
        %swap3A_882 = arith.constant 16 : index
        %swap3A_883 = tpu.vector_load %arg8[%swap3A_881, %swap3A_882] {strides = array<i32>} : memref<256x64xf32, #tpu.memory_space<vmem>>, vector<16xf32>,
        tpu.vector_store %arg8[%swap3A_881, %swap3A_882], %masked_sort3A_862 {strides = array<i32>} : memref<256x64xf32, #tpu.memory_space<vmem>>, vector<16xf32>,
        %swap3A_884 = arith.index_cast %add3A_849 : i32 to index
        %swap3A_885 = arith.constant 32 : index
        %swap3A_886 = tpu.vector_load %arg8[%swap3A_884, %swap3A_885] {strides = array<i32>} : memref<256x64xf32, #tpu.memory_space<vmem>>, vector<16xf32>,
        tpu.vector_store %arg8[%swap3A_884, %swap3A_885], %masked_sort3A_869 {strides = array<i32>} : memref<256x64xf32, #tpu.memory_space<vmem>>, vector<16xf32>,
        %swap3A_887 = arith.index_cast %add3A_849 : i32 to index
        %swap3A_888 = arith.constant 48 : index
        %swap3A_889 = tpu.vector_load %arg8[%swap3A_887, %swap3A_888] {strides = array<i32>} : memref<256x64xf32, #tpu.memory_space<vmem>>, vector<16xf32>,
        tpu.vector_store %arg8[%swap3A_887, %swap3A_888], %masked_sort3A_868 {strides = array<i32>} : memref<256x64xf32, #tpu.memory_space<vmem>>, vector<16xf32>,
        %scan3A_890 = arith.constant 0 : i32
        scf.yield %scan3A_890 : i32
      }
      %scan3A_92 = arith.constant 2 : i32
      %add3A_93 = arith.constant 2 : i32
      %add3A_94 = arith.addi %add3A_78, %add3A_93 : i32
      %lt3A_95 = arith.constant 8 : i32
      %lt3A_96 = arith.cmpi slt, %add3A_94, %lt3A_95 : i32
      %convert_element_type3A_97 = arith.extui %lt3A_96 : i1 to i32
      %cond3A_98 = arith.constant 0 : i32
      %cond3A_99 = arith.cmpi ne, %convert_element_type3A_97, %cond3A_98 : i32
      scf.if %cond3A_99 {
        %add3A_100 = arith.constant 2 : i32
        %add3A_101 = arith.addi %add3A_78, %add3A_100 : i32
        %mul3A_102 = arith.constant 32 : i32
        %mul3A_103 = arith.muli %add3A_101, %mul3A_102 : i32
        %add3A_104 = arith.addi %mul3A_2, %mul3A_103 : i32
        %dma_start3A_105 = arith.constant 0 : i32
        %dma_start3A_106 = tpu.memref_slice %arg4[%add3A_104, %dma_start3A_105] : memref<8192x1024xf32, #tpu.memory_space<hbm>> -> memref<32x1024xf32, #tpu.memory_space<hbm>>
        %dma_start3A_107 = arith.constant 0 : i32
        %dma_start3A_108 = tpu.memref_slice %arg4[%add3A_104, %dma_start3A_107] : memref<8192x1024xf32, #tpu.memory_space<hbm>> -> memref<32x1024xf32, #tpu.memory_space<hbm>>
        tpu.enqueue_dma source(%dma_start3A_108 : memref<32x1024xf32, #tpu.memory_space<hbm>>) target(%arg10 : memref<32x1024xf32, #tpu.memory_space<vmem>>) target_semaphore(%arg12 : memref<!tpu.dma_semaphore, #tpu.memory_space<semaphore_mem>>)
      } else {
      }
    }
    %scan3A_51 = arith.constant 4 : i32
    "tpu.region"() ({
      %run_scoped3A = tpu.sem_alloc : memref<!tpu.dma_semaphore, #tpu.memory_space<semaphore_mem>>
      %dma_start3A_52 = arith.constant 0 : i32
      %dma_start3A_53 = tpu.memref_slice %arg5[%mul3A_2, %dma_start3A_52] : memref<8192x64xf32, #tpu.memory_space<hbm>> -> memref<256x64xf32, #tpu.memory_space<hbm>>
      %dma_start3A_54 = arith.constant 0 : i32
      %dma_start3A_55 = tpu.memref_slice %arg5[%mul3A_2, %dma_start3A_54] : memref<8192x64xf32, #tpu.memory_space<hbm>> -> memref<256x64xf32, #tpu.memory_space<hbm>>
      tpu.enqueue_dma source(%arg8 : memref<256x64xf32, #tpu.memory_space<vmem>>) target(%dma_start3A_55 : memref<256x64xf32, #tpu.memory_space<hbm>>) target_semaphore(%run_scoped3A : memref<!tpu.dma_semaphore, #tpu.memory_space<semaphore_mem>>)
      %dma_wait3A = arith.constant 0 : i32
      %dma_wait3A_56 = tpu.memref_slice %arg5[%mul3A_2, %dma_wait3A] : memref<8192x64xf32, #tpu.memory_space<hbm>> -> memref<256x64xf32, #tpu.memory_space<hbm>>
      %dma_wait3A_57 = arith.constant 0 : i32
      %dma_wait3A_58 = tpu.memref_slice %arg5[%mul3A_2, %dma_wait3A_57] : memref<8192x64xf32, #tpu.memory_space<hbm>> -> memref<256x64xf32, #tpu.memory_space<hbm>>
      tpu.wait_dma2 semaphore(%run_scoped3A : memref<!tpu.dma_semaphore, #tpu.memory_space<semaphore_mem>>) src(%arg8 : memref<256x64xf32, #tpu.memory_space<vmem>>) dst(%dma_wait3A_58 : memref<256x64xf32, #tpu.memory_space<hbm>>)
      tpu.yield
    }) : () -> ()
    return
  }
}

module attributes {stable_mosaic.version = 14 : i64} {
  func.func @_d2_body(%arg0: i32, %arg1: memref<1x1024x2xf32, #tpu.memory_space<vmem>>, %arg2: memref<1024x1024xf32, #tpu.memory_space<vmem>>) attributes {dimension_semantics = [#tpu.dimension_semantics<arbitrary>], iteration_bounds = array<i64: 8>, scalar_prefetch = 0 : i64, scratch_operands = 0 : i64, tpu.core_type = #tpu.core_type<tc>, window_params = [{transform_indices = @transform_0, window_bounds = array<i64: 1, 1024, 2>}, {transform_indices = @transform_1, window_bounds = array<i64: 1024, 1024>}]} {
    %get3A = arith.constant 0 : index
    %get3A_0 = arith.constant 0 : index
    %get3A_1 = arith.constant 0 : index
    %get3A_2 = vector.load %arg1[%get3A, %get3A_0, %get3A_1] : memref<1x1024x2xf32, #tpu.memory_space<vmem>>, vector<1x1024x2xf32>
    %get3A_3 = vector.shape_cast %get3A_2 : vector<1x1024x2xf32> to vector<1024x2xf32>
    %mul3A = arith.mulf %get3A_3, %get3A_3 : vector<1024x2xf32>
    %reduce_sum3A = arith.constant dense<0.000000e+00> : vector<1024xf32>
    %reduce_sum3A_4 = vector.multi_reduction <add>, %mul3A, %reduce_sum3A [1] : vector<1024x2xf32> to vector<1024xf32>
    %dot_general3A = arith.constant dense<0.000000e+00> : vector<1024x1024xf32>
    %dot_general3A_5 = tpu.matmul %get3A_3, %get3A_3, %dot_general3A {dimension_numbers = #tpu.dot_dimension_numbers<[1], [1], [0], [0], [0, 0, 1, 0], [], []>, transpose_lhs_hint = false} : vector<1024x2xf32>, vector<1024x2xf32>, vector<1024x1024xf32> -> vector<1024x1024xf32>
    %broadcast_in_dim3A = vector.shape_cast %reduce_sum3A_4 : vector<1024xf32> to vector<1024x1xf32>
    %broadcast_in_dim3A_6 = vector.shape_cast %reduce_sum3A_4 : vector<1024xf32> to vector<1x1024xf32>
    %add3A = vector.broadcast %broadcast_in_dim3A : vector<1024x1xf32> to vector<1024x1024xf32>
    %add3A_7 = vector.broadcast %broadcast_in_dim3A_6 : vector<1x1024xf32> to vector<1024x1024xf32>
    %add3A_8 = arith.addf %add3A, %add3A_7 : vector<1024x1024xf32>
    %mul3A_9 = arith.constant 2.000000e+00 : f32
    %mul3A_10 = vector.broadcast %mul3A_9 : f32 to vector<1024x1024xf32>
    %mul3A_11 = arith.mulf %mul3A_10, %dot_general3A_5 : vector<1024x1024xf32>
    %sub3A = arith.subf %add3A_8, %mul3A_11 : vector<1024x1024xf32>
    %max3A = arith.constant 0.000000e+00 : f32
    %max3A_12 = vector.broadcast %max3A : f32 to vector<1024x1024xf32>
    %max3A_13 = arith.maximumf %sub3A, %max3A_12 : vector<1024x1024xf32>
    %sqrt3A = math.sqrt %max3A_13 : vector<1024x1024xf32>
    %swap3A = arith.constant 0 : index
    %swap3A_14 = arith.constant 0 : index
    %swap3A_15 = vector.load %arg2[%swap3A, %swap3A_14] : memref<1024x1024xf32, #tpu.memory_space<vmem>>, vector<1024x1024xf32>
    tpu.vector_store %arg2[%swap3A, %swap3A_14], %sqrt3A {strides = array<i32>} : memref<1024x1024xf32, #tpu.memory_space<vmem>>, vector<1024x1024xf32>,
    return
  }
  func.func @transform_0(%arg0: i32) -> (i32, i32, i32) {
    %c0_i32 = arith.constant 0 : i32
    %c0_i32_0 = arith.constant 0 : i32
    %c0_i32_1 = arith.constant 0 : i32
    return %arg0, %c0_i32, %c0_i32_0 : i32, i32, i32
  }
  func.func @transform_1(%arg0: i32) -> (i32, i32) {
    %c0_i32 = arith.constant 0 : i32
    %c0_i32_0 = arith.constant 0 : i32
    return %arg0, %c0_i32 : i32, i32
  }
}

module attributes {stable_mosaic.version = 14 : i64} {
  func.func @_mm_body(%arg0: i32, %arg1: memref<1024x64xf32, #tpu.memory_space<vmem>>, %arg2: memref<64x128xf32, #tpu.memory_space<vmem>>, %arg3: memref<128xf32, #tpu.memory_space<vmem>>, %arg4: memref<1024x128xf32, #tpu.memory_space<vmem>>) attributes {dimension_semantics = [#tpu.dimension_semantics<arbitrary>], iteration_bounds = array<i64: 8>, scalar_prefetch = 0 : i64, scratch_operands = 0 : i64, tpu.core_type = #tpu.core_type<tc>, window_params = [{transform_indices = @transform_0, window_bounds = array<i64: 1024, 64>}, {pipeline_mode = #tpu.pipeline_mode<synchronous>, transform_indices = @transform_1, window_bounds = array<i64: 64, 128>}, {pipeline_mode = #tpu.pipeline_mode<synchronous>, transform_indices = @transform_2, window_bounds = array<i64: 128>}, {transform_indices = @transform_3, window_bounds = array<i64: 1024, 128>}]} {
    %get3A = arith.constant 0 : index
    %get3A_0 = arith.constant 0 : index
    %get3A_1 = vector.load %arg1[%get3A, %get3A_0] : memref<1024x64xf32, #tpu.memory_space<vmem>>, vector<1024x64xf32>
    %get3A_2 = arith.constant 0 : index
    %get3A_3 = arith.constant 0 : index
    %get3A_4 = vector.load %arg2[%get3A_2, %get3A_3] : memref<64x128xf32, #tpu.memory_space<vmem>>, vector<64x128xf32>
    %dot_general3A = arith.constant dense<0.000000e+00> : vector<1024x128xf32>
    %dot_general3A_5 = tpu.matmul %get3A_1, %get3A_4, %dot_general3A {dimension_numbers = #tpu.dot_dimension_numbers<[1], [0], [0], [1], [0, 0, 1, 1], [], []>, transpose_lhs_hint = false} : vector<1024x64xf32>, vector<64x128xf32>, vector<1024x128xf32> -> vector<1024x128xf32>
    %get3A_6 = arith.constant 0 : index
    %get3A_7 = vector.load %arg3[%get3A_6] : memref<128xf32, #tpu.memory_space<vmem>>, vector<128xf32>
    %broadcast_in_dim3A = vector.shape_cast %get3A_7 : vector<128xf32> to vector<1x128xf32>
    %add3A = vector.broadcast %broadcast_in_dim3A : vector<1x128xf32> to vector<1024x128xf32>
    %add3A_8 = arith.addf %dot_general3A_5, %add3A : vector<1024x128xf32>
    %swap3A = arith.constant 0 : index
    %swap3A_9 = arith.constant 0 : index
    %swap3A_10 = vector.load %arg4[%swap3A, %swap3A_9] : memref<1024x128xf32, #tpu.memory_space<vmem>>, vector<1024x128xf32>
    tpu.vector_store %arg4[%swap3A, %swap3A_9], %add3A_8 {strides = array<i32>} : memref<1024x128xf32, #tpu.memory_space<vmem>>, vector<1024x128xf32>,
    return
  }
  func.func @transform_0(%arg0: i32) -> (i32, i32) {
    %c0_i32 = arith.constant 0 : i32
    %c0_i32_0 = arith.constant 0 : i32
    return %arg0, %c0_i32 : i32, i32
  }
  func.func @transform_1(%arg0: i32) -> (i32, i32) {
    %c0_i32 = arith.constant 0 : i32
    %c0_i32_0 = arith.constant 0 : i32
    %c0_i32_1 = arith.constant 0 : i32
    return %c0_i32, %c0_i32_0 : i32, i32
  }
  func.func @transform_2(%arg0: i32) -> i32 {
    %c0_i32 = arith.constant 0 : i32
    %c0_i32_0 = arith.constant 0 : i32
    return %c0_i32 : i32
  }
  func.func @transform_3(%arg0: i32) -> (i32, i32) {
    %c0_i32 = arith.constant 0 : i32
    %c0_i32_0 = arith.constant 0 : i32
    return %arg0, %c0_i32 : i32, i32
  }
}

</mosaic_0001>

<sc_bundles>
// kernel: kernel.5.cloned.1.call-start
scs
__scs_entry_jumppad:
0x0: {  	(pc) =	sbr.rel $0x88, $3  }
0x1: {  	(tag) =	ssettag $0x0;
	lr =	simm.s32 $0x1  }
0x2: {  	[smem:$0x3F98] =	sst lr;
	_ =	strace $0xD0000000  }
0x3: {  	_ = 	snop  }
0x4: {  	_ = 	snop  }
0x5: {  	_ = 	snop  }
0x6: {  	_ = 	snop  }
0x7: {  	_ = 	snop  }
__scs_overlays_trampoline_lowered:
0x8: {  	[smem:$0x3FA7] =	sst s0  }
0x9: {  	[smem:$0x3FA8] =	sst s1  }
0xa: {  	[smem:$0x3FA9] =	sst s2  }
0xb: {  	[smem:$0x3FAA] =	sst s3  }
0xc: {  	[smem:$0x3FAB] =	sst s4  }
0xd: {  	[smem:$0x3FAC] =	sst s5  }
0xe: {  	[smem:$0x3FAD] =	sst s6  }
0xf: {  	[smem:$0x3FAE] =	sst s7  }
0x10: {  	[smem:$0x3FAF] =	sst s8  }
0x11: {  	[smem:$0x3FB0] =	sst s9;
	s0 =	simm.s32 @!p0 $0x0  }
0x12: {  	s1 =	sld [smem:$0x3F96];
	s0 =	simm.s32 @p0 $0x1  }
0x13: {  	[smem:$0x3FB1] =	sst s0;
	s0 =	simm.s32 @!p1 $0x0  }
0x14: {  	s2 =	sld [smem:$0x3F95];
	s0 =	simm.s32 @p1 $0x1  }
0x15: {  	[smem:$0x3FB2] =	sst s0;
	s0 =	simm.s32 @!p2 $0x0  }
0x16: {  	s3 =	sld [smem:$0x3FDB];
	s0 =	simm.s32 @p2 $0x1  }
0x17: {  	s4 =	simm.s32 $0x1BF5;
	[smem:$0x3FB4] =	sst s0  }
0x18: {  	s0 =	sld [smem:$0x3F97];
	_ =	swait.ge [sflag:s4], $0x0  }
0x19: {  	s7 =	sld [smem:$0x3F98]  }
0x1a: {  	s8 =	sadd.s32 $0xFFFFE003, lr  }
0x1b: {  	s9 =	sadd.s32 $0xFFFFFEF7, lr;
	s5 =	simm.s32 $0xFFFFFFFF;
	p2 =	slt.u32 s8, $0xFFFFF086  }
0x1c: {  	p1 =	slt.u32 s9, $0xF7A;
	s5 =	simm.s32 @!p2 $0x0  }
0x1d: {  	s5 =	simm.s32 @p1 $0x1;
	p0 =	seq.s32 s7, s2  }
0x1e: {  	s7 =	smul.u32 @!p0 $0xF7A, s2;
	p2 =	seq.s32 @!p0 s5, $0x0  }
0x1f: {  	s9 =	smul.u32 $0xF7A, s1;
	s8 =	simm.s32 @!p0 $0x1BF5;
	p2 =	por !p2, p0  }
0x20: {  	[sflag:s8] =	ssyncset.s32 @!p0 $0xFFFFF086;
	s6 =	sadd.s32 @!p0 s3, s7;
	s7 =	simm.s32 @!p0 $0x108  }
0x21: {  	s3 =	sadd.s32 s3, s9;
	s6 =	sadd.s32 @!p0 $0x88, s6;
	s7 =	simm.s32 @p2 $0x1082  }
0x22: {  	[simem:s7], [sflag:s8] =	dma.local @!p0 [hbm:s6], $0xF7A  }
0x23: {  	s9 =	sor.u32 $0xD0000000, s2;
	s6 =	simm.s32 $0x108;
	_ =	swait.ge @!p0 [sflag:s8], $0x0  }
0x24: {  	s3 =	sadd.s32 $0x88, s3;
	s6 =	simm.s32 @!p1 $0x1082;
	[sflag:s4] =	ssyncset.s32 $0xFFFFF086  }
0x25: {  	[simem:s6], [sflag:s4] =	dma.local [hbm:s3], $0xF7A  }
0x26: {  	[smem:$0x3F98] =	sst s1;
	(tag) =	ssettag s2;
	_ =	strace s9  }
0x27: {  	s1 =	sld [smem:$0x3FA8]  }
0x28: {  	s2 =	sld [smem:$0x3FA9]  }
0x29: {  	s4 =	sld [smem:$0x3FAB]  }
0x2a: {  	p0 =	seq.s32 s5, $0x0;
	s5 =	sld [smem:$0x3FAC]  }
0x2b: {  	s6 =	sld [smem:$0x3FAD]  }
0x2c: {  	s7 =	sld [smem:$0x3FAE]  }
0x2d: {  	s3 =	simm.s32 $0x108;
	s8 =	sld [smem:$0x3FAF]  }
0x2e: {  	s3 =	simm.s32 @!p0 $0x1082;
	s9 =	sld [smem:$0x3FB0]  }
0x2f: {  	lr =	sadd.s32 s0, s3;
	s0 =	sld [smem:$0x3FA7]  }
0x30: {  	s3 =	sld [smem:$0x3FAA]  }
0x31: {  	[smem:$0x3FB3] =	sst s10  }
0x32: {  	s10 =	sld [smem:$0x3FB1];
	_ =	sdelay $0x3  }
0x33: {  	p0 =	seq.s32 s10, $0x1;
	s10 =	sld [smem:$0x3FB3];
	_ =	sdelay $0x3  }
0x34: {  	[smem:$0x3FB3] =	sst s10  }
0x35: {  	s10 =	sld [smem:$0x3FB2];
	_ =	sdelay $0x3  }
0x36: {  	p1 =	seq.s32 s10, $0x1;
	s10 =	sld [smem:$0x3FB3];
	_ =	sdelay $0x3  }
0x37: {  	[smem:$0x3FB3] =	sst s10  }
0x38: {  	s10 =	sld [smem:$0x3FB4]  }
0x39: {  	_ = 	snop;
	(pc) =	sbr.ind lr, $3  }
0x3a: {  	_ = 	snop  }
0x3b: {  	_ = 	snop  }
0x3c: {  	p2 =	seq.s32 s10, $0x1;
	s10 =	sld [smem:$0x3FB3]  }
0x3d: {  	_ =	shalt  }
0x3e: {  	_ =	shalt  }
0x3f: {  	_ =	shalt  }
0x40: {  	_ =	shalt  }
0x41: {  	_ =	shalt  }
0x42: {  	_ =	shalt  }
0x43: {  	_ =	shalt  }
0x44: {  	_ =	shalt  }
0x45: {  	_ =	shalt  }
0x46: {  	_ =	shalt  }
0x47: {  	_ =	shalt  }
0x48: {  	_ =	shalt  }
0x49: {  	_ =	shalt  }
0x4a: {  	_ =	shalt  }
0x4b: {  	_ =	shalt  }
0x4c: {  	_ =	shalt  }
0x4d: {  	_ =	shalt  }
0x4e: {  	_ =	shalt  }
0x4f: {  	_ =	shalt  }
0x50: {  	_ =	shalt  }
0x51: {  	_ =	shalt  }
0x52: {  	_ =	shalt  }
0x53: {  	_ =	shalt  }
0x54: {  	_ =	shalt  }
0x55: {  	_ =	shalt  }
0x56: {  	_ =	shalt  }
0x57: {  	_ =	shalt  }
0x58: {  	_ =	shalt  }
0x59: {  	_ =	shalt  }
0x5a: {  	_ =	shalt  }
0x5b: {  	_ =	shalt  }
0x5c: {  	_ =	shalt  }
0x5d: {  	_ =	shalt  }
0x5e: {  	_ =	shalt  }
0x5f: {  	_ =	shalt  }
0x60: {  	_ =	shalt  }
0x61: {  	_ =	shalt  }
0x62: {  	_ =	shalt  }
0x63: {  	_ =	shalt  }
0x64: {  	_ =	shalt  }
0x65: {  	_ =	shalt  }
0x66: {  	_ =	shalt  }
0x67: {  	_ =	shalt  }
0x68: {  	_ =	shalt  }
0x69: {  	_ =	shalt  }
0x6a: {  	_ =	shalt  }
0x6b: {  	_ =	shalt  }
0x6c: {  	_ =	shalt  }
0x6d: {  	_ =	shalt  }
0x6e: {  	_ =	shalt  }
0x6f: {  	_ =	shalt  }
0x70: {  	_ =	shalt  }
0x71: {  	_ =	shalt  }
0x72: {  	_ =	shalt  }
0x73: {  	_ =	shalt  }
0x74: {  	_ =	shalt  }
0x75: {  	_ =	shalt  }
0x76: {  	_ =	shalt  }
0x77: {  	_ =	shalt  }
0x78: {  	_ =	shalt  }
0x79: {  	_ =	shalt  }
0x7a: {  	_ =	shalt  }
0x7b: {  	_ =	shalt  }
0x7c: {  	_ =	shalt  }
0x7d: {  	_ =	shalt  }
0x7e: {  	_ =	shalt  }
0x7f: {  	_ =	shalt  }
0x80: {  	_ =	shalt  }
0x81: {  	_ =	shalt  }
0x82: {  	_ =	shalt  }
0x83: {  	_ =	shalt  }
0x84: {  	_ =	shalt  }
0x85: {  	_ =	shalt  }
0x86: {  	_ =	shalt  }
0x87: {  	_ =	shalt  }
.Lfunc_end0:
.L_simem_size_0:
called_computation_lowered:
.L_overlay_start_0:
0x88: {  	s2 =	sld [smem:$0x3FD9]  }
0x89: {  	s3 =	sld [smem:$0x3FFE];
	_ =	sdelay $0x1  }
0x8a: {  	s1 =	srdreg.scid  }
0x8b: {  	s0 =	sand.u32 $0x1, s1  }
0x8c: {  	s17 =	sshll.u32 s0, $0xA;
	s2 =	sadd.s32 s3, s2  }
0x8d: {  	s2 =	sadd.s32 s2, s17  }
0x8e: {  	[smem:$0x3FBF] =	sst s2  }
0x8f: {  	_ = 	snop  }
0x90: {  	s2 =	sld [smem:$0x3FD0];
	(tm) =	ssettm $0x1  }
0x91: {  	s18 =	sld [smem:$0x3FFB];
	_ =	sdelay $0x3  }
0x92: {  	_ =	strace s18  }
0x93: {  	s3 =	sld [smem:$0x3FFC];
	_ =	sdelay $0x3  }
0x94: {  	_ =	strace s3  }
0x95: {  	s3 =	sld [smem:$0x3FFD];
	_ =	sdelay $0x3  }
0x96: {  	_ =	strace s3  }
0x97: {  	_ =	strace $0x8FFFFFFF  }
0x98: {  	s19 =	sld [smem:$0x3FDB];
	_ =	sdelay $0x1  }
0x99: {  	s4 =	simm.s32 $_scs_section_size  }
0x9a: {  	s5 =	simm.s32 $_size__tile_overlayer_lowered;
	s6 =	simm.s32 $_tile_overlayer_lowered  }
0x9b: {  	s22 =	simm.s32 $0x1BFF;
	s21 =	sshll.u32 s6, $0x1;
	s3 =	sadd.s32 s4, s19  }
0x9c: {  	s7 =	simm.s32 $0x0;
	s20 =	sshll.u32 s5, $0x1;
	s5 =	sadd.s32 s21, s3  }
0x9d: {  	[timem:s7], [sflag:s22] =	dma.local [hbm:s5], s20  }
0x9e: {  	_ =	swait.ge [sflag:s22], s20  }
0x9f: {  	s4 =	ssub.s32 $0x0, s20;
	[sflag:s22] =	ssyncset.done $0x0  }
0xa0: {  	[sflag:s22] =	ssyncadd.s32 s4;
	_ =	sdelay $0x1  }
0xa1: {  	s23 =	simm.s32 $0x1B8B  }
0xa2: {  	_ =	swait.ge [sflag:s23], $0x1  }
0xa3: {  	[sflag:s23] =	ssyncset.done $0x0  }
0xa4: {  	s25 =	simm.s32 $0x1B8E;
	s24 =	sld [smem:$0x3FFE];
	[sflag:s23] =	ssyncadd.s32 $0xFFFFFFFF  }
0xa5: {  	s26 =	simm.s32 $execute0_lowered;
	[smem:$0x3FD2] =	sst s25  }
0xa6: {  	s5 =	sshll.u32 s26, $0x1;
	_ =	strace $0x80000046;
	[dreg:$0x1] =	wrdreg $0xFFFFFFFF  }
0xa7: {  	s28 =	simm.s32 $_size_execute0_lowered;
	s3 =	sadd.s32 s3, s5;
	[dreg:$0x0] =	wrdreg $0x0  }
0xa8: {  	s5 =	sshll.u32 s28, $0x1;
	[dreg:$0x2] =	wrdreg s3  }
0xa9: {  	[dreg:$0x3] =	wrdreg s5  }
0xaa: {  	[dreg:$0x4] =	wrdreg $0xC0  }
0xab: {  	_ =	task [dreg:s7], $0x5FFFF  }
0xac: {  	[dreg:$0x1] =	wrdreg $0xFFFFFFFF  }
0xad: {  	[dreg:$0x0] =	wrdreg $0x60  }
0xae: {  	[dreg:$0x2] =	wrdreg s24  }
0xaf: {  	[dreg:$0x3] =	wrdreg s2  }
0xb0: {  	[dreg:$0x4] =	wrdreg $0x9  }
0xb1: {  	_ =	task.clear_ibuf [dreg:s7], $0x5FFFF;
	_ =	strace $0x90000046  }
0xb2: {  	s29 =	simm.s32 $0x9;
	_ =	strace $0x80000048  }
0xb3: {  	_ =	swait.ge [sflag:s29], $0x1  }
0xb4: {  	[sflag:s29] =	ssyncadd.s32 $0xFFFFFFFF  }
0xb5: {  	_ =	strace $0x90000048  }
0xb6: {  	_ =	sfence  }
0xb7: {  	s30 =	sld [smem:$0x0];
	_ =	sdelay $0x2  }
0xb8: {  	s31 =	sshll.u32 s1, $0xD;
	s1 =	sshrl.u32 s1, $0x2  }
0xb9: {  	s3 =	sand.u32 $0x4000, s31;
	s1 =	sadd.s32 s1, s30  }
0xba: {  	s0 =	sor.u32 s3, s0;
	s1 =	sshll.u32 s1, $0x11  }
0xbb: {  	s0 =	sor.u32 s1, s0  }
0xbc: {  	s0 =	sadd.s32 $0x8F2B, s0  }
0xbd: {  	[sflag:s0] =	ssyncadd.remote.s32 $0x1  }
0xbe: {  	_ =	sfence.sel $0xFFFF  }
0xbf: {  	[dreg:$0x0] =	wrdreg $0xFFFFFFFF;
	(pc) =	sbr.abs _section_cstart, $3  }
0xc0: {  	[dreg:$0x1] =	wrdreg $0xFFFFFFFF  }
0xc1: {  	_ =	task.clear_ibuf [dreg:s7], $0x2FFFF;
	_ =	strace $0x9FFFFFFF  }
0xc2: {  	(tm) =	ssettm $0x7FFFFFFF  }
0xc3: {  	_ =	shalt  }
tec
execute0_lowered:
.L_overlay_start_1:
0x0: {  	(tag) =	ssettag $0x1  }
0x1: {  	s3 =	rddreg [dreg:$0x0]  }
0x2: {  	s10 =	rddreg [dreg:$0x1];
	s2 =	simm.s32 $0x0  }
0x3: {  	s4 =	srdreg.scid;
	s0 =	stileid.u32;
	s14 =	simm.s32 $0x3  }
0x4: {  	s15 =	simm.s32 $0x8800;
	s16 =	simm.s32 $0x10800;
	s17 =	simm.s32 $0x1  }
0x5: {  	s18 =	simm.s32 $0x2;
	s19 =	simm.s32 $0x800;
	s20 =	simm.s32 $0x0  }
0x6: {  	[smem:$0x7FF] =	sst s2;
	s4 =	sand.u32 $0x1, s4;
	s5 =	sshll.u32 s0, $0x3  }
0x7: {  	s6 =	sshll.u32 s0, $0x9;
	_ =	strace $0x80000047;
	s7 =	sshll.u32 s4, $0x8  }
0x8: {  	s5 =	sand.u32 $0x70, s5;
	s4 =	ssub.s32 $0x2, s4;
	s9 =	sor.u32 s7, s6  }
0x9: {  	s5 =	sadd.s32 s5, s3;
	s31 =	sshrl.u32 s4, $0x1;
	s6 =	sshll.u32 s9, $0x7  }
.Ltmp0:
0xa: {  	s12 =	ssub.s32 s4, s31;
	s4 =	sadd.s32 $0x102000, s5;
	(pc) =	sbr.rel .LBB2_1-.Ltmp0, $4  }
0xb: {  	s5 =	sadd.s32 $0x101C00, s5;
	s13 =	sshll.u32 s9, $0x4;
	s11 =	sadd.s32 s6, s3  }
0xc: {  	s3 =	sand.u32 $0x300, s9;
	s10 =	sadd.s32 s10, s13;
	s13 =	simm.s32 $0x400  }
0xd: {  	s6 =	sadd.s32 $0x1C00, s11;
	s7 =	sadd.s32 $0x2C00, s11;
	s8 =	sadd.s32 $0x3C00, s11  }
0xe: {  	v0 =	vlaneseq.u32;
	vm0 =	vcmask $0x2730;
	vm1 =	vcmask $0x2B30;
	s9 =	sadd.s32 $0x4C00, s11;
	s11 =	smax.u32 s12, $0x1;
	s12 =	simm.s32 $0x80  }
.LBB2_12:
0xf: {  	s20 =	sadd.s32 $0x1, s20  }
0x10: {  	p0 =	sne.s32 s20, s11  }
.Ltmp1:
0x11: {  	_ = 	snop;
	(pc) =	sbr.rel @!p0 .LBB2_13-.Ltmp1, $4  }
0x12: {  	[hbm4b:s10+s2] =	stream.linear.scatter [tilespmem:s19], [sflag:$0x3], $0x8000, $0x38;
	[tilespmem:$0x18800] =	vst v63  }
0x13: {  	_ =	swait.ge [sflag:s14], $0x8000  }
0x14: {  	[sflag:s14] =	ssyncset.done $0x0  }
0x15: {  	[sflag:s14] =	ssyncadd.s32 $0xFFFF8000  }
.LBB2_1:
0x16: {  	[tilespmem:s2], [sflag:$0x3] =	stream.strided.gather [hbm4b:s4+s12], $0x400, s13, s12, $0x38;
	[tilespmem:$0x18800] =	vst v63  }
0x17: {  	_ =	swait.ge [sflag:s14], $0x400  }
0x18: {  	[sflag:s14] =	ssyncset.done $0x0  }
0x19: {  	[sflag:s14] =	ssyncadd.s32 $0xFFFFFC00  }
0x1a: {  	[tilespmem:s13], [sflag:$0x3] =	stream.strided.gather [hbm4b:s5+s12], $0x400, s13, s12, $0x38;
	[tilespmem:$0x18800] =	vst v63  }
0x1b: {  	_ =	swait.ge [sflag:s14], $0x400  }
0x1c: {  	[sflag:s14] =	ssyncset.done $0x0  }
0x1d: {  	[sflag:s14] =	ssyncadd.s32 $0xFFFFFC00  }
0x1e: {  	[tilespmem:s15], [sflag:$0x1] =	stream.linear.gather [hbm4b:s6+s2], $0x8000, $0x38;
	[tilespmem:$0x18800] =	vst v63  }
0x1f: {  	s21 =	simm.s32 $0x0  }
0x20: {  	[tilespmem:s16], [sflag:$0x2] =	stream.linear.gather [hbm4b:s7+s2], $0x8000, $0x38;
	[tilespmem:$0x18800] =	vst v63  }
.LBB2_2:
0x21: {  	_ =	swait.ge [sflag:s17], $0x8000  }
0x22: {  	s22 =	sshll.u32 s21, $0x6;
	[sflag:s17] =	ssyncset.done $0x0  }
0x23: {  	s23 =	simm.s32 $0x0;
	p1 =	por $0x1, $0x1;
	[sflag:s17] =	ssyncadd.s32 $0xFFFF8000  }
.LBB2_3:
0x24: {  	s24 =	sshll.u32 s23, $0xE  }
0x25: {  	s24 =	sand.u32 $0x3FFFC000, s24  }
0x26: {  	s25 =	sadd.s32 $0x8800, s24  }
0x27: {  	s26 =	simm.s32 $0x1F80;
	[dreg:$0x3] =	wrdreg s25  }
0x28: {  	s28 =	simm.s32 $0x3F0;
	s26 =	sand.u32 $0x1C00, s26;
	s25 =	rddreg [dreg:$0x3]  }
0x29: {  	s29 =	sand.u32 $0x70, s28;
	s25 =	sadd.s32 s26, s25  }
0x2a: {  	s30 =	sadd.s32 s29, s25  }
0x2b: {  	v1 =	vld [tilespmem:s30+$0x2280]  }
0x2c: {  	v2 =	vld [tilespmem:s30+$0x2180]  }
0x2d: {  	v3 =	vld [tilespmem:s30+$0x80]  }
0x2e: {  	v4 =	vld [tilespmem:s30+$0x200]  }
0x2f: {  	v6 =	vor.u32 s28, v0;
	v5 =	vld [tilespmem:s30+$0x2080]  }
0x30: {  	v7 =	vld [tilespmem:s30+$0x100];
	(xrf1) =	vsort.dscd.msk.f32 $0xffff, v1, v6  }
0x31: {  	v1 =	vld [tilespmem:s30+$0x0];
	(xrf1) =	vsort.dscd.msk.f32 $0xffff, v2, v6  }
0x32: {  	v2 =	vld [tilespmem:s30+$0x2200];
	(xrf1) =	vsort.dscd.msk.f32 $0xffff, v3, v6  }
0x33: {  	s24 =	sadd.s32 $0xA800, s24;
	v3 =	vld [tilespmem:s30+$0x2380];
	(xrf1) =	vsort.dscd.msk.f32 $0xffff, v4, v6  }
0x34: {  	[dreg:$0x4] =	wrdreg s24;
	v4 =	vld [tilespmem:s30+$0x280];
	(xrf1) =	vsort.dscd.msk.f32 $0xffff, v5, v6  }
0x35: {  	s24 =	rddreg [dreg:$0x4];
	(xrf1) =	vsort.dscd.msk.f32 $0xffff, v7, v6  }
0x36: {  	s24 =	sadd.s32 s26, s24;
	(xrf1) =	vsort.dscd.msk.f32 $0xffff, v1, v6  }
0x37: {  	s24 =	sadd.s32 s29, s24;
	(xrf1) =	vsort.dscd.msk.f32 $0xffff, v2, v6  }
0x38: {  	v1 =	vld [tilespmem:s24+$0x0];
	(xrf1) =	vsort.dscd.msk.f32 $0xffff, v3, v6  }
0x39: {  	(xrf1) =	vsort.dscd.msk.f32 $0xffff, v4, v6;
	_ =	sdelay $0x1  }
0x3a: {  	v2 =	vld [tilespmem:s30+$0x2100];
	_ =	sdelay $0x1  }
0x3b: {  	(xrf1) =	vsort.dscd.msk.f32 $0xffff, v1, v6  }
0x3c: {  	v5, v7, _ =	vpop (xrf1)  }
0x3d: {  	v8, v11, _ =	vpop (xrf1)  }
0x3e: {  	(xrf1) =	vsort.dscd.msk.f32 $0xffff, v2, v6;
	v3, v2, _ =	vpop (xrf1)  }
0x3f: {  	v12, v4, _ =	vpop (xrf1)  }
0x40: {  	v1 =	vld [tilespmem:s30+$0x180];
	v13, v14, _ =	vpop (xrf1)  }
0x41: {  	s25 =	simm.s32 $0x1F00;
	v15 =	vld [tilespmem:s30+$0x300];
	v16, v19, _ =	vpop (xrf1)  }
0x42: {  	s31 =	simm.s32 $0x3E0;
	s26 =	rddreg [dreg:$0x3];
	v17 =	vld [tilespmem:s30+$0x380];
	s0 =	sand.u32 $0x1C00, s25;
	v20, v21, _ =	vpop (xrf1)  }
0x43: {  	s1 =	sand.u32 $0x70, s31;
	s24 =	sadd.s32 s0, s26;
	v23, v24, _ =	vpop (xrf1)  }
0x44: {  	v10 =	vimm.f32 $1.000000020e+30;
	v18 =	vld [tilespmem:s30+$0x2300];
	s24 =	sadd.s32 s1, s24;
	v22, v25, _ =	vpop (xrf1)  }
0x45: {  	v26 =	vld [tilespmem:s24+$0x2280];
	vm2 =	vle.f32 v10, v13;
	(xrf1) =	vsort.dscd.msk.f32 $0xffff, v1, v6;
	v1, v27, _ =	vpop (xrf1)  }
0x46: {  	v9 =	vimm.s32 $0x0;
	v28 =	vld [tilespmem:s24+$0x2180];
	v29 =	vsel vm2, v10, v13;
	(xrf1) =	vsort.dscd.msk.f32 $0xffff, v15, v6;
	vm3 =	vle.f32 v10, v1  }
0x47: {  	v15 =	vld [tilespmem:s24+$0x80];
	(xrf1) =	vsort.dscd.msk.f32 $0xffff, v17, v6;
	v1 =	vsel vm3, v10, v1;
	v13 =	vsel vm3, v9, v27  }
0x48: {  	v17 =	vld [tilespmem:s24+$0x200];
	v27 =	vsel vm2, v9, v14;
	vm2 =	vle.f32 v10, v8;
	(xrf1) =	vsort.ascd.msk.f32 $0xffff, v1, v13  }
0x49: {  	v14, v30, _ =	vpop (xrf1);
	v13 =	vld [tilespmem:s24+$0x2080];
	v1 =	vor.u32 s31, v0;
	v8 =	vsel vm2, v10, v8;
	(xrf1) =	vsort.dscd.msk.f32 $0xffff, v18, v6  }
0x4a: {  	vm3 =	vle.f32 v10, v14;
	v32 =	vsel vm2, v9, v11;
	v6 =	vld [tilespmem:s24+$0x100];
	(xrf1) =	vsort.dscd.msk.f32 $0xffff, v26, v1  }
0x4b: {  	vm2 =	vle.f32 v10, v22;
	v11 =	vsel vm3, v10, v14;
	(xrf1) =	vsort.dscd.msk.f32 $0xffff, v28, v1  }
0x4c: {  	v14 =	vsel vm3, v9, v30;
	v18 =	vsel vm2, v10, v22;
	v26, v30, _ =	vpop (xrf1);
	(xrf1) =	vsort.dscd.msk.f32 $0xffff, v15, v1  }
0x4d: {  	v22 =	vsel vm2, v9, v25;
	vm3 =	vle.f32 v10, v26;
	v28 =	vld [tilespmem:s24+$0x0];
	(xrf1) =	vsort.dscd.msk.f32 $0xffff, v17, v1  }
0x4e: {  	s31 =	rddreg [dreg:$0x4];
	v25 =	vld [tilespmem:s24+$0x2200];
	vm2 =	vle.f32 v10, v20;
	v26 =	vsel vm3, v10, v26;
	(xrf1) =	vsort.dscd.msk.f32 $0xffff, v13, v1  }
0x4f: {  	v31 =	vld [tilespmem:s24+$0x2380];
	s26 =	sadd.s32 s0, s31;
	v30 =	vsel vm3, v9, v30;
	v15 =	vsel vm2, v9, v21;
	(xrf1) =	vsort.dscd.msk.f32 $0xffff, v6, v1  }
0x50: {  	s26 =	sadd.s32 s1, s26;
	v21 =	vld [tilespmem:s24+$0x280];
	v13 =	vsel vm2, v10, v20;
	vm2 =	vle.f32 v10, v16;
	(xrf1) =	vsort.ascd.msk.f32 $0xffff, v29, v27  }
0x51: {  	v38 =	vimm.s32 $0x0;
	vm5 =	vle.f32 v10, v5;
	v17 =	vsel vm2, v10, v16;
	v16 =	vld [tilespmem:s26+$0x0];
	(xrf1) =	vsort.ascd.msk.f32 $0xffff, v26, v30  }
0x52: {  	v34 =	vimm.f32 $1.000000020e+30;
	v41 =	vsel vm5, v10, v5;
	v43 =	vsel vm5, v9, v7;
	(xrf1) =	vsort.dscd.msk.f32 $0xffff, v28, v1  }
0x53: {  	v40 =	vimm.f32 $1.000000020e+30;
	vm4 =	vle.f32 v10, v23;
	v20 =	vsel vm2, v9, v19;
	v29, v19, _ =	vpop (xrf1);
	(xrf1) =	vsort.dscd.msk.f32 $0xffff, v25, v1  }
0x54: {  	v35 =	vimm.f32 $1.000000020e+30;
	v5 =	vld [tilespmem:s24+$0x2300];
	v39 =	vsel vm4, v10, v23;
	v42 =	vsel vm4, v9, v24;
	v25, v37, _ =	vpop (xrf1);
	(xrf1) =	vsort.dscd.msk.f32 $0xffff, v31, v1  }
0x55: {  	v7 =	vld [tilespmem:s24+$0x380];
	v24 =	vimm.f32 $1.000000020e+30;
	vm3 =	vle.f32 v10, v3;
	vm2 =	vle.f32 v10, v12;
	v36, v30, _ =	vpop (xrf1);
	(xrf1) =	vsort.dscd.msk.f32 $0xffff, v21, v1  }
0x56: {  	v23 =	vimm.s32 $0x0;
	v6 =	vld [tilespmem:s24+$0x180];
	v33 =	vsel vm2, v10, v12;
	vm4 =	vle.f32 v10, v29;
	(xrf1) =	vsort.dscd.msk.f32 $0xffff, v16, v1;
	v21, v16, _ =	vpop (xrf1)  }
0x57: {  	p0 =	por p1, p1;
	s26 =	simm.s32 $0x3D0;
	v26 =	vld [tilespmem:s24+$0x2100];
	v19 =	vsel vm4, v9, v19;
	v31 =	vimm.s32 $0x0;
	(xrf1) =	vsort.ascd.msk.f32 $0xffff, v8, v32;
	v28, v27, _ =	vpop (xrf1);
	v32 =	vimm.s32 $0x0  }
.LBB2_4:
0x58: {  	v12, v8, _ =	vpop (xrf1);
	(xrf1) =	vsort.ascd.msk.f32 $0xffff, v39, v42  }
0x59: {  	v10 =	vsel vm3, v10, v3;
	v9 =	vsel vm2, v9, v4;
	v39, v42, _ =	vpop (xrf1);
	(xrf1) =	vsort.ascd.msk.f32 $0xffff, v11, v14  }
0x5a: {  	v38 =	vsel vm3, v38, v2;
	vm2 =	vle.f32 v34, v25;
	v3, v2, _ =	vpop (xrf1);
	(xrf1) =	vsort.ascd.msk.f32 $0xffff, v18, v22  }
0x5b: {  	v14 =	vsel vm2, v34, v25;
	v25, v4, _ =	vpop (xrf1);
	(xrf1) =	vsort.ascd.msk.f32 $0xffff, v41, v43  }
0x5c: {  	v11 =	vsel vm4, v40, v29;
	v18 =	vsel vm2, v31, v37;
	v29, v31, _ =	vpop (xrf1);
	(xrf1) =	vsort.dscd.msk.f32 $0xffff, v26, v1  }
0x5d: {  	vm2 =	vle.f32 v35, v36;
	v57, v56, _ =	vpop (xrf1);
	(xrf1) =	vsort.ascd.msk.f32 $0xffff, v33, v9  }
0x5e: {  	v30 =	vsel vm2, v32, v30;
	(xrf1) =	vsort.ascd.msk.f32 $0xffff, v13, v15;
	v9, v13, _ =	vpop (xrf1)  }
0x5f: {  	v26 =	vsel vm2, v35, v36;
	vm2 =	vle.f32 v9, v29;
	(xrf1) =	vsort.ascd.msk.f32 $0xffff, v17, v20;
	v17, v20, _ =	vpop (xrf1)  }
0x60: {  	s25 =	sadd.s32 $0xFFFFFF80, s25;
	v60 =	vsel vm2, v9, v29;
	v61 =	vsel vm2, v13, v31;
	v13, v29, _ =	vpop (xrf1);
	(xrf1) =	vsort.ascd.msk.f32 $0xffff, v10, v38  }
0x61: {  	s28 =	rddreg [dreg:$0x3];
	s30 =	smov.u32 s26;
	s31 =	sand.u32 $0x1C00, s25;
	v22 =	vld [tilespmem:s24+$0x300];
	vm2 =	vle.f32 v24, v28;
	v41, v43, _ =	vpop (xrf1);
	(xrf1) =	vsort.ascd.msk.f32 $0xffff, v14, v18  }
0x62: {  	s0 =	sand.u32 $0x70, s30;
	s28 =	sadd.s32 s31, s28;
	v62 =	vsel vm2, v24, v28;
	v23 =	vsel vm2, v23, v27;
	(xrf1) =	vsort.dscd.msk.f32 $0xffff, v6, v1;
	v18, v31, _ =	vpop (xrf1)  }
0x63: {  	s24 =	sadd.s32 s0, s28;
	v24, v27, _ =	vpop (xrf1);
	(xrf1) =	vsort.ascd.msk.f32 $0xffff, v62, v23  }
0x64: {  	v58 =	vld [tilespmem:s24+$0x200];
	vm2 =	vle.f32 v21, v24;
	v14, v28, _ =	vpop (xrf1);
	(xrf1) =	vsort.ascd.msk.f32 $0xffff, v11, v19  }
0x65: {  	v10 =	vld [tilespmem:s24+$0x2280];
	v11 =	vsel vm2, v21, v24;
	v16 =	vsel vm2, v16, v27;
	(xrf1) =	vsort.ascd.msk.f32 $0xffff, v26, v30;
	v21, v24, _ =	vpop (xrf1)  }
0x66: {  	v15 =	vld [tilespmem:s24+$0x2180];
	vm2 =	vle.f32 v21, v39;
	(xrf1) =	vsort.dscd.msk.f32 $0xffff, v22, v1;
	v30, v45, _ =	vpop (xrf1)  }
0x67: {  	v9 =	vor.u32 s30, v0;
	v27 =	vld [tilespmem:s24+$0x80];
	v47 =	vsel vm2, v21, v39;
	(xrf1) =	vsort.dscd.msk.f32 $0xffff, v7, v1;
	v7, v21, _ =	vpop (xrf1)  }
0x68: {  	v59 =	vld [tilespmem:s24+$0x2080];
	v48 =	vsel vm2, v24, v42;
	vm2 =	vle.f32 v7, v14;
	(xrf1) =	vsort.ascd.msk.f32 $0xffff, v11, v16;
	v16, v22, _ =	vpop (xrf1)  }
0x69: {  	v23 =	vld [tilespmem:s24+$0x100];
	v11 =	vsel vm2, v7, v14;
	v14 =	vsel vm2, v21, v28;
	(xrf1) =	vsort.dscd.msk.f32 $0xffff, v5, v1;
	v21, v28, _ =	vpop (xrf1);
	v1 =	vmov v9  }
0x6a: {  	v19 =	vld [tilespmem:s24+$0x2300];
	vm2 =	vle.f32 v16, v18;
	(xrf1) =	vsort.dscd.msk.f32 $0xffff, v10, v1;
	v7, v10, _ =	vpop (xrf1)  }
0x6b: {  	v18 =	vsel vm2, v16, v18;
	(xrf1) =	vsort.dscd.msk.f32 $0xffff, v15, v1;
	vm3 =	vle.f32 v17, v7;
	v16, v9, _ =	vpop (xrf1)  }
0x6c: {  	(xrf1) =	vsort.dscd.msk.f32 $0xffff, v27, v1;
	v24 =	vsel vm3, v17, v7;
	v7, v15, _ =	vpop (xrf1)  }
0x6d: {  	v44 =	vld [tilespmem:s24+$0x0];
	v27 =	vsel vm3, v20, v10;
	(xrf1) =	vsort.dscd.msk.f32 $0xffff, v58, v1;
	v17, v20, _ =	vpop (xrf1)  }
0x6e: {  	s29 =	rddreg [dreg:$0x4];
	v63 =	vld [tilespmem:s24+$0x2200];
	(xrf1) =	vsort.dscd.msk.f32 $0xffff, v59, v1;
	v10, v38, _ =	vpop (xrf1)  }
0x6f: {  	s29 =	sadd.s32 s31, s29;
	v5 =	vmov v19;
	v19 =	vld [tilespmem:s24+$0x2380];
	v22 =	vsel vm2, v22, v31;
	vm2 =	vle.f32 v7, v13;
	(xrf1) =	vsort.dscd.msk.f32 $0xffff, v23, v1;
	v34, v31, _ =	vpop (xrf1)  }
0x70: {  	s0 =	sadd.s32 s0, s29;
	v55 =	vld [tilespmem:s24+$0x280];
	vm4 =	vle.f32 v30, v41;
	v15 =	vsel vm2, v15, v29;
	v29, v49, _ =	vpop (xrf1);
	(xrf1) =	vsort.ascd.msk.f32 $0xffff, v60, v61  }
0x71: {  	v46 =	vld [tilespmem:s0+$0x0];
	v13 =	vsel vm2, v7, v13;
	vm2 =	vle.f32 v17, v57;
	(xrf1) =	vsort.ascd.msk.f32 $0xffff, v24, v27;
	v24, v23, _ =	vpop (xrf1)  }
0x72: {  	p1 =	sne.s32 s26, $0x0;
	v39 =	vsel vm4, v30, v41;
	v17 =	vsel vm2, v17, v57;
	(xrf1) =	vsort.dscd.msk.f32 $0xffff, v44, v1;
	v40, v27, _ =	vpop (xrf1)  }
.Ltmp2:
0x73: {  	v20 =	vsel vm2, v20, v56;
	vm2 =	vle.f32 v16, v25;
	(xrf1) =	vsort.dscd.msk.f32 $0xffff, v63, v1;
	v35, v32, _ =	vpop (xrf1);
	(pc) =	sbr.rel @p1 .LBB2_4-.Ltmp2, $4  }
0x74: {  	vm5 =	vle.f32 v21, v12;
	v33 =	vsel vm2, v16, v25;
	(xrf1) =	vsort.dscd.msk.f32 $0xffff, v19, v1;
	v25, v37, _ =	vpop (xrf1)  }
0x75: {  	v6 =	vld [tilespmem:s24+$0x180];
	v42 =	vsel vm4, v45, v43;
	v41 =	vsel vm5, v21, v12;
	(xrf1) =	vsort.dscd.msk.f32 $0xffff, v55, v1;
	v36, v30, _ =	vpop (xrf1)  }
0x76: {  	v26 =	vld [tilespmem:s24+$0x2100];
	v43 =	vsel vm5, v28, v8;
	vm4 =	vle.f32 v40, v29;
	(xrf1) =	vsort.dscd.msk.f32 $0xffff, v46, v1;
	v21, v16, _ =	vpop (xrf1)  }
0x77: {  	s26 =	sadd.s32 $0xFFFFFFF0, s26;
	v7 =	vld [tilespmem:s24+$0x380];
	vm3 =	vle.f32 v10, v3;
	v19 =	vsel vm4, v27, v49;
	(xrf1) =	vsort.ascd.msk.f32 $0xffff, v47, v48;
	v28, v27, _ =	vpop (xrf1)  }
0x78: {  	v8, v12, _ =	vpop (xrf1);
	(xrf1) =	vsort.ascd.msk.f32 $0xffff, v39, v42  }
0x79: {  	v39, v42, _ =	vpop (xrf1);
	(xrf1) =	vsort.ascd.msk.f32 $0xffff, v11, v14  }
0x7a: {  	v11, v14, _ =	vpop (xrf1);
	(xrf1) =	vsort.ascd.msk.f32 $0xffff, v18, v22  }
0x7b: {  	v18, v22, _ =	vpop (xrf1);
	(xrf1) =	vsort.ascd.msk.f32 $0xffff, v41, v43  }
0x7c: {  	v41, v43, _ =	vpop (xrf1);
	(xrf1) =	vsort.dscd.msk.f32 $0xffff, v26, v1  }
0x7d: {  	v26, v44, _ =	vpop (xrf1)  }
0x7e: {  	v4 =	vsel vm2, v9, v4;
	v3 =	vsel vm3, v10, v3;
	vm2 =	vle.f32 v34, v25;
	v53, v45, _ =	vpop (xrf1)  }
0x7f: {  	v2 =	vsel vm3, v38, v2;
	v31 =	vsel vm2, v31, v37;
	(xrf1) =	vsort.ascd.msk.f32 $0xffff, v33, v4;
	v55, v54, _ =	vpop (xrf1)  }
0x80: {  	vm13 =	vle.f32 v24, v28;
	v25 =	vsel vm2, v34, v25;
	(xrf1) =	vsort.ascd.msk.f32 $0xffff, v13, v15;
	v13, v15, _ =	vpop (xrf1)  }
0x81: {  	v23 =	vsel vm13, v23, v27;
	(xrf1) =	vsort.ascd.msk.f32 $0xffff, v17, v20;
	v17, v20, _ =	vpop (xrf1)  }
0x82: {  	v29 =	vsel vm4, v40, v29;
	(xrf1) =	vsort.ascd.msk.f32 $0xffff, v3, v2;
	v2, v3, _ =	vpop (xrf1)  }
0x83: {  	(xrf1) =	vsort.ascd.msk.f32 $0xffff, v25, v31;
	v25, v31, _ =	vpop (xrf1)  }
0x84: {  	v57 =	vld [tilespmem:s24+$0x300];
	v58 =	vsel vm13, v24, v28;
	(xrf1) =	vsort.dscd.msk.f32 $0xffff, v6, v1;
	v59, v60, _ =	vpop (xrf1)  }
0x85: {  	(xrf1) =	vsort.ascd.msk.f32 $0xffff, v58, v23;
	v6, v23, _ =	vpop (xrf1)  }
0x86: {  	vm3 =	vle.f32 v35, v36;
	vm2 =	vle.f32 v53, v41;
	(xrf1) =	vsort.ascd.msk.f32 $0xffff, v29, v19;
	v19, v29, _ =	vpop (xrf1)  }
0x87: {  	v56 =	vsel vm3, v35, v36;
	v61 =	vsel vm3, v32, v30;
	v9 =	vsel vm2, v53, v41;
	v63, v36, _ =	vpop (xrf1)  }
0x88: {  	v62 =	vsel vm2, v45, v43;
	(xrf1) =	vsort.ascd.msk.f32 $0xffff, v56, v61;
	vm3 =	vle.f32 v6, v39;
	v38, v37, _ =	vpop (xrf1)  }
0x89: {  	vm2 =	vle.f32 v21, v25;
	(xrf1) =	vsort.dscd.msk.f32 $0xffff, v57, v1;
	v6 =	vsel vm3, v6, v39;
	v40, v39, _ =	vpop (xrf1)  }
0x8a: {  	v21 =	vsel vm2, v21, v25;
	v16 =	vsel vm2, v16, v31;
	(xrf1) =	vsort.dscd.msk.f32 $0xffff, v7, v1;
	v24, v25, _ =	vpop (xrf1)  }
0x8b: {  	v23 =	vsel vm3, v23, v42;
	(xrf1) =	vsort.ascd.msk.f32 $0xffff, v21, v16;
	vm3 =	vle.f32 v55, v24  }
0x8c: {  	(xrf1) =	vsort.dscd.msk.f32 $0xffff, v5, v1;
	v1 =	vsel vm3, v55, v24  }
0x8d: {  	(xrf1) =	vsort.ascd.msk.f32 $0xffff, v9, v62;
	v43 =	vsel vm3, v54, v25  }
0x8e: {  	vm2 =	vle.f32 v63, v59;
	v45, v46, _ =	vpop (xrf1);
	vm3 =	vle.f32 v19, v17;
	(xrf1) =	vsort.ascd.msk.f32 $0xffff, v1, v43  }
0x8f: {  	v47 =	vsel vm3, v19, v17;
	v48 =	vsel vm3, v29, v20;
	v1, v4, _ =	vpop (xrf1);
	(xrf1) =	vsort.ascd.msk.f32 $0xffff, v6, v23  }
0x90: {  	v41 =	vsel vm2, v63, v59;
	v42 =	vsel vm2, v36, v60;
	v49, v50, _ =	vpop (xrf1);
	(xrf1) =	vsort.ascd.msk.f32 $0xffff, v47, v48  }
0x91: {  	vm2 =	vle.f32 v38, v2;
	v10, v17, _ =	vpop (xrf1);
	(xrf1) =	vsort.ascd.msk.f32 $0xffff, v41, v42  }
0x92: {  	v2 =	vsel vm2, v38, v2;
	v3 =	vsel vm2, v37, v3;
	vm14 =	vle.f32 v40, v8;
	v16, v21, _ =	vpop (xrf1)  }
0x93: {  	v51 =	vsel vm14, v40, v8;
	(xrf1) =	vsort.ascd.msk.f32 $0xffff, v2, v3;
	v54, v53, _ =	vpop (xrf1)  }
0x94: {  	v52 =	vsel vm14, v39, v12;
	vm3 =	vle.f32 v45, v18;
	vm2 =	vle.f32 v1, v13;
	v55, v56, _ =	vpop (xrf1)  }
0x95: {  	v2 =	vsel vm3, v45, v18;
	v3 =	vsel vm3, v46, v22;
	(xrf1) =	vsort.ascd.msk.f32 $0xffff, v51, v52;
	v57, v58, _ =	vpop (xrf1)  }
0x96: {  	v1 =	vsel vm2, v1, v13;
	v4 =	vsel vm2, v4, v15;
	(xrf1) =	vsort.ascd.msk.f32 $0xffff, v2, v3;
	v60, v59, _ =	vpop (xrf1)  }
0x97: {  	(xrf1) =	vsort.ascd.msk.f32 $0xffff, v1, v4;
	v62, v61, _ =	vpop (xrf1)  }
0x98: {  	v63, v36, _ =	vpop (xrf1)  }
0x99: {  	v1, v9, _ =	vpop (xrf1)  }
0x9a: {  	v37, v38, _ =	vpop (xrf1)  }
0x9b: {  	v1, v7, _ =	vpop (xrf1)  }
0x9c: {  	v1, v6, _ =	vpop (xrf1)  }
0x9d: {  	v1, v5, _ =	vpop (xrf1)  }
0x9e: {  	v1, v3, _ =	vpop (xrf1)  }
0x9f: {  	v1, v8, _ =	vpop (xrf1);
	_ =	sdelay $0x1  }
0xa0: {  	v2, v1, _ =	vpop (xrf1);
	_ =	sdelay $0x1  }
0xa1: {  	v39, v2, _ =	vpop (xrf1)  }
0xa2: {  	v40, v33, _ =	vpop (xrf1)  }
0xa3: {  	vm2 =	vle.f32 v49, v26;
	v42, v41, _ =	vpop (xrf1)  }
0xa4: {  	v19 =	vsel vm2, v49, v26;
	v20 =	vsel vm2, v50, v44;
	vm2 =	vle.f32 v10, v11  }
0xa5: {  	v10 =	vsel vm2, v10, v11;
	v43 =	vsel vm2, v17, v14;
	vm15 =	vle.f32 v16, v62  }
0xa6: {  	vm3 =	vle.f32 v57, v54;
	v44 =	vsel vm15, v16, v62;
	(xrf1) =	vsort.ascd.msk.f32 $0xffff, v19, v20  }
0xa7: {  	v46 =	vsel vm15, v21, v61;
	vm2 =	vle.f32 v55, v37;
	(xrf1) =	vsort.ascd.msk.f32 $0xffff, v10, v43;
	v45 =	vld.idx.msk [tilespmem:v41+s2+$0x0], $0xffff  }
0xa8: {  	v48 =	vsel vm2, v55, v37;
	v49 =	vsel vm2, v56, v38;
	(xrf1) =	vsort.ascd.msk.f32 $0xffff, v44, v46;
	v47 =	vld.idx.msk [tilespmem:v41+s13+$0x0], $0xffff  }
0xa9: {  	v22 =	vsel vm3, v58, v53;
	v12 =	vsel vm3, v57, v54;
	(xrf1) =	vsort.ascd.msk.f32 $0xffff, v48, v49  }
0xaa: {  	vm2 =	vle.f32 v60, v63;
	(xrf1) =	vsort.ascd.msk.f32 $0xffff, v12, v22  }
0xab: {  	v4 =	vsel vm2, v60, v63;
	v50 =	vsel vm2, v59, v36;
	vm2 =	vmmov $0x3ff  }
0xac: {  	s0 =	sshll.u32 s23, $0x4;
	(xrf1) =	vsort.ascd.msk.f32 $0xffff, v4, v50;
	v51 =	vnsel vm2, $0x7149F2CA, v45  }
0xad: {  	s23 =	sor.u32 s22, s0;
	(xrf1) =	vsort.ascd.msk.f32 $0xffff, v51, v47  }
0xae: {  	s0 =	sor.u32 s3, s23  }
0xaf: {  	v52 =	vmov s0  }
0xb0: {  	v4 =	vand.u32 $0xFFFFFFF0, v52  }
0xb1: {  	v53 =	vbroadcast v4, $0x0;
	v10 =	vnsel vm2, $0x7149F2CA, v47  }
0xb2: {  	(xrf1) =	vsort.ascd.msk.f32 $0xffff, v10, v45;
	_ =	sdelay $0x1  }
0xb3: {  	v55, v54, _ =	vpop (xrf1)  }
0xb4: {  	v57, v56, _ =	vpop (xrf1)  }
0xb5: {  	v59, v58, _ =	vpop (xrf1)  }
0xb6: {  	v60 =	vld.idx.msk [tilespmem:v53+s2+$0x0], $0xffff;
	v61, v4, _ =	vpop (xrf1)  }
0xb7: {  	v10, v16, _ =	vpop (xrf1);
	_ =	sdelay $0x1  }
0xb8: {  	v12 =	vld.idx.msk [tilespmem:v53+s13+$0x0], $0xffff;
	v62, v10, _ =	vpop (xrf1)  }
0xb9: {  	v17, v63, _ =	vpop (xrf1)  }
0xba: {  	v15 =	vsel vm0, v17, v60  }
0xbb: {  	s30 =	sshll.u32 s23, $0x7  }
0xbc: {  	s0 =	sand.u32 $0x3FFFFF80, s30  }
0xbd: {  	[tilespmem:s0+$0x810] =	vst v63;
	v12 =	vsel vm1, v15, v12  }
0xbe: {  	[tilespmem:s0+$0x800] =	vst v12;
	v21, v15, _ =	vpop (xrf1)  }
0xbf: {  	[tilespmem:s0+$0x820] =	vst v15  }
0xc0: {  	[tilespmem:s0+$0x830] =	vst v21  }
0xc1: {  	v12 =	vld.idx.msk [tilespmem:v56+s2+$0x0], $0xffff  }
0xc2: {  	v14 =	vld.idx.msk [tilespmem:v56+s13+$0x0], $0xffff;
	_ =	sdelay $0x3  }
0xc3: {  	v22 =	vnsel vm2, $0x7149F2CA, v12  }
0xc4: {  	(xrf1) =	vsort.ascd.msk.f32 $0xffff, v22, v14;
	v14 =	vnsel vm2, $0x7149F2CA, v14  }
0xc5: {  	s31 =	sor.u32 $0x1, s23;
	(xrf1) =	vsort.ascd.msk.f32 $0xffff, v14, v12  }
0xc6: {  	s1 =	sor.u32 s3, s31  }
0xc7: {  	v23 =	vmov s1  }
0xc8: {  	v15 =	vand.u32 $0xFFFFFFF1, v23  }
0xc9: {  	v15 =	vbroadcast v15, $0x0;
	_ =	sdelay $0x5  }
0xca: {  	v24 =	vld.idx.msk [tilespmem:v15+s2+$0x0], $0xffff  }
0xcb: {  	v25 =	vld.idx.msk [tilespmem:v15+s13+$0x0], $0xffff  }
0xcc: {  	s0 =	sshll.u32 s31, $0x7  }
0xcd: {  	s0 =	sand.u32 $0x3FFFFF80, s0;
	v27, v26, _ =	vpop (xrf1)  }
0xce: {  	v28, v14, _ =	vpop (xrf1);
	[tilespmem:s0+$0x810] =	vst v26  }
0xcf: {  	v12 =	vsel vm0, v27, v24;
	[tilespmem:s0+$0x820] =	vst v14  }
0xd0: {  	v12 =	vsel vm1, v12, v25;
	[tilespmem:s0+$0x830] =	vst v28  }
0xd1: {  	[tilespmem:s0+$0x800] =	vst v12  }
0xd2: {  	v12 =	vld.idx.msk [tilespmem:v54+s2+$0x0], $0xffff  }
0xd3: {  	v13 =	vld.idx.msk [tilespmem:v54+s13+$0x0], $0xffff;
	_ =	sdelay $0x3  }
0xd4: {  	v29 =	vnsel vm2, $0x7149F2CA, v12  }
0xd5: {  	(xrf1) =	vsort.ascd.msk.f32 $0xffff, v29, v13;
	v13 =	vnsel vm2, $0x7149F2CA, v13  }
0xd6: {  	s25 =	sor.u32 $0x2, s23;
	(xrf1) =	vsort.ascd.msk.f32 $0xffff, v13, v12  }
0xd7: {  	s26 =	sor.u32 s3, s25  }
0xd8: {  	v30 =	vmov s26  }
0xd9: {  	v14 =	vand.u32 $0xFFFFFFF2, v30  }
0xda: {  	v14 =	vbroadcast v14, $0x0;
	_ =	sdelay $0x5  }
0xdb: {  	v31 =	vld.idx.msk [tilespmem:v14+s2+$0x0], $0xffff  }
0xdc: {  	v32 =	vld.idx.msk [tilespmem:v14+s13+$0x0], $0xffff  }
0xdd: {  	s0 =	sshll.u32 s25, $0x7  }
0xde: {  	s0 =	sand.u32 $0x3FFFFF80, s0;
	v35, v34, _ =	vpop (xrf1)  }
0xdf: {  	v36, v13, _ =	vpop (xrf1);
	[tilespmem:s0+$0x810] =	vst v34  }
0xe0: {  	v12 =	vsel vm0, v35, v31;
	[tilespmem:s0+$0x820] =	vst v13  }
0xe1: {  	v12 =	vsel vm1, v12, v32;
	[tilespmem:s0+$0x830] =	vst v36  }
0xe2: {  	[tilespmem:s0+$0x800] =	vst v12  }
0xe3: {  	v12 =	vld.idx.msk [tilespmem:v16+s2+$0x0], $0xffff  }
0xe4: {  	v13 =	vld.idx.msk [tilespmem:v16+s13+$0x0], $0xffff;
	_ =	sdelay $0x3  }
0xe5: {  	v37 =	vnsel vm2, $0x7149F2CA, v12  }
0xe6: {  	(xrf1) =	vsort.ascd.msk.f32 $0xffff, v37, v13;
	v13 =	vnsel vm2, $0x7149F2CA, v13  }
0xe7: {  	s28 =	sor.u32 $0x3, s23;
	(xrf1) =	vsort.ascd.msk.f32 $0xffff, v13, v12  }
0xe8: {  	s29 =	sor.u32 s3, s28  }
0xe9: {  	v38 =	vmov s29  }
0xea: {  	v14 =	vand.u32 $0xFFFFFFF3, v38  }
0xeb: {  	v14 =	vbroadcast v14, $0x0;
	_ =	sdelay $0x5  }
0xec: {  	v39 =	vld.idx.msk [tilespmem:v14+s2+$0x0], $0xffff  }
0xed: {  	v40 =	vld.idx.msk [tilespmem:v14+s13+$0x0], $0xffff  }
0xee: {  	s0 =	sshll.u32 s28, $0x7  }
0xef: {  	s0 =	sand.u32 $0x3FFFFF80, s0;
	v42, v41, _ =	vpop (xrf1)  }
0xf0: {  	v43, v13, _ =	vpop (xrf1);
	[tilespmem:s0+$0x810] =	vst v41  }
0xf1: {  	v12 =	vsel vm0, v42, v39;
	[tilespmem:s0+$0x820] =	vst v13  }
0xf2: {  	v12 =	vsel vm1, v12, v40;
	[tilespmem:s0+$0x830] =	vst v43  }
0xf3: {  	[tilespmem:s0+$0x800] =	vst v12  }
0xf4: {  	v12 =	vld.idx.msk [tilespmem:v33+s2+$0x0], $0xffff  }
0xf5: {  	v13 =	vld.idx.msk [tilespmem:v33+s13+$0x0], $0xffff;
	_ =	sdelay $0x3  }
0xf6: {  	v44 =	vnsel vm2, $0x7149F2CA, v12  }
0xf7: {  	(xrf1) =	vsort.ascd.msk.f32 $0xffff, v44, v13;
	v13 =	vnsel vm2, $0x7149F2CA, v13  }
0xf8: {  	s30 =	sor.u32 $0x4, s23;
	(xrf1) =	vsort.ascd.msk.f32 $0xffff, v13, v12  }
0xf9: {  	s31 =	sor.u32 s3, s30  }
0xfa: {  	v45 =	vmov s31  }
0xfb: {  	v14 =	vand.u32 $0xFFFFFFF4, v45  }
0xfc: {  	v14 =	vbroadcast v14, $0x0;
	_ =	sdelay $0x5  }
0xfd: {  	v46 =	vld.idx.msk [tilespmem:v14+s2+$0x0], $0xffff  }
0xfe: {  	v47 =	vld.idx.msk [tilespmem:v14+s13+$0x0], $0xffff  }
0xff: {  	s0 =	sshll.u32 s30, $0x7  }
0x100: {  	s0 =	sand.u32 $0x3FFFFF80, s0;
	v49, v48, _ =	vpop (xrf1)  }
0x101: {  	v50, v13, _ =	vpop (xrf1);
	[tilespmem:s0+$0x810] =	vst v48  }
0x102: {  	v12 =	vsel vm0, v49, v46;
	[tilespmem:s0+$0x820] =	vst v13  }
0x103: {  	v12 =	vsel vm1, v12, v47;
	[tilespmem:s0+$0x830] =	vst v50  }
0x104: {  	[tilespmem:s0+$0x800] =	vst v12  }
0x105: {  	v12 =	vld.idx.msk [tilespmem:v9+s2+$0x0], $0xffff  }
0x106: {  	v9 =	vld.idx.msk [tilespmem:v9+s13+$0x0], $0xffff;
	_ =	sdelay $0x3  }
0x107: {  	v51 =	vnsel vm2, $0x7149F2CA, v12  }
0x108: {  	(xrf1) =	vsort.ascd.msk.f32 $0xffff, v51, v9;
	v9 =	vnsel vm2, $0x7149F2CA, v9  }
0x109: {  	s1 =	sor.u32 $0x5, s23;
	(xrf1) =	vsort.ascd.msk.f32 $0xffff, v9, v12  }
0x10a: {  	s25 =	sor.u32 s3, s1  }
0x10b: {  	v52 =	vmov s25  }
0x10c: {  	v13 =	vand.u32 $0xFFFFFFF5, v52  }
0x10d: {  	v13 =	vbroadcast v13, $0x0;
	_ =	sdelay $0x5  }
0x10e: {  	v53 =	vld.idx.msk [tilespmem:v13+s2+$0x0], $0xffff  }
0x10f: {  	v54 =	vld.idx.msk [tilespmem:v13+s13+$0x0], $0xffff  }
0x110: {  	s0 =	sshll.u32 s1, $0x7  }
0x111: {  	s0 =	sand.u32 $0x3FFFFF80, s0;
	v56, v55, _ =	vpop (xrf1)  }
0x112: {  	v57, v12, _ =	vpop (xrf1);
	[tilespmem:s0+$0x810] =	vst v55  }
0x113: {  	v9 =	vsel vm0, v56, v53;
	[tilespmem:s0+$0x820] =	vst v12  }
0x114: {  	v9 =	vsel vm1, v9, v54;
	[tilespmem:s0+$0x830] =	vst v57  }
0x115: {  	[tilespmem:s0+$0x800] =	vst v9  }
0x116: {  	v9 =	vld.idx.msk [tilespmem:v58+s2+$0x0], $0xffff  }
0x117: {  	v11 =	vld.idx.msk [tilespmem:v58+s13+$0x0], $0xffff;
	_ =	sdelay $0x3  }
0x118: {  	v58 =	vnsel vm2, $0x7149F2CA, v9  }
0x119: {  	(xrf1) =	vsort.ascd.msk.f32 $0xffff, v58, v11;
	v11 =	vnsel vm2, $0x7149F2CA, v11  }
0x11a: {  	s26 =	sor.u32 $0x6, s23;
	(xrf1) =	vsort.ascd.msk.f32 $0xffff, v11, v9  }
0x11b: {  	s28 =	sor.u32 s3, s26  }
0x11c: {  	v59 =	vmov s28  }
0x11d: {  	v12 =	vand.u32 $0xFFFFFFF6, v59  }
0x11e: {  	v12 =	vbroadcast v12, $0x0;
	_ =	sdelay $0x5  }
0x11f: {  	v60 =	vld.idx.msk [tilespmem:v12+s2+$0x0], $0xffff  }
0x120: {  	v61 =	vld.idx.msk [tilespmem:v12+s13+$0x0], $0xffff  }
0x121: {  	s0 =	sshll.u32 s26, $0x7  }
0x122: {  	s0 =	sand.u32 $0x3FFFFF80, s0;
	v63, v62, _ =	vpop (xrf1)  }
0x123: {  	v14, v11, _ =	vpop (xrf1);
	[tilespmem:s0+$0x810] =	vst v62  }
0x124: {  	v9 =	vsel vm0, v63, v60;
	[tilespmem:s0+$0x820] =	vst v11  }
0x125: {  	v9 =	vsel vm1, v9, v61;
	[tilespmem:s0+$0x830] =	vst v14  }
0x126: {  	[tilespmem:s0+$0x800] =	vst v9  }
0x127: {  	v9 =	vld.idx.msk [tilespmem:v10+s2+$0x0], $0xffff  }
0x128: {  	v10 =	vld.idx.msk [tilespmem:v10+s13+$0x0], $0xffff;
	_ =	sdelay $0x3  }
0x129: {  	v15 =	vnsel vm2, $0x7149F2CA, v9  }
0x12a: {  	(xrf1) =	vsort.ascd.msk.f32 $0xffff, v15, v10;
	v10 =	vnsel vm2, $0x7149F2CA, v10  }
0x12b: {  	s29 =	sor.u32 $0x7, s23;
	(xrf1) =	vsort.ascd.msk.f32 $0xffff, v10, v9  }
0x12c: {  	s30 =	sor.u32 s3, s29  }
0x12d: {  	v16 =	vmov s30  }
0x12e: {  	v11 =	vand.u32 $0xFFFFFFF7, v16  }
0x12f: {  	v11 =	vbroadcast v11, $0x0;
	_ =	sdelay $0x5  }
0x130: {  	v17 =	vld.idx.msk [tilespmem:v11+s2+$0x0], $0xffff  }
0x131: {  	v18 =	vld.idx.msk [tilespmem:v11+s13+$0x0], $0xffff  }
0x132: {  	s0 =	sshll.u32 s29, $0x7  }
0x133: {  	s0 =	sand.u32 $0x3FFFFF80, s0;
	v20, v19, _ =	vpop (xrf1)  }
0x134: {  	v21, v10, _ =	vpop (xrf1);
	[tilespmem:s0+$0x810] =	vst v19  }
0x135: {  	v9 =	vsel vm0, v20, v17;
	[tilespmem:s0+$0x820] =	vst v10  }
0x136: {  	v9 =	vsel vm1, v9, v18;
	[tilespmem:s0+$0x830] =	vst v21  }
0x137: {  	[tilespmem:s0+$0x800] =	vst v9  }
0x138: {  	v9 =	vld.idx.msk [tilespmem:v8+s2+$0x0], $0xffff  }
0x139: {  	v8 =	vld.idx.msk [tilespmem:v8+s13+$0x0], $0xffff;
	_ =	sdelay $0x3  }
0x13a: {  	v22 =	vnsel vm2, $0x7149F2CA, v9  }
0x13b: {  	(xrf1) =	vsort.ascd.msk.f32 $0xffff, v22, v8;
	v8 =	vnsel vm2, $0x7149F2CA, v8  }
0x13c: {  	s31 =	sor.u32 $0x8, s23;
	(xrf1) =	vsort.ascd.msk.f32 $0xffff, v8, v9  }
0x13d: {  	s1 =	sor.u32 s3, s31  }
0x13e: {  	v23 =	vmov s1  }
0x13f: {  	v10 =	vand.u32 $0xFFFFFFF8, v23  }
0x140: {  	v10 =	vbroadcast v10, $0x0;
	_ =	sdelay $0x5  }
0x141: {  	v24 =	vld.idx.msk [tilespmem:v10+s2+$0x0], $0xffff  }
0x142: {  	v25 =	vld.idx.msk [tilespmem:v10+s13+$0x0], $0xffff  }
0x143: {  	s0 =	sshll.u32 s31, $0x7  }
0x144: {  	s0 =	sand.u32 $0x3FFFFF80, s0;
	v27, v26, _ =	vpop (xrf1)  }
0x145: {  	v28, v9, _ =	vpop (xrf1);
	[tilespmem:s0+$0x810] =	vst v26  }
0x146: {  	v8 =	vsel vm0, v27, v24;
	[tilespmem:s0+$0x820] =	vst v9  }
0x147: {  	v8 =	vsel vm1, v8, v25;
	[tilespmem:s0+$0x830] =	vst v28  }
0x148: {  	[tilespmem:s0+$0x800] =	vst v8  }
0x149: {  	v8 =	vld.idx.msk [tilespmem:v7+s2+$0x0], $0xffff  }
0x14a: {  	v7 =	vld.idx.msk [tilespmem:v7+s13+$0x0], $0xffff;
	_ =	sdelay $0x3  }
0x14b: {  	v29 =	vnsel vm2, $0x7149F2CA, v8  }
0x14c: {  	(xrf1) =	vsort.ascd.msk.f32 $0xffff, v29, v7;
	v7 =	vnsel vm2, $0x7149F2CA, v7  }
0x14d: {  	s25 =	sor.u32 $0x9, s23;
	(xrf1) =	vsort.ascd.msk.f32 $0xffff, v7, v8  }
0x14e: {  	s26 =	sor.u32 s3, s25  }
0x14f: {  	v30 =	vmov s26  }
0x150: {  	v9 =	vand.u32 $0xFFFFFFF9, v30  }
0x151: {  	v9 =	vbroadcast v9, $0x0;
	_ =	sdelay $0x5  }
0x152: {  	v31 =	vld.idx.msk [tilespmem:v9+s2+$0x0], $0xffff  }
0x153: {  	v32 =	vld.idx.msk [tilespmem:v9+s13+$0x0], $0xffff  }
0x154: {  	s0 =	sshll.u32 s25, $0x7  }
0x155: {  	s0 =	sand.u32 $0x3FFFFF80, s0;
	v34, v33, _ =	vpop (xrf1)  }
0x156: {  	v35, v8, _ =	vpop (xrf1);
	[tilespmem:s0+$0x810] =	vst v33  }
0x157: {  	v7 =	vsel vm0, v34, v31;
	[tilespmem:s0+$0x820] =	vst v8  }
0x158: {  	v7 =	vsel vm1, v7, v32;
	[tilespmem:s0+$0x830] =	vst v35  }
0x159: {  	[tilespmem:s0+$0x800] =	vst v7  }
0x15a: {  	v7 =	vld.idx.msk [tilespmem:v6+s2+$0x0], $0xffff  }
0x15b: {  	v6 =	vld.idx.msk [tilespmem:v6+s13+$0x0], $0xffff;
	_ =	sdelay $0x3  }
0x15c: {  	v36 =	vnsel vm2, $0x7149F2CA, v7  }
0x15d: {  	(xrf1) =	vsort.ascd.msk.f32 $0xffff, v36, v6;
	v6 =	vnsel vm2, $0x7149F2CA, v6  }
0x15e: {  	s28 =	sor.u32 $0xA, s23;
	(xrf1) =	vsort.ascd.msk.f32 $0xffff, v6, v7  }
0x15f: {  	s29 =	sor.u32 s3, s28  }
0x160: {  	v37 =	vmov s29  }
0x161: {  	v8 =	vand.u32 $0xFFFFFFFA, v37  }
0x162: {  	v8 =	vbroadcast v8, $0x0;
	_ =	sdelay $0x5  }
0x163: {  	v38 =	vld.idx.msk [tilespmem:v8+s2+$0x0], $0xffff  }
0x164: {  	v39 =	vld.idx.msk [tilespmem:v8+s13+$0x0], $0xffff  }
0x165: {  	s0 =	sshll.u32 s28, $0x7  }
0x166: {  	s0 =	sand.u32 $0x3FFFFF80, s0;
	v41, v40, _ =	vpop (xrf1)  }
0x167: {  	v42, v7, _ =	vpop (xrf1);
	[tilespmem:s0+$0x810] =	vst v40  }
0x168: {  	v6 =	vsel vm0, v41, v38;
	[tilespmem:s0+$0x820] =	vst v7  }
0x169: {  	v6 =	vsel vm1, v6, v39;
	[tilespmem:s0+$0x830] =	vst v42  }
0x16a: {  	[tilespmem:s0+$0x800] =	vst v6  }
0x16b: {  	v6 =	vld.idx.msk [tilespmem:v5+s2+$0x0], $0xffff  }
0x16c: {  	v5 =	vld.idx.msk [tilespmem:v5+s13+$0x0], $0xffff;
	_ =	sdelay $0x3  }
0x16d: {  	v43 =	vnsel vm2, $0x7149F2CA, v6  }
0x16e: {  	(xrf1) =	vsort.ascd.msk.f32 $0xffff, v43, v5;
	v5 =	vnsel vm2, $0x7149F2CA, v5  }
0x16f: {  	s30 =	sor.u32 $0xB, s23;
	(xrf1) =	vsort.ascd.msk.f32 $0xffff, v5, v6  }
0x170: {  	s31 =	sor.u32 s3, s30  }
0x171: {  	v44 =	vmov s31  }
0x172: {  	v7 =	vand.u32 $0xFFFFFFFB, v44  }
0x173: {  	v7 =	vbroadcast v7, $0x0;
	_ =	sdelay $0x5  }
0x174: {  	v45 =	vld.idx.msk [tilespmem:v7+s2+$0x0], $0xffff  }
0x175: {  	v46 =	vld.idx.msk [tilespmem:v7+s13+$0x0], $0xffff  }
0x176: {  	s0 =	sshll.u32 s30, $0x7  }
0x177: {  	s0 =	sand.u32 $0x3FFFFF80, s0;
	v48, v47, _ =	vpop (xrf1)  }
0x178: {  	v49, v6, _ =	vpop (xrf1);
	[tilespmem:s0+$0x810] =	vst v47  }
0x179: {  	v5 =	vsel vm0, v48, v45;
	[tilespmem:s0+$0x820] =	vst v6  }
0x17a: {  	v5 =	vsel vm1, v5, v46;
	[tilespmem:s0+$0x830] =	vst v49  }
0x17b: {  	[tilespmem:s0+$0x800] =	vst v5  }
0x17c: {  	v5 =	vld.idx.msk [tilespmem:v3+s2+$0x0], $0xffff  }
0x17d: {  	v3 =	vld.idx.msk [tilespmem:v3+s13+$0x0], $0xffff;
	_ =	sdelay $0x3  }
0x17e: {  	v50 =	vnsel vm2, $0x7149F2CA, v5  }
0x17f: {  	s1 =	sor.u32 $0xC, s23;
	(xrf1) =	vsort.ascd.msk.f32 $0xffff, v50, v3  }
0x180: {  	s25 =	sor.u32 s3, s1  }
0x181: {  	v51 =	vmov s25  }
0x182: {  	v6 =	vand.u32 $0xFFFFFFFC, v51  }
0x183: {  	v6 =	vbroadcast v6, $0x0;
	v3 =	vnsel vm2, $0x7149F2CA, v3  }
0x184: {  	(xrf1) =	vsort.ascd.msk.f32 $0xffff, v3, v5;
	_ =	sdelay $0x4  }
0x185: {  	v3 =	vld.idx.msk [tilespmem:v6+s2+$0x0], $0xffff  }
0x186: {  	v52 =	vld.idx.msk [tilespmem:v6+s13+$0x0], $0xffff;
	_ =	sdelay $0x2  }
0x187: {  	v54, v53, _ =	vpop (xrf1)  }
0x188: {  	v3 =	vsel vm0, v54, v3  }
0x189: {  	s0 =	sshll.u32 s1, $0x7;
	v3 =	vsel vm1, v3, v52  }
0x18a: {  	s0 =	sand.u32 $0x3FFFFF80, s0  }
0x18b: {  	[tilespmem:s0+$0x810] =	vst v53  }
0x18c: {  	[tilespmem:s0+$0x800] =	vst v3;
	v3, v5, _ =	vpop (xrf1)  }
0x18d: {  	[tilespmem:s0+$0x820] =	vst v5  }
0x18e: {  	[tilespmem:s0+$0x830] =	vst v3  }
0x18f: {  	v3 =	vld.idx.msk [tilespmem:v2+s2+$0x0], $0xffff  }
0x190: {  	v2 =	vld.idx.msk [tilespmem:v2+s13+$0x0], $0xffff;
	_ =	sdelay $0x3  }
0x191: {  	v55 =	vnsel vm2, $0x7149F2CA, v3  }
0x192: {  	s26 =	sor.u32 $0xD, s23;
	(xrf1) =	vsort.ascd.msk.f32 $0xffff, v55, v2  }
0x193: {  	s28 =	sor.u32 s3, s26  }
0x194: {  	v56 =	vmov s28  }
0x195: {  	v5 =	vand.u32 $0xFFFFFFFD, v56  }
0x196: {  	v5 =	vbroadcast v5, $0x0;
	v2 =	vnsel vm2, $0x7149F2CA, v2  }
0x197: {  	(xrf1) =	vsort.ascd.msk.f32 $0xffff, v2, v3;
	_ =	sdelay $0x4  }
0x198: {  	v2 =	vld.idx.msk [tilespmem:v5+s2+$0x0], $0xffff  }
0x199: {  	v3 =	vld.idx.msk [tilespmem:v5+s13+$0x0], $0xffff;
	_ =	sdelay $0x2  }
0x19a: {  	v58, v57, _ =	vpop (xrf1)  }
0x19b: {  	v2 =	vsel vm0, v58, v2  }
0x19c: {  	s0 =	sshll.u32 s26, $0x7;
	v2 =	vsel vm1, v2, v3  }
0x19d: {  	s0 =	sand.u32 $0x3FFFFF80, s0  }
0x19e: {  	[tilespmem:s0+$0x810] =	vst v57  }
0x19f: {  	[tilespmem:s0+$0x800] =	vst v2;
	v2, v3, _ =	vpop (xrf1)  }
0x1a0: {  	[tilespmem:s0+$0x820] =	vst v3  }
0x1a1: {  	[tilespmem:s0+$0x830] =	vst v2  }
0x1a2: {  	v2 =	vld.idx.msk [tilespmem:v4+s2+$0x0], $0xffff  }
0x1a3: {  	v3 =	vld.idx.msk [tilespmem:v4+s13+$0x0], $0xffff;
	_ =	sdelay $0x3  }
0x1a4: {  	v59 =	vnsel vm2, $0x7149F2CA, v2  }
0x1a5: {  	s29 =	sor.u32 $0xE, s23;
	(xrf1) =	vsort.ascd.msk.f32 $0xffff, v59, v3  }
0x1a6: {  	s30 =	sor.u32 s3, s29  }
0x1a7: {  	v60 =	vmov s30  }
0x1a8: {  	v4 =	vand.u32 $0xFFFFFFFE, v60  }
0x1a9: {  	v4 =	vbroadcast v4, $0x0;
	v3 =	vnsel vm2, $0x7149F2CA, v3  }
0x1aa: {  	(xrf1) =	vsort.ascd.msk.f32 $0xffff, v3, v2;
	_ =	sdelay $0x4  }
0x1ab: {  	v2 =	vld.idx.msk [tilespmem:v4+s2+$0x0], $0xffff  }
0x1ac: {  	v3 =	vld.idx.msk [tilespmem:v4+s13+$0x0], $0xffff;
	_ =	sdelay $0x2  }
0x1ad: {  	v62, v61, _ =	vpop (xrf1)  }
0x1ae: {  	v2 =	vsel vm0, v62, v2  }
0x1af: {  	s0 =	sshll.u32 s29, $0x7;
	v2 =	vsel vm1, v2, v3  }
0x1b0: {  	s0 =	sand.u32 $0x3FFFFF80, s0  }
0x1b1: {  	[tilespmem:s0+$0x810] =	vst v61  }
0x1b2: {  	[tilespmem:s0+$0x800] =	vst v2;
	v2, v3, _ =	vpop (xrf1)  }
0x1b3: {  	[tilespmem:s0+$0x820] =	vst v3  }
0x1b4: {  	[tilespmem:s0+$0x830] =	vst v2  }
0x1b5: {  	v2 =	vld.idx.msk [tilespmem:v1+s2+$0x0], $0xffff  }
0x1b6: {  	v1 =	vld.idx.msk [tilespmem:v1+s13+$0x0], $0xffff;
	_ =	sdelay $0x3  }
0x1b7: {  	v3 =	vnsel vm2, $0x7149F2CA, v2  }
0x1b8: {  	(xrf1) =	vsort.ascd.msk.f32 $0xffff, v3, v1;
	_ =	sdelay $0x2  }
0x1b9: {  	s31 =	sor.u32 $0xF, s23  }
0x1ba: {  	s23 =	sor.u32 s3, s31;
	v1 =	vnsel vm2, $0x7149F2CA, v1  }
0x1bb: {  	(xrf1) =	vsort.ascd.msk.f32 $0xffff, v1, v2;
	v1 =	vmov s23;
	_ =	sdelay $0x4  }
0x1bc: {  	v2 =	vld.idx.msk [tilespmem:v1+s2+$0x0], $0xffff  }
0x1bd: {  	v1 =	vld.idx.msk [tilespmem:v1+s13+$0x0], $0xffff;
	_ =	sdelay $0x2  }
0x1be: {  	v3, v63, _ =	vpop (xrf1)  }
0x1bf: {  	v2 =	vsel vm0, v3, v2  }
0x1c0: {  	s0 =	sshll.u32 s31, $0x7;
	v1 =	vsel vm1, v2, v1  }
.Ltmp3:
0x1c1: {  	s0 =	sand.u32 $0x3FFFFF80, s0;
	(pc) =	sbr.rel @p0 .LBB2_3-.Ltmp3, $4  }
0x1c2: {  	[tilespmem:s0+$0x810] =	vst v63  }
0x1c3: {  	[tilespmem:s0+$0x800] =	vst v1;
	v1, v2, _ =	vpop (xrf1)  }
0x1c4: {  	[tilespmem:s0+$0x820] =	vst v2  }
0x1c5: {  	p1 =	por $0x0, $0x0;
	s23 =	simm.s32 $0x1;
	[tilespmem:s0+$0x830] =	vst v1  }
0x1c6: {  	s23 =	sshll.u32 s21, $0xD;
	p0 =	seq.s32 s21, $0x3  }
0x1c7: {  	s0 =	sadd.s32 @!p0 s23, s8;
	s24 =	simm.s32 @!p0 $0x0;
	s25 =	simm.s32 @!p0 $0x8800  }
0x1c8: {  	[tilespmem:s25], [sflag:$0x1] =	stream.linear.gather @!p0 [hbm4b:s0+s24], $0x8000, $0x38;
	[tilespmem:$0x18800] =	vst v63  }
0x1c9: {  	_ =	swait.ge [sflag:s18], $0x8000  }
0x1ca: {  	[sflag:s18] =	ssyncset.done $0x0  }
0x1cb: {  	p2 =	por $0x1, $0x1;
	s24 =	simm.s32 $0x0;
	[sflag:s18] =	ssyncadd.s32 $0xFFFF8000  }
.LBB2_7:
0x1cc: {  	s0 =	sshll.u32 s24, $0xE  }
0x1cd: {  	s0 =	sand.u32 $0x3FFFC000, s0  }
0x1ce: {  	s25 =	sadd.s32 $0x10800, s0  }
0x1cf: {  	s26 =	simm.s32 $0x1F80;
	[dreg:$0x5] =	wrdreg s25  }
0x1d0: {  	s28 =	simm.s32 $0x3F0;
	s26 =	sand.u32 $0x1C00, s26;
	s25 =	rddreg [dreg:$0x5]  }
0x1d1: {  	s29 =	sand.u32 $0x70, s28;
	s25 =	sadd.s32 s26, s25  }
0x1d2: {  	s25 =	sadd.s32 s29, s25  }
0x1d3: {  	v1 =	vld [tilespmem:s25+$0x2280]  }
0x1d4: {  	v2 =	vld [tilespmem:s25+$0x2180]  }
0x1d5: {  	v3 =	vld [tilespmem:s25+$0x80]  }
0x1d6: {  	v4 =	vld [tilespmem:s25+$0x200]  }
0x1d7: {  	v6 =	vor.u32 s28, v0;
	v5 =	vld [tilespmem:s25+$0x2080]  }
0x1d8: {  	v7 =	vld [tilespmem:s25+$0x100];
	(xrf1) =	vsort.dscd.msk.f32 $0xffff, v1, v6  }
0x1d9: {  	v1 =	vld [tilespmem:s25+$0x0];
	(xrf1) =	vsort.dscd.msk.f32 $0xffff, v2, v6  }
0x1da: {  	v2 =	vld [tilespmem:s25+$0x2200];
	(xrf1) =	vsort.dscd.msk.f32 $0xffff, v3, v6  }
0x1db: {  	s0 =	sadd.s32 $0x12800, s0;
	v3 =	vld [tilespmem:s25+$0x2380];
	(xrf1) =	vsort.dscd.msk.f32 $0xffff, v4, v6  }
0x1dc: {  	[dreg:$0x6] =	wrdreg s0;
	v4 =	vld [tilespmem:s25+$0x280];
	(xrf1) =	vsort.dscd.msk.f32 $0xffff, v5, v6  }
0x1dd: {  	s0 =	rddreg [dreg:$0x6];
	(xrf1) =	vsort.dscd.msk.f32 $0xffff, v7, v6  }
0x1de: {  	s0 =	sadd.s32 s26, s0;
	(xrf1) =	vsort.dscd.msk.f32 $0xffff, v1, v6  }
0x1df: {  	s0 =	sadd.s32 s29, s0;
	(xrf1) =	vsort.dscd.msk.f32 $0xffff, v2, v6  }
0x1e0: {  	v1 =	vld [tilespmem:s0+$0x0];
	(xrf1) =	vsort.dscd.msk.f32 $0xffff, v3, v6  }
0x1e1: {  	(xrf1) =	vsort.dscd.msk.f32 $0xffff, v4, v6;
	_ =	sdelay $0x1  }
0x1e2: {  	v2 =	vld [tilespmem:s25+$0x2100];
	_ =	sdelay $0x1  }
0x1e3: {  	(xrf1) =	vsort.dscd.msk.f32 $0xffff, v1, v6  }
0x1e4: {  	v5, v7, _ =	vpop (xrf1)  }
0x1e5: {  	v8, v11, _ =	vpop (xrf1)  }
0x1e6: {  	(xrf1) =	vsort.dscd.msk.f32 $0xffff, v2, v6;
	v3, v2, _ =	vpop (xrf1)  }
0x1e7: {  	v12, v4, _ =	vpop (xrf1)  }
0x1e8: {  	v1 =	vld [tilespmem:s25+$0x180];
	v13, v14, _ =	vpop (xrf1)  }
0x1e9: {  	s26 =	simm.s32 $0x1F00;
	v15 =	vld [tilespmem:s25+$0x300];
	v16, v19, _ =	vpop (xrf1)  }
0x1ea: {  	s28 =	simm.s32 $0x3E0;
	s31 =	rddreg [dreg:$0x5];
	s1 =	sand.u32 $0x1C00, s26;
	v17 =	vld [tilespmem:s25+$0x380];
	v20, v21, _ =	vpop (xrf1)  }
0x1eb: {  	s30 =	sand.u32 $0x70, s28;
	s0 =	sadd.s32 s1, s31;
	v23, v24, _ =	vpop (xrf1)  }
0x1ec: {  	v10 =	vimm.f32 $1.000000020e+30;
	v18 =	vld [tilespmem:s25+$0x2300];
	s25 =	sadd.s32 s30, s0;
	v22, v25, _ =	vpop (xrf1)  }
0x1ed: {  	v26 =	vld [tilespmem:s25+$0x2280];
	vm3 =	vle.f32 v10, v13;
	(xrf1) =	vsort.dscd.msk.f32 $0xffff, v1, v6;
	v1, v27, _ =	vpop (xrf1)  }
0x1ee: {  	v9 =	vimm.s32 $0x0;
	v28 =	vld [tilespmem:s25+$0x2180];
	v29 =	vsel vm3, v10, v13;
	(xrf1) =	vsort.dscd.msk.f32 $0xffff, v15, v6;
	vm4 =	vle.f32 v10, v1  }
0x1ef: {  	v15 =	vld [tilespmem:s25+$0x80];
	(xrf1) =	vsort.dscd.msk.f32 $0xffff, v17, v6;
	v1 =	vsel vm4, v10, v1;
	v13 =	vsel vm4, v9, v27  }
0x1f0: {  	v17 =	vld [tilespmem:s25+$0x200];
	v27 =	vsel vm3, v9, v14;
	vm3 =	vle.f32 v10, v8;
	(xrf1) =	vsort.ascd.msk.f32 $0xffff, v1, v13  }
0x1f1: {  	v14, v30, _ =	vpop (xrf1);
	v13 =	vld [tilespmem:s25+$0x2080];
	v1 =	vor.u32 s28, v0;
	v8 =	vsel vm3, v10, v8;
	(xrf1) =	vsort.dscd.msk.f32 $0xffff, v18, v6  }
0x1f2: {  	vm4 =	vle.f32 v10, v14;
	v32 =	vsel vm3, v9, v11;
	v6 =	vld [tilespmem:s25+$0x100];
	(xrf1) =	vsort.dscd.msk.f32 $0xffff, v26, v1  }
0x1f3: {  	vm3 =	vle.f32 v10, v22;
	v11 =	vsel vm4, v10, v14;
	(xrf1) =	vsort.dscd.msk.f32 $0xffff, v28, v1  }
0x1f4: {  	v14 =	vsel vm4, v9, v30;
	v18 =	vsel vm3, v10, v22;
	v26, v30, _ =	vpop (xrf1);
	(xrf1) =	vsort.dscd.msk.f32 $0xffff, v15, v1  }
0x1f5: {  	v22 =	vsel vm3, v9, v25;
	vm4 =	vle.f32 v10, v26;
	v28 =	vld [tilespmem:s25+$0x0];
	(xrf1) =	vsort.dscd.msk.f32 $0xffff, v17, v1  }
0x1f6: {  	s31 =	rddreg [dreg:$0x6];
	v25 =	vld [tilespmem:s25+$0x2200];
	vm3 =	vle.f32 v10, v20;
	v26 =	vsel vm4, v10, v26;
	(xrf1) =	vsort.dscd.msk.f32 $0xffff, v13, v1  }
0x1f7: {  	s0 =	sadd.s32 s1, s31;
	v31 =	vld [tilespmem:s25+$0x2380];
	v30 =	vsel vm4, v9, v30;
	v15 =	vsel vm3, v9, v21;
	(xrf1) =	vsort.dscd.msk.f32 $0xffff, v6, v1  }
0x1f8: {  	s0 =	sadd.s32 s30, s0;
	v21 =	vld [tilespmem:s25+$0x280];
	v13 =	vsel vm3, v10, v20;
	vm3 =	vle.f32 v10, v16;
	(xrf1) =	vsort.ascd.msk.f32 $0xffff, v29, v27  }
0x1f9: {  	v38 =	vimm.s32 $0x0;
	vm6 =	vle.f32 v10, v5;
	v17 =	vsel vm3, v10, v16;
	v16 =	vld [tilespmem:s0+$0x0];
	(xrf1) =	vsort.ascd.msk.f32 $0xffff, v26, v30  }
0x1fa: {  	v34 =	vimm.f32 $1.000000020e+30;
	v41 =	vsel vm6, v10, v5;
	v43 =	vsel vm6, v9, v7;
	(xrf1) =	vsort.dscd.msk.f32 $0xffff, v28, v1  }
0x1fb: {  	v40 =	vimm.f32 $1.000000020e+30;
	vm5 =	vle.f32 v10, v23;
	v20 =	vsel vm3, v9, v19;
	v29, v19, _ =	vpop (xrf1);
	(xrf1) =	vsort.dscd.msk.f32 $0xffff, v25, v1  }
0x1fc: {  	v35 =	vimm.f32 $1.000000020e+30;
	v5 =	vld [tilespmem:s25+$0x2300];
	v39 =	vsel vm5, v10, v23;
	v42 =	vsel vm5, v9, v24;
	v25, v37, _ =	vpop (xrf1);
	(xrf1) =	vsort.dscd.msk.f32 $0xffff, v31, v1  }
0x1fd: {  	v7 =	vld [tilespmem:s25+$0x380];
	v24 =	vimm.f32 $1.000000020e+30;
	vm4 =	vle.f32 v10, v3;
	vm3 =	vle.f32 v10, v12;
	v36, v30, _ =	vpop (xrf1);
	(xrf1) =	vsort.dscd.msk.f32 $0xffff, v21, v1  }
0x1fe: {  	v23 =	vimm.s32 $0x0;
	v6 =	vld [tilespmem:s25+$0x180];
	v33 =	vsel vm3, v10, v12;
	vm5 =	vle.f32 v10, v29;
	(xrf1) =	vsort.dscd.msk.f32 $0xffff, v16, v1;
	v21, v16, _ =	vpop (xrf1)  }
0x1ff: {  	p1 =	por p2, p2;
	s28 =	simm.s32 $0x3D0;
	v26 =	vld [tilespmem:s25+$0x2100];
	v19 =	vsel vm5, v9, v19;
	v31 =	vimm.s32 $0x0;
	(xrf1) =	vsort.ascd.msk.f32 $0xffff, v8, v32;
	v28, v27, _ =	vpop (xrf1);
	v32 =	vimm.s32 $0x0  }
.LBB2_8:
0x200: {  	v12, v8, _ =	vpop (xrf1);
	(xrf1) =	vsort.ascd.msk.f32 $0xffff, v39, v42  }
0x201: {  	v10 =	vsel vm4, v10, v3;
	v9 =	vsel vm3, v9, v4;
	v39, v42, _ =	vpop (xrf1);
	(xrf1) =	vsort.ascd.msk.f32 $0xffff, v11, v14  }
0x202: {  	v38 =	vsel vm4, v38, v2;
	vm3 =	vle.f32 v34, v25;
	v3, v2, _ =	vpop (xrf1);
	(xrf1) =	vsort.ascd.msk.f32 $0xffff, v18, v22  }
0x203: {  	v14 =	vsel vm3, v34, v25;
	v25, v4, _ =	vpop (xrf1);
	(xrf1) =	vsort.ascd.msk.f32 $0xffff, v41, v43  }
0x204: {  	v11 =	vsel vm5, v40, v29;
	v18 =	vsel vm3, v31, v37;
	v29, v31, _ =	vpop (xrf1);
	(xrf1) =	vsort.dscd.msk.f32 $0xffff, v26, v1  }
0x205: {  	vm3 =	vle.f32 v35, v36;
	v57, v56, _ =	vpop (xrf1);
	(xrf1) =	vsort.ascd.msk.f32 $0xffff, v33, v9  }
0x206: {  	v30 =	vsel vm3, v32, v30;
	(xrf1) =	vsort.ascd.msk.f32 $0xffff, v13, v15;
	v9, v13, _ =	vpop (xrf1)  }
0x207: {  	v26 =	vsel vm3, v35, v36;
	vm3 =	vle.f32 v9, v29;
	(xrf1) =	vsort.ascd.msk.f32 $0xffff, v17, v20;
	v17, v20, _ =	vpop (xrf1)  }
0x208: {  	s26 =	sadd.s32 $0xFFFFFF80, s26;
	v60 =	vsel vm3, v9, v29;
	v61 =	vsel vm3, v13, v31;
	v13, v29, _ =	vpop (xrf1);
	(xrf1) =	vsort.ascd.msk.f32 $0xffff, v10, v38  }
0x209: {  	s0 =	rddreg [dreg:$0x5];
	s30 =	smov.u32 s28;
	s31 =	sand.u32 $0x1C00, s26;
	v22 =	vld [tilespmem:s25+$0x300];
	vm3 =	vle.f32 v24, v28;
	v41, v43, _ =	vpop (xrf1);
	(xrf1) =	vsort.ascd.msk.f32 $0xffff, v14, v18  }
0x20a: {  	s1 =	sand.u32 $0x70, s30;
	s0 =	sadd.s32 s31, s0;
	v62 =	vsel vm3, v24, v28;
	v23 =	vsel vm3, v23, v27;
	(xrf1) =	vsort.dscd.msk.f32 $0xffff, v6, v1;
	v18, v31, _ =	vpop (xrf1)  }
0x20b: {  	s25 =	sadd.s32 s1, s0;
	v24, v27, _ =	vpop (xrf1);
	(xrf1) =	vsort.ascd.msk.f32 $0xffff, v62, v23  }
0x20c: {  	v58 =	vld [tilespmem:s25+$0x200];
	vm3 =	vle.f32 v21, v24;
	v14, v28, _ =	vpop (xrf1);
	(xrf1) =	vsort.ascd.msk.f32 $0xffff, v11, v19  }
0x20d: {  	v10 =	vld [tilespmem:s25+$0x2280];
	v11 =	vsel vm3, v21, v24;
	v16 =	vsel vm3, v16, v27;
	(xrf1) =	vsort.ascd.msk.f32 $0xffff, v26, v30;
	v21, v24, _ =	vpop (xrf1)  }
0x20e: {  	v15 =	vld [tilespmem:s25+$0x2180];
	vm3 =	vle.f32 v21, v39;
	(xrf1) =	vsort.dscd.msk.f32 $0xffff, v22, v1;
	v30, v45, _ =	vpop (xrf1)  }
0x20f: {  	v9 =	vor.u32 s30, v0;
	v27 =	vld [tilespmem:s25+$0x80];
	v47 =	vsel vm3, v21, v39;
	(xrf1) =	vsort.dscd.msk.f32 $0xffff, v7, v1;
	v7, v21, _ =	vpop (xrf1)  }
0x210: {  	v59 =	vld [tilespmem:s25+$0x2080];
	v48 =	vsel vm3, v24, v42;
	vm3 =	vle.f32 v7, v14;
	(xrf1) =	vsort.ascd.msk.f32 $0xffff, v11, v16;
	v16, v22, _ =	vpop (xrf1)  }
0x211: {  	v23 =	vld [tilespmem:s25+$0x100];
	v11 =	vsel vm3, v7, v14;
	v14 =	vsel vm3, v21, v28;
	(xrf1) =	vsort.dscd.msk.f32 $0xffff, v5, v1;
	v21, v28, _ =	vpop (xrf1);
	v1 =	vmov v9  }
0x212: {  	v19 =	vld [tilespmem:s25+$0x2300];
	vm3 =	vle.f32 v16, v18;
	(xrf1) =	vsort.dscd.msk.f32 $0xffff, v10, v1;
	v7, v10, _ =	vpop (xrf1)  }
0x213: {  	v18 =	vsel vm3, v16, v18;
	(xrf1) =	vsort.dscd.msk.f32 $0xffff, v15, v1;
	vm4 =	vle.f32 v17, v7;
	v16, v9, _ =	vpop (xrf1)  }
0x214: {  	(xrf1) =	vsort.dscd.msk.f32 $0xffff, v27, v1;
	v24 =	vsel vm4, v17, v7;
	v7, v15, _ =	vpop (xrf1)  }
0x215: {  	v44 =	vld [tilespmem:s25+$0x0];
	v27 =	vsel vm4, v20, v10;
	(xrf1) =	vsort.dscd.msk.f32 $0xffff, v58, v1;
	v17, v20, _ =	vpop (xrf1)  }
0x216: {  	s29 =	rddreg [dreg:$0x6];
	v63 =	vld [tilespmem:s25+$0x2200];
	(xrf1) =	vsort.dscd.msk.f32 $0xffff, v59, v1;
	v10, v38, _ =	vpop (xrf1)  }
0x217: {  	s29 =	sadd.s32 s31, s29;
	v5 =	vmov v19;
	v19 =	vld [tilespmem:s25+$0x2380];
	v22 =	vsel vm3, v22, v31;
	vm3 =	vle.f32 v7, v13;
	(xrf1) =	vsort.dscd.msk.f32 $0xffff, v23, v1;
	v34, v31, _ =	vpop (xrf1)  }
0x218: {  	s31 =	sadd.s32 s1, s29;
	v55 =	vld [tilespmem:s25+$0x280];
	vm5 =	vle.f32 v30, v41;
	v15 =	vsel vm3, v15, v29;
	v29, v49, _ =	vpop (xrf1);
	(xrf1) =	vsort.ascd.msk.f32 $0xffff, v60, v61  }
0x219: {  	v46 =	vld [tilespmem:s31+$0x0];
	v13 =	vsel vm3, v7, v13;
	vm3 =	vle.f32 v17, v57;
	(xrf1) =	vsort.ascd.msk.f32 $0xffff, v24, v27;
	v24, v23, _ =	vpop (xrf1)  }
0x21a: {  	p2 =	sne.s32 s28, $0x0;
	v39 =	vsel vm5, v30, v41;
	v17 =	vsel vm3, v17, v57;
	(xrf1) =	vsort.dscd.msk.f32 $0xffff, v44, v1;
	v40, v27, _ =	vpop (xrf1)  }
.Ltmp4:
0x21b: {  	v20 =	vsel vm3, v20, v56;
	vm3 =	vle.f32 v16, v25;
	(xrf1) =	vsort.dscd.msk.f32 $0xffff, v63, v1;
	v35, v32, _ =	vpop (xrf1);
	(pc) =	sbr.rel @p2 .LBB2_8-.Ltmp4, $4  }
0x21c: {  	vm6 =	vle.f32 v21, v12;
	v33 =	vsel vm3, v16, v25;
	(xrf1) =	vsort.dscd.msk.f32 $0xffff, v19, v1;
	v25, v37, _ =	vpop (xrf1)  }
0x21d: {  	v6 =	vld [tilespmem:s25+$0x180];
	v42 =	vsel vm5, v45, v43;
	v41 =	vsel vm6, v21, v12;
	(xrf1) =	vsort.dscd.msk.f32 $0xffff, v55, v1;
	v36, v30, _ =	vpop (xrf1)  }
0x21e: {  	v26 =	vld [tilespmem:s25+$0x2100];
	v43 =	vsel vm6, v28, v8;
	vm5 =	vle.f32 v40, v29;
	(xrf1) =	vsort.dscd.msk.f32 $0xffff, v46, v1;
	v21, v16, _ =	vpop (xrf1)  }
0x21f: {  	s28 =	sadd.s32 $0xFFFFFFF0, s28;
	v7 =	vld [tilespmem:s25+$0x380];
	vm4 =	vle.f32 v10, v3;
	v19 =	vsel vm5, v27, v49;
	(xrf1) =	vsort.ascd.msk.f32 $0xffff, v47, v48;
	v28, v27, _ =	vpop (xrf1)  }
0x220: {  	v8, v12, _ =	vpop (xrf1);
	(xrf1) =	vsort.ascd.msk.f32 $0xffff, v39, v42  }
0x221: {  	v39, v42, _ =	vpop (xrf1);
	(xrf1) =	vsort.ascd.msk.f32 $0xffff, v11, v14  }
0x222: {  	v11, v14, _ =	vpop (xrf1);
	(xrf1) =	vsort.ascd.msk.f32 $0xffff, v18, v22  }
0x223: {  	v18, v22, _ =	vpop (xrf1);
	(xrf1) =	vsort.ascd.msk.f32 $0xffff, v41, v43  }
0x224: {  	v41, v43, _ =	vpop (xrf1);
	(xrf1) =	vsort.dscd.msk.f32 $0xffff, v26, v1  }
0x225: {  	v26, v44, _ =	vpop (xrf1)  }
0x226: {  	v4 =	vsel vm3, v9, v4;
	v3 =	vsel vm4, v10, v3;
	vm3 =	vle.f32 v34, v25;
	v63, v45, _ =	vpop (xrf1)  }
0x227: {  	v2 =	vsel vm4, v38, v2;
	v31 =	vsel vm3, v31, v37;
	(xrf1) =	vsort.ascd.msk.f32 $0xffff, v33, v4;
	v49, v48, _ =	vpop (xrf1)  }
0x228: {  	vm8 =	vle.f32 v24, v28;
	v25 =	vsel vm3, v34, v25;
	(xrf1) =	vsort.ascd.msk.f32 $0xffff, v13, v15;
	v13, v15, _ =	vpop (xrf1)  }
0x229: {  	v23 =	vsel vm8, v23, v27;
	(xrf1) =	vsort.ascd.msk.f32 $0xffff, v17, v20;
	v17, v20, _ =	vpop (xrf1)  }
0x22a: {  	v29 =	vsel vm5, v40, v29;
	(xrf1) =	vsort.ascd.msk.f32 $0xffff, v3, v2;
	v2, v3, _ =	vpop (xrf1)  }
0x22b: {  	(xrf1) =	vsort.ascd.msk.f32 $0xffff, v25, v31;
	v25, v31, _ =	vpop (xrf1)  }
0x22c: {  	v51 =	vld [tilespmem:s25+$0x300];
	v52 =	vsel vm8, v24, v28;
	(xrf1) =	vsort.dscd.msk.f32 $0xffff, v6, v1;
	v53, v54, _ =	vpop (xrf1)  }
0x22d: {  	(xrf1) =	vsort.ascd.msk.f32 $0xffff, v52, v23;
	v6, v23, _ =	vpop (xrf1)  }
0x22e: {  	vm15 =	vle.f32 v35, v36;
	(xrf1) =	vsort.ascd.msk.f32 $0xffff, v29, v19;
	v19, v29, _ =	vpop (xrf1)  }
0x22f: {  	v50 =	vsel vm15, v35, v36;
	v55 =	vsel vm15, v32, v30;
	vm3 =	vle.f32 v63, v41;
	v57, v58, _ =	vpop (xrf1)  }
0x230: {  	v9 =	vsel vm3, v63, v41;
	(xrf1) =	vsort.ascd.msk.f32 $0xffff, v50, v55;
	v60, v59, _ =	vpop (xrf1)  }
0x231: {  	v56 =	vsel vm3, v45, v43;
	vm3 =	vle.f32 v21, v25;
	(xrf1) =	vsort.dscd.msk.f32 $0xffff, v51, v1;
	v62, v61, _ =	vpop (xrf1)  }
0x232: {  	v21 =	vsel vm3, v21, v25;
	v16 =	vsel vm3, v16, v31;
	(xrf1) =	vsort.dscd.msk.f32 $0xffff, v7, v1;
	v24, v25, _ =	vpop (xrf1)  }
0x233: {  	vm9 =	vle.f32 v6, v39;
	(xrf1) =	vsort.ascd.msk.f32 $0xffff, v21, v16;
	vm10 =	vle.f32 v49, v24  }
0x234: {  	v6 =	vsel vm9, v6, v39;
	(xrf1) =	vsort.dscd.msk.f32 $0xffff, v5, v1;
	v1 =	vsel vm10, v49, v24  }
0x235: {  	v23 =	vsel vm9, v23, v42;
	(xrf1) =	vsort.ascd.msk.f32 $0xffff, v9, v56;
	v35 =	vsel vm10, v48, v25  }
0x236: {  	vm11 =	vle.f32 v19, v17;
	vm3 =	vle.f32 v57, v53;
	v36, v37, _ =	vpop (xrf1);
	(xrf1) =	vsort.ascd.msk.f32 $0xffff, v1, v35  }
0x237: {  	v38 =	vsel vm11, v19, v17;
	v39 =	vsel vm11, v29, v20;
	v1, v4, _ =	vpop (xrf1);
	(xrf1) =	vsort.ascd.msk.f32 $0xffff, v6, v23  }
0x238: {  	v63 =	vsel vm3, v57, v53;
	v34 =	vsel vm3, v58, v54;
	v40, v41, _ =	vpop (xrf1);
	(xrf1) =	vsort.ascd.msk.f32 $0xffff, v38, v39  }
0x239: {  	vm3 =	vle.f32 v60, v2;
	v10, v17, _ =	vpop (xrf1);
	(xrf1) =	vsort.ascd.msk.f32 $0xffff, v63, v34  }
0x23a: {  	v2 =	vsel vm3, v60, v2;
	v3 =	vsel vm3, v59, v3;
	vm13 =	vle.f32 v62, v8;
	v16, v21, _ =	vpop (xrf1)  }
0x23b: {  	v42 =	vsel vm13, v62, v8;
	(xrf1) =	vsort.ascd.msk.f32 $0xffff, v2, v3;
	v46, v45, _ =	vpop (xrf1)  }
0x23c: {  	v43 =	vsel vm13, v61, v12;
	vm12 =	vle.f32 v36, v18;
	vm3 =	vle.f32 v1, v13;
	v47, v48, _ =	vpop (xrf1)  }
0x23d: {  	v2 =	vsel vm12, v36, v18;
	v3 =	vsel vm12, v37, v22;
	(xrf1) =	vsort.ascd.msk.f32 $0xffff, v42, v43;
	v49, v50, _ =	vpop (xrf1)  }
0x23e: {  	v1 =	vsel vm3, v1, v13;
	v4 =	vsel vm3, v4, v15;
	(xrf1) =	vsort.ascd.msk.f32 $0xffff, v2, v3;
	v52, v51, _ =	vpop (xrf1)  }
0x23f: {  	(xrf1) =	vsort.ascd.msk.f32 $0xffff, v1, v4;
	v54, v53, _ =	vpop (xrf1)  }
0x240: {  	v55, v56, _ =	vpop (xrf1)  }
0x241: {  	v1, v9, _ =	vpop (xrf1)  }
0x242: {  	v57, v58, _ =	vpop (xrf1)  }
0x243: {  	v1, v7, _ =	vpop (xrf1)  }
0x244: {  	v1, v6, _ =	vpop (xrf1)  }
0x245: {  	v1, v5, _ =	vpop (xrf1)  }
0x246: {  	v1, v3, _ =	vpop (xrf1)  }
0x247: {  	v1, v8, _ =	vpop (xrf1);
	_ =	sdelay $0x1  }
0x248: {  	v2, v1, _ =	vpop (xrf1);
	_ =	sdelay $0x1  }
0x249: {  	v59, v2, _ =	vpop (xrf1)  }
0x24a: {  	v60, v33, _ =	vpop (xrf1)  }
0x24b: {  	vm3 =	vle.f32 v40, v26;
	v62, v61, _ =	vpop (xrf1)  }
0x24c: {  	v19 =	vsel vm3, v40, v26;
	v20 =	vsel vm3, v41, v44;
	vm3 =	vle.f32 v10, v11  }
0x24d: {  	v10 =	vsel vm3, v10, v11;
	v63 =	vsel vm3, v17, v14;
	vm15 =	vle.f32 v16, v54  }
0x24e: {  	vm14 =	vle.f32 v49, v46;
	v23 =	vsel vm15, v16, v54;
	(xrf1) =	vsort.ascd.msk.f32 $0xffff, v19, v20  }
0x24f: {  	v26 =	vsel vm15, v21, v53;
	vm3 =	vle.f32 v47, v57;
	(xrf1) =	vsort.ascd.msk.f32 $0xffff, v10, v63;
	v25 =	vld.idx.msk [tilespmem:v61+s2+$0x0], $0xffff  }
0x250: {  	v32 =	vsel vm3, v47, v57;
	v34 =	vsel vm3, v48, v58;
	(xrf1) =	vsort.ascd.msk.f32 $0xffff, v23, v26;
	v27 =	vld.idx.msk [tilespmem:v61+s13+$0x0], $0xffff  }
0x251: {  	v22 =	vsel vm14, v50, v45;
	v12 =	vsel vm14, v49, v46;
	(xrf1) =	vsort.ascd.msk.f32 $0xffff, v32, v34  }
0x252: {  	vm3 =	vle.f32 v52, v55;
	(xrf1) =	vsort.ascd.msk.f32 $0xffff, v12, v22  }
0x253: {  	s0 =	sshll.u32 s24, $0x4;
	v4 =	vsel vm3, v52, v55;
	v35 =	vsel vm3, v51, v56  }
0x254: {  	s24 =	sor.u32 s22, s0;
	(xrf1) =	vsort.ascd.msk.f32 $0xffff, v4, v35;
	v36 =	vnsel vm2, $0x7149F2CA, v25  }
0x255: {  	s0 =	sor.u32 $0x20, s24;
	(xrf1) =	vsort.ascd.msk.f32 $0xffff, v36, v27  }
0x256: {  	s1 =	sor.u32 s3, s0  }
0x257: {  	v37 =	vmov s1  }
0x258: {  	v4 =	vand.u32 $0xFFFFFFF0, v37  }
0x259: {  	v38 =	vbroadcast v4, $0x0;
	v10 =	vnsel vm2, $0x7149F2CA, v27  }
0x25a: {  	(xrf1) =	vsort.ascd.msk.f32 $0xffff, v10, v25;
	_ =	sdelay $0x1  }
0x25b: {  	v40, v39, _ =	vpop (xrf1)  }
0x25c: {  	v42, v41, _ =	vpop (xrf1)  }
0x25d: {  	v43, v14, _ =	vpop (xrf1)  }
0x25e: {  	v44 =	vld.idx.msk [tilespmem:v38+s2+$0x0], $0xffff;
	v45, v4, _ =	vpop (xrf1)  }
0x25f: {  	v10, v16, _ =	vpop (xrf1);
	_ =	sdelay $0x1  }
0x260: {  	v11 =	vld.idx.msk [tilespmem:v38+s13+$0x0], $0xffff;
	v46, v10, _ =	vpop (xrf1)  }
0x261: {  	v17, v47, _ =	vpop (xrf1)  }
0x262: {  	v15 =	vsel vm0, v17, v44  }
0x263: {  	s0 =	sshll.u32 s0, $0x7  }
0x264: {  	s0 =	sand.u32 $0x3FFFFF80, s0  }
0x265: {  	[tilespmem:s0+$0x810] =	vst v47;
	v11 =	vsel vm1, v15, v11  }
0x266: {  	[tilespmem:s0+$0x800] =	vst v11;
	v48, v15, _ =	vpop (xrf1)  }
0x267: {  	[tilespmem:s0+$0x820] =	vst v15  }
0x268: {  	[tilespmem:s0+$0x830] =	vst v48  }
0x269: {  	v11 =	vld.idx.msk [tilespmem:v41+s2+$0x0], $0xffff  }
0x26a: {  	v13 =	vld.idx.msk [tilespmem:v41+s13+$0x0], $0xffff;
	_ =	sdelay $0x3  }
0x26b: {  	v49 =	vnsel vm2, $0x7149F2CA, v11  }
0x26c: {  	(xrf1) =	vsort.ascd.msk.f32 $0xffff, v49, v13;
	_ =	sdelay $0x2  }
0x26d: {  	s25 =	sor.u32 $0x21, s24  }
0x26e: {  	s26 =	sor.u32 s3, s25;
	v13 =	vnsel vm2, $0x7149F2CA, v13  }
0x26f: {  	v50 =	vmov s26;
	(xrf1) =	vsort.ascd.msk.f32 $0xffff, v13, v11;
	_ =	sdelay $0x4  }
0x270: {  	v51 =	vld.idx.msk [tilespmem:v50+s2+$0x0], $0xffff;
	_ =	sdelay $0x2  }
0x271: {  	v11 =	vld.idx.msk [tilespmem:v50+s13+$0x0], $0xffff  }
0x272: {  	v15, v52, _ =	vpop (xrf1)  }
0x273: {  	v13 =	vsel vm0, v15, v51  }
0x274: {  	s0 =	sshll.u32 s25, $0x7  }
0x275: {  	s0 =	sand.u32 $0x3FFFFF80, s0  }
0x276: {  	[tilespmem:s0+$0x810] =	vst v52;
	v11 =	vsel vm1, v13, v11  }
0x277: {  	[tilespmem:s0+$0x800] =	vst v11;
	v53, v13, _ =	vpop (xrf1)  }
0x278: {  	[tilespmem:s0+$0x820] =	vst v13  }
0x279: {  	[tilespmem:s0+$0x830] =	vst v53  }
0x27a: {  	v11 =	vld.idx.msk [tilespmem:v39+s2+$0x0], $0xffff  }
0x27b: {  	v12 =	vld.idx.msk [tilespmem:v39+s13+$0x0], $0xffff;
	_ =	sdelay $0x3  }
0x27c: {  	v54 =	vnsel vm2, $0x7149F2CA, v11  }
0x27d: {  	(xrf1) =	vsort.ascd.msk.f32 $0xffff, v54, v12;
	_ =	sdelay $0x2  }
0x27e: {  	s28 =	sor.u32 $0x22, s24  }
0x27f: {  	s29 =	sor.u32 s3, s28;
	v12 =	vnsel vm2, $0x7149F2CA, v12  }
0x280: {  	v55 =	vmov s29;
	(xrf1) =	vsort.ascd.msk.f32 $0xffff, v12, v11;
	_ =	sdelay $0x4  }
0x281: {  	v56 =	vld.idx.msk [tilespmem:v55+s2+$0x0], $0xffff;
	_ =	sdelay $0x2  }
0x282: {  	v11 =	vld.idx.msk [tilespmem:v55+s13+$0x0], $0xffff  }
0x283: {  	v13, v57, _ =	vpop (xrf1)  }
0x284: {  	v12 =	vsel vm0, v13, v56  }
0x285: {  	s0 =	sshll.u32 s28, $0x7  }
0x286: {  	s0 =	sand.u32 $0x3FFFFF80, s0  }
0x287: {  	[tilespmem:s0+$0x810] =	vst v57;
	v11 =	vsel vm1, v12, v11  }
0x288: {  	[tilespmem:s0+$0x800] =	vst v11;
	v58, v12, _ =	vpop (xrf1)  }
0x289: {  	[tilespmem:s0+$0x820] =	vst v12  }
0x28a: {  	[tilespmem:s0+$0x830] =	vst v58  }
0x28b: {  	v11 =	vld.idx.msk [tilespmem:v16+s2+$0x0], $0xffff  }
0x28c: {  	v12 =	vld.idx.msk [tilespmem:v16+s13+$0x0], $0xffff;
	_ =	sdelay $0x3  }
0x28d: {  	v59 =	vnsel vm2, $0x7149F2CA, v11  }
0x28e: {  	(xrf1) =	vsort.ascd.msk.f32 $0xffff, v59, v12;
	_ =	sdelay $0x2  }
0x28f: {  	s30 =	sor.u32 $0x23, s24  }
0x290: {  	s31 =	sor.u32 s3, s30;
	v12 =	vnsel vm2, $0x7149F2CA, v12  }
0x291: {  	v60 =	vmov s31;
	(xrf1) =	vsort.ascd.msk.f32 $0xffff, v12, v11;
	_ =	sdelay $0x4  }
0x292: {  	v61 =	vld.idx.msk [tilespmem:v60+s2+$0x0], $0xffff;
	_ =	sdelay $0x2  }
0x293: {  	v11 =	vld.idx.msk [tilespmem:v60+s13+$0x0], $0xffff  }
0x294: {  	v13, v62, _ =	vpop (xrf1)  }
0x295: {  	v12 =	vsel vm0, v13, v61  }
0x296: {  	s0 =	sshll.u32 s30, $0x7  }
0x297: {  	s0 =	sand.u32 $0x3FFFFF80, s0  }
0x298: {  	[tilespmem:s0+$0x810] =	vst v62;
	v11 =	vsel vm1, v12, v11  }
0x299: {  	[tilespmem:s0+$0x800] =	vst v11;
	v63, v12, _ =	vpop (xrf1)  }
0x29a: {  	[tilespmem:s0+$0x820] =	vst v12  }
0x29b: {  	[tilespmem:s0+$0x830] =	vst v63  }
0x29c: {  	v11 =	vld.idx.msk [tilespmem:v33+s2+$0x0], $0xffff  }
0x29d: {  	v12 =	vld.idx.msk [tilespmem:v33+s13+$0x0], $0xffff;
	_ =	sdelay $0x3  }
0x29e: {  	v16 =	vnsel vm2, $0x7149F2CA, v11  }
0x29f: {  	(xrf1) =	vsort.ascd.msk.f32 $0xffff, v16, v12;
	_ =	sdelay $0x2  }
0x2a0: {  	s25 =	sor.u32 $0x24, s24  }
0x2a1: {  	s26 =	sor.u32 s3, s25;
	v12 =	vnsel vm2, $0x7149F2CA, v12  }
0x2a2: {  	v17 =	vmov s26;
	(xrf1) =	vsort.ascd.msk.f32 $0xffff, v12, v11;
	_ =	sdelay $0x4  }
0x2a3: {  	v18 =	vld.idx.msk [tilespmem:v17+s2+$0x0], $0xffff;
	_ =	sdelay $0x2  }
0x2a4: {  	v11 =	vld.idx.msk [tilespmem:v17+s13+$0x0], $0xffff  }
0x2a5: {  	v13, v19, _ =	vpop (xrf1)  }
0x2a6: {  	v12 =	vsel vm0, v13, v18  }
0x2a7: {  	s0 =	sshll.u32 s25, $0x7  }
0x2a8: {  	s0 =	sand.u32 $0x3FFFFF80, s0  }
0x2a9: {  	[tilespmem:s0+$0x810] =	vst v19;
	v11 =	vsel vm1, v12, v11  }
0x2aa: {  	[tilespmem:s0+$0x800] =	vst v11;
	v20, v12, _ =	vpop (xrf1)  }
0x2ab: {  	[tilespmem:s0+$0x820] =	vst v12  }
0x2ac: {  	[tilespmem:s0+$0x830] =	vst v20  }
0x2ad: {  	v11 =	vld.idx.msk [tilespmem:v9+s2+$0x0], $0xffff  }
0x2ae: {  	v9 =	vld.idx.msk [tilespmem:v9+s13+$0x0], $0xffff;
	_ =	sdelay $0x3  }
0x2af: {  	v21 =	vnsel vm2, $0x7149F2CA, v11  }
0x2b0: {  	(xrf1) =	vsort.ascd.msk.f32 $0xffff, v21, v9;
	_ =	sdelay $0x2  }
0x2b1: {  	s28 =	sor.u32 $0x25, s24  }
0x2b2: {  	s29 =	sor.u32 s3, s28;
	v9 =	vnsel vm2, $0x7149F2CA, v9  }
0x2b3: {  	v22 =	vmov s29;
	(xrf1) =	vsort.ascd.msk.f32 $0xffff, v9, v11;
	_ =	sdelay $0x4  }
0x2b4: {  	v23 =	vld.idx.msk [tilespmem:v22+s2+$0x0], $0xffff;
	_ =	sdelay $0x2  }
0x2b5: {  	v9 =	vld.idx.msk [tilespmem:v22+s13+$0x0], $0xffff  }
0x2b6: {  	v12, v24, _ =	vpop (xrf1)  }
0x2b7: {  	v11 =	vsel vm0, v12, v23  }
0x2b8: {  	s0 =	sshll.u32 s28, $0x7  }
0x2b9: {  	s0 =	sand.u32 $0x3FFFFF80, s0  }
0x2ba: {  	[tilespmem:s0+$0x810] =	vst v24;
	v9 =	vsel vm1, v11, v9  }
0x2bb: {  	[tilespmem:s0+$0x800] =	vst v9;
	v25, v11, _ =	vpop (xrf1)  }
0x2bc: {  	[tilespmem:s0+$0x820] =	vst v11  }
0x2bd: {  	[tilespmem:s0+$0x830] =	vst v25  }
0x2be: {  	v9 =	vld.idx.msk [tilespmem:v14+s2+$0x0], $0xffff  }
0x2bf: {  	v11 =	vld.idx.msk [tilespmem:v14+s13+$0x0], $0xffff;
	_ =	sdelay $0x3  }
0x2c0: {  	v26 =	vnsel vm2, $0x7149F2CA, v9  }
0x2c1: {  	(xrf1) =	vsort.ascd.msk.f32 $0xffff, v26, v11;
	_ =	sdelay $0x2  }
0x2c2: {  	s30 =	sor.u32 $0x26, s24  }
0x2c3: {  	s31 =	sor.u32 s3, s30;
	v11 =	vnsel vm2, $0x7149F2CA, v11  }
0x2c4: {  	v27 =	vmov s31;
	(xrf1) =	vsort.ascd.msk.f32 $0xffff, v11, v9;
	_ =	sdelay $0x4  }
0x2c5: {  	v28 =	vld.idx.msk [tilespmem:v27+s2+$0x0], $0xffff;
	_ =	sdelay $0x2  }
0x2c6: {  	v9 =	vld.idx.msk [tilespmem:v27+s13+$0x0], $0xffff  }
0x2c7: {  	v12, v29, _ =	vpop (xrf1)  }
0x2c8: {  	v11 =	vsel vm0, v12, v28  }
0x2c9: {  	s0 =	sshll.u32 s30, $0x7  }
0x2ca: {  	s0 =	sand.u32 $0x3FFFFF80, s0  }
0x2cb: {  	[tilespmem:s0+$0x810] =	vst v29;
	v9 =	vsel vm1, v11, v9  }
0x2cc: {  	[tilespmem:s0+$0x800] =	vst v9;
	v30, v11, _ =	vpop (xrf1)  }
0x2cd: {  	[tilespmem:s0+$0x820] =	vst v11  }
0x2ce: {  	[tilespmem:s0+$0x830] =	vst v30  }
0x2cf: {  	v9 =	vld.idx.msk [tilespmem:v10+s2+$0x0], $0xffff  }
0x2d0: {  	v10 =	vld.idx.msk [tilespmem:v10+s13+$0x0], $0xffff;
	_ =	sdelay $0x3  }
0x2d1: {  	v31 =	vnsel vm2, $0x7149F2CA, v9  }
0x2d2: {  	(xrf1) =	vsort.ascd.msk.f32 $0xffff, v31, v10;
	_ =	sdelay $0x2  }
0x2d3: {  	s25 =	sor.u32 $0x27, s24  }
0x2d4: {  	s26 =	sor.u32 s3, s25;
	v10 =	vnsel vm2, $0x7149F2CA, v10  }
0x2d5: {  	v32 =	vmov s26;
	(xrf1) =	vsort.ascd.msk.f32 $0xffff, v10, v9;
	_ =	sdelay $0x4  }
0x2d6: {  	v33 =	vld.idx.msk [tilespmem:v32+s2+$0x0], $0xffff;
	_ =	sdelay $0x2  }
0x2d7: {  	v9 =	vld.idx.msk [tilespmem:v32+s13+$0x0], $0xffff  }
0x2d8: {  	v11, v34, _ =	vpop (xrf1)  }
0x2d9: {  	v10 =	vsel vm0, v11, v33  }
0x2da: {  	s0 =	sshll.u32 s25, $0x7  }
0x2db: {  	s0 =	sand.u32 $0x3FFFFF80, s0  }
0x2dc: {  	[tilespmem:s0+$0x810] =	vst v34;
	v9 =	vsel vm1, v10, v9  }
0x2dd: {  	[tilespmem:s0+$0x800] =	vst v9;
	v35, v10, _ =	vpop (xrf1)  }
0x2de: {  	[tilespmem:s0+$0x820] =	vst v10  }
0x2df: {  	[tilespmem:s0+$0x830] =	vst v35  }
0x2e0: {  	v9 =	vld.idx.msk [tilespmem:v8+s2+$0x0], $0xffff  }
0x2e1: {  	v8 =	vld.idx.msk [tilespmem:v8+s13+$0x0], $0xffff;
	_ =	sdelay $0x3  }
0x2e2: {  	v36 =	vnsel vm2, $0x7149F2CA, v9  }
0x2e3: {  	(xrf1) =	vsort.ascd.msk.f32 $0xffff, v36, v8;
	_ =	sdelay $0x2  }
0x2e4: {  	s28 =	sor.u32 $0x28, s24  }
0x2e5: {  	s29 =	sor.u32 s3, s28;
	v8 =	vnsel vm2, $0x7149F2CA, v8  }
0x2e6: {  	v37 =	vmov s29;
	(xrf1) =	vsort.ascd.msk.f32 $0xffff, v8, v9;
	_ =	sdelay $0x4  }
0x2e7: {  	v38 =	vld.idx.msk [tilespmem:v37+s2+$0x0], $0xffff;
	_ =	sdelay $0x2  }
0x2e8: {  	v8 =	vld.idx.msk [tilespmem:v37+s13+$0x0], $0xffff  }
0x2e9: {  	v10, v39, _ =	vpop (xrf1)  }
0x2ea: {  	v9 =	vsel vm0, v10, v38  }
0x2eb: {  	s0 =	sshll.u32 s28, $0x7  }
0x2ec: {  	s0 =	sand.u32 $0x3FFFFF80, s0  }
0x2ed: {  	[tilespmem:s0+$0x810] =	vst v39;
	v8 =	vsel vm1, v9, v8  }
0x2ee: {  	[tilespmem:s0+$0x800] =	vst v8;
	v40, v9, _ =	vpop (xrf1)  }
0x2ef: {  	[tilespmem:s0+$0x820] =	vst v9  }
0x2f0: {  	[tilespmem:s0+$0x830] =	vst v40  }
0x2f1: {  	v8 =	vld.idx.msk [tilespmem:v7+s2+$0x0], $0xffff  }
0x2f2: {  	v7 =	vld.idx.msk [tilespmem:v7+s13+$0x0], $0xffff;
	_ =	sdelay $0x3  }
0x2f3: {  	v41 =	vnsel vm2, $0x7149F2CA, v8  }
0x2f4: {  	(xrf1) =	vsort.ascd.msk.f32 $0xffff, v41, v7;
	_ =	sdelay $0x2  }
0x2f5: {  	s30 =	sor.u32 $0x29, s24  }
0x2f6: {  	s31 =	sor.u32 s3, s30;
	v7 =	vnsel vm2, $0x7149F2CA, v7  }
0x2f7: {  	v42 =	vmov s31;
	(xrf1) =	vsort.ascd.msk.f32 $0xffff, v7, v8;
	_ =	sdelay $0x4  }
0x2f8: {  	v43 =	vld.idx.msk [tilespmem:v42+s2+$0x0], $0xffff;
	_ =	sdelay $0x2  }
0x2f9: {  	v7 =	vld.idx.msk [tilespmem:v42+s13+$0x0], $0xffff  }
0x2fa: {  	v9, v44, _ =	vpop (xrf1)  }
0x2fb: {  	v8 =	vsel vm0, v9, v43  }
0x2fc: {  	s0 =	sshll.u32 s30, $0x7  }
0x2fd: {  	s0 =	sand.u32 $0x3FFFFF80, s0  }
0x2fe: {  	[tilespmem:s0+$0x810] =	vst v44;
	v7 =	vsel vm1, v8, v7  }
0x2ff: {  	[tilespmem:s0+$0x800] =	vst v7;
	v45, v8, _ =	vpop (xrf1)  }
0x300: {  	[tilespmem:s0+$0x820] =	vst v8  }
0x301: {  	[tilespmem:s0+$0x830] =	vst v45  }
0x302: {  	v7 =	vld.idx.msk [tilespmem:v6+s2+$0x0], $0xffff  }
0x303: {  	v6 =	vld.idx.msk [tilespmem:v6+s13+$0x0], $0xffff;
	_ =	sdelay $0x3  }
0x304: {  	v46 =	vnsel vm2, $0x7149F2CA, v7  }
0x305: {  	(xrf1) =	vsort.ascd.msk.f32 $0xffff, v46, v6;
	_ =	sdelay $0x2  }
0x306: {  	s25 =	sor.u32 $0x2A, s24  }
0x307: {  	s26 =	sor.u32 s3, s25;
	v6 =	vnsel vm2, $0x7149F2CA, v6  }
0x308: {  	v47 =	vmov s26;
	(xrf1) =	vsort.ascd.msk.f32 $0xffff, v6, v7;
	_ =	sdelay $0x4  }
0x309: {  	v48 =	vld.idx.msk [tilespmem:v47+s2+$0x0], $0xffff;
	_ =	sdelay $0x2  }
0x30a: {  	v6 =	vld.idx.msk [tilespmem:v47+s13+$0x0], $0xffff  }
0x30b: {  	v8, v49, _ =	vpop (xrf1)  }
0x30c: {  	v7 =	vsel vm0, v8, v48  }
0x30d: {  	s0 =	sshll.u32 s25, $0x7  }
0x30e: {  	s0 =	sand.u32 $0x3FFFFF80, s0  }
0x30f: {  	[tilespmem:s0+$0x810] =	vst v49;
	v6 =	vsel vm1, v7, v6  }
0x310: {  	[tilespmem:s0+$0x800] =	vst v6;
	v50, v7, _ =	vpop (xrf1)  }
0x311: {  	[tilespmem:s0+$0x820] =	vst v7  }
0x312: {  	[tilespmem:s0+$0x830] =	vst v50  }
0x313: {  	v6 =	vld.idx.msk [tilespmem:v5+s2+$0x0], $0xffff  }
0x314: {  	v5 =	vld.idx.msk [tilespmem:v5+s13+$0x0], $0xffff;
	_ =	sdelay $0x3  }
0x315: {  	v51 =	vnsel vm2, $0x7149F2CA, v6  }
0x316: {  	(xrf1) =	vsort.ascd.msk.f32 $0xffff, v51, v5;
	_ =	sdelay $0x2  }
0x317: {  	s28 =	sor.u32 $0x2B, s24  }
0x318: {  	s29 =	sor.u32 s3, s28;
	v5 =	vnsel vm2, $0x7149F2CA, v5  }
0x319: {  	v52 =	vmov s29;
	(xrf1) =	vsort.ascd.msk.f32 $0xffff, v5, v6;
	_ =	sdelay $0x4  }
0x31a: {  	v53 =	vld.idx.msk [tilespmem:v52+s2+$0x0], $0xffff;
	_ =	sdelay $0x2  }
0x31b: {  	v5 =	vld.idx.msk [tilespmem:v52+s13+$0x0], $0xffff  }
0x31c: {  	v7, v54, _ =	vpop (xrf1)  }
0x31d: {  	v6 =	vsel vm0, v7, v53  }
0x31e: {  	s0 =	sshll.u32 s28, $0x7  }
0x31f: {  	s0 =	sand.u32 $0x3FFFFF80, s0  }
0x320: {  	[tilespmem:s0+$0x810] =	vst v54;
	v5 =	vsel vm1, v6, v5  }
0x321: {  	[tilespmem:s0+$0x800] =	vst v5;
	v55, v6, _ =	vpop (xrf1)  }
0x322: {  	[tilespmem:s0+$0x820] =	vst v6  }
0x323: {  	[tilespmem:s0+$0x830] =	vst v55  }
0x324: {  	v5 =	vld.idx.msk [tilespmem:v3+s2+$0x0], $0xffff  }
0x325: {  	v3 =	vld.idx.msk [tilespmem:v3+s13+$0x0], $0xffff;
	_ =	sdelay $0x3  }
0x326: {  	v56 =	vnsel vm2, $0x7149F2CA, v5  }
0x327: {  	(xrf1) =	vsort.ascd.msk.f32 $0xffff, v56, v3;
	_ =	sdelay $0x2  }
0x328: {  	s30 =	sor.u32 $0x2C, s24  }
0x329: {  	s31 =	sor.u32 s3, s30;
	v3 =	vnsel vm2, $0x7149F2CA, v3  }
0x32a: {  	(xrf1) =	vsort.ascd.msk.f32 $0xffff, v3, v5;
	v3 =	vmov s31;
	_ =	sdelay $0x4  }
0x32b: {  	v57 =	vld.idx.msk [tilespmem:v3+s2+$0x0], $0xffff  }
0x32c: {  	v3 =	vld.idx.msk [tilespmem:v3+s13+$0x0], $0xffff;
	_ =	sdelay $0x2  }
0x32d: {  	v6, v58, _ =	vpop (xrf1)  }
0x32e: {  	v5 =	vsel vm0, v6, v57  }
0x32f: {  	s0 =	sshll.u32 s30, $0x7;
	v3 =	vsel vm1, v5, v3  }
0x330: {  	s0 =	sand.u32 $0x3FFFFF80, s0  }
0x331: {  	[tilespmem:s0+$0x810] =	vst v58  }
0x332: {  	[tilespmem:s0+$0x800] =	vst v3;
	v3, v5, _ =	vpop (xrf1)  }
0x333: {  	[tilespmem:s0+$0x820] =	vst v5  }
0x334: {  	[tilespmem:s0+$0x830] =	vst v3  }
0x335: {  	v3 =	vld.idx.msk [tilespmem:v2+s2+$0x0], $0xffff  }
0x336: {  	v2 =	vld.idx.msk [tilespmem:v2+s13+$0x0], $0xffff;
	_ =	sdelay $0x3  }
0x337: {  	v59 =	vnsel vm2, $0x7149F2CA, v3  }
0x338: {  	(xrf1) =	vsort.ascd.msk.f32 $0xffff, v59, v2;
	_ =	sdelay $0x2  }
0x339: {  	s25 =	sor.u32 $0x2D, s24  }
0x33a: {  	s26 =	sor.u32 s3, s25;
	v2 =	vnsel vm2, $0x7149F2CA, v2  }
0x33b: {  	(xrf1) =	vsort.ascd.msk.f32 $0xffff, v2, v3;
	v2 =	vmov s26;
	_ =	sdelay $0x4  }
0x33c: {  	v3 =	vld.idx.msk [tilespmem:v2+s2+$0x0], $0xffff  }
0x33d: {  	v2 =	vld.idx.msk [tilespmem:v2+s13+$0x0], $0xffff;
	_ =	sdelay $0x2  }
0x33e: {  	v5, v60, _ =	vpop (xrf1)  }
0x33f: {  	v3 =	vsel vm0, v5, v3  }
0x340: {  	s0 =	sshll.u32 s25, $0x7;
	v2 =	vsel vm1, v3, v2  }
0x341: {  	s0 =	sand.u32 $0x3FFFFF80, s0  }
0x342: {  	[tilespmem:s0+$0x810] =	vst v60  }
0x343: {  	[tilespmem:s0+$0x800] =	vst v2;
	v2, v3, _ =	vpop (xrf1)  }
0x344: {  	[tilespmem:s0+$0x820] =	vst v3  }
0x345: {  	[tilespmem:s0+$0x830] =	vst v2  }
0x346: {  	v2 =	vld.idx.msk [tilespmem:v4+s2+$0x0], $0xffff  }
0x347: {  	v3 =	vld.idx.msk [tilespmem:v4+s13+$0x0], $0xffff;
	_ =	sdelay $0x3  }
0x348: {  	v61 =	vnsel vm2, $0x7149F2CA, v2  }
0x349: {  	(xrf1) =	vsort.ascd.msk.f32 $0xffff, v61, v3;
	_ =	sdelay $0x2  }
0x34a: {  	s28 =	sor.u32 $0x2E, s24  }
0x34b: {  	s29 =	sor.u32 s3, s28;
	v3 =	vnsel vm2, $0x7149F2CA, v3  }
0x34c: {  	(xrf1) =	vsort.ascd.msk.f32 $0xffff, v3, v2;
	v2 =	vmov s29;
	_ =	sdelay $0x4  }
0x34d: {  	v3 =	vld.idx.msk [tilespmem:v2+s2+$0x0], $0xffff  }
0x34e: {  	v2 =	vld.idx.msk [tilespmem:v2+s13+$0x0], $0xffff;
	_ =	sdelay $0x2  }
0x34f: {  	v4, v62, _ =	vpop (xrf1)  }
0x350: {  	v3 =	vsel vm0, v4, v3  }
0x351: {  	s0 =	sshll.u32 s28, $0x7;
	v2 =	vsel vm1, v3, v2  }
0x352: {  	s0 =	sand.u32 $0x3FFFFF80, s0  }
0x353: {  	[tilespmem:s0+$0x810] =	vst v62  }
0x354: {  	[tilespmem:s0+$0x800] =	vst v2;
	v2, v3, _ =	vpop (xrf1)  }
0x355: {  	[tilespmem:s0+$0x820] =	vst v3  }
0x356: {  	[tilespmem:s0+$0x830] =	vst v2  }
0x357: {  	v2 =	vld.idx.msk [tilespmem:v1+s2+$0x0], $0xffff  }
0x358: {  	v1 =	vld.idx.msk [tilespmem:v1+s13+$0x0], $0xffff;
	_ =	sdelay $0x3  }
0x359: {  	v3 =	vnsel vm2, $0x7149F2CA, v2  }
0x35a: {  	(xrf1) =	vsort.ascd.msk.f32 $0xffff, v3, v1;
	_ =	sdelay $0x2  }
0x35b: {  	s30 =	sor.u32 $0x2F, s24  }
0x35c: {  	s31 =	sor.u32 s3, s30;
	v1 =	vnsel vm2, $0x7149F2CA, v1  }
0x35d: {  	(xrf1) =	vsort.ascd.msk.f32 $0xffff, v1, v2;
	v1 =	vmov s31;
	_ =	sdelay $0x4  }
0x35e: {  	v2 =	vld.idx.msk [tilespmem:v1+s2+$0x0], $0xffff  }
0x35f: {  	v1 =	vld.idx.msk [tilespmem:v1+s13+$0x0], $0xffff;
	_ =	sdelay $0x2  }
0x360: {  	v3, v63, _ =	vpop (xrf1)  }
0x361: {  	v2 =	vsel vm0, v3, v2  }
0x362: {  	s0 =	sshll.u32 s30, $0x7;
	v1 =	vsel vm1, v2, v1  }
.Ltmp5:
0x363: {  	s0 =	sand.u32 $0x3FFFFF80, s0;
	(pc) =	sbr.rel @p1 .LBB2_7-.Ltmp5, $4  }
0x364: {  	[tilespmem:s0+$0x810] =	vst v63  }
0x365: {  	[tilespmem:s0+$0x800] =	vst v1;
	v1, v2, _ =	vpop (xrf1)  }
0x366: {  	[tilespmem:s0+$0x820] =	vst v2  }
0x367: {  	p2 =	por $0x0, $0x0;
	s24 =	simm.s32 $0x1;
	[tilespmem:s0+$0x830] =	vst v1  }
.Ltmp6:
0x368: {  	(pc) =	sbr.rel @p0 .LBB2_12-.Ltmp6, $1  }
0x369: {  	_ =	sdelay $0x3  }
.Ltmp7:
0x36a: {  	(pc) =	sbr.rel .LBB2_2-.Ltmp7, $3  }
0x36b: {  	_ =	sdelay $0x1  }
0x36c: {  	s0 =	sadd.s32 s23, s9;
	s21 =	sadd.s32 $0x1, s21  }
0x36d: {  	[tilespmem:s16], [sflag:$0x2] =	stream.linear.gather [hbm4b:s0+s2], $0x8000, $0x38;
	[tilespmem:$0x18800] =	vst v63  }
.LBB2_13:
0x36e: {  	_ =	sfence.sel $0x180000  }
0x36f: {  	[bflag:$0x0] =	sbarrier.arrive $0xFFFF  }
0x370: {  	_ =	strace $0x90000047  }
0x371: {  	s0 =	stileid.u32;
	[bflag:$0x2] =	sbarrier.arrive $0xFFFF  }
0x372: {  	p0 =	sne.s32 s0, $0x0;
	s0 =	rddreg [dreg:$0x2]  }
0x373: {  	s0 =	sadd.s32 @!p0 $0x100000, s0  }
0x374: {  	[sflag:s0] =	ssyncadd.tile.s32 @!p0 $0x1;
	_ =	shalt  }
.Lfunc_end2:
_tile_overlayer_lowered:
.L_overlay_start_2:
0x375: {  	(tag) =	ssettag $0x2  }
0x376: {  	s0 =	rddreg [dreg:$0x0];
	s2 =	stileid.u32  }
0x377: {  	s1 =	rddreg [dreg:$0x1];
	p0 =	sne.s32 s2, $0x0  }
0x378: {  	s3 =	rddreg [dreg:$0x2];
	[bflag:$0x3] =	sbarrier.arrive $0xFFFF;
	s2 =	simm.s32 @!p0 $0x1C03  }
0x379: {  	[timem:s3], [sflag:s2] =	dma.local @!p0 [hbm:s0], s1  }
0x37a: {  	s0 =	simm.s32 @!p0 $0x3  }
0x37b: {  	_ =	swait.ge @!p0 [sflag:s0], s1  }
0x37c: {  	s1 =	ssub.s32 @!p0 $0x0, s1;
	[sflag:s0] =	ssyncset.done @!p0 $0x0  }
0x37d: {  	[sflag:s0] =	ssyncadd.s32 @!p0 s1  }
0x37e: {  	[bflag:$0x3] =	sbarrier.arrive $0xFFFF  }
0x37f: {  	_ =	shalt  }

</sc_bundles>
